<compile_context>
chip_gen: v7x
topology: tpu7x:2x2x1
jax: 0.10.2.dev20260603
libtpu: 0.0.44.dev20260713+nightly
codegen_flags: <defaults>
</compile_context>

<pallas_src>
import functools

import jax
import jax.numpy as jnp
from jax import lax
from jax.experimental import pallas as pl
from jax.experimental.pallas import tpu as pltpu
from jax.experimental.pallas import tpu_sc as plsc

DIM = 1024
INTER = 704
E = 64
TOPK = 8
SI = 2 * 704
T = 2048
A = T * TOPK
ROWS_TILE = 256
MAXTILES = A // ROWS_TILE + E
CAP = MAXTILES * ROWS_TILE
TE_LEN = MAXTILES + 8

_NC, _NS = 2, 16
_NW = _NC * _NS
_APW = A // _NW
_CH = 32
_BF = jnp.bfloat16
_F32 = jnp.float32


def _gate_route_body(xf_ref, gate_ref, dest_ref, wts_ref, te_ref, s_s):
    logits = lax.dot_general(
        xf_ref[...], gate_ref[...], (((1,), (1,)), ((), ())),
        preferred_element_type=_F32, precision=lax.Precision.HIGHEST)
    m = jnp.max(logits, axis=1, keepdims=True)
    p = jnp.exp(logits - m)
    scores = p / jnp.sum(p, axis=1, keepdims=True)
    lane = lax.broadcasted_iota(jnp.int32, (T, E), 1)

    s = scores
    hots = []
    wcols = []
    S = jnp.zeros((T, E), _F32)
    for _ in range(TOPK):
        mv = jnp.max(s, axis=1, keepdims=True)
        sel = jnp.min(jnp.where(s == mv, lane, E), axis=1, keepdims=True)
        hit = (lane == sel).astype(_F32)
        hots.append(hit)
        wcols.append(mv)
        S = S + hit
        s = jnp.where(lane == sel, -jnp.inf, s)
    wts_ref[...] = jnp.concatenate(wcols, axis=1)

    GB = 128
    sub = lax.broadcasted_iota(jnp.int32, (GB, GB), 0)
    ln2 = lax.broadcasted_iota(jnp.int32, (GB, GB), 1)
    tril = (sub >= ln2).astype(_BF)
    run = jnp.zeros((1, E), _F32)
    G = T // GB
    for g in range(G):
        Sg = S[g * GB:(g + 1) * GB, :]
        Ag = lax.dot_general(tril, Sg.astype(_BF), (((1,), (0,)), ((), ())),
                             preferred_element_type=_F32)
        s_s[g * GB:(g + 1) * GB, :] = Ag - Sg + run
        run = run + Ag[GB - 1:GB, :]
    counts = run

    tiles = jnp.floor((counts + (ROWS_TILE - 1)) * (1.0 / ROWS_TILE))
    s64 = lax.broadcasted_iota(jnp.int32, (E, E), 0)
    l64 = lax.broadcasted_iota(jnp.int32, (E, E), 1)
    ut = (s64 < l64).astype(_BF)
    tile_start = lax.dot_general(tiles.astype(_BF), ut,
                                 (((1,), (0,)), ((), ())),
                                 preferred_element_type=_F32)
    tile_end = tile_start + tiles

    D = tile_start * float(ROWS_TILE) + s_s[...]
    dcols = [jnp.sum(h * D, axis=1, keepdims=True) for h in hots]
    dest_ref[...] = jnp.concatenate(dcols, axis=1).astype(jnp.int32)

    tt = lax.broadcasted_iota(jnp.int32, (MAXTILES, E), 0)
    cmp = (tt.astype(_F32) >= jnp.broadcast_to(tile_end, (MAXTILES, E)))
    te = jnp.sum(cmp.astype(_F32), axis=1, keepdims=True)
    te_ref[0:MAXTILES, :] = jnp.minimum(te, float(E - 1)).astype(jnp.int32)
    nact = jnp.sum(tiles, axis=1, keepdims=True)
    te_ref[MAXTILES:TE_LEN, :] = jnp.broadcast_to(
        nact, (TE_LEN - MAXTILES, 1)).astype(jnp.int32)


def _sc_dispatch_body(xf_hbm, tok_hbm, dest_hbm, xd_hbm,
                      idx_a, dst_a, rows_a, sga, ssa,
                      idx_b, dst_b, rows_b, sgb, ssb):
    wid = lax.axis_index("s") * _NC + lax.axis_index("c")
    base = wid * _APW
    bufs = ((idx_a, dst_a, rows_a, sga, ssa),
            (idx_b, dst_b, rows_b, sgb, ssb))
    n = _APW // _CH
    pltpu.sync_copy(tok_hbm.at[pl.ds(base, _CH)], idx_a)
    pltpu.sync_copy(dest_hbm.at[pl.ds(base, _CH)], dst_a)
    g_prev = pltpu.async_copy(xf_hbm.at[idx_a], rows_a, sga)
    for c in range(n):
        _, db, rb, _, ss = bufs[c % 2]
        nib, ndb, nrb, nsg, _ = bufs[(c + 1) % 2]
        g_prev.wait()
        s_cur = pltpu.async_copy(rb, xd_hbm.at[db], ss)
        if c + 1 < n:
            off = base + (c + 1) * _CH
            pltpu.sync_copy(tok_hbm.at[pl.ds(off, _CH)], nib)
            pltpu.sync_copy(dest_hbm.at[pl.ds(off, _CH)], ndb)
            g_prev = pltpu.async_copy(xf_hbm.at[nib], nrb, nsg)
        s_cur.wait()


def _sc_combine_body(os_hbm, dest_hbm, oc_hbm,
                     idx_a, dst_a, rows_a, sga, ssa,
                     idx_b, dst_b, rows_b, sgb, ssb):
    wid = lax.axis_index("s") * _NC + lax.axis_index("c")
    base = wid * _APW
    bufs = ((idx_a, rows_a, sga, ssa), (idx_b, rows_b, sgb, ssb))
    n = _APW // _CH
    pltpu.sync_copy(dest_hbm.at[pl.ds(base, _CH)], idx_a)
    g_prev = pltpu.async_copy(os_hbm.at[idx_a], rows_a, sga)
    for c in range(n):
        _, rb, _, ss = bufs[c % 2]
        nib, nrb, nsg, _ = bufs[(c + 1) % 2]
        g_prev.wait()
        s_cur = pltpu.async_copy(
            rb, oc_hbm.at[pl.ds(base + c * _CH, _CH)], ss)
        if c + 1 < n:
            off = base + (c + 1) * _CH
            pltpu.sync_copy(dest_hbm.at[pl.ds(off, _CH)], nib)
            g_prev = pltpu.async_copy(os_hbm.at[nib], nrb, nsg)
        s_cur.wait()


def _ffn_body(te_ref, xd_ref, w1_ref, w3_ref, w2_ref, o_ref):
    @pl.when(pl.program_id(0) < te_ref[MAXTILES])
    def _():
        xb = xd_ref[...].astype(_BF)
        h1 = lax.dot_general(xb, w1_ref[...].astype(_BF),
                             (((1,), (1,)), ((), ())),
                             preferred_element_type=_F32)
        h3 = lax.dot_general(xb, w3_ref[...].astype(_BF),
                             (((1,), (1,)), ((), ())),
                             preferred_element_type=_F32)
        g = (h1 * lax.logistic(h1) * h3).astype(_BF)
        o_ref[...] = lax.dot_general(g, w2_ref[...].astype(_BF),
                                     (((1,), (1,)), ((), ())),
                                     preferred_element_type=_F32)


def _shared_body(xf_ref, sw1_ref, sw2_ref, sw3_ref, z_ref):
    xb = xf_ref[...].astype(_BF)
    h1 = lax.dot_general(xb, sw1_ref[...].astype(_BF),
                         (((1,), (1,)), ((), ())),
                         preferred_element_type=_F32)
    h3 = lax.dot_general(xb, sw3_ref[...].astype(_BF),
                         (((1,), (1,)), ((), ())),
                         preferred_element_type=_F32)
    g = (h1 * lax.logistic(h1) * h3).astype(_BF)
    z_ref[...] = lax.dot_general(g, sw2_ref[...].astype(_BF),
                                 (((1,), (1,)), ((), ())),
                                 preferred_element_type=_F32)


def _combine_body(oc_ref, wts_ref, xe_ref, z_ref, o_ref):
    y = jnp.zeros(o_ref.shape, _F32)
    for k in range(TOPK):
        y = y + oc_ref[:, k, :] * wts_ref[:, k][:, None]
    o_ref[...] = xe_ref[...] + y + z_ref[...]


def kernel(x_combined, xe_current, gate_w, w1, w2, w3, sw1, sw2, sw3):
    shape = x_combined.shape
    xf = x_combined.reshape(T, DIM)
    xe = xe_current.reshape(T, DIM)

    dest, wts, te = pl.pallas_call(
        _gate_route_body,
        in_specs=[
            pl.BlockSpec((T, DIM), lambda: (0, 0)),
            pl.BlockSpec((E, DIM), lambda: (0, 0)),
        ],
        out_specs=[
            pl.BlockSpec((T, TOPK), lambda: (0, 0)),
            pl.BlockSpec((T, TOPK), lambda: (0, 0)),
            pl.BlockSpec((TE_LEN, 1), lambda: (0, 0)),
        ],
        out_shape=[
            jax.ShapeDtypeStruct((T, TOPK), jnp.int32),
            jax.ShapeDtypeStruct((T, TOPK), _F32),
            jax.ShapeDtypeStruct((TE_LEN, 1), jnp.int32),
        ],
        scratch_shapes=[pltpu.VMEM((T, E), _F32)],
        compiler_params=pltpu.CompilerParams(
            vmem_limit_bytes=96 * 1024 * 1024),
    )(xf, gate_w)

    destf = dest.reshape(A)
    tokrep = (jnp.arange(A, dtype=jnp.int32) // TOPK).astype(jnp.int32)
    te1 = te.reshape(TE_LEN)

    mesh = plsc.VectorSubcoreMesh(core_axis_name="c", subcore_axis_name="s")
    sc_scratch = [
        pltpu.VMEM((_CH,), jnp.int32),
        pltpu.VMEM((_CH,), jnp.int32),
        pltpu.VMEM((_CH, DIM), _F32),
        pltpu.SemaphoreType.DMA,
        pltpu.SemaphoreType.DMA,
    ] * 2

    xd = pl.kernel(
        _sc_dispatch_body,
        mesh=mesh,
        out_type=jax.ShapeDtypeStruct((CAP, DIM), _F32),
        scratch_types=sc_scratch,
    )(xf, tokrep, destf)

    TT = 256
    z = pl.pallas_call(
        _shared_body,
        grid=(T // TT,),
        in_specs=[
            pl.BlockSpec((TT, DIM), lambda t: (t, 0)),
            pl.BlockSpec((SI, DIM), lambda t: (0, 0)),
            pl.BlockSpec((DIM, SI), lambda t: (0, 0)),
            pl.BlockSpec((SI, DIM), lambda t: (0, 0)),
        ],
        out_specs=pl.BlockSpec((TT, DIM), lambda t: (t, 0)),
        out_shape=jax.ShapeDtypeStruct((T, DIM), _F32),
        compiler_params=pltpu.CompilerParams(
            vmem_limit_bytes=100 * 1024 * 1024),
    )(xf, sw1, sw2, sw3)

    def _xd_map(t, te_r):
        tc = jnp.minimum(t, te_r[MAXTILES] - 1)
        return (tc, 0)

    def _w13_map(t, te_r):
        tc = jnp.minimum(t, te_r[MAXTILES] - 1)
        return (te_r[tc], 0)

    os_ = pl.pallas_call(
        _ffn_body,
        grid_spec=pltpu.PrefetchScalarGridSpec(
            num_scalar_prefetch=1,
            grid=(MAXTILES,),
            in_specs=[
                pl.BlockSpec((ROWS_TILE, DIM), _xd_map),
                pl.BlockSpec((INTER, DIM), _w13_map),
                pl.BlockSpec((INTER, DIM), _w13_map),
                pl.BlockSpec((DIM, INTER), _w13_map),
            ],
            out_specs=pl.BlockSpec((ROWS_TILE, DIM), _xd_map),
        ),
        out_shape=jax.ShapeDtypeStruct((CAP, DIM), _F32),
        compiler_params=pltpu.CompilerParams(
            vmem_limit_bytes=64 * 1024 * 1024),
    )(te1, xd, w1.reshape(E * INTER, DIM), w3.reshape(E * INTER, DIM),
      w2.reshape(E * DIM, INTER))

    oc = pl.kernel(
        _sc_combine_body,
        mesh=mesh,
        out_type=jax.ShapeDtypeStruct((A, DIM), _F32),
        scratch_types=sc_scratch,
    )(os_, destf)

    oc3 = oc.reshape(T, TOPK, DIM)
    out = pl.pallas_call(
        _combine_body,
        grid=(T // TT,),
        in_specs=[
            pl.BlockSpec((TT, TOPK, DIM), lambda t: (t, 0, 0)),
            pl.BlockSpec((TT, TOPK), lambda t: (t, 0)),
            pl.BlockSpec((TT, DIM), lambda t: (t, 0)),
            pl.BlockSpec((TT, DIM), lambda t: (t, 0)),
        ],
        out_specs=pl.BlockSpec((TT, DIM), lambda t: (t, 0)),
        out_shape=jax.ShapeDtypeStruct((T, DIM), _F32),
        compiler_params=pltpu.CompilerParams(
            vmem_limit_bytes=100 * 1024 * 1024),
    )(oc3, wts, xe, z)

    return out.reshape(shape)

# --- scband reference (transcript-rebuilt; emitter-appended) ---
"""Pipeline reference for scband-tftdeep-seek-mo-e-73735998537983 (READ-ONLY COPY).

The authoritative reference and input builder live on the scoring server;
editing this copy changes nothing except your own understanding.
"""

import jax, jax.numpy as jnp
import numpy as np

DIM = 1024
MOE_INTER = 704
E = 64
TOPK = 8
N_SHARED = 2
ROUTE_SCALE = 1.0
B, S = 1, 2048


def setup_inputs(seed: int = 0) -> dict:
    key = jax.random.key(seed)
    ks = jax.random.split(key, 10)
    si = N_SHARED * MOE_INTER
    inp = {}
    inp["x_combined"] = jax.random.normal(ks[0], (B, S, DIM), dtype=jnp.float32)
    inp["xe_current"] = jax.random.normal(ks[1], (B, S, DIM), dtype=jnp.float32)
    inp["gate_w"] = jax.random.normal(ks[2], (E, DIM), dtype=jnp.float32) * 0.02
    inp["w1"] = jax.random.normal(ks[3], (E, MOE_INTER, DIM), dtype=jnp.float32) * 0.02
    inp["w2"] = jax.random.normal(ks[4], (E, DIM, MOE_INTER), dtype=jnp.float32) * 0.02
    inp["w3"] = jax.random.normal(ks[5], (E, MOE_INTER, DIM), dtype=jnp.float32) * 0.02
    inp["sw1"] = jax.random.normal(ks[6], (si, DIM), dtype=jnp.float32) * 0.02
    inp["sw2"] = jax.random.normal(ks[7], (DIM, si), dtype=jnp.float32) * 0.02
    inp["sw3"] = jax.random.normal(ks[8], (si, DIM), dtype=jnp.float32) * 0.02
    return inp


def reference(x_combined, xe_current, gate_w, w1, w2, w3, sw1, sw2, sw3):
    shape = x_combined.shape
    xf = x_combined.reshape(-1, DIM)
    # Gate: softmax scores, top-k routing (n_groups == 1, bias is None -> no group logic)
    scores = jax.nn.softmax((xf @ gate_w.T).astype(jnp.float32), axis=-1)
    topv, indices = jax.lax.top_k(scores, TOPK)
    # original_scores.gather(1, indices) == top_k values when bias is None
    weights = (topv * ROUTE_SCALE).astype(xf.dtype)
    y = jnp.zeros_like(xf)
    for i in range(E):
        out = (jax.nn.silu(xf @ w1[i].T) * (xf @ w3[i].T)) @ w2[i].T
        mask_i = indices == i
        wsel = jnp.sum(jnp.where(mask_i, weights, 0.0), axis=-1)
        y = y + out * wsel[:, None]
    # shared experts MLP on the combined stream
    z = (jax.nn.silu(xf @ sw1.T) * (xf @ sw3.T)) @ sw2.T
    # only the contextual stream (XE) is updated
    return xe_current + (y + z).reshape(shape)

if __name__ == "__main__":
    import jax
    _d = setup_inputs()
    print(jax.jit(kernel)(*tuple(_d.values())))

</pallas_src>

<mosaic_0001>
#map = affine_map<(d0, d1) -> (0, 0)>
#map1 = affine_map<(d0, d1) -> (0)>
module attributes {stable_mosaic.version = 14 : i64} {
  func.func @_sc_combine_body(%arg0: i32, %arg1: i32, %arg2: memref<32768x1024xf32, #tpu.memory_space<hbm>>, %arg3: memref<16384xi32, #tpu.memory_space<hbm>>, %arg4: memref<16384x1024xf32, #tpu.memory_space<hbm>>, %arg5: memref<32xi32, #tpu.memory_space<vmem>>, %arg6: memref<32xi32, #tpu.memory_space<vmem>>, %arg7: memref<32x1024xf32, #tpu.memory_space<vmem>>, %arg8: memref<!tpu.dma_semaphore, #tpu.memory_space<semaphore_mem>>, %arg9: memref<!tpu.dma_semaphore, #tpu.memory_space<semaphore_mem>>, %arg10: memref<32xi32, #tpu.memory_space<vmem>>, %arg11: memref<32xi32, #tpu.memory_space<vmem>>, %arg12: memref<32x1024xf32, #tpu.memory_space<vmem>>, %arg13: memref<!tpu.dma_semaphore, #tpu.memory_space<semaphore_mem>>, %arg14: memref<!tpu.dma_semaphore, #tpu.memory_space<semaphore_mem>>) attributes {dimension_semantics = [#tpu.dimension_semantics<core_parallel>, #tpu.dimension_semantics<subcore_parallel>], iteration_bounds = array<i64: 2, 16>, scalar_prefetch = 0 : i64, scratch_operands = 10 : i64, tpu.core_type = #tpu.core_type<sc_vector_subcore>, window_params = [{transform_indices = #map}, {transform_indices = #map1}, {transform_indices = #map}]} {
    %mul3A = arith.constant 2 : i32
    %mul3A_0 = arith.muli %arg1, %mul3A : i32
    %add3A = arith.addi %mul3A_0, %arg0 : i32
    %mul3A_1 = arith.constant 512 : i32
    %mul3A_2 = arith.muli %add3A, %mul3A_1 : i32
    "tpu.region"() ({
      %run_scoped3A = tpu.sem_alloc : memref<!tpu.dma_semaphore, #tpu.memory_space<semaphore_mem>>
      %dma_start3A_287 = tpu.memref_slice %arg3[%mul3A_2] : memref<16384xi32, #tpu.memory_space<hbm>> -> memref<32xi32, #tpu.memory_space<hbm>>
      %dma_start3A_288 = tpu.memref_slice %arg3[%mul3A_2] : memref<16384xi32, #tpu.memory_space<hbm>> -> memref<32xi32, #tpu.memory_space<hbm>>
      tpu.enqueue_dma source(%dma_start3A_288 : memref<32xi32, #tpu.memory_space<hbm>>) target(%arg5 : memref<32xi32, #tpu.memory_space<vmem>>) target_semaphore(%run_scoped3A : memref<!tpu.dma_semaphore, #tpu.memory_space<semaphore_mem>>)
      %dma_wait3A_289 = tpu.memref_slice %arg3[%mul3A_2] : memref<16384xi32, #tpu.memory_space<hbm>> -> memref<32xi32, #tpu.memory_space<hbm>>
      %dma_wait3A_290 = tpu.memref_slice %arg3[%mul3A_2] : memref<16384xi32, #tpu.memory_space<hbm>> -> memref<32xi32, #tpu.memory_space<hbm>>
      tpu.wait_dma2 semaphore(%run_scoped3A : memref<!tpu.dma_semaphore, #tpu.memory_space<semaphore_mem>>) src(%dma_wait3A_290 : memref<32xi32, #tpu.memory_space<hbm>>) dst(%arg5 : memref<32xi32, #tpu.memory_space<vmem>>)
      tpu.yield
    }) : () -> ()
    %dma_start3A = arith.constant 0 : i32
    %dma_start3A_3 = arith.constant 0 : i32
    %dma_start3A_4 = tpu.memref_slice %arg2[%dma_start3A, %dma_start3A_3] : memref<32768x1024xf32, #tpu.memory_space<hbm>> -> memref<32768x1024xf32, #tpu.memory_space<hbm>>
    tpu.enqueue_indirect_dma source(%dma_start3A_4 : memref<32768x1024xf32, #tpu.memory_space<hbm>>) target(%arg7 : memref<32x1024xf32, #tpu.memory_space<vmem>>) offsets(%arg5 : memref<32xi32, #tpu.memory_space<vmem>>) semaphore(%arg8 : memref<!tpu.dma_semaphore, #tpu.memory_space<semaphore_mem>>)
    %dma_wait3A = arith.constant 0 : i32
    %dma_wait3A_5 = arith.constant 0 : i32
    %dma_wait3A_6 = tpu.memref_slice %arg2[%dma_wait3A, %dma_wait3A_5] : memref<32768x1024xf32, #tpu.memory_space<hbm>> -> memref<32768x1024xf32, #tpu.memory_space<hbm>>
    tpu.wait_indirect_dma semaphore(%arg8 : memref<!tpu.dma_semaphore, #tpu.memory_space<semaphore_mem>>) src(%dma_wait3A_6 : memref<32768x1024xf32, #tpu.memory_space<hbm>>) dst(%arg7 : memref<32x1024xf32, #tpu.memory_space<vmem>>)
    %add3A_7 = arith.constant 0 : i32
    %add3A_8 = arith.addi %mul3A_2, %add3A_7 : i32
    %dma_start3A_9 = arith.constant 0 : i32
    %dma_start3A_10 = tpu.memref_slice %arg4[%add3A_8, %dma_start3A_9] : memref<16384x1024xf32, #tpu.memory_space<hbm>> -> memref<32x1024xf32, #tpu.memory_space<hbm>>
    %dma_start3A_11 = arith.constant 0 : i32
    %dma_start3A_12 = tpu.memref_slice %arg4[%add3A_8, %dma_start3A_11] : memref<16384x1024xf32, #tpu.memory_space<hbm>> -> memref<32x1024xf32, #tpu.memory_space<hbm>>
    tpu.enqueue_dma source(%arg7 : memref<32x1024xf32, #tpu.memory_space<vmem>>) target(%dma_start3A_12 : memref<32x1024xf32, #tpu.memory_space<hbm>>) target_semaphore(%arg9 : memref<!tpu.dma_semaphore, #tpu.memory_space<semaphore_mem>>)
    %add3A_13 = arith.constant 32 : i32
    %add3A_14 = arith.addi %mul3A_2, %add3A_13 : i32
    "tpu.region"() ({
      %run_scoped3A = tpu.sem_alloc : memref<!tpu.dma_semaphore, #tpu.memory_space<semaphore_mem>>
      %dma_start3A_287 = tpu.memref_slice %arg3[%add3A_14] : memref<16384xi32, #tpu.memory_space<hbm>> -> memref<32xi32, #tpu.memory_space<hbm>>
      %dma_start3A_288 = tpu.memref_slice %arg3[%add3A_14] : memref<16384xi32, #tpu.memory_space<hbm>> -> memref<32xi32, #tpu.memory_space<hbm>>
      tpu.enqueue_dma source(%dma_start3A_288 : memref<32xi32, #tpu.memory_space<hbm>>) target(%arg10 : memref<32xi32, #tpu.memory_space<vmem>>) target_semaphore(%run_scoped3A : memref<!tpu.dma_semaphore, #tpu.memory_space<semaphore_mem>>)
      %dma_wait3A_289 = tpu.memref_slice %arg3[%add3A_14] : memref<16384xi32, #tpu.memory_space<hbm>> -> memref<32xi32, #tpu.memory_space<hbm>>
      %dma_wait3A_290 = tpu.memref_slice %arg3[%add3A_14] : memref<16384xi32, #tpu.memory_space<hbm>> -> memref<32xi32, #tpu.memory_space<hbm>>
      tpu.wait_dma2 semaphore(%run_scoped3A : memref<!tpu.dma_semaphore, #tpu.memory_space<semaphore_mem>>) src(%dma_wait3A_290 : memref<32xi32, #tpu.memory_space<hbm>>) dst(%arg10 : memref<32xi32, #tpu.memory_space<vmem>>)
      tpu.yield
    }) : () -> ()
    %dma_start3A_15 = arith.constant 0 : i32
    %dma_start3A_16 = arith.constant 0 : i32
    %dma_start3A_17 = tpu.memref_slice %arg2[%dma_start3A_15, %dma_start3A_16] : memref<32768x1024xf32, #tpu.memory_space<hbm>> -> memref<32768x1024xf32, #tpu.memory_space<hbm>>
    tpu.enqueue_indirect_dma source(%dma_start3A_17 : memref<32768x1024xf32, #tpu.memory_space<hbm>>) target(%arg12 : memref<32x1024xf32, #tpu.memory_space<vmem>>) offsets(%arg10 : memref<32xi32, #tpu.memory_space<vmem>>) semaphore(%arg13 : memref<!tpu.dma_semaphore, #tpu.memory_space<semaphore_mem>>)
    %dma_wait3A_18 = arith.constant 0 : i32
    %dma_wait3A_19 = tpu.memref_slice %arg4[%add3A_8, %dma_wait3A_18] : memref<16384x1024xf32, #tpu.memory_space<hbm>> -> memref<32x1024xf32, #tpu.memory_space<hbm>>
    %dma_wait3A_20 = arith.constant 0 : i32
    %dma_wait3A_21 = tpu.memref_slice %arg4[%add3A_8, %dma_wait3A_20] : memref<16384x1024xf32, #tpu.memory_space<hbm>> -> memref<32x1024xf32, #tpu.memory_space<hbm>>
    tpu.wait_dma2 semaphore(%arg9 : memref<!tpu.dma_semaphore, #tpu.memory_space<semaphore_mem>>) src(%arg7 : memref<32x1024xf32, #tpu.memory_space<vmem>>) dst(%dma_wait3A_21 : memref<32x1024xf32, #tpu.memory_space<hbm>>)
    %dma_wait3A_22 = arith.constant 0 : i32
    %dma_wait3A_23 = arith.constant 0 : i32
    %dma_wait3A_24 = tpu.memref_slice %arg2[%dma_wait3A_22, %dma_wait3A_23] : memref<32768x1024xf32, #tpu.memory_space<hbm>> -> memref<32768x1024xf32, #tpu.memory_space<hbm>>
    tpu.wait_indirect_dma semaphore(%arg13 : memref<!tpu.dma_semaphore, #tpu.memory_space<semaphore_mem>>) src(%dma_wait3A_24 : memref<32768x1024xf32, #tpu.memory_space<hbm>>) dst(%arg12 : memref<32x1024xf32, #tpu.memory_space<vmem>>)
    %add3A_25 = arith.constant 32 : i32
    %add3A_26 = arith.addi %mul3A_2, %add3A_25 : i32
    %dma_start3A_27 = arith.constant 0 : i32
    %dma_start3A_28 = tpu.memref_slice %arg4[%add3A_26, %dma_start3A_27] : memref<16384x1024xf32, #tpu.memory_space<hbm>> -> memref<32x1024xf32, #tpu.memory_space<hbm>>
    %dma_start3A_29 = arith.constant 0 : i32
    %dma_start3A_30 = tpu.memref_slice %arg4[%add3A_26, %dma_start3A_29] : memref<16384x1024xf32, #tpu.memory_space<hbm>> -> memref<32x1024xf32, #tpu.memory_space<hbm>>
    tpu.enqueue_dma source(%arg12 : memref<32x1024xf32, #tpu.memory_space<vmem>>) target(%dma_start3A_30 : memref<32x1024xf32, #tpu.memory_space<hbm>>) target_semaphore(%arg14 : memref<!tpu.dma_semaphore, #tpu.memory_space<semaphore_mem>>)
    %add3A_31 = arith.constant 64 : i32
    %add3A_32 = arith.addi %mul3A_2, %add3A_31 : i32
    "tpu.region"() ({
      %run_scoped3A = tpu.sem_alloc : memref<!tpu.dma_semaphore, #tpu.memory_space<semaphore_mem>>
      %dma_start3A_287 = tpu.memref_slice %arg3[%add3A_32] : memref<16384xi32, #tpu.memory_space<hbm>> -> memref<32xi32, #tpu.memory_space<hbm>>
      %dma_start3A_288 = tpu.memref_slice %arg3[%add3A_32] : memref<16384xi32, #tpu.memory_space<hbm>> -> memref<32xi32, #tpu.memory_space<hbm>>
      tpu.enqueue_dma source(%dma_start3A_288 : memref<32xi32, #tpu.memory_space<hbm>>) target(%arg5 : memref<32xi32, #tpu.memory_space<vmem>>) target_semaphore(%run_scoped3A : memref<!tpu.dma_semaphore, #tpu.memory_space<semaphore_mem>>)
      %dma_wait3A_289 = tpu.memref_slice %arg3[%add3A_32] : memref<16384xi32, #tpu.memory_space<hbm>> -> memref<32xi32, #tpu.memory_space<hbm>>
      %dma_wait3A_290 = tpu.memref_slice %arg3[%add3A_32] : memref<16384xi32, #tpu.memory_space<hbm>> -> memref<32xi32, #tpu.memory_space<hbm>>
      tpu.wait_dma2 semaphore(%run_scoped3A : memref<!tpu.dma_semaphore, #tpu.memory_space<semaphore_mem>>) src(%dma_wait3A_290 : memref<32xi32, #tpu.memory_space<hbm>>) dst(%arg5 : memref<32xi32, #tpu.memory_space<vmem>>)
      tpu.yield
    }) : () -> ()
    %dma_start3A_33 = arith.constant 0 : i32
    %dma_start3A_34 = arith.constant 0 : i32
    %dma_start3A_35 = tpu.memref_slice %arg2[%dma_start3A_33, %dma_start3A_34] : memref<32768x1024xf32, #tpu.memory_space<hbm>> -> memref<32768x1024xf32, #tpu.memory_space<hbm>>
    tpu.enqueue_indirect_dma source(%dma_start3A_35 : memref<32768x1024xf32, #tpu.memory_space<hbm>>) target(%arg7 : memref<32x1024xf32, #tpu.memory_space<vmem>>) offsets(%arg5 : memref<32xi32, #tpu.memory_space<vmem>>) semaphore(%arg8 : memref<!tpu.dma_semaphore, #tpu.memory_space<semaphore_mem>>)
    %dma_wait3A_36 = arith.constant 0 : i32
    %dma_wait3A_37 = tpu.memref_slice %arg4[%add3A_26, %dma_wait3A_36] : memref<16384x1024xf32, #tpu.memory_space<hbm>> -> memref<32x1024xf32, #tpu.memory_space<hbm>>
    %dma_wait3A_38 = arith.constant 0 : i32
    %dma_wait3A_39 = tpu.memref_slice %arg4[%add3A_26, %dma_wait3A_38] : memref<16384x1024xf32, #tpu.memory_space<hbm>> -> memref<32x1024xf32, #tpu.memory_space<hbm>>
    tpu.wait_dma2 semaphore(%arg14 : memref<!tpu.dma_semaphore, #tpu.memory_space<semaphore_mem>>) src(%arg12 : memref<32x1024xf32, #tpu.memory_space<vmem>>) dst(%dma_wait3A_39 : memref<32x1024xf32, #tpu.memory_space<hbm>>)
    %dma_wait3A_40 = arith.constant 0 : i32
    %dma_wait3A_41 = arith.constant 0 : i32
    %dma_wait3A_42 = tpu.memref_slice %arg2[%dma_wait3A_40, %dma_wait3A_41] : memref<32768x1024xf32, #tpu.memory_space<hbm>> -> memref<32768x1024xf32, #tpu.memory_space<hbm>>
    tpu.wait_indirect_dma semaphore(%arg8 : memref<!tpu.dma_semaphore, #tpu.memory_space<semaphore_mem>>) src(%dma_wait3A_42 : memref<32768x1024xf32, #tpu.memory_space<hbm>>) dst(%arg7 : memref<32x1024xf32, #tpu.memory_space<vmem>>)
    %add3A_43 = arith.constant 64 : i32
    %add3A_44 = arith.addi %mul3A_2, %add3A_43 : i32
    %dma_start3A_45 = arith.constant 0 : i32
    %dma_start3A_46 = tpu.memref_slice %arg4[%add3A_44, %dma_start3A_45] : memref<16384x1024xf32, #tpu.memory_space<hbm>> -> memref<32x1024xf32, #tpu.memory_space<hbm>>
    %dma_start3A_47 = arith.constant 0 : i32
    %dma_start3A_48 = tpu.memref_slice %arg4[%add3A_44, %dma_start3A_47] : memref<16384x1024xf32, #tpu.memory_space<hbm>> -> memref<32x1024xf32, #tpu.memory_space<hbm>>
    tpu.enqueue_dma source(%arg7 : memref<32x1024xf32, #tpu.memory_space<vmem>>) target(%dma_start3A_48 : memref<32x1024xf32, #tpu.memory_space<hbm>>) target_semaphore(%arg9 : memref<!tpu.dma_semaphore, #tpu.memory_space<semaphore_mem>>)
    %add3A_49 = arith.constant 96 : i32
    %add3A_50 = arith.addi %mul3A_2, %add3A_49 : i32
    "tpu.region"() ({
      %run_scoped3A = tpu.sem_alloc : memref<!tpu.dma_semaphore, #tpu.memory_space<semaphore_mem>>
      %dma_start3A_287 = tpu.memref_slice %arg3[%add3A_50] : memref<16384xi32, #tpu.memory_space<hbm>> -> memref<32xi32, #tpu.memory_space<hbm>>
      %dma_start3A_288 = tpu.memref_slice %arg3[%add3A_50] : memref<16384xi32, #tpu.memory_space<hbm>> -> memref<32xi32, #tpu.memory_space<hbm>>
      tpu.enqueue_dma source(%dma_start3A_288 : memref<32xi32, #tpu.memory_space<hbm>>) target(%arg10 : memref<32xi32, #tpu.memory_space<vmem>>) target_semaphore(%run_scoped3A : memref<!tpu.dma_semaphore, #tpu.memory_space<semaphore_mem>>)
      %dma_wait3A_289 = tpu.memref_slice %arg3[%add3A_50] : memref<16384xi32, #tpu.memory_space<hbm>> -> memref<32xi32, #tpu.memory_space<hbm>>
      %dma_wait3A_290 = tpu.memref_slice %arg3[%add3A_50] : memref<16384xi32, #tpu.memory_space<hbm>> -> memref<32xi32, #tpu.memory_space<hbm>>
      tpu.wait_dma2 semaphore(%run_scoped3A : memref<!tpu.dma_semaphore, #tpu.memory_space<semaphore_mem>>) src(%dma_wait3A_290 : memref<32xi32, #tpu.memory_space<hbm>>) dst(%arg10 : memref<32xi32, #tpu.memory_space<vmem>>)
      tpu.yield
    }) : () -> ()
    %dma_start3A_51 = arith.constant 0 : i32
    %dma_start3A_52 = arith.constant 0 : i32
    %dma_start3A_53 = tpu.memref_slice %arg2[%dma_start3A_51, %dma_start3A_52] : memref<32768x1024xf32, #tpu.memory_space<hbm>> -> memref<32768x1024xf32, #tpu.memory_space<hbm>>
    tpu.enqueue_indirect_dma source(%dma_start3A_53 : memref<32768x1024xf32, #tpu.memory_space<hbm>>) target(%arg12 : memref<32x1024xf32, #tpu.memory_space<vmem>>) offsets(%arg10 : memref<32xi32, #tpu.memory_space<vmem>>) semaphore(%arg13 : memref<!tpu.dma_semaphore, #tpu.memory_space<semaphore_mem>>)
    %dma_wait3A_54 = arith.constant 0 : i32
    %dma_wait3A_55 = tpu.memref_slice %arg4[%add3A_44, %dma_wait3A_54] : memref<16384x1024xf32, #tpu.memory_space<hbm>> -> memref<32x1024xf32, #tpu.memory_space<hbm>>
    %dma_wait3A_56 = arith.constant 0 : i32
    %dma_wait3A_57 = tpu.memref_slice %arg4[%add3A_44, %dma_wait3A_56] : memref<16384x1024xf32, #tpu.memory_space<hbm>> -> memref<32x1024xf32, #tpu.memory_space<hbm>>
    tpu.wait_dma2 semaphore(%arg9 : memref<!tpu.dma_semaphore, #tpu.memory_space<semaphore_mem>>) src(%arg7 : memref<32x1024xf32, #tpu.memory_space<vmem>>) dst(%dma_wait3A_57 : memref<32x1024xf32, #tpu.memory_space<hbm>>)
    %dma_wait3A_58 = arith.constant 0 : i32
    %dma_wait3A_59 = arith.constant 0 : i32
    %dma_wait3A_60 = tpu.memref_slice %arg2[%dma_wait3A_58, %dma_wait3A_59] : memref<32768x1024xf32, #tpu.memory_space<hbm>> -> memref<32768x1024xf32, #tpu.memory_space<hbm>>
    tpu.wait_indirect_dma semaphore(%arg13 : memref<!tpu.dma_semaphore, #tpu.memory_space<semaphore_mem>>) src(%dma_wait3A_60 : memref<32768x1024xf32, #tpu.memory_space<hbm>>) dst(%arg12 : memref<32x1024xf32, #tpu.memory_space<vmem>>)
    %add3A_61 = arith.constant 96 : i32
    %add3A_62 = arith.addi %mul3A_2, %add3A_61 : i32
    %dma_start3A_63 = arith.constant 0 : i32
    %dma_start3A_64 = tpu.memref_slice %arg4[%add3A_62, %dma_start3A_63] : memref<16384x1024xf32, #tpu.memory_space<hbm>> -> memref<32x1024xf32, #tpu.memory_space<hbm>>
    %dma_start3A_65 = arith.constant 0 : i32
    %dma_start3A_66 = tpu.memref_slice %arg4[%add3A_62, %dma_start3A_65] : memref<16384x1024xf32, #tpu.memory_space<hbm>> -> memref<32x1024xf32, #tpu.memory_space<hbm>>
    tpu.enqueue_dma source(%arg12 : memref<32x1024xf32, #tpu.memory_space<vmem>>) target(%dma_start3A_66 : memref<32x1024xf32, #tpu.memory_space<hbm>>) target_semaphore(%arg14 : memref<!tpu.dma_semaphore, #tpu.memory_space<semaphore_mem>>)
    %add3A_67 = arith.constant 128 : i32
    %add3A_68 = arith.addi %mul3A_2, %add3A_67 : i32
    "tpu.region"() ({
      %run_scoped3A = tpu.sem_alloc : memref<!tpu.dma_semaphore, #tpu.memory_space<semaphore_mem>>
      %dma_start3A_287 = tpu.memref_slice %arg3[%add3A_68] : memref<16384xi32, #tpu.memory_space<hbm>> -> memref<32xi32, #tpu.memory_space<hbm>>
      %dma_start3A_288 = tpu.memref_slice %arg3[%add3A_68] : memref<16384xi32, #tpu.memory_space<hbm>> -> memref<32xi32, #tpu.memory_space<hbm>>
      tpu.enqueue_dma source(%dma_start3A_288 : memref<32xi32, #tpu.memory_space<hbm>>) target(%arg5 : memref<32xi32, #tpu.memory_space<vmem>>) target_semaphore(%run_scoped3A : memref<!tpu.dma_semaphore, #tpu.memory_space<semaphore_mem>>)
      %dma_wait3A_289 = tpu.memref_slice %arg3[%add3A_68] : memref<16384xi32, #tpu.memory_space<hbm>> -> memref<32xi32, #tpu.memory_space<hbm>>
      %dma_wait3A_290 = tpu.memref_slice %arg3[%add3A_68] : memref<16384xi32, #tpu.memory_space<hbm>> -> memref<32xi32, #tpu.memory_space<hbm>>
      tpu.wait_dma2 semaphore(%run_scoped3A : memref<!tpu.dma_semaphore, #tpu.memory_space<semaphore_mem>>) src(%dma_wait3A_290 : memref<32xi32, #tpu.memory_space<hbm>>) dst(%arg5 : memref<32xi32, #tpu.memory_space<vmem>>)
      tpu.yield
    }) : () -> ()
    %dma_start3A_69 = arith.constant 0 : i32
    %dma_start3A_70 = arith.constant 0 : i32
    %dma_start3A_71 = tpu.memref_slice %arg2[%dma_start3A_69, %dma_start3A_70] : memref<32768x1024xf32, #tpu.memory_space<hbm>> -> memref<32768x1024xf32, #tpu.memory_space<hbm>>
    tpu.enqueue_indirect_dma source(%dma_start3A_71 : memref<32768x1024xf32, #tpu.memory_space<hbm>>) target(%arg7 : memref<32x1024xf32, #tpu.memory_space<vmem>>) offsets(%arg5 : memref<32xi32, #tpu.memory_space<vmem>>) semaphore(%arg8 : memref<!tpu.dma_semaphore, #tpu.memory_space<semaphore_mem>>)
    %dma_wait3A_72 = arith.constant 0 : i32
    %dma_wait3A_73 = tpu.memref_slice %arg4[%add3A_62, %dma_wait3A_72] : memref<16384x1024xf32, #tpu.memory_space<hbm>> -> memref<32x1024xf32, #tpu.memory_space<hbm>>
    %dma_wait3A_74 = arith.constant 0 : i32
    %dma_wait3A_75 = tpu.memref_slice %arg4[%add3A_62, %dma_wait3A_74] : memref<16384x1024xf32, #tpu.memory_space<hbm>> -> memref<32x1024xf32, #tpu.memory_space<hbm>>
    tpu.wait_dma2 semaphore(%arg14 : memref<!tpu.dma_semaphore, #tpu.memory_space<semaphore_mem>>) src(%arg12 : memref<32x1024xf32, #tpu.memory_space<vmem>>) dst(%dma_wait3A_75 : memref<32x1024xf32, #tpu.memory_space<hbm>>)
    %dma_wait3A_76 = arith.constant 0 : i32
    %dma_wait3A_77 = arith.constant 0 : i32
    %dma_wait3A_78 = tpu.memref_slice %arg2[%dma_wait3A_76, %dma_wait3A_77] : memref<32768x1024xf32, #tpu.memory_space<hbm>> -> memref<32768x1024xf32, #tpu.memory_space<hbm>>
    tpu.wait_indirect_dma semaphore(%arg8 : memref<!tpu.dma_semaphore, #tpu.memory_space<semaphore_mem>>) src(%dma_wait3A_78 : memref<32768x1024xf32, #tpu.memory_space<hbm>>) dst(%arg7 : memref<32x1024xf32, #tpu.memory_space<vmem>>)
    %add3A_79 = arith.constant 128 : i32
    %add3A_80 = arith.addi %mul3A_2, %add3A_79 : i32
    %dma_start3A_81 = arith.constant 0 : i32
    %dma_start3A_82 = tpu.memref_slice %arg4[%add3A_80, %dma_start3A_81] : memref<16384x1024xf32, #tpu.memory_space<hbm>> -> memref<32x1024xf32, #tpu.memory_space<hbm>>
    %dma_start3A_83 = arith.constant 0 : i32
    %dma_start3A_84 = tpu.memref_slice %arg4[%add3A_80, %dma_start3A_83] : memref<16384x1024xf32, #tpu.memory_space<hbm>> -> memref<32x1024xf32, #tpu.memory_space<hbm>>
    tpu.enqueue_dma source(%arg7 : memref<32x1024xf32, #tpu.memory_space<vmem>>) target(%dma_start3A_84 : memref<32x1024xf32, #tpu.memory_space<hbm>>) target_semaphore(%arg9 : memref<!tpu.dma_semaphore, #tpu.memory_space<semaphore_mem>>)
    %add3A_85 = arith.constant 160 : i32
    %add3A_86 = arith.addi %mul3A_2, %add3A_85 : i32
    "tpu.region"() ({
      %run_scoped3A = tpu.sem_alloc : memref<!tpu.dma_semaphore, #tpu.memory_space<semaphore_mem>>
      %dma_start3A_287 = tpu.memref_slice %arg3[%add3A_86] : memref<16384xi32, #tpu.memory_space<hbm>> -> memref<32xi32, #tpu.memory_space<hbm>>
      %dma_start3A_288 = tpu.memref_slice %arg3[%add3A_86] : memref<16384xi32, #tpu.memory_space<hbm>> -> memref<32xi32, #tpu.memory_space<hbm>>
      tpu.enqueue_dma source(%dma_start3A_288 : memref<32xi32, #tpu.memory_space<hbm>>) target(%arg10 : memref<32xi32, #tpu.memory_space<vmem>>) target_semaphore(%run_scoped3A : memref<!tpu.dma_semaphore, #tpu.memory_space<semaphore_mem>>)
      %dma_wait3A_289 = tpu.memref_slice %arg3[%add3A_86] : memref<16384xi32, #tpu.memory_space<hbm>> -> memref<32xi32, #tpu.memory_space<hbm>>
      %dma_wait3A_290 = tpu.memref_slice %arg3[%add3A_86] : memref<16384xi32, #tpu.memory_space<hbm>> -> memref<32xi32, #tpu.memory_space<hbm>>
      tpu.wait_dma2 semaphore(%run_scoped3A : memref<!tpu.dma_semaphore, #tpu.memory_space<semaphore_mem>>) src(%dma_wait3A_290 : memref<32xi32, #tpu.memory_space<hbm>>) dst(%arg10 : memref<32xi32, #tpu.memory_space<vmem>>)
      tpu.yield
    }) : () -> ()
    %dma_start3A_87 = arith.constant 0 : i32
    %dma_start3A_88 = arith.constant 0 : i32
    %dma_start3A_89 = tpu.memref_slice %arg2[%dma_start3A_87, %dma_start3A_88] : memref<32768x1024xf32, #tpu.memory_space<hbm>> -> memref<32768x1024xf32, #tpu.memory_space<hbm>>
    tpu.enqueue_indirect_dma source(%dma_start3A_89 : memref<32768x1024xf32, #tpu.memory_space<hbm>>) target(%arg12 : memref<32x1024xf32, #tpu.memory_space<vmem>>) offsets(%arg10 : memref<32xi32, #tpu.memory_space<vmem>>) semaphore(%arg13 : memref<!tpu.dma_semaphore, #tpu.memory_space<semaphore_mem>>)
    %dma_wait3A_90 = arith.constant 0 : i32
    %dma_wait3A_91 = tpu.memref_slice %arg4[%add3A_80, %dma_wait3A_90] : memref<16384x1024xf32, #tpu.memory_space<hbm>> -> memref<32x1024xf32, #tpu.memory_space<hbm>>
    %dma_wait3A_92 = arith.constant 0 : i32
    %dma_wait3A_93 = tpu.memref_slice %arg4[%add3A_80, %dma_wait3A_92] : memref<16384x1024xf32, #tpu.memory_space<hbm>> -> memref<32x1024xf32, #tpu.memory_space<hbm>>
    tpu.wait_dma2 semaphore(%arg9 : memref<!tpu.dma_semaphore, #tpu.memory_space<semaphore_mem>>) src(%arg7 : memref<32x1024xf32, #tpu.memory_space<vmem>>) dst(%dma_wait3A_93 : memref<32x1024xf32, #tpu.memory_space<hbm>>)
    %dma_wait3A_94 = arith.constant 0 : i32
    %dma_wait3A_95 = arith.constant 0 : i32
    %dma_wait3A_96 = tpu.memref_slice %arg2[%dma_wait3A_94, %dma_wait3A_95] : memref<32768x1024xf32, #tpu.memory_space<hbm>> -> memref<32768x1024xf32, #tpu.memory_space<hbm>>
    tpu.wait_indirect_dma semaphore(%arg13 : memref<!tpu.dma_semaphore, #tpu.memory_space<semaphore_mem>>) src(%dma_wait3A_96 : memref<32768x1024xf32, #tpu.memory_space<hbm>>) dst(%arg12 : memref<32x1024xf32, #tpu.memory_space<vmem>>)
    %add3A_97 = arith.constant 160 : i32
    %add3A_98 = arith.addi %mul3A_2, %add3A_97 : i32
    %dma_start3A_99 = arith.constant 0 : i32
    %dma_start3A_100 = tpu.memref_slice %arg4[%add3A_98, %dma_start3A_99] : memref<16384x1024xf32, #tpu.memory_space<hbm>> -> memref<32x1024xf32, #tpu.memory_space<hbm>>
    %dma_start3A_101 = arith.constant 0 : i32
    %dma_start3A_102 = tpu.memref_slice %arg4[%add3A_98, %dma_start3A_101] : memref<16384x1024xf32, #tpu.memory_space<hbm>> -> memref<32x1024xf32, #tpu.memory_space<hbm>>
    tpu.enqueue_dma source(%arg12 : memref<32x1024xf32, #tpu.memory_space<vmem>>) target(%dma_start3A_102 : memref<32x1024xf32, #tpu.memory_space<hbm>>) target_semaphore(%arg14 : memref<!tpu.dma_semaphore, #tpu.memory_space<semaphore_mem>>)
    %add3A_103 = arith.constant 192 : i32
    %add3A_104 = arith.addi %mul3A_2, %add3A_103 : i32
    "tpu.region"() ({
      %run_scoped3A = tpu.sem_alloc : memref<!tpu.dma_semaphore, #tpu.memory_space<semaphore_mem>>
      %dma_start3A_287 = tpu.memref_slice %arg3[%add3A_104] : memref<16384xi32, #tpu.memory_space<hbm>> -> memref<32xi32, #tpu.memory_space<hbm>>
      %dma_start3A_288 = tpu.memref_slice %arg3[%add3A_104] : memref<16384xi32, #tpu.memory_space<hbm>> -> memref<32xi32, #tpu.memory_space<hbm>>
      tpu.enqueue_dma source(%dma_start3A_288 : memref<32xi32, #tpu.memory_space<hbm>>) target(%arg5 : memref<32xi32, #tpu.memory_space<vmem>>) target_semaphore(%run_scoped3A : memref<!tpu.dma_semaphore, #tpu.memory_space<semaphore_mem>>)
      %dma_wait3A_289 = tpu.memref_slice %arg3[%add3A_104] : memref<16384xi32, #tpu.memory_space<hbm>> -> memref<32xi32, #tpu.memory_space<hbm>>
      %dma_wait3A_290 = tpu.memref_slice %arg3[%add3A_104] : memref<16384xi32, #tpu.memory_space<hbm>> -> memref<32xi32, #tpu.memory_space<hbm>>
      tpu.wait_dma2 semaphore(%run_scoped3A : memref<!tpu.dma_semaphore, #tpu.memory_space<semaphore_mem>>) src(%dma_wait3A_290 : memref<32xi32, #tpu.memory_space<hbm>>) dst(%arg5 : memref<32xi32, #tpu.memory_space<vmem>>)
      tpu.yield
    }) : () -> ()
    %dma_start3A_105 = arith.constant 0 : i32
    %dma_start3A_106 = arith.constant 0 : i32
    %dma_start3A_107 = tpu.memref_slice %arg2[%dma_start3A_105, %dma_start3A_106] : memref<32768x1024xf32, #tpu.memory_space<hbm>> -> memref<32768x1024xf32, #tpu.memory_space<hbm>>
    tpu.enqueue_indirect_dma source(%dma_start3A_107 : memref<32768x1024xf32, #tpu.memory_space<hbm>>) target(%arg7 : memref<32x1024xf32, #tpu.memory_space<vmem>>) offsets(%arg5 : memref<32xi32, #tpu.memory_space<vmem>>) semaphore(%arg8 : memref<!tpu.dma_semaphore, #tpu.memory_space<semaphore_mem>>)
    %dma_wait3A_108 = arith.constant 0 : i32
    %dma_wait3A_109 = tpu.memref_slice %arg4[%add3A_98, %dma_wait3A_108] : memref<16384x1024xf32, #tpu.memory_space<hbm>> -> memref<32x1024xf32, #tpu.memory_space<hbm>>
    %dma_wait3A_110 = arith.constant 0 : i32
    %dma_wait3A_111 = tpu.memref_slice %arg4[%add3A_98, %dma_wait3A_110] : memref<16384x1024xf32, #tpu.memory_space<hbm>> -> memref<32x1024xf32, #tpu.memory_space<hbm>>
    tpu.wait_dma2 semaphore(%arg14 : memref<!tpu.dma_semaphore, #tpu.memory_space<semaphore_mem>>) src(%arg12 : memref<32x1024xf32, #tpu.memory_space<vmem>>) dst(%dma_wait3A_111 : memref<32x1024xf32, #tpu.memory_space<hbm>>)
    %dma_wait3A_112 = arith.constant 0 : i32
    %dma_wait3A_113 = arith.constant 0 : i32
    %dma_wait3A_114 = tpu.memref_slice %arg2[%dma_wait3A_112, %dma_wait3A_113] : memref<32768x1024xf32, #tpu.memory_space<hbm>> -> memref<32768x1024xf32, #tpu.memory_space<hbm>>
    tpu.wait_indirect_dma semaphore(%arg8 : memref<!tpu.dma_semaphore, #tpu.memory_space<semaphore_mem>>) src(%dma_wait3A_114 : memref<32768x1024xf32, #tpu.memory_space<hbm>>) dst(%arg7 : memref<32x1024xf32, #tpu.memory_space<vmem>>)
    %add3A_115 = arith.constant 192 : i32
    %add3A_116 = arith.addi %mul3A_2, %add3A_115 : i32
    %dma_start3A_117 = arith.constant 0 : i32
    %dma_start3A_118 = tpu.memref_slice %arg4[%add3A_116, %dma_start3A_117] : memref<16384x1024xf32, #tpu.memory_space<hbm>> -> memref<32x1024xf32, #tpu.memory_space<hbm>>
    %dma_start3A_119 = arith.constant 0 : i32
    %dma_start3A_120 = tpu.memref_slice %arg4[%add3A_116, %dma_start3A_119] : memref<16384x1024xf32, #tpu.memory_space<hbm>> -> memref<32x1024xf32, #tpu.memory_space<hbm>>
    tpu.enqueue_dma source(%arg7 : memref<32x1024xf32, #tpu.memory_space<vmem>>) target(%dma_start3A_120 : memref<32x1024xf32, #tpu.memory_space<hbm>>) target_semaphore(%arg9 : memref<!tpu.dma_semaphore, #tpu.memory_space<semaphore_mem>>)
    %add3A_121 = arith.constant 224 : i32
    %add3A_122 = arith.addi %mul3A_2, %add3A_121 : i32
    "tpu.region"() ({
      %run_scoped3A = tpu.sem_alloc : memref<!tpu.dma_semaphore, #tpu.memory_space<semaphore_mem>>
      %dma_start3A_287 = tpu.memref_slice %arg3[%add3A_122] : memref<16384xi32, #tpu.memory_space<hbm>> -> memref<32xi32, #tpu.memory_space<hbm>>
      %dma_start3A_288 = tpu.memref_slice %arg3[%add3A_122] : memref<16384xi32, #tpu.memory_space<hbm>> -> memref<32xi32, #tpu.memory_space<hbm>>
      tpu.enqueue_dma source(%dma_start3A_288 : memref<32xi32, #tpu.memory_space<hbm>>) target(%arg10 : memref<32xi32, #tpu.memory_space<vmem>>) target_semaphore(%run_scoped3A : memref<!tpu.dma_semaphore, #tpu.memory_space<semaphore_mem>>)
      %dma_wait3A_289 = tpu.memref_slice %arg3[%add3A_122] : memref<16384xi32, #tpu.memory_space<hbm>> -> memref<32xi32, #tpu.memory_space<hbm>>
      %dma_wait3A_290 = tpu.memref_slice %arg3[%add3A_122] : memref<16384xi32, #tpu.memory_space<hbm>> -> memref<32xi32, #tpu.memory_space<hbm>>
      tpu.wait_dma2 semaphore(%run_scoped3A : memref<!tpu.dma_semaphore, #tpu.memory_space<semaphore_mem>>) src(%dma_wait3A_290 : memref<32xi32, #tpu.memory_space<hbm>>) dst(%arg10 : memref<32xi32, #tpu.memory_space<vmem>>)
      tpu.yield
    }) : () -> ()
    %dma_start3A_123 = arith.constant 0 : i32
    %dma_start3A_124 = arith.constant 0 : i32
    %dma_start3A_125 = tpu.memref_slice %arg2[%dma_start3A_123, %dma_start3A_124] : memref<32768x1024xf32, #tpu.memory_space<hbm>> -> memref<32768x1024xf32, #tpu.memory_space<hbm>>
    tpu.enqueue_indirect_dma source(%dma_start3A_125 : memref<32768x1024xf32, #tpu.memory_space<hbm>>) target(%arg12 : memref<32x1024xf32, #tpu.memory_space<vmem>>) offsets(%arg10 : memref<32xi32, #tpu.memory_space<vmem>>) semaphore(%arg13 : memref<!tpu.dma_semaphore, #tpu.memory_space<semaphore_mem>>)
    %dma_wait3A_126 = arith.constant 0 : i32
    %dma_wait3A_127 = tpu.memref_slice %arg4[%add3A_116, %dma_wait3A_126] : memref<16384x1024xf32, #tpu.memory_space<hbm>> -> memref<32x1024xf32, #tpu.memory_space<hbm>>
    %dma_wait3A_128 = arith.constant 0 : i32
    %dma_wait3A_129 = tpu.memref_slice %arg4[%add3A_116, %dma_wait3A_128] : memref<16384x1024xf32, #tpu.memory_space<hbm>> -> memref<32x1024xf32, #tpu.memory_space<hbm>>
    tpu.wait_dma2 semaphore(%arg9 : memref<!tpu.dma_semaphore, #tpu.memory_space<semaphore_mem>>) src(%arg7 : memref<32x1024xf32, #tpu.memory_space<vmem>>) dst(%dma_wait3A_129 : memref<32x1024xf32, #tpu.memory_space<hbm>>)
    %dma_wait3A_130 = arith.constant 0 : i32
    %dma_wait3A_131 = arith.constant 0 : i32
    %dma_wait3A_132 = tpu.memref_slice %arg2[%dma_wait3A_130, %dma_wait3A_131] : memref<32768x1024xf32, #tpu.memory_space<hbm>> -> memref<32768x1024xf32, #tpu.memory_space<hbm>>
    tpu.wait_indirect_dma semaphore(%arg13 : memref<!tpu.dma_semaphore, #tpu.memory_space<semaphore_mem>>) src(%dma_wait3A_132 : memref<32768x1024xf32, #tpu.memory_space<hbm>>) dst(%arg12 : memref<32x1024xf32, #tpu.memory_space<vmem>>)
    %add3A_133 = arith.constant 224 : i32
    %add3A_134 = arith.addi %mul3A_2, %add3A_133 : i32
    %dma_start3A_135 = arith.constant 0 : i32
    %dma_start3A_136 = tpu.memref_slice %arg4[%add3A_134, %dma_start3A_135] : memref<16384x1024xf32, #tpu.memory_space<hbm>> -> memref<32x1024xf32, #tpu.memory_space<hbm>>
    %dma_start3A_137 = arith.constant 0 : i32
    %dma_start3A_138 = tpu.memref_slice %arg4[%add3A_134, %dma_start3A_137] : memref<16384x1024xf32, #tpu.memory_space<hbm>> -> memref<32x1024xf32, #tpu.memory_space<hbm>>
    tpu.enqueue_dma source(%arg12 : memref<32x1024xf32, #tpu.memory_space<vmem>>) target(%dma_start3A_138 : memref<32x1024xf32, #tpu.memory_space<hbm>>) target_semaphore(%arg14 : memref<!tpu.dma_semaphore, #tpu.memory_space<semaphore_mem>>)
    %add3A_139 = arith.constant 256 : i32
    %add3A_140 = arith.addi %mul3A_2, %add3A_139 : i32
    "tpu.region"() ({
      %run_scoped3A = tpu.sem_alloc : memref<!tpu.dma_semaphore, #tpu.memory_space<semaphore_mem>>
      %dma_start3A_287 = tpu.memref_slice %arg3[%add3A_140] : memref<16384xi32, #tpu.memory_space<hbm>> -> memref<32xi32, #tpu.memory_space<hbm>>
      %dma_start3A_288 = tpu.memref_slice %arg3[%add3A_140] : memref<16384xi32, #tpu.memory_space<hbm>> -> memref<32xi32, #tpu.memory_space<hbm>>
      tpu.enqueue_dma source(%dma_start3A_288 : memref<32xi32, #tpu.memory_space<hbm>>) target(%arg5 : memref<32xi32, #tpu.memory_space<vmem>>) target_semaphore(%run_scoped3A : memref<!tpu.dma_semaphore, #tpu.memory_space<semaphore_mem>>)
      %dma_wait3A_289 = tpu.memref_slice %arg3[%add3A_140] : memref<16384xi32, #tpu.memory_space<hbm>> -> memref<32xi32, #tpu.memory_space<hbm>>
      %dma_wait3A_290 = tpu.memref_slice %arg3[%add3A_140] : memref<16384xi32, #tpu.memory_space<hbm>> -> memref<32xi32, #tpu.memory_space<hbm>>
      tpu.wait_dma2 semaphore(%run_scoped3A : memref<!tpu.dma_semaphore, #tpu.memory_space<semaphore_mem>>) src(%dma_wait3A_290 : memref<32xi32, #tpu.memory_space<hbm>>) dst(%arg5 : memref<32xi32, #tpu.memory_space<vmem>>)
      tpu.yield
    }) : () -> ()
    %dma_start3A_141 = arith.constant 0 : i32
    %dma_start3A_142 = arith.constant 0 : i32
    %dma_start3A_143 = tpu.memref_slice %arg2[%dma_start3A_141, %dma_start3A_142] : memref<32768x1024xf32, #tpu.memory_space<hbm>> -> memref<32768x1024xf32, #tpu.memory_space<hbm>>
    tpu.enqueue_indirect_dma source(%dma_start3A_143 : memref<32768x1024xf32, #tpu.memory_space<hbm>>) target(%arg7 : memref<32x1024xf32, #tpu.memory_space<vmem>>) offsets(%arg5 : memref<32xi32, #tpu.memory_space<vmem>>) semaphore(%arg8 : memref<!tpu.dma_semaphore, #tpu.memory_space<semaphore_mem>>)
    %dma_wait3A_144 = arith.constant 0 : i32
    %dma_wait3A_145 = tpu.memref_slice %arg4[%add3A_134, %dma_wait3A_144] : memref<16384x1024xf32, #tpu.memory_space<hbm>> -> memref<32x1024xf32, #tpu.memory_space<hbm>>
    %dma_wait3A_146 = arith.constant 0 : i32
    %dma_wait3A_147 = tpu.memref_slice %arg4[%add3A_134, %dma_wait3A_146] : memref<16384x1024xf32, #tpu.memory_space<hbm>> -> memref<32x1024xf32, #tpu.memory_space<hbm>>
    tpu.wait_dma2 semaphore(%arg14 : memref<!tpu.dma_semaphore, #tpu.memory_space<semaphore_mem>>) src(%arg12 : memref<32x1024xf32, #tpu.memory_space<vmem>>) dst(%dma_wait3A_147 : memref<32x1024xf32, #tpu.memory_space<hbm>>)
    %dma_wait3A_148 = arith.constant 0 : i32
    %dma_wait3A_149 = arith.constant 0 : i32
    %dma_wait3A_150 = tpu.memref_slice %arg2[%dma_wait3A_148, %dma_wait3A_149] : memref<32768x1024xf32, #tpu.memory_space<hbm>> -> memref<32768x1024xf32, #tpu.memory_space<hbm>>
    tpu.wait_indirect_dma semaphore(%arg8 : memref<!tpu.dma_semaphore, #tpu.memory_space<semaphore_mem>>) src(%dma_wait3A_150 : memref<32768x1024xf32, #tpu.memory_space<hbm>>) dst(%arg7 : memref<32x1024xf32, #tpu.memory_space<vmem>>)
    %add3A_151 = arith.constant 256 : i32
    %add3A_152 = arith.addi %mul3A_2, %add3A_151 : i32
    %dma_start3A_153 = arith.constant 0 : i32
    %dma_start3A_154 = tpu.memref_slice %arg4[%add3A_152, %dma_start3A_153] : memref<16384x1024xf32, #tpu.memory_space<hbm>> -> memref<32x1024xf32, #tpu.memory_space<hbm>>
    %dma_start3A_155 = arith.constant 0 : i32
    %dma_start3A_156 = tpu.memref_slice %arg4[%add3A_152, %dma_start3A_155] : memref<16384x1024xf32, #tpu.memory_space<hbm>> -> memref<32x1024xf32, #tpu.memory_space<hbm>>
    tpu.enqueue_dma source(%arg7 : memref<32x1024xf32, #tpu.memory_space<vmem>>) target(%dma_start3A_156 : memref<32x1024xf32, #tpu.memory_space<hbm>>) target_semaphore(%arg9 : memref<!tpu.dma_semaphore, #tpu.memory_space<semaphore_mem>>)
    %add3A_157 = arith.constant 288 : i32
    %add3A_158 = arith.addi %mul3A_2, %add3A_157 : i32
    "tpu.region"() ({
      %run_scoped3A = tpu.sem_alloc : memref<!tpu.dma_semaphore, #tpu.memory_space<semaphore_mem>>
      %dma_start3A_287 = tpu.memref_slice %arg3[%add3A_158] : memref<16384xi32, #tpu.memory_space<hbm>> -> memref<32xi32, #tpu.memory_space<hbm>>
      %dma_start3A_288 = tpu.memref_slice %arg3[%add3A_158] : memref<16384xi32, #tpu.memory_space<hbm>> -> memref<32xi32, #tpu.memory_space<hbm>>
      tpu.enqueue_dma source(%dma_start3A_288 : memref<32xi32, #tpu.memory_space<hbm>>) target(%arg10 : memref<32xi32, #tpu.memory_space<vmem>>) target_semaphore(%run_scoped3A : memref<!tpu.dma_semaphore, #tpu.memory_space<semaphore_mem>>)
      %dma_wait3A_289 = tpu.memref_slice %arg3[%add3A_158] : memref<16384xi32, #tpu.memory_space<hbm>> -> memref<32xi32, #tpu.memory_space<hbm>>
      %dma_wait3A_290 = tpu.memref_slice %arg3[%add3A_158] : memref<16384xi32, #tpu.memory_space<hbm>> -> memref<32xi32, #tpu.memory_space<hbm>>
      tpu.wait_dma2 semaphore(%run_scoped3A : memref<!tpu.dma_semaphore, #tpu.memory_space<semaphore_mem>>) src(%dma_wait3A_290 : memref<32xi32, #tpu.memory_space<hbm>>) dst(%arg10 : memref<32xi32, #tpu.memory_space<vmem>>)
      tpu.yield
    }) : () -> ()
    %dma_start3A_159 = arith.constant 0 : i32
    %dma_start3A_160 = arith.constant 0 : i32
    %dma_start3A_161 = tpu.memref_slice %arg2[%dma_start3A_159, %dma_start3A_160] : memref<32768x1024xf32, #tpu.memory_space<hbm>> -> memref<32768x1024xf32, #tpu.memory_space<hbm>>
    tpu.enqueue_indirect_dma source(%dma_start3A_161 : memref<32768x1024xf32, #tpu.memory_space<hbm>>) target(%arg12 : memref<32x1024xf32, #tpu.memory_space<vmem>>) offsets(%arg10 : memref<32xi32, #tpu.memory_space<vmem>>) semaphore(%arg13 : memref<!tpu.dma_semaphore, #tpu.memory_space<semaphore_mem>>)
    %dma_wait3A_162 = arith.constant 0 : i32
    %dma_wait3A_163 = tpu.memref_slice %arg4[%add3A_152, %dma_wait3A_162] : memref<16384x1024xf32, #tpu.memory_space<hbm>> -> memref<32x1024xf32, #tpu.memory_space<hbm>>
    %dma_wait3A_164 = arith.constant 0 : i32
    %dma_wait3A_165 = tpu.memref_slice %arg4[%add3A_152, %dma_wait3A_164] : memref<16384x1024xf32, #tpu.memory_space<hbm>> -> memref<32x1024xf32, #tpu.memory_space<hbm>>
    tpu.wait_dma2 semaphore(%arg9 : memref<!tpu.dma_semaphore, #tpu.memory_space<semaphore_mem>>) src(%arg7 : memref<32x1024xf32, #tpu.memory_space<vmem>>) dst(%dma_wait3A_165 : memref<32x1024xf32, #tpu.memory_space<hbm>>)
    %dma_wait3A_166 = arith.constant 0 : i32
    %dma_wait3A_167 = arith.constant 0 : i32
    %dma_wait3A_168 = tpu.memref_slice %arg2[%dma_wait3A_166, %dma_wait3A_167] : memref<32768x1024xf32, #tpu.memory_space<hbm>> -> memref<32768x1024xf32, #tpu.memory_space<hbm>>
    tpu.wait_indirect_dma semaphore(%arg13 : memref<!tpu.dma_semaphore, #tpu.memory_space<semaphore_mem>>) src(%dma_wait3A_168 : memref<32768x1024xf32, #tpu.memory_space<hbm>>) dst(%arg12 : memref<32x1024xf32, #tpu.memory_space<vmem>>)
    %add3A_169 = arith.constant 288 : i32
    %add3A_170 = arith.addi %mul3A_2, %add3A_169 : i32
    %dma_start3A_171 = arith.constant 0 : i32
    %dma_start3A_172 = tpu.memref_slice %arg4[%add3A_170, %dma_start3A_171] : memref<16384x1024xf32, #tpu.memory_space<hbm>> -> memref<32x1024xf32, #tpu.memory_space<hbm>>
    %dma_start3A_173 = arith.constant 0 : i32
    %dma_start3A_174 = tpu.memref_slice %arg4[%add3A_170, %dma_start3A_173] : memref<16384x1024xf32, #tpu.memory_space<hbm>> -> memref<32x1024xf32, #tpu.memory_space<hbm>>
    tpu.enqueue_dma source(%arg12 : memref<32x1024xf32, #tpu.memory_space<vmem>>) target(%dma_start3A_174 : memref<32x1024xf32, #tpu.memory_space<hbm>>) target_semaphore(%arg14 : memref<!tpu.dma_semaphore, #tpu.memory_space<semaphore_mem>>)
    %add3A_175 = arith.constant 320 : i32
    %add3A_176 = arith.addi %mul3A_2, %add3A_175 : i32
    "tpu.region"() ({
      %run_scoped3A = tpu.sem_alloc : memref<!tpu.dma_semaphore, #tpu.memory_space<semaphore_mem>>
      %dma_start3A_287 = tpu.memref_slice %arg3[%add3A_176] : memref<16384xi32, #tpu.memory_space<hbm>> -> memref<32xi32, #tpu.memory_space<hbm>>
      %dma_start3A_288 = tpu.memref_slice %arg3[%add3A_176] : memref<16384xi32, #tpu.memory_space<hbm>> -> memref<32xi32, #tpu.memory_space<hbm>>
      tpu.enqueue_dma source(%dma_start3A_288 : memref<32xi32, #tpu.memory_space<hbm>>) target(%arg5 : memref<32xi32, #tpu.memory_space<vmem>>) target_semaphore(%run_scoped3A : memref<!tpu.dma_semaphore, #tpu.memory_space<semaphore_mem>>)
      %dma_wait3A_289 = tpu.memref_slice %arg3[%add3A_176] : memref<16384xi32, #tpu.memory_space<hbm>> -> memref<32xi32, #tpu.memory_space<hbm>>
      %dma_wait3A_290 = tpu.memref_slice %arg3[%add3A_176] : memref<16384xi32, #tpu.memory_space<hbm>> -> memref<32xi32, #tpu.memory_space<hbm>>
      tpu.wait_dma2 semaphore(%run_scoped3A : memref<!tpu.dma_semaphore, #tpu.memory_space<semaphore_mem>>) src(%dma_wait3A_290 : memref<32xi32, #tpu.memory_space<hbm>>) dst(%arg5 : memref<32xi32, #tpu.memory_space<vmem>>)
      tpu.yield
    }) : () -> ()
    %dma_start3A_177 = arith.constant 0 : i32
    %dma_start3A_178 = arith.constant 0 : i32
    %dma_start3A_179 = tpu.memref_slice %arg2[%dma_start3A_177, %dma_start3A_178] : memref<32768x1024xf32, #tpu.memory_space<hbm>> -> memref<32768x1024xf32, #tpu.memory_space<hbm>>
    tpu.enqueue_indirect_dma source(%dma_start3A_179 : memref<32768x1024xf32, #tpu.memory_space<hbm>>) target(%arg7 : memref<32x1024xf32, #tpu.memory_space<vmem>>) offsets(%arg5 : memref<32xi32, #tpu.memory_space<vmem>>) semaphore(%arg8 : memref<!tpu.dma_semaphore, #tpu.memory_space<semaphore_mem>>)
    %dma_wait3A_180 = arith.constant 0 : i32
    %dma_wait3A_181 = tpu.memref_slice %arg4[%add3A_170, %dma_wait3A_180] : memref<16384x1024xf32, #tpu.memory_space<hbm>> -> memref<32x1024xf32, #tpu.memory_space<hbm>>
    %dma_wait3A_182 = arith.constant 0 : i32
    %dma_wait3A_183 = tpu.memref_slice %arg4[%add3A_170, %dma_wait3A_182] : memref<16384x1024xf32, #tpu.memory_space<hbm>> -> memref<32x1024xf32, #tpu.memory_space<hbm>>
    tpu.wait_dma2 semaphore(%arg14 : memref<!tpu.dma_semaphore, #tpu.memory_space<semaphore_mem>>) src(%arg12 : memref<32x1024xf32, #tpu.memory_space<vmem>>) dst(%dma_wait3A_183 : memref<32x1024xf32, #tpu.memory_space<hbm>>)
    %dma_wait3A_184 = arith.constant 0 : i32
    %dma_wait3A_185 = arith.constant 0 : i32
    %dma_wait3A_186 = tpu.memref_slice %arg2[%dma_wait3A_184, %dma_wait3A_185] : memref<32768x1024xf32, #tpu.memory_space<hbm>> -> memref<32768x1024xf32, #tpu.memory_space<hbm>>
    tpu.wait_indirect_dma semaphore(%arg8 : memref<!tpu.dma_semaphore, #tpu.memory_space<semaphore_mem>>) src(%dma_wait3A_186 : memref<32768x1024xf32, #tpu.memory_space<hbm>>) dst(%arg7 : memref<32x1024xf32, #tpu.memory_space<vmem>>)
    %add3A_187 = arith.constant 320 : i32
    %add3A_188 = arith.addi %mul3A_2, %add3A_187 : i32
    %dma_start3A_189 = arith.constant 0 : i32
    %dma_start3A_190 = tpu.memref_slice %arg4[%add3A_188, %dma_start3A_189] : memref<16384x1024xf32, #tpu.memory_space<hbm>> -> memref<32x1024xf32, #tpu.memory_space<hbm>>
    %dma_start3A_191 = arith.constant 0 : i32
    %dma_start3A_192 = tpu.memref_slice %arg4[%add3A_188, %dma_start3A_191] : memref<16384x1024xf32, #tpu.memory_space<hbm>> -> memref<32x1024xf32, #tpu.memory_space<hbm>>
    tpu.enqueue_dma source(%arg7 : memref<32x1024xf32, #tpu.memory_space<vmem>>) target(%dma_start3A_192 : memref<32x1024xf32, #tpu.memory_space<hbm>>) target_semaphore(%arg9 : memref<!tpu.dma_semaphore, #tpu.memory_space<semaphore_mem>>)
    %add3A_193 = arith.constant 352 : i32
    %add3A_194 = arith.addi %mul3A_2, %add3A_193 : i32
    "tpu.region"() ({
      %run_scoped3A = tpu.sem_alloc : memref<!tpu.dma_semaphore, #tpu.memory_space<semaphore_mem>>
      %dma_start3A_287 = tpu.memref_slice %arg3[%add3A_194] : memref<16384xi32, #tpu.memory_space<hbm>> -> memref<32xi32, #tpu.memory_space<hbm>>
      %dma_start3A_288 = tpu.memref_slice %arg3[%add3A_194] : memref<16384xi32, #tpu.memory_space<hbm>> -> memref<32xi32, #tpu.memory_space<hbm>>
      tpu.enqueue_dma source(%dma_start3A_288 : memref<32xi32, #tpu.memory_space<hbm>>) target(%arg10 : memref<32xi32, #tpu.memory_space<vmem>>) target_semaphore(%run_scoped3A : memref<!tpu.dma_semaphore, #tpu.memory_space<semaphore_mem>>)
      %dma_wait3A_289 = tpu.memref_slice %arg3[%add3A_194] : memref<16384xi32, #tpu.memory_space<hbm>> -> memref<32xi32, #tpu.memory_space<hbm>>
      %dma_wait3A_290 = tpu.memref_slice %arg3[%add3A_194] : memref<16384xi32, #tpu.memory_space<hbm>> -> memref<32xi32, #tpu.memory_space<hbm>>
      tpu.wait_dma2 semaphore(%run_scoped3A : memref<!tpu.dma_semaphore, #tpu.memory_space<semaphore_mem>>) src(%dma_wait3A_290 : memref<32xi32, #tpu.memory_space<hbm>>) dst(%arg10 : memref<32xi32, #tpu.memory_space<vmem>>)
      tpu.yield
    }) : () -> ()
    %dma_start3A_195 = arith.constant 0 : i32
    %dma_start3A_196 = arith.constant 0 : i32
    %dma_start3A_197 = tpu.memref_slice %arg2[%dma_start3A_195, %dma_start3A_196] : memref<32768x1024xf32, #tpu.memory_space<hbm>> -> memref<32768x1024xf32, #tpu.memory_space<hbm>>
    tpu.enqueue_indirect_dma source(%dma_start3A_197 : memref<32768x1024xf32, #tpu.memory_space<hbm>>) target(%arg12 : memref<32x1024xf32, #tpu.memory_space<vmem>>) offsets(%arg10 : memref<32xi32, #tpu.memory_space<vmem>>) semaphore(%arg13 : memref<!tpu.dma_semaphore, #tpu.memory_space<semaphore_mem>>)
    %dma_wait3A_198 = arith.constant 0 : i32
    %dma_wait3A_199 = tpu.memref_slice %arg4[%add3A_188, %dma_wait3A_198] : memref<16384x1024xf32, #tpu.memory_space<hbm>> -> memref<32x1024xf32, #tpu.memory_space<hbm>>
    %dma_wait3A_200 = arith.constant 0 : i32
    %dma_wait3A_201 = tpu.memref_slice %arg4[%add3A_188, %dma_wait3A_200] : memref<16384x1024xf32, #tpu.memory_space<hbm>> -> memref<32x1024xf32, #tpu.memory_space<hbm>>
    tpu.wait_dma2 semaphore(%arg9 : memref<!tpu.dma_semaphore, #tpu.memory_space<semaphore_mem>>) src(%arg7 : memref<32x1024xf32, #tpu.memory_space<vmem>>) dst(%dma_wait3A_201 : memref<32x1024xf32, #tpu.memory_space<hbm>>)
    %dma_wait3A_202 = arith.constant 0 : i32
    %dma_wait3A_203 = arith.constant 0 : i32
    %dma_wait3A_204 = tpu.memref_slice %arg2[%dma_wait3A_202, %dma_wait3A_203] : memref<32768x1024xf32, #tpu.memory_space<hbm>> -> memref<32768x1024xf32, #tpu.memory_space<hbm>>
    tpu.wait_indirect_dma semaphore(%arg13 : memref<!tpu.dma_semaphore, #tpu.memory_space<semaphore_mem>>) src(%dma_wait3A_204 : memref<32768x1024xf32, #tpu.memory_space<hbm>>) dst(%arg12 : memref<32x1024xf32, #tpu.memory_space<vmem>>)
    %add3A_205 = arith.constant 352 : i32
    %add3A_206 = arith.addi %mul3A_2, %add3A_205 : i32
    %dma_start3A_207 = arith.constant 0 : i32
    %dma_start3A_208 = tpu.memref_slice %arg4[%add3A_206, %dma_start3A_207] : memref<16384x1024xf32, #tpu.memory_space<hbm>> -> memref<32x1024xf32, #tpu.memory_space<hbm>>
    %dma_start3A_209 = arith.constant 0 : i32
    %dma_start3A_210 = tpu.memref_slice %arg4[%add3A_206, %dma_start3A_209] : memref<16384x1024xf32, #tpu.memory_space<hbm>> -> memref<32x1024xf32, #tpu.memory_space<hbm>>
    tpu.enqueue_dma source(%arg12 : memref<32x1024xf32, #tpu.memory_space<vmem>>) target(%dma_start3A_210 : memref<32x1024xf32, #tpu.memory_space<hbm>>) target_semaphore(%arg14 : memref<!tpu.dma_semaphore, #tpu.memory_space<semaphore_mem>>)
    %add3A_211 = arith.constant 384 : i32
    %add3A_212 = arith.addi %mul3A_2, %add3A_211 : i32
    "tpu.region"() ({
      %run_scoped3A = tpu.sem_alloc : memref<!tpu.dma_semaphore, #tpu.memory_space<semaphore_mem>>
      %dma_start3A_287 = tpu.memref_slice %arg3[%add3A_212] : memref<16384xi32, #tpu.memory_space<hbm>> -> memref<32xi32, #tpu.memory_space<hbm>>
      %dma_start3A_288 = tpu.memref_slice %arg3[%add3A_212] : memref<16384xi32, #tpu.memory_space<hbm>> -> memref<32xi32, #tpu.memory_space<hbm>>
      tpu.enqueue_dma source(%dma_start3A_288 : memref<32xi32, #tpu.memory_space<hbm>>) target(%arg5 : memref<32xi32, #tpu.memory_space<vmem>>) target_semaphore(%run_scoped3A : memref<!tpu.dma_semaphore, #tpu.memory_space<semaphore_mem>>)
      %dma_wait3A_289 = tpu.memref_slice %arg3[%add3A_212] : memref<16384xi32, #tpu.memory_space<hbm>> -> memref<32xi32, #tpu.memory_space<hbm>>
      %dma_wait3A_290 = tpu.memref_slice %arg3[%add3A_212] : memref<16384xi32, #tpu.memory_space<hbm>> -> memref<32xi32, #tpu.memory_space<hbm>>
      tpu.wait_dma2 semaphore(%run_scoped3A : memref<!tpu.dma_semaphore, #tpu.memory_space<semaphore_mem>>) src(%dma_wait3A_290 : memref<32xi32, #tpu.memory_space<hbm>>) dst(%arg5 : memref<32xi32, #tpu.memory_space<vmem>>)
      tpu.yield
    }) : () -> ()
    %dma_start3A_213 = arith.constant 0 : i32
    %dma_start3A_214 = arith.constant 0 : i32
    %dma_start3A_215 = tpu.memref_slice %arg2[%dma_start3A_213, %dma_start3A_214] : memref<32768x1024xf32, #tpu.memory_space<hbm>> -> memref<32768x1024xf32, #tpu.memory_space<hbm>>
    tpu.enqueue_indirect_dma source(%dma_start3A_215 : memref<32768x1024xf32, #tpu.memory_space<hbm>>) target(%arg7 : memref<32x1024xf32, #tpu.memory_space<vmem>>) offsets(%arg5 : memref<32xi32, #tpu.memory_space<vmem>>) semaphore(%arg8 : memref<!tpu.dma_semaphore, #tpu.memory_space<semaphore_mem>>)
    %dma_wait3A_216 = arith.constant 0 : i32
    %dma_wait3A_217 = tpu.memref_slice %arg4[%add3A_206, %dma_wait3A_216] : memref<16384x1024xf32, #tpu.memory_space<hbm>> -> memref<32x1024xf32, #tpu.memory_space<hbm>>
    %dma_wait3A_218 = arith.constant 0 : i32
    %dma_wait3A_219 = tpu.memref_slice %arg4[%add3A_206, %dma_wait3A_218] : memref<16384x1024xf32, #tpu.memory_space<hbm>> -> memref<32x1024xf32, #tpu.memory_space<hbm>>
    tpu.wait_dma2 semaphore(%arg14 : memref<!tpu.dma_semaphore, #tpu.memory_space<semaphore_mem>>) src(%arg12 : memref<32x1024xf32, #tpu.memory_space<vmem>>) dst(%dma_wait3A_219 : memref<32x1024xf32, #tpu.memory_space<hbm>>)
    %dma_wait3A_220 = arith.constant 0 : i32
    %dma_wait3A_221 = arith.constant 0 : i32
    %dma_wait3A_222 = tpu.memref_slice %arg2[%dma_wait3A_220, %dma_wait3A_221] : memref<32768x1024xf32, #tpu.memory_space<hbm>> -> memref<32768x1024xf32, #tpu.memory_space<hbm>>
    tpu.wait_indirect_dma semaphore(%arg8 : memref<!tpu.dma_semaphore, #tpu.memory_space<semaphore_mem>>) src(%dma_wait3A_222 : memref<32768x1024xf32, #tpu.memory_space<hbm>>) dst(%arg7 : memref<32x1024xf32, #tpu.memory_space<vmem>>)
    %add3A_223 = arith.constant 384 : i32
    %add3A_224 = arith.addi %mul3A_2, %add3A_223 : i32
    %dma_start3A_225 = arith.constant 0 : i32
    %dma_start3A_226 = tpu.memref_slice %arg4[%add3A_224, %dma_start3A_225] : memref<16384x1024xf32, #tpu.memory_space<hbm>> -> memref<32x1024xf32, #tpu.memory_space<hbm>>
    %dma_start3A_227 = arith.constant 0 : i32
    %dma_start3A_228 = tpu.memref_slice %arg4[%add3A_224, %dma_start3A_227] : memref<16384x1024xf32, #tpu.memory_space<hbm>> -> memref<32x1024xf32, #tpu.memory_space<hbm>>
    tpu.enqueue_dma source(%arg7 : memref<32x1024xf32, #tpu.memory_space<vmem>>) target(%dma_start3A_228 : memref<32x1024xf32, #tpu.memory_space<hbm>>) target_semaphore(%arg9 : memref<!tpu.dma_semaphore, #tpu.memory_space<semaphore_mem>>)
    %add3A_229 = arith.constant 416 : i32
    %add3A_230 = arith.addi %mul3A_2, %add3A_229 : i32
    "tpu.region"() ({
      %run_scoped3A = tpu.sem_alloc : memref<!tpu.dma_semaphore, #tpu.memory_space<semaphore_mem>>
      %dma_start3A_287 = tpu.memref_slice %arg3[%add3A_230] : memref<16384xi32, #tpu.memory_space<hbm>> -> memref<32xi32, #tpu.memory_space<hbm>>
      %dma_start3A_288 = tpu.memref_slice %arg3[%add3A_230] : memref<16384xi32, #tpu.memory_space<hbm>> -> memref<32xi32, #tpu.memory_space<hbm>>
      tpu.enqueue_dma source(%dma_start3A_288 : memref<32xi32, #tpu.memory_space<hbm>>) target(%arg10 : memref<32xi32, #tpu.memory_space<vmem>>) target_semaphore(%run_scoped3A : memref<!tpu.dma_semaphore, #tpu.memory_space<semaphore_mem>>)
      %dma_wait3A_289 = tpu.memref_slice %arg3[%add3A_230] : memref<16384xi32, #tpu.memory_space<hbm>> -> memref<32xi32, #tpu.memory_space<hbm>>
      %dma_wait3A_290 = tpu.memref_slice %arg3[%add3A_230] : memref<16384xi32, #tpu.memory_space<hbm>> -> memref<32xi32, #tpu.memory_space<hbm>>
      tpu.wait_dma2 semaphore(%run_scoped3A : memref<!tpu.dma_semaphore, #tpu.memory_space<semaphore_mem>>) src(%dma_wait3A_290 : memref<32xi32, #tpu.memory_space<hbm>>) dst(%arg10 : memref<32xi32, #tpu.memory_space<vmem>>)
      tpu.yield
    }) : () -> ()
    %dma_start3A_231 = arith.constant 0 : i32
    %dma_start3A_232 = arith.constant 0 : i32
    %dma_start3A_233 = tpu.memref_slice %arg2[%dma_start3A_231, %dma_start3A_232] : memref<32768x1024xf32, #tpu.memory_space<hbm>> -> memref<32768x1024xf32, #tpu.memory_space<hbm>>
    tpu.enqueue_indirect_dma source(%dma_start3A_233 : memref<32768x1024xf32, #tpu.memory_space<hbm>>) target(%arg12 : memref<32x1024xf32, #tpu.memory_space<vmem>>) offsets(%arg10 : memref<32xi32, #tpu.memory_space<vmem>>) semaphore(%arg13 : memref<!tpu.dma_semaphore, #tpu.memory_space<semaphore_mem>>)
    %dma_wait3A_234 = arith.constant 0 : i32
    %dma_wait3A_235 = tpu.memref_slice %arg4[%add3A_224, %dma_wait3A_234] : memref<16384x1024xf32, #tpu.memory_space<hbm>> -> memref<32x1024xf32, #tpu.memory_space<hbm>>
    %dma_wait3A_236 = arith.constant 0 : i32
    %dma_wait3A_237 = tpu.memref_slice %arg4[%add3A_224, %dma_wait3A_236] : memref<16384x1024xf32, #tpu.memory_space<hbm>> -> memref<32x1024xf32, #tpu.memory_space<hbm>>
    tpu.wait_dma2 semaphore(%arg9 : memref<!tpu.dma_semaphore, #tpu.memory_space<semaphore_mem>>) src(%arg7 : memref<32x1024xf32, #tpu.memory_space<vmem>>) dst(%dma_wait3A_237 : memref<32x1024xf32, #tpu.memory_space<hbm>>)
    %dma_wait3A_238 = arith.constant 0 : i32
    %dma_wait3A_239 = arith.constant 0 : i32
    %dma_wait3A_240 = tpu.memref_slice %arg2[%dma_wait3A_238, %dma_wait3A_239] : memref<32768x1024xf32, #tpu.memory_space<hbm>> -> memref<32768x1024xf32, #tpu.memory_space<hbm>>
    tpu.wait_indirect_dma semaphore(%arg13 : memref<!tpu.dma_semaphore, #tpu.memory_space<semaphore_mem>>) src(%dma_wait3A_240 : memref<32768x1024xf32, #tpu.memory_space<hbm>>) dst(%arg12 : memref<32x1024xf32, #tpu.memory_space<vmem>>)
    %add3A_241 = arith.constant 416 : i32
    %add3A_242 = arith.addi %mul3A_2, %add3A_241 : i32
    %dma_start3A_243 = arith.constant 0 : i32
    %dma_start3A_244 = tpu.memref_slice %arg4[%add3A_242, %dma_start3A_243] : memref<16384x1024xf32, #tpu.memory_space<hbm>> -> memref<32x1024xf32, #tpu.memory_space<hbm>>
    %dma_start3A_245 = arith.constant 0 : i32
    %dma_start3A_246 = tpu.memref_slice %arg4[%add3A_242, %dma_start3A_245] : memref<16384x1024xf32, #tpu.memory_space<hbm>> -> memref<32x1024xf32, #tpu.memory_space<hbm>>
    tpu.enqueue_dma source(%arg12 : memref<32x1024xf32, #tpu.memory_space<vmem>>) target(%dma_start3A_246 : memref<32x1024xf32, #tpu.memory_space<hbm>>) target_semaphore(%arg14 : memref<!tpu.dma_semaphore, #tpu.memory_space<semaphore_mem>>)
    %add3A_247 = arith.constant 448 : i32
    %add3A_248 = arith.addi %mul3A_2, %add3A_247 : i32
    "tpu.region"() ({
      %run_scoped3A = tpu.sem_alloc : memref<!tpu.dma_semaphore, #tpu.memory_space<semaphore_mem>>
      %dma_start3A_287 = tpu.memref_slice %arg3[%add3A_248] : memref<16384xi32, #tpu.memory_space<hbm>> -> memref<32xi32, #tpu.memory_space<hbm>>
      %dma_start3A_288 = tpu.memref_slice %arg3[%add3A_248] : memref<16384xi32, #tpu.memory_space<hbm>> -> memref<32xi32, #tpu.memory_space<hbm>>
      tpu.enqueue_dma source(%dma_start3A_288 : memref<32xi32, #tpu.memory_space<hbm>>) target(%arg5 : memref<32xi32, #tpu.memory_space<vmem>>) target_semaphore(%run_scoped3A : memref<!tpu.dma_semaphore, #tpu.memory_space<semaphore_mem>>)
      %dma_wait3A_289 = tpu.memref_slice %arg3[%add3A_248] : memref<16384xi32, #tpu.memory_space<hbm>> -> memref<32xi32, #tpu.memory_space<hbm>>
      %dma_wait3A_290 = tpu.memref_slice %arg3[%add3A_248] : memref<16384xi32, #tpu.memory_space<hbm>> -> memref<32xi32, #tpu.memory_space<hbm>>
      tpu.wait_dma2 semaphore(%run_scoped3A : memref<!tpu.dma_semaphore, #tpu.memory_space<semaphore_mem>>) src(%dma_wait3A_290 : memref<32xi32, #tpu.memory_space<hbm>>) dst(%arg5 : memref<32xi32, #tpu.memory_space<vmem>>)
      tpu.yield
    }) : () -> ()
    %dma_start3A_249 = arith.constant 0 : i32
    %dma_start3A_250 = arith.constant 0 : i32
    %dma_start3A_251 = tpu.memref_slice %arg2[%dma_start3A_249, %dma_start3A_250] : memref<32768x1024xf32, #tpu.memory_space<hbm>> -> memref<32768x1024xf32, #tpu.memory_space<hbm>>
    tpu.enqueue_indirect_dma source(%dma_start3A_251 : memref<32768x1024xf32, #tpu.memory_space<hbm>>) target(%arg7 : memref<32x1024xf32, #tpu.memory_space<vmem>>) offsets(%arg5 : memref<32xi32, #tpu.memory_space<vmem>>) semaphore(%arg8 : memref<!tpu.dma_semaphore, #tpu.memory_space<semaphore_mem>>)
    %dma_wait3A_252 = arith.constant 0 : i32
    %dma_wait3A_253 = tpu.memref_slice %arg4[%add3A_242, %dma_wait3A_252] : memref<16384x1024xf32, #tpu.memory_space<hbm>> -> memref<32x1024xf32, #tpu.memory_space<hbm>>
    %dma_wait3A_254 = arith.constant 0 : i32
    %dma_wait3A_255 = tpu.memref_slice %arg4[%add3A_242, %dma_wait3A_254] : memref<16384x1024xf32, #tpu.memory_space<hbm>> -> memref<32x1024xf32, #tpu.memory_space<hbm>>
    tpu.wait_dma2 semaphore(%arg14 : memref<!tpu.dma_semaphore, #tpu.memory_space<semaphore_mem>>) src(%arg12 : memref<32x1024xf32, #tpu.memory_space<vmem>>) dst(%dma_wait3A_255 : memref<32x1024xf32, #tpu.memory_space<hbm>>)
    %dma_wait3A_256 = arith.constant 0 : i32
    %dma_wait3A_257 = arith.constant 0 : i32
    %dma_wait3A_258 = tpu.memref_slice %arg2[%dma_wait3A_256, %dma_wait3A_257] : memref<32768x1024xf32, #tpu.memory_space<hbm>> -> memref<32768x1024xf32, #tpu.memory_space<hbm>>
    tpu.wait_indirect_dma semaphore(%arg8 : memref<!tpu.dma_semaphore, #tpu.memory_space<semaphore_mem>>) src(%dma_wait3A_258 : memref<32768x1024xf32, #tpu.memory_space<hbm>>) dst(%arg7 : memref<32x1024xf32, #tpu.memory_space<vmem>>)
    %add3A_259 = arith.constant 448 : i32
    %add3A_260 = arith.addi %mul3A_2, %add3A_259 : i32
    %dma_start3A_261 = arith.constant 0 : i32
    %dma_start3A_262 = tpu.memref_slice %arg4[%add3A_260, %dma_start3A_261] : memref<16384x1024xf32, #tpu.memory_space<hbm>> -> memref<32x1024xf32, #tpu.memory_space<hbm>>
    %dma_start3A_263 = arith.constant 0 : i32
    %dma_start3A_264 = tpu.memref_slice %arg4[%add3A_260, %dma_start3A_263] : memref<16384x1024xf32, #tpu.memory_space<hbm>> -> memref<32x1024xf32, #tpu.memory_space<hbm>>
    tpu.enqueue_dma source(%arg7 : memref<32x1024xf32, #tpu.memory_space<vmem>>) target(%dma_start3A_264 : memref<32x1024xf32, #tpu.memory_space<hbm>>) target_semaphore(%arg9 : memref<!tpu.dma_semaphore, #tpu.memory_space<semaphore_mem>>)
    %add3A_265 = arith.constant 480 : i32
    %add3A_266 = arith.addi %mul3A_2, %add3A_265 : i32
    "tpu.region"() ({
      %run_scoped3A = tpu.sem_alloc : memref<!tpu.dma_semaphore, #tpu.memory_space<semaphore_mem>>
      %dma_start3A_287 = tpu.memref_slice %arg3[%add3A_266] : memref<16384xi32, #tpu.memory_space<hbm>> -> memref<32xi32, #tpu.memory_space<hbm>>
      %dma_start3A_288 = tpu.memref_slice %arg3[%add3A_266] : memref<16384xi32, #tpu.memory_space<hbm>> -> memref<32xi32, #tpu.memory_space<hbm>>
      tpu.enqueue_dma source(%dma_start3A_288 : memref<32xi32, #tpu.memory_space<hbm>>) target(%arg10 : memref<32xi32, #tpu.memory_space<vmem>>) target_semaphore(%run_scoped3A : memref<!tpu.dma_semaphore, #tpu.memory_space<semaphore_mem>>)
      %dma_wait3A_289 = tpu.memref_slice %arg3[%add3A_266] : memref<16384xi32, #tpu.memory_space<hbm>> -> memref<32xi32, #tpu.memory_space<hbm>>
      %dma_wait3A_290 = tpu.memref_slice %arg3[%add3A_266] : memref<16384xi32, #tpu.memory_space<hbm>> -> memref<32xi32, #tpu.memory_space<hbm>>
      tpu.wait_dma2 semaphore(%run_scoped3A : memref<!tpu.dma_semaphore, #tpu.memory_space<semaphore_mem>>) src(%dma_wait3A_290 : memref<32xi32, #tpu.memory_space<hbm>>) dst(%arg10 : memref<32xi32, #tpu.memory_space<vmem>>)
      tpu.yield
    }) : () -> ()
    %dma_start3A_267 = arith.constant 0 : i32
    %dma_start3A_268 = arith.constant 0 : i32
    %dma_start3A_269 = tpu.memref_slice %arg2[%dma_start3A_267, %dma_start3A_268] : memref<32768x1024xf32, #tpu.memory_space<hbm>> -> memref<32768x1024xf32, #tpu.memory_space<hbm>>
    tpu.enqueue_indirect_dma source(%dma_start3A_269 : memref<32768x1024xf32, #tpu.memory_space<hbm>>) target(%arg12 : memref<32x1024xf32, #tpu.memory_space<vmem>>) offsets(%arg10 : memref<32xi32, #tpu.memory_space<vmem>>) semaphore(%arg13 : memref<!tpu.dma_semaphore, #tpu.memory_space<semaphore_mem>>)
    %dma_wait3A_270 = arith.constant 0 : i32
    %dma_wait3A_271 = tpu.memref_slice %arg4[%add3A_260, %dma_wait3A_270] : memref<16384x1024xf32, #tpu.memory_space<hbm>> -> memref<32x1024xf32, #tpu.memory_space<hbm>>
    %dma_wait3A_272 = arith.constant 0 : i32
    %dma_wait3A_273 = tpu.memref_slice %arg4[%add3A_260, %dma_wait3A_272] : memref<16384x1024xf32, #tpu.memory_space<hbm>> -> memref<32x1024xf32, #tpu.memory_space<hbm>>
    tpu.wait_dma2 semaphore(%arg9 : memref<!tpu.dma_semaphore, #tpu.memory_space<semaphore_mem>>) src(%arg7 : memref<32x1024xf32, #tpu.memory_space<vmem>>) dst(%dma_wait3A_273 : memref<32x1024xf32, #tpu.memory_space<hbm>>)
    %dma_wait3A_274 = arith.constant 0 : i32
    %dma_wait3A_275 = arith.constant 0 : i32
    %dma_wait3A_276 = tpu.memref_slice %arg2[%dma_wait3A_274, %dma_wait3A_275] : memref<32768x1024xf32, #tpu.memory_space<hbm>> -> memref<32768x1024xf32, #tpu.memory_space<hbm>>
    tpu.wait_indirect_dma semaphore(%arg13 : memref<!tpu.dma_semaphore, #tpu.memory_space<semaphore_mem>>) src(%dma_wait3A_276 : memref<32768x1024xf32, #tpu.memory_space<hbm>>) dst(%arg12 : memref<32x1024xf32, #tpu.memory_space<vmem>>)
    %add3A_277 = arith.constant 480 : i32
    %add3A_278 = arith.addi %mul3A_2, %add3A_277 : i32
    %dma_start3A_279 = arith.constant 0 : i32
    %dma_start3A_280 = tpu.memref_slice %arg4[%add3A_278, %dma_start3A_279] : memref<16384x1024xf32, #tpu.memory_space<hbm>> -> memref<32x1024xf32, #tpu.memory_space<hbm>>
    %dma_start3A_281 = arith.constant 0 : i32
    %dma_start3A_282 = tpu.memref_slice %arg4[%add3A_278, %dma_start3A_281] : memref<16384x1024xf32, #tpu.memory_space<hbm>> -> memref<32x1024xf32, #tpu.memory_space<hbm>>
    tpu.enqueue_dma source(%arg12 : memref<32x1024xf32, #tpu.memory_space<vmem>>) target(%dma_start3A_282 : memref<32x1024xf32, #tpu.memory_space<hbm>>) target_semaphore(%arg14 : memref<!tpu.dma_semaphore, #tpu.memory_space<semaphore_mem>>)
    %dma_wait3A_283 = arith.constant 0 : i32
    %dma_wait3A_284 = tpu.memref_slice %arg4[%add3A_278, %dma_wait3A_283] : memref<16384x1024xf32, #tpu.memory_space<hbm>> -> memref<32x1024xf32, #tpu.memory_space<hbm>>
    %dma_wait3A_285 = arith.constant 0 : i32
    %dma_wait3A_286 = tpu.memref_slice %arg4[%add3A_278, %dma_wait3A_285] : memref<16384x1024xf32, #tpu.memory_space<hbm>> -> memref<32x1024xf32, #tpu.memory_space<hbm>>
    tpu.wait_dma2 semaphore(%arg14 : memref<!tpu.dma_semaphore, #tpu.memory_space<semaphore_mem>>) src(%arg12 : memref<32x1024xf32, #tpu.memory_space<vmem>>) dst(%dma_wait3A_286 : memref<32x1024xf32, #tpu.memory_space<hbm>>)
    return
  }
}

#map = affine_map<(d0, d1) -> (0, 0)>
#map1 = affine_map<(d0, d1) -> (0)>
module attributes {stable_mosaic.version = 14 : i64} {
  func.func @_sc_dispatch_body(%arg0: i32, %arg1: i32, %arg2: memref<2048x1024xf32, #tpu.memory_space<hbm>>, %arg3: memref<16384xi32, #tpu.memory_space<hbm>>, %arg4: memref<16384xi32, #tpu.memory_space<hbm>>, %arg5: memref<32768x1024xf32, #tpu.memory_space<hbm>>, %arg6: memref<32xi32, #tpu.memory_space<vmem>>, %arg7: memref<32xi32, #tpu.memory_space<vmem>>, %arg8: memref<32x1024xf32, #tpu.memory_space<vmem>>, %arg9: memref<!tpu.dma_semaphore, #tpu.memory_space<semaphore_mem>>, %arg10: memref<!tpu.dma_semaphore, #tpu.memory_space<semaphore_mem>>, %arg11: memref<32xi32, #tpu.memory_space<vmem>>, %arg12: memref<32xi32, #tpu.memory_space<vmem>>, %arg13: memref<32x1024xf32, #tpu.memory_space<vmem>>, %arg14: memref<!tpu.dma_semaphore, #tpu.memory_space<semaphore_mem>>, %arg15: memref<!tpu.dma_semaphore, #tpu.memory_space<semaphore_mem>>) attributes {dimension_semantics = [#tpu.dimension_semantics<core_parallel>, #tpu.dimension_semantics<subcore_parallel>], iteration_bounds = array<i64: 2, 16>, scalar_prefetch = 0 : i64, scratch_operands = 10 : i64, tpu.core_type = #tpu.core_type<sc_vector_subcore>, window_params = [{transform_indices = #map}, {transform_indices = #map1}, {transform_indices = #map1}, {transform_indices = #map}]} {
    %mul3A = arith.constant 2 : i32
    %mul3A_0 = arith.muli %arg1, %mul3A : i32
    %add3A = arith.addi %mul3A_0, %arg0 : i32
    %mul3A_1 = arith.constant 512 : i32
    %mul3A_2 = arith.muli %add3A, %mul3A_1 : i32
    "tpu.region"() ({
      %run_scoped3A = tpu.sem_alloc : memref<!tpu.dma_semaphore, #tpu.memory_space<semaphore_mem>>
      %dma_start3A_223 = tpu.memref_slice %arg3[%mul3A_2] : memref<16384xi32, #tpu.memory_space<hbm>> -> memref<32xi32, #tpu.memory_space<hbm>>
      %dma_start3A_224 = tpu.memref_slice %arg3[%mul3A_2] : memref<16384xi32, #tpu.memory_space<hbm>> -> memref<32xi32, #tpu.memory_space<hbm>>
      tpu.enqueue_dma source(%dma_start3A_224 : memref<32xi32, #tpu.memory_space<hbm>>) target(%arg6 : memref<32xi32, #tpu.memory_space<vmem>>) target_semaphore(%run_scoped3A : memref<!tpu.dma_semaphore, #tpu.memory_space<semaphore_mem>>)
      %dma_wait3A_225 = tpu.memref_slice %arg3[%mul3A_2] : memref<16384xi32, #tpu.memory_space<hbm>> -> memref<32xi32, #tpu.memory_space<hbm>>
      %dma_wait3A_226 = tpu.memref_slice %arg3[%mul3A_2] : memref<16384xi32, #tpu.memory_space<hbm>> -> memref<32xi32, #tpu.memory_space<hbm>>
      tpu.wait_dma2 semaphore(%run_scoped3A : memref<!tpu.dma_semaphore, #tpu.memory_space<semaphore_mem>>) src(%dma_wait3A_226 : memref<32xi32, #tpu.memory_space<hbm>>) dst(%arg6 : memref<32xi32, #tpu.memory_space<vmem>>)
      tpu.yield
    }) : () -> ()
    "tpu.region"() ({
      %run_scoped3A = tpu.sem_alloc : memref<!tpu.dma_semaphore, #tpu.memory_space<semaphore_mem>>
      %dma_start3A_223 = tpu.memref_slice %arg4[%mul3A_2] : memref<16384xi32, #tpu.memory_space<hbm>> -> memref<32xi32, #tpu.memory_space<hbm>>
      %dma_start3A_224 = tpu.memref_slice %arg4[%mul3A_2] : memref<16384xi32, #tpu.memory_space<hbm>> -> memref<32xi32, #tpu.memory_space<hbm>>
      tpu.enqueue_dma source(%dma_start3A_224 : memref<32xi32, #tpu.memory_space<hbm>>) target(%arg7 : memref<32xi32, #tpu.memory_space<vmem>>) target_semaphore(%run_scoped3A : memref<!tpu.dma_semaphore, #tpu.memory_space<semaphore_mem>>)
      %dma_wait3A_225 = tpu.memref_slice %arg4[%mul3A_2] : memref<16384xi32, #tpu.memory_space<hbm>> -> memref<32xi32, #tpu.memory_space<hbm>>
      %dma_wait3A_226 = tpu.memref_slice %arg4[%mul3A_2] : memref<16384xi32, #tpu.memory_space<hbm>> -> memref<32xi32, #tpu.memory_space<hbm>>
      tpu.wait_dma2 semaphore(%run_scoped3A : memref<!tpu.dma_semaphore, #tpu.memory_space<semaphore_mem>>) src(%dma_wait3A_226 : memref<32xi32, #tpu.memory_space<hbm>>) dst(%arg7 : memref<32xi32, #tpu.memory_space<vmem>>)
      tpu.yield
    }) : () -> ()
    %dma_start3A = arith.constant 0 : i32
    %dma_start3A_3 = arith.constant 0 : i32
    %dma_start3A_4 = tpu.memref_slice %arg2[%dma_start3A, %dma_start3A_3] : memref<2048x1024xf32, #tpu.memory_space<hbm>> -> memref<2048x1024xf32, #tpu.memory_space<hbm>>
    tpu.enqueue_indirect_dma source(%dma_start3A_4 : memref<2048x1024xf32, #tpu.memory_space<hbm>>) target(%arg8 : memref<32x1024xf32, #tpu.memory_space<vmem>>) offsets(%arg6 : memref<32xi32, #tpu.memory_space<vmem>>) semaphore(%arg9 : memref<!tpu.dma_semaphore, #tpu.memory_space<semaphore_mem>>)
    %dma_wait3A = arith.constant 0 : i32
    %dma_wait3A_5 = arith.constant 0 : i32
    %dma_wait3A_6 = tpu.memref_slice %arg2[%dma_wait3A, %dma_wait3A_5] : memref<2048x1024xf32, #tpu.memory_space<hbm>> -> memref<2048x1024xf32, #tpu.memory_space<hbm>>
    tpu.wait_indirect_dma semaphore(%arg9 : memref<!tpu.dma_semaphore, #tpu.memory_space<semaphore_mem>>) src(%dma_wait3A_6 : memref<2048x1024xf32, #tpu.memory_space<hbm>>) dst(%arg8 : memref<32x1024xf32, #tpu.memory_space<vmem>>)
    %dma_start3A_7 = arith.constant 0 : i32
    %dma_start3A_8 = arith.constant 0 : i32
    %dma_start3A_9 = tpu.memref_slice %arg5[%dma_start3A_7, %dma_start3A_8] : memref<32768x1024xf32, #tpu.memory_space<hbm>> -> memref<32768x1024xf32, #tpu.memory_space<hbm>>
    tpu.enqueue_indirect_dma source(%arg8 : memref<32x1024xf32, #tpu.memory_space<vmem>>) target(%dma_start3A_9 : memref<32768x1024xf32, #tpu.memory_space<hbm>>) offsets(%arg7 : memref<32xi32, #tpu.memory_space<vmem>>) semaphore(%arg10 : memref<!tpu.dma_semaphore, #tpu.memory_space<semaphore_mem>>)
    %add3A_10 = arith.constant 32 : i32
    %add3A_11 = arith.addi %mul3A_2, %add3A_10 : i32
    "tpu.region"() ({
      %run_scoped3A = tpu.sem_alloc : memref<!tpu.dma_semaphore, #tpu.memory_space<semaphore_mem>>
      %dma_start3A_223 = tpu.memref_slice %arg3[%add3A_11] : memref<16384xi32, #tpu.memory_space<hbm>> -> memref<32xi32, #tpu.memory_space<hbm>>
      %dma_start3A_224 = tpu.memref_slice %arg3[%add3A_11] : memref<16384xi32, #tpu.memory_space<hbm>> -> memref<32xi32, #tpu.memory_space<hbm>>
      tpu.enqueue_dma source(%dma_start3A_224 : memref<32xi32, #tpu.memory_space<hbm>>) target(%arg11 : memref<32xi32, #tpu.memory_space<vmem>>) target_semaphore(%run_scoped3A : memref<!tpu.dma_semaphore, #tpu.memory_space<semaphore_mem>>)
      %dma_wait3A_225 = tpu.memref_slice %arg3[%add3A_11] : memref<16384xi32, #tpu.memory_space<hbm>> -> memref<32xi32, #tpu.memory_space<hbm>>
      %dma_wait3A_226 = tpu.memref_slice %arg3[%add3A_11] : memref<16384xi32, #tpu.memory_space<hbm>> -> memref<32xi32, #tpu.memory_space<hbm>>
      tpu.wait_dma2 semaphore(%run_scoped3A : memref<!tpu.dma_semaphore, #tpu.memory_space<semaphore_mem>>) src(%dma_wait3A_226 : memref<32xi32, #tpu.memory_space<hbm>>) dst(%arg11 : memref<32xi32, #tpu.memory_space<vmem>>)
      tpu.yield
    }) : () -> ()
    "tpu.region"() ({
      %run_scoped3A = tpu.sem_alloc : memref<!tpu.dma_semaphore, #tpu.memory_space<semaphore_mem>>
      %dma_start3A_223 = tpu.memref_slice %arg4[%add3A_11] : memref<16384xi32, #tpu.memory_space<hbm>> -> memref<32xi32, #tpu.memory_space<hbm>>
      %dma_start3A_224 = tpu.memref_slice %arg4[%add3A_11] : memref<16384xi32, #tpu.memory_space<hbm>> -> memref<32xi32, #tpu.memory_space<hbm>>
      tpu.enqueue_dma source(%dma_start3A_224 : memref<32xi32, #tpu.memory_space<hbm>>) target(%arg12 : memref<32xi32, #tpu.memory_space<vmem>>) target_semaphore(%run_scoped3A : memref<!tpu.dma_semaphore, #tpu.memory_space<semaphore_mem>>)
      %dma_wait3A_225 = tpu.memref_slice %arg4[%add3A_11] : memref<16384xi32, #tpu.memory_space<hbm>> -> memref<32xi32, #tpu.memory_space<hbm>>
      %dma_wait3A_226 = tpu.memref_slice %arg4[%add3A_11] : memref<16384xi32, #tpu.memory_space<hbm>> -> memref<32xi32, #tpu.memory_space<hbm>>
      tpu.wait_dma2 semaphore(%run_scoped3A : memref<!tpu.dma_semaphore, #tpu.memory_space<semaphore_mem>>) src(%dma_wait3A_226 : memref<32xi32, #tpu.memory_space<hbm>>) dst(%arg12 : memref<32xi32, #tpu.memory_space<vmem>>)
      tpu.yield
    }) : () -> ()
    %dma_start3A_12 = arith.constant 0 : i32
    %dma_start3A_13 = arith.constant 0 : i32
    %dma_start3A_14 = tpu.memref_slice %arg2[%dma_start3A_12, %dma_start3A_13] : memref<2048x1024xf32, #tpu.memory_space<hbm>> -> memref<2048x1024xf32, #tpu.memory_space<hbm>>
    tpu.enqueue_indirect_dma source(%dma_start3A_14 : memref<2048x1024xf32, #tpu.memory_space<hbm>>) target(%arg13 : memref<32x1024xf32, #tpu.memory_space<vmem>>) offsets(%arg11 : memref<32xi32, #tpu.memory_space<vmem>>) semaphore(%arg14 : memref<!tpu.dma_semaphore, #tpu.memory_space<semaphore_mem>>)
    %dma_wait3A_15 = arith.constant 0 : i32
    %dma_wait3A_16 = arith.constant 0 : i32
    %dma_wait3A_17 = tpu.memref_slice %arg5[%dma_wait3A_15, %dma_wait3A_16] : memref<32768x1024xf32, #tpu.memory_space<hbm>> -> memref<32768x1024xf32, #tpu.memory_space<hbm>>
    tpu.wait_indirect_dma semaphore(%arg10 : memref<!tpu.dma_semaphore, #tpu.memory_space<semaphore_mem>>) src(%arg8 : memref<32x1024xf32, #tpu.memory_space<vmem>>) dst(%dma_wait3A_17 : memref<32768x1024xf32, #tpu.memory_space<hbm>>)
    %dma_wait3A_18 = arith.constant 0 : i32
    %dma_wait3A_19 = arith.constant 0 : i32
    %dma_wait3A_20 = tpu.memref_slice %arg2[%dma_wait3A_18, %dma_wait3A_19] : memref<2048x1024xf32, #tpu.memory_space<hbm>> -> memref<2048x1024xf32, #tpu.memory_space<hbm>>
    tpu.wait_indirect_dma semaphore(%arg14 : memref<!tpu.dma_semaphore, #tpu.memory_space<semaphore_mem>>) src(%dma_wait3A_20 : memref<2048x1024xf32, #tpu.memory_space<hbm>>) dst(%arg13 : memref<32x1024xf32, #tpu.memory_space<vmem>>)
    %dma_start3A_21 = arith.constant 0 : i32
    %dma_start3A_22 = arith.constant 0 : i32
    %dma_start3A_23 = tpu.memref_slice %arg5[%dma_start3A_21, %dma_start3A_22] : memref<32768x1024xf32, #tpu.memory_space<hbm>> -> memref<32768x1024xf32, #tpu.memory_space<hbm>>
    tpu.enqueue_indirect_dma source(%arg13 : memref<32x1024xf32, #tpu.memory_space<vmem>>) target(%dma_start3A_23 : memref<32768x1024xf32, #tpu.memory_space<hbm>>) offsets(%arg12 : memref<32xi32, #tpu.memory_space<vmem>>) semaphore(%arg15 : memref<!tpu.dma_semaphore, #tpu.memory_space<semaphore_mem>>)
    %add3A_24 = arith.constant 64 : i32
    %add3A_25 = arith.addi %mul3A_2, %add3A_24 : i32
    "tpu.region"() ({
      %run_scoped3A = tpu.sem_alloc : memref<!tpu.dma_semaphore, #tpu.memory_space<semaphore_mem>>
      %dma_start3A_223 = tpu.memref_slice %arg3[%add3A_25] : memref<16384xi32, #tpu.memory_space<hbm>> -> memref<32xi32, #tpu.memory_space<hbm>>
      %dma_start3A_224 = tpu.memref_slice %arg3[%add3A_25] : memref<16384xi32, #tpu.memory_space<hbm>> -> memref<32xi32, #tpu.memory_space<hbm>>
      tpu.enqueue_dma source(%dma_start3A_224 : memref<32xi32, #tpu.memory_space<hbm>>) target(%arg6 : memref<32xi32, #tpu.memory_space<vmem>>) target_semaphore(%run_scoped3A : memref<!tpu.dma_semaphore, #tpu.memory_space<semaphore_mem>>)
      %dma_wait3A_225 = tpu.memref_slice %arg3[%add3A_25] : memref<16384xi32, #tpu.memory_space<hbm>> -> memref<32xi32, #tpu.memory_space<hbm>>
      %dma_wait3A_226 = tpu.memref_slice %arg3[%add3A_25] : memref<16384xi32, #tpu.memory_space<hbm>> -> memref<32xi32, #tpu.memory_space<hbm>>
      tpu.wait_dma2 semaphore(%run_scoped3A : memref<!tpu.dma_semaphore, #tpu.memory_space<semaphore_mem>>) src(%dma_wait3A_226 : memref<32xi32, #tpu.memory_space<hbm>>) dst(%arg6 : memref<32xi32, #tpu.memory_space<vmem>>)
      tpu.yield
    }) : () -> ()
    "tpu.region"() ({
      %run_scoped3A = tpu.sem_alloc : memref<!tpu.dma_semaphore, #tpu.memory_space<semaphore_mem>>
      %dma_start3A_223 = tpu.memref_slice %arg4[%add3A_25] : memref<16384xi32, #tpu.memory_space<hbm>> -> memref<32xi32, #tpu.memory_space<hbm>>
      %dma_start3A_224 = tpu.memref_slice %arg4[%add3A_25] : memref<16384xi32, #tpu.memory_space<hbm>> -> memref<32xi32, #tpu.memory_space<hbm>>
      tpu.enqueue_dma source(%dma_start3A_224 : memref<32xi32, #tpu.memory_space<hbm>>) target(%arg7 : memref<32xi32, #tpu.memory_space<vmem>>) target_semaphore(%run_scoped3A : memref<!tpu.dma_semaphore, #tpu.memory_space<semaphore_mem>>)
      %dma_wait3A_225 = tpu.memref_slice %arg4[%add3A_25] : memref<16384xi32, #tpu.memory_space<hbm>> -> memref<32xi32, #tpu.memory_space<hbm>>
      %dma_wait3A_226 = tpu.memref_slice %arg4[%add3A_25] : memref<16384xi32, #tpu.memory_space<hbm>> -> memref<32xi32, #tpu.memory_space<hbm>>
      tpu.wait_dma2 semaphore(%run_scoped3A : memref<!tpu.dma_semaphore, #tpu.memory_space<semaphore_mem>>) src(%dma_wait3A_226 : memref<32xi32, #tpu.memory_space<hbm>>) dst(%arg7 : memref<32xi32, #tpu.memory_space<vmem>>)
      tpu.yield
    }) : () -> ()
    %dma_start3A_26 = arith.constant 0 : i32
    %dma_start3A_27 = arith.constant 0 : i32
    %dma_start3A_28 = tpu.memref_slice %arg2[%dma_start3A_26, %dma_start3A_27] : memref<2048x1024xf32, #tpu.memory_space<hbm>> -> memref<2048x1024xf32, #tpu.memory_space<hbm>>
    tpu.enqueue_indirect_dma source(%dma_start3A_28 : memref<2048x1024xf32, #tpu.memory_space<hbm>>) target(%arg8 : memref<32x1024xf32, #tpu.memory_space<vmem>>) offsets(%arg6 : memref<32xi32, #tpu.memory_space<vmem>>) semaphore(%arg9 : memref<!tpu.dma_semaphore, #tpu.memory_space<semaphore_mem>>)
    %dma_wait3A_29 = arith.constant 0 : i32
    %dma_wait3A_30 = arith.constant 0 : i32
    %dma_wait3A_31 = tpu.memref_slice %arg5[%dma_wait3A_29, %dma_wait3A_30] : memref<32768x1024xf32, #tpu.memory_space<hbm>> -> memref<32768x1024xf32, #tpu.memory_space<hbm>>
    tpu.wait_indirect_dma semaphore(%arg15 : memref<!tpu.dma_semaphore, #tpu.memory_space<semaphore_mem>>) src(%arg13 : memref<32x1024xf32, #tpu.memory_space<vmem>>) dst(%dma_wait3A_31 : memref<32768x1024xf32, #tpu.memory_space<hbm>>)
    %dma_wait3A_32 = arith.constant 0 : i32
    %dma_wait3A_33 = arith.constant 0 : i32
    %dma_wait3A_34 = tpu.memref_slice %arg2[%dma_wait3A_32, %dma_wait3A_33] : memref<2048x1024xf32, #tpu.memory_space<hbm>> -> memref<2048x1024xf32, #tpu.memory_space<hbm>>
    tpu.wait_indirect_dma semaphore(%arg9 : memref<!tpu.dma_semaphore, #tpu.memory_space<semaphore_mem>>) src(%dma_wait3A_34 : memref<2048x1024xf32, #tpu.memory_space<hbm>>) dst(%arg8 : memref<32x1024xf32, #tpu.memory_space<vmem>>)
    %dma_start3A_35 = arith.constant 0 : i32
    %dma_start3A_36 = arith.constant 0 : i32
    %dma_start3A_37 = tpu.memref_slice %arg5[%dma_start3A_35, %dma_start3A_36] : memref<32768x1024xf32, #tpu.memory_space<hbm>> -> memref<32768x1024xf32, #tpu.memory_space<hbm>>
    tpu.enqueue_indirect_dma source(%arg8 : memref<32x1024xf32, #tpu.memory_space<vmem>>) target(%dma_start3A_37 : memref<32768x1024xf32, #tpu.memory_space<hbm>>) offsets(%arg7 : memref<32xi32, #tpu.memory_space<vmem>>) semaphore(%arg10 : memref<!tpu.dma_semaphore, #tpu.memory_space<semaphore_mem>>)
    %add3A_38 = arith.constant 96 : i32
    %add3A_39 = arith.addi %mul3A_2, %add3A_38 : i32
    "tpu.region"() ({
      %run_scoped3A = tpu.sem_alloc : memref<!tpu.dma_semaphore, #tpu.memory_space<semaphore_mem>>
      %dma_start3A_223 = tpu.memref_slice %arg3[%add3A_39] : memref<16384xi32, #tpu.memory_space<hbm>> -> memref<32xi32, #tpu.memory_space<hbm>>
      %dma_start3A_224 = tpu.memref_slice %arg3[%add3A_39] : memref<16384xi32, #tpu.memory_space<hbm>> -> memref<32xi32, #tpu.memory_space<hbm>>
      tpu.enqueue_dma source(%dma_start3A_224 : memref<32xi32, #tpu.memory_space<hbm>>) target(%arg11 : memref<32xi32, #tpu.memory_space<vmem>>) target_semaphore(%run_scoped3A : memref<!tpu.dma_semaphore, #tpu.memory_space<semaphore_mem>>)
      %dma_wait3A_225 = tpu.memref_slice %arg3[%add3A_39] : memref<16384xi32, #tpu.memory_space<hbm>> -> memref<32xi32, #tpu.memory_space<hbm>>
      %dma_wait3A_226 = tpu.memref_slice %arg3[%add3A_39] : memref<16384xi32, #tpu.memory_space<hbm>> -> memref<32xi32, #tpu.memory_space<hbm>>
      tpu.wait_dma2 semaphore(%run_scoped3A : memref<!tpu.dma_semaphore, #tpu.memory_space<semaphore_mem>>) src(%dma_wait3A_226 : memref<32xi32, #tpu.memory_space<hbm>>) dst(%arg11 : memref<32xi32, #tpu.memory_space<vmem>>)
      tpu.yield
    }) : () -> ()
    "tpu.region"() ({
      %run_scoped3A = tpu.sem_alloc : memref<!tpu.dma_semaphore, #tpu.memory_space<semaphore_mem>>
      %dma_start3A_223 = tpu.memref_slice %arg4[%add3A_39] : memref<16384xi32, #tpu.memory_space<hbm>> -> memref<32xi32, #tpu.memory_space<hbm>>
      %dma_start3A_224 = tpu.memref_slice %arg4[%add3A_39] : memref<16384xi32, #tpu.memory_space<hbm>> -> memref<32xi32, #tpu.memory_space<hbm>>
      tpu.enqueue_dma source(%dma_start3A_224 : memref<32xi32, #tpu.memory_space<hbm>>) target(%arg12 : memref<32xi32, #tpu.memory_space<vmem>>) target_semaphore(%run_scoped3A : memref<!tpu.dma_semaphore, #tpu.memory_space<semaphore_mem>>)
      %dma_wait3A_225 = tpu.memref_slice %arg4[%add3A_39] : memref<16384xi32, #tpu.memory_space<hbm>> -> memref<32xi32, #tpu.memory_space<hbm>>
      %dma_wait3A_226 = tpu.memref_slice %arg4[%add3A_39] : memref<16384xi32, #tpu.memory_space<hbm>> -> memref<32xi32, #tpu.memory_space<hbm>>
      tpu.wait_dma2 semaphore(%run_scoped3A : memref<!tpu.dma_semaphore, #tpu.memory_space<semaphore_mem>>) src(%dma_wait3A_226 : memref<32xi32, #tpu.memory_space<hbm>>) dst(%arg12 : memref<32xi32, #tpu.memory_space<vmem>>)
      tpu.yield
    }) : () -> ()
    %dma_start3A_40 = arith.constant 0 : i32
    %dma_start3A_41 = arith.constant 0 : i32
    %dma_start3A_42 = tpu.memref_slice %arg2[%dma_start3A_40, %dma_start3A_41] : memref<2048x1024xf32, #tpu.memory_space<hbm>> -> memref<2048x1024xf32, #tpu.memory_space<hbm>>
    tpu.enqueue_indirect_dma source(%dma_start3A_42 : memref<2048x1024xf32, #tpu.memory_space<hbm>>) target(%arg13 : memref<32x1024xf32, #tpu.memory_space<vmem>>) offsets(%arg11 : memref<32xi32, #tpu.memory_space<vmem>>) semaphore(%arg14 : memref<!tpu.dma_semaphore, #tpu.memory_space<semaphore_mem>>)
    %dma_wait3A_43 = arith.constant 0 : i32
    %dma_wait3A_44 = arith.constant 0 : i32
    %dma_wait3A_45 = tpu.memref_slice %arg5[%dma_wait3A_43, %dma_wait3A_44] : memref<32768x1024xf32, #tpu.memory_space<hbm>> -> memref<32768x1024xf32, #tpu.memory_space<hbm>>
    tpu.wait_indirect_dma semaphore(%arg10 : memref<!tpu.dma_semaphore, #tpu.memory_space<semaphore_mem>>) src(%arg8 : memref<32x1024xf32, #tpu.memory_space<vmem>>) dst(%dma_wait3A_45 : memref<32768x1024xf32, #tpu.memory_space<hbm>>)
    %dma_wait3A_46 = arith.constant 0 : i32
    %dma_wait3A_47 = arith.constant 0 : i32
    %dma_wait3A_48 = tpu.memref_slice %arg2[%dma_wait3A_46, %dma_wait3A_47] : memref<2048x1024xf32, #tpu.memory_space<hbm>> -> memref<2048x1024xf32, #tpu.memory_space<hbm>>
    tpu.wait_indirect_dma semaphore(%arg14 : memref<!tpu.dma_semaphore, #tpu.memory_space<semaphore_mem>>) src(%dma_wait3A_48 : memref<2048x1024xf32, #tpu.memory_space<hbm>>) dst(%arg13 : memref<32x1024xf32, #tpu.memory_space<vmem>>)
    %dma_start3A_49 = arith.constant 0 : i32
    %dma_start3A_50 = arith.constant 0 : i32
    %dma_start3A_51 = tpu.memref_slice %arg5[%dma_start3A_49, %dma_start3A_50] : memref<32768x1024xf32, #tpu.memory_space<hbm>> -> memref<32768x1024xf32, #tpu.memory_space<hbm>>
    tpu.enqueue_indirect_dma source(%arg13 : memref<32x1024xf32, #tpu.memory_space<vmem>>) target(%dma_start3A_51 : memref<32768x1024xf32, #tpu.memory_space<hbm>>) offsets(%arg12 : memref<32xi32, #tpu.memory_space<vmem>>) semaphore(%arg15 : memref<!tpu.dma_semaphore, #tpu.memory_space<semaphore_mem>>)
    %add3A_52 = arith.constant 128 : i32
    %add3A_53 = arith.addi %mul3A_2, %add3A_52 : i32
    "tpu.region"() ({
      %run_scoped3A = tpu.sem_alloc : memref<!tpu.dma_semaphore, #tpu.memory_space<semaphore_mem>>
      %dma_start3A_223 = tpu.memref_slice %arg3[%add3A_53] : memref<16384xi32, #tpu.memory_space<hbm>> -> memref<32xi32, #tpu.memory_space<hbm>>
      %dma_start3A_224 = tpu.memref_slice %arg3[%add3A_53] : memref<16384xi32, #tpu.memory_space<hbm>> -> memref<32xi32, #tpu.memory_space<hbm>>
      tpu.enqueue_dma source(%dma_start3A_224 : memref<32xi32, #tpu.memory_space<hbm>>) target(%arg6 : memref<32xi32, #tpu.memory_space<vmem>>) target_semaphore(%run_scoped3A : memref<!tpu.dma_semaphore, #tpu.memory_space<semaphore_mem>>)
      %dma_wait3A_225 = tpu.memref_slice %arg3[%add3A_53] : memref<16384xi32, #tpu.memory_space<hbm>> -> memref<32xi32, #tpu.memory_space<hbm>>
      %dma_wait3A_226 = tpu.memref_slice %arg3[%add3A_53] : memref<16384xi32, #tpu.memory_space<hbm>> -> memref<32xi32, #tpu.memory_space<hbm>>
      tpu.wait_dma2 semaphore(%run_scoped3A : memref<!tpu.dma_semaphore, #tpu.memory_space<semaphore_mem>>) src(%dma_wait3A_226 : memref<32xi32, #tpu.memory_space<hbm>>) dst(%arg6 : memref<32xi32, #tpu.memory_space<vmem>>)
      tpu.yield
    }) : () -> ()
    "tpu.region"() ({
      %run_scoped3A = tpu.sem_alloc : memref<!tpu.dma_semaphore, #tpu.memory_space<semaphore_mem>>
      %dma_start3A_223 = tpu.memref_slice %arg4[%add3A_53] : memref<16384xi32, #tpu.memory_space<hbm>> -> memref<32xi32, #tpu.memory_space<hbm>>
      %dma_start3A_224 = tpu.memref_slice %arg4[%add3A_53] : memref<16384xi32, #tpu.memory_space<hbm>> -> memref<32xi32, #tpu.memory_space<hbm>>
      tpu.enqueue_dma source(%dma_start3A_224 : memref<32xi32, #tpu.memory_space<hbm>>) target(%arg7 : memref<32xi32, #tpu.memory_space<vmem>>) target_semaphore(%run_scoped3A : memref<!tpu.dma_semaphore, #tpu.memory_space<semaphore_mem>>)
      %dma_wait3A_225 = tpu.memref_slice %arg4[%add3A_53] : memref<16384xi32, #tpu.memory_space<hbm>> -> memref<32xi32, #tpu.memory_space<hbm>>
      %dma_wait3A_226 = tpu.memref_slice %arg4[%add3A_53] : memref<16384xi32, #tpu.memory_space<hbm>> -> memref<32xi32, #tpu.memory_space<hbm>>
      tpu.wait_dma2 semaphore(%run_scoped3A : memref<!tpu.dma_semaphore, #tpu.memory_space<semaphore_mem>>) src(%dma_wait3A_226 : memref<32xi32, #tpu.memory_space<hbm>>) dst(%arg7 : memref<32xi32, #tpu.memory_space<vmem>>)
      tpu.yield
    }) : () -> ()
    %dma_start3A_54 = arith.constant 0 : i32
    %dma_start3A_55 = arith.constant 0 : i32
    %dma_start3A_56 = tpu.memref_slice %arg2[%dma_start3A_54, %dma_start3A_55] : memref<2048x1024xf32, #tpu.memory_space<hbm>> -> memref<2048x1024xf32, #tpu.memory_space<hbm>>
    tpu.enqueue_indirect_dma source(%dma_start3A_56 : memref<2048x1024xf32, #tpu.memory_space<hbm>>) target(%arg8 : memref<32x1024xf32, #tpu.memory_space<vmem>>) offsets(%arg6 : memref<32xi32, #tpu.memory_space<vmem>>) semaphore(%arg9 : memref<!tpu.dma_semaphore, #tpu.memory_space<semaphore_mem>>)
    %dma_wait3A_57 = arith.constant 0 : i32
    %dma_wait3A_58 = arith.constant 0 : i32
    %dma_wait3A_59 = tpu.memref_slice %arg5[%dma_wait3A_57, %dma_wait3A_58] : memref<32768x1024xf32, #tpu.memory_space<hbm>> -> memref<32768x1024xf32, #tpu.memory_space<hbm>>
    tpu.wait_indirect_dma semaphore(%arg15 : memref<!tpu.dma_semaphore, #tpu.memory_space<semaphore_mem>>) src(%arg13 : memref<32x1024xf32, #tpu.memory_space<vmem>>) dst(%dma_wait3A_59 : memref<32768x1024xf32, #tpu.memory_space<hbm>>)
    %dma_wait3A_60 = arith.constant 0 : i32
    %dma_wait3A_61 = arith.constant 0 : i32
    %dma_wait3A_62 = tpu.memref_slice %arg2[%dma_wait3A_60, %dma_wait3A_61] : memref<2048x1024xf32, #tpu.memory_space<hbm>> -> memref<2048x1024xf32, #tpu.memory_space<hbm>>
    tpu.wait_indirect_dma semaphore(%arg9 : memref<!tpu.dma_semaphore, #tpu.memory_space<semaphore_mem>>) src(%dma_wait3A_62 : memref<2048x1024xf32, #tpu.memory_space<hbm>>) dst(%arg8 : memref<32x1024xf32, #tpu.memory_space<vmem>>)
    %dma_start3A_63 = arith.constant 0 : i32
    %dma_start3A_64 = arith.constant 0 : i32
    %dma_start3A_65 = tpu.memref_slice %arg5[%dma_start3A_63, %dma_start3A_64] : memref<32768x1024xf32, #tpu.memory_space<hbm>> -> memref<32768x1024xf32, #tpu.memory_space<hbm>>
    tpu.enqueue_indirect_dma source(%arg8 : memref<32x1024xf32, #tpu.memory_space<vmem>>) target(%dma_start3A_65 : memref<32768x1024xf32, #tpu.memory_space<hbm>>) offsets(%arg7 : memref<32xi32, #tpu.memory_space<vmem>>) semaphore(%arg10 : memref<!tpu.dma_semaphore, #tpu.memory_space<semaphore_mem>>)
    %add3A_66 = arith.constant 160 : i32
    %add3A_67 = arith.addi %mul3A_2, %add3A_66 : i32
    "tpu.region"() ({
      %run_scoped3A = tpu.sem_alloc : memref<!tpu.dma_semaphore, #tpu.memory_space<semaphore_mem>>
      %dma_start3A_223 = tpu.memref_slice %arg3[%add3A_67] : memref<16384xi32, #tpu.memory_space<hbm>> -> memref<32xi32, #tpu.memory_space<hbm>>
      %dma_start3A_224 = tpu.memref_slice %arg3[%add3A_67] : memref<16384xi32, #tpu.memory_space<hbm>> -> memref<32xi32, #tpu.memory_space<hbm>>
      tpu.enqueue_dma source(%dma_start3A_224 : memref<32xi32, #tpu.memory_space<hbm>>) target(%arg11 : memref<32xi32, #tpu.memory_space<vmem>>) target_semaphore(%run_scoped3A : memref<!tpu.dma_semaphore, #tpu.memory_space<semaphore_mem>>)
      %dma_wait3A_225 = tpu.memref_slice %arg3[%add3A_67] : memref<16384xi32, #tpu.memory_space<hbm>> -> memref<32xi32, #tpu.memory_space<hbm>>
      %dma_wait3A_226 = tpu.memref_slice %arg3[%add3A_67] : memref<16384xi32, #tpu.memory_space<hbm>> -> memref<32xi32, #tpu.memory_space<hbm>>
      tpu.wait_dma2 semaphore(%run_scoped3A : memref<!tpu.dma_semaphore, #tpu.memory_space<semaphore_mem>>) src(%dma_wait3A_226 : memref<32xi32, #tpu.memory_space<hbm>>) dst(%arg11 : memref<32xi32, #tpu.memory_space<vmem>>)
      tpu.yield
    }) : () -> ()
    "tpu.region"() ({
      %run_scoped3A = tpu.sem_alloc : memref<!tpu.dma_semaphore, #tpu.memory_space<semaphore_mem>>
      %dma_start3A_223 = tpu.memref_slice %arg4[%add3A_67] : memref<16384xi32, #tpu.memory_space<hbm>> -> memref<32xi32, #tpu.memory_space<hbm>>
      %dma_start3A_224 = tpu.memref_slice %arg4[%add3A_67] : memref<16384xi32, #tpu.memory_space<hbm>> -> memref<32xi32, #tpu.memory_space<hbm>>
      tpu.enqueue_dma source(%dma_start3A_224 : memref<32xi32, #tpu.memory_space<hbm>>) target(%arg12 : memref<32xi32, #tpu.memory_space<vmem>>) target_semaphore(%run_scoped3A : memref<!tpu.dma_semaphore, #tpu.memory_space<semaphore_mem>>)
      %dma_wait3A_225 = tpu.memref_slice %arg4[%add3A_67] : memref<16384xi32, #tpu.memory_space<hbm>> -> memref<32xi32, #tpu.memory_space<hbm>>
      %dma_wait3A_226 = tpu.memref_slice %arg4[%add3A_67] : memref<16384xi32, #tpu.memory_space<hbm>> -> memref<32xi32, #tpu.memory_space<hbm>>
      tpu.wait_dma2 semaphore(%run_scoped3A : memref<!tpu.dma_semaphore, #tpu.memory_space<semaphore_mem>>) src(%dma_wait3A_226 : memref<32xi32, #tpu.memory_space<hbm>>) dst(%arg12 : memref<32xi32, #tpu.memory_space<vmem>>)
      tpu.yield
    }) : () -> ()
    %dma_start3A_68 = arith.constant 0 : i32
    %dma_start3A_69 = arith.constant 0 : i32
    %dma_start3A_70 = tpu.memref_slice %arg2[%dma_start3A_68, %dma_start3A_69] : memref<2048x1024xf32, #tpu.memory_space<hbm>> -> memref<2048x1024xf32, #tpu.memory_space<hbm>>
    tpu.enqueue_indirect_dma source(%dma_start3A_70 : memref<2048x1024xf32, #tpu.memory_space<hbm>>) target(%arg13 : memref<32x1024xf32, #tpu.memory_space<vmem>>) offsets(%arg11 : memref<32xi32, #tpu.memory_space<vmem>>) semaphore(%arg14 : memref<!tpu.dma_semaphore, #tpu.memory_space<semaphore_mem>>)
    %dma_wait3A_71 = arith.constant 0 : i32
    %dma_wait3A_72 = arith.constant 0 : i32
    %dma_wait3A_73 = tpu.memref_slice %arg5[%dma_wait3A_71, %dma_wait3A_72] : memref<32768x1024xf32, #tpu.memory_space<hbm>> -> memref<32768x1024xf32, #tpu.memory_space<hbm>>
    tpu.wait_indirect_dma semaphore(%arg10 : memref<!tpu.dma_semaphore, #tpu.memory_space<semaphore_mem>>) src(%arg8 : memref<32x1024xf32, #tpu.memory_space<vmem>>) dst(%dma_wait3A_73 : memref<32768x1024xf32, #tpu.memory_space<hbm>>)
    %dma_wait3A_74 = arith.constant 0 : i32
    %dma_wait3A_75 = arith.constant 0 : i32
    %dma_wait3A_76 = tpu.memref_slice %arg2[%dma_wait3A_74, %dma_wait3A_75] : memref<2048x1024xf32, #tpu.memory_space<hbm>> -> memref<2048x1024xf32, #tpu.memory_space<hbm>>
    tpu.wait_indirect_dma semaphore(%arg14 : memref<!tpu.dma_semaphore, #tpu.memory_space<semaphore_mem>>) src(%dma_wait3A_76 : memref<2048x1024xf32, #tpu.memory_space<hbm>>) dst(%arg13 : memref<32x1024xf32, #tpu.memory_space<vmem>>)
    %dma_start3A_77 = arith.constant 0 : i32
    %dma_start3A_78 = arith.constant 0 : i32
    %dma_start3A_79 = tpu.memref_slice %arg5[%dma_start3A_77, %dma_start3A_78] : memref<32768x1024xf32, #tpu.memory_space<hbm>> -> memref<32768x1024xf32, #tpu.memory_space<hbm>>
    tpu.enqueue_indirect_dma source(%arg13 : memref<32x1024xf32, #tpu.memory_space<vmem>>) target(%dma_start3A_79 : memref<32768x1024xf32, #tpu.memory_space<hbm>>) offsets(%arg12 : memref<32xi32, #tpu.memory_space<vmem>>) semaphore(%arg15 : memref<!tpu.dma_semaphore, #tpu.memory_space<semaphore_mem>>)
    %add3A_80 = arith.constant 192 : i32
    %add3A_81 = arith.addi %mul3A_2, %add3A_80 : i32
    "tpu.region"() ({
      %run_scoped3A = tpu.sem_alloc : memref<!tpu.dma_semaphore, #tpu.memory_space<semaphore_mem>>
      %dma_start3A_223 = tpu.memref_slice %arg3[%add3A_81] : memref<16384xi32, #tpu.memory_space<hbm>> -> memref<32xi32, #tpu.memory_space<hbm>>
      %dma_start3A_224 = tpu.memref_slice %arg3[%add3A_81] : memref<16384xi32, #tpu.memory_space<hbm>> -> memref<32xi32, #tpu.memory_space<hbm>>
      tpu.enqueue_dma source(%dma_start3A_224 : memref<32xi32, #tpu.memory_space<hbm>>) target(%arg6 : memref<32xi32, #tpu.memory_space<vmem>>) target_semaphore(%run_scoped3A : memref<!tpu.dma_semaphore, #tpu.memory_space<semaphore_mem>>)
      %dma_wait3A_225 = tpu.memref_slice %arg3[%add3A_81] : memref<16384xi32, #tpu.memory_space<hbm>> -> memref<32xi32, #tpu.memory_space<hbm>>
      %dma_wait3A_226 = tpu.memref_slice %arg3[%add3A_81] : memref<16384xi32, #tpu.memory_space<hbm>> -> memref<32xi32, #tpu.memory_space<hbm>>
      tpu.wait_dma2 semaphore(%run_scoped3A : memref<!tpu.dma_semaphore, #tpu.memory_space<semaphore_mem>>) src(%dma_wait3A_226 : memref<32xi32, #tpu.memory_space<hbm>>) dst(%arg6 : memref<32xi32, #tpu.memory_space<vmem>>)
      tpu.yield
    }) : () -> ()
    "tpu.region"() ({
      %run_scoped3A = tpu.sem_alloc : memref<!tpu.dma_semaphore, #tpu.memory_space<semaphore_mem>>
      %dma_start3A_223 = tpu.memref_slice %arg4[%add3A_81] : memref<16384xi32, #tpu.memory_space<hbm>> -> memref<32xi32, #tpu.memory_space<hbm>>
      %dma_start3A_224 = tpu.memref_slice %arg4[%add3A_81] : memref<16384xi32, #tpu.memory_space<hbm>> -> memref<32xi32, #tpu.memory_space<hbm>>
      tpu.enqueue_dma source(%dma_start3A_224 : memref<32xi32, #tpu.memory_space<hbm>>) target(%arg7 : memref<32xi32, #tpu.memory_space<vmem>>) target_semaphore(%run_scoped3A : memref<!tpu.dma_semaphore, #tpu.memory_space<semaphore_mem>>)
      %dma_wait3A_225 = tpu.memref_slice %arg4[%add3A_81] : memref<16384xi32, #tpu.memory_space<hbm>> -> memref<32xi32, #tpu.memory_space<hbm>>
      %dma_wait3A_226 = tpu.memref_slice %arg4[%add3A_81] : memref<16384xi32, #tpu.memory_space<hbm>> -> memref<32xi32, #tpu.memory_space<hbm>>
      tpu.wait_dma2 semaphore(%run_scoped3A : memref<!tpu.dma_semaphore, #tpu.memory_space<semaphore_mem>>) src(%dma_wait3A_226 : memref<32xi32, #tpu.memory_space<hbm>>) dst(%arg7 : memref<32xi32, #tpu.memory_space<vmem>>)
      tpu.yield
    }) : () -> ()
    %dma_start3A_82 = arith.constant 0 : i32
    %dma_start3A_83 = arith.constant 0 : i32
    %dma_start3A_84 = tpu.memref_slice %arg2[%dma_start3A_82, %dma_start3A_83] : memref<2048x1024xf32, #tpu.memory_space<hbm>> -> memref<2048x1024xf32, #tpu.memory_space<hbm>>
    tpu.enqueue_indirect_dma source(%dma_start3A_84 : memref<2048x1024xf32, #tpu.memory_space<hbm>>) target(%arg8 : memref<32x1024xf32, #tpu.memory_space<vmem>>) offsets(%arg6 : memref<32xi32, #tpu.memory_space<vmem>>) semaphore(%arg9 : memref<!tpu.dma_semaphore, #tpu.memory_space<semaphore_mem>>)
    %dma_wait3A_85 = arith.constant 0 : i32
    %dma_wait3A_86 = arith.constant 0 : i32
    %dma_wait3A_87 = tpu.memref_slice %arg5[%dma_wait3A_85, %dma_wait3A_86] : memref<32768x1024xf32, #tpu.memory_space<hbm>> -> memref<32768x1024xf32, #tpu.memory_space<hbm>>
    tpu.wait_indirect_dma semaphore(%arg15 : memref<!tpu.dma_semaphore, #tpu.memory_space<semaphore_mem>>) src(%arg13 : memref<32x1024xf32, #tpu.memory_space<vmem>>) dst(%dma_wait3A_87 : memref<32768x1024xf32, #tpu.memory_space<hbm>>)
    %dma_wait3A_88 = arith.constant 0 : i32
    %dma_wait3A_89 = arith.constant 0 : i32
    %dma_wait3A_90 = tpu.memref_slice %arg2[%dma_wait3A_88, %dma_wait3A_89] : memref<2048x1024xf32, #tpu.memory_space<hbm>> -> memref<2048x1024xf32, #tpu.memory_space<hbm>>
    tpu.wait_indirect_dma semaphore(%arg9 : memref<!tpu.dma_semaphore, #tpu.memory_space<semaphore_mem>>) src(%dma_wait3A_90 : memref<2048x1024xf32, #tpu.memory_space<hbm>>) dst(%arg8 : memref<32x1024xf32, #tpu.memory_space<vmem>>)
    %dma_start3A_91 = arith.constant 0 : i32
    %dma_start3A_92 = arith.constant 0 : i32
    %dma_start3A_93 = tpu.memref_slice %arg5[%dma_start3A_91, %dma_start3A_92] : memref<32768x1024xf32, #tpu.memory_space<hbm>> -> memref<32768x1024xf32, #tpu.memory_space<hbm>>
    tpu.enqueue_indirect_dma source(%arg8 : memref<32x1024xf32, #tpu.memory_space<vmem>>) target(%dma_start3A_93 : memref<32768x1024xf32, #tpu.memory_space<hbm>>) offsets(%arg7 : memref<32xi32, #tpu.memory_space<vmem>>) semaphore(%arg10 : memref<!tpu.dma_semaphore, #tpu.memory_space<semaphore_mem>>)
    %add3A_94 = arith.constant 224 : i32
    %add3A_95 = arith.addi %mul3A_2, %add3A_94 : i32
    "tpu.region"() ({
      %run_scoped3A = tpu.sem_alloc : memref<!tpu.dma_semaphore, #tpu.memory_space<semaphore_mem>>
      %dma_start3A_223 = tpu.memref_slice %arg3[%add3A_95] : memref<16384xi32, #tpu.memory_space<hbm>> -> memref<32xi32, #tpu.memory_space<hbm>>
      %dma_start3A_224 = tpu.memref_slice %arg3[%add3A_95] : memref<16384xi32, #tpu.memory_space<hbm>> -> memref<32xi32, #tpu.memory_space<hbm>>
      tpu.enqueue_dma source(%dma_start3A_224 : memref<32xi32, #tpu.memory_space<hbm>>) target(%arg11 : memref<32xi32, #tpu.memory_space<vmem>>) target_semaphore(%run_scoped3A : memref<!tpu.dma_semaphore, #tpu.memory_space<semaphore_mem>>)
      %dma_wait3A_225 = tpu.memref_slice %arg3[%add3A_95] : memref<16384xi32, #tpu.memory_space<hbm>> -> memref<32xi32, #tpu.memory_space<hbm>>
      %dma_wait3A_226 = tpu.memref_slice %arg3[%add3A_95] : memref<16384xi32, #tpu.memory_space<hbm>> -> memref<32xi32, #tpu.memory_space<hbm>>
      tpu.wait_dma2 semaphore(%run_scoped3A : memref<!tpu.dma_semaphore, #tpu.memory_space<semaphore_mem>>) src(%dma_wait3A_226 : memref<32xi32, #tpu.memory_space<hbm>>) dst(%arg11 : memref<32xi32, #tpu.memory_space<vmem>>)
      tpu.yield
    }) : () -> ()
    "tpu.region"() ({
      %run_scoped3A = tpu.sem_alloc : memref<!tpu.dma_semaphore, #tpu.memory_space<semaphore_mem>>
      %dma_start3A_223 = tpu.memref_slice %arg4[%add3A_95] : memref<16384xi32, #tpu.memory_space<hbm>> -> memref<32xi32, #tpu.memory_space<hbm>>
      %dma_start3A_224 = tpu.memref_slice %arg4[%add3A_95] : memref<16384xi32, #tpu.memory_space<hbm>> -> memref<32xi32, #tpu.memory_space<hbm>>
      tpu.enqueue_dma source(%dma_start3A_224 : memref<32xi32, #tpu.memory_space<hbm>>) target(%arg12 : memref<32xi32, #tpu.memory_space<vmem>>) target_semaphore(%run_scoped3A : memref<!tpu.dma_semaphore, #tpu.memory_space<semaphore_mem>>)
      %dma_wait3A_225 = tpu.memref_slice %arg4[%add3A_95] : memref<16384xi32, #tpu.memory_space<hbm>> -> memref<32xi32, #tpu.memory_space<hbm>>
      %dma_wait3A_226 = tpu.memref_slice %arg4[%add3A_95] : memref<16384xi32, #tpu.memory_space<hbm>> -> memref<32xi32, #tpu.memory_space<hbm>>
      tpu.wait_dma2 semaphore(%run_scoped3A : memref<!tpu.dma_semaphore, #tpu.memory_space<semaphore_mem>>) src(%dma_wait3A_226 : memref<32xi32, #tpu.memory_space<hbm>>) dst(%arg12 : memref<32xi32, #tpu.memory_space<vmem>>)
      tpu.yield
    }) : () -> ()
    %dma_start3A_96 = arith.constant 0 : i32
    %dma_start3A_97 = arith.constant 0 : i32
    %dma_start3A_98 = tpu.memref_slice %arg2[%dma_start3A_96, %dma_start3A_97] : memref<2048x1024xf32, #tpu.memory_space<hbm>> -> memref<2048x1024xf32, #tpu.memory_space<hbm>>
    tpu.enqueue_indirect_dma source(%dma_start3A_98 : memref<2048x1024xf32, #tpu.memory_space<hbm>>) target(%arg13 : memref<32x1024xf32, #tpu.memory_space<vmem>>) offsets(%arg11 : memref<32xi32, #tpu.memory_space<vmem>>) semaphore(%arg14 : memref<!tpu.dma_semaphore, #tpu.memory_space<semaphore_mem>>)
    %dma_wait3A_99 = arith.constant 0 : i32
    %dma_wait3A_100 = arith.constant 0 : i32
    %dma_wait3A_101 = tpu.memref_slice %arg5[%dma_wait3A_99, %dma_wait3A_100] : memref<32768x1024xf32, #tpu.memory_space<hbm>> -> memref<32768x1024xf32, #tpu.memory_space<hbm>>
    tpu.wait_indirect_dma semaphore(%arg10 : memref<!tpu.dma_semaphore, #tpu.memory_space<semaphore_mem>>) src(%arg8 : memref<32x1024xf32, #tpu.memory_space<vmem>>) dst(%dma_wait3A_101 : memref<32768x1024xf32, #tpu.memory_space<hbm>>)
    %dma_wait3A_102 = arith.constant 0 : i32
    %dma_wait3A_103 = arith.constant 0 : i32
    %dma_wait3A_104 = tpu.memref_slice %arg2[%dma_wait3A_102, %dma_wait3A_103] : memref<2048x1024xf32, #tpu.memory_space<hbm>> -> memref<2048x1024xf32, #tpu.memory_space<hbm>>
    tpu.wait_indirect_dma semaphore(%arg14 : memref<!tpu.dma_semaphore, #tpu.memory_space<semaphore_mem>>) src(%dma_wait3A_104 : memref<2048x1024xf32, #tpu.memory_space<hbm>>) dst(%arg13 : memref<32x1024xf32, #tpu.memory_space<vmem>>)
    %dma_start3A_105 = arith.constant 0 : i32
    %dma_start3A_106 = arith.constant 0 : i32
    %dma_start3A_107 = tpu.memref_slice %arg5[%dma_start3A_105, %dma_start3A_106] : memref<32768x1024xf32, #tpu.memory_space<hbm>> -> memref<32768x1024xf32, #tpu.memory_space<hbm>>
    tpu.enqueue_indirect_dma source(%arg13 : memref<32x1024xf32, #tpu.memory_space<vmem>>) target(%dma_start3A_107 : memref<32768x1024xf32, #tpu.memory_space<hbm>>) offsets(%arg12 : memref<32xi32, #tpu.memory_space<vmem>>) semaphore(%arg15 : memref<!tpu.dma_semaphore, #tpu.memory_space<semaphore_mem>>)
    %add3A_108 = arith.constant 256 : i32
    %add3A_109 = arith.addi %mul3A_2, %add3A_108 : i32
    "tpu.region"() ({
      %run_scoped3A = tpu.sem_alloc : memref<!tpu.dma_semaphore, #tpu.memory_space<semaphore_mem>>
      %dma_start3A_223 = tpu.memref_slice %arg3[%add3A_109] : memref<16384xi32, #tpu.memory_space<hbm>> -> memref<32xi32, #tpu.memory_space<hbm>>
      %dma_start3A_224 = tpu.memref_slice %arg3[%add3A_109] : memref<16384xi32, #tpu.memory_space<hbm>> -> memref<32xi32, #tpu.memory_space<hbm>>
      tpu.enqueue_dma source(%dma_start3A_224 : memref<32xi32, #tpu.memory_space<hbm>>) target(%arg6 : memref<32xi32, #tpu.memory_space<vmem>>) target_semaphore(%run_scoped3A : memref<!tpu.dma_semaphore, #tpu.memory_space<semaphore_mem>>)
      %dma_wait3A_225 = tpu.memref_slice %arg3[%add3A_109] : memref<16384xi32, #tpu.memory_space<hbm>> -> memref<32xi32, #tpu.memory_space<hbm>>
      %dma_wait3A_226 = tpu.memref_slice %arg3[%add3A_109] : memref<16384xi32, #tpu.memory_space<hbm>> -> memref<32xi32, #tpu.memory_space<hbm>>
      tpu.wait_dma2 semaphore(%run_scoped3A : memref<!tpu.dma_semaphore, #tpu.memory_space<semaphore_mem>>) src(%dma_wait3A_226 : memref<32xi32, #tpu.memory_space<hbm>>) dst(%arg6 : memref<32xi32, #tpu.memory_space<vmem>>)
      tpu.yield
    }) : () -> ()
    "tpu.region"() ({
      %run_scoped3A = tpu.sem_alloc : memref<!tpu.dma_semaphore, #tpu.memory_space<semaphore_mem>>
      %dma_start3A_223 = tpu.memref_slice %arg4[%add3A_109] : memref<16384xi32, #tpu.memory_space<hbm>> -> memref<32xi32, #tpu.memory_space<hbm>>
      %dma_start3A_224 = tpu.memref_slice %arg4[%add3A_109] : memref<16384xi32, #tpu.memory_space<hbm>> -> memref<32xi32, #tpu.memory_space<hbm>>
      tpu.enqueue_dma source(%dma_start3A_224 : memref<32xi32, #tpu.memory_space<hbm>>) target(%arg7 : memref<32xi32, #tpu.memory_space<vmem>>) target_semaphore(%run_scoped3A : memref<!tpu.dma_semaphore, #tpu.memory_space<semaphore_mem>>)
      %dma_wait3A_225 = tpu.memref_slice %arg4[%add3A_109] : memref<16384xi32, #tpu.memory_space<hbm>> -> memref<32xi32, #tpu.memory_space<hbm>>
      %dma_wait3A_226 = tpu.memref_slice %arg4[%add3A_109] : memref<16384xi32, #tpu.memory_space<hbm>> -> memref<32xi32, #tpu.memory_space<hbm>>
      tpu.wait_dma2 semaphore(%run_scoped3A : memref<!tpu.dma_semaphore, #tpu.memory_space<semaphore_mem>>) src(%dma_wait3A_226 : memref<32xi32, #tpu.memory_space<hbm>>) dst(%arg7 : memref<32xi32, #tpu.memory_space<vmem>>)
      tpu.yield
    }) : () -> ()
    %dma_start3A_110 = arith.constant 0 : i32
    %dma_start3A_111 = arith.constant 0 : i32
    %dma_start3A_112 = tpu.memref_slice %arg2[%dma_start3A_110, %dma_start3A_111] : memref<2048x1024xf32, #tpu.memory_space<hbm>> -> memref<2048x1024xf32, #tpu.memory_space<hbm>>
    tpu.enqueue_indirect_dma source(%dma_start3A_112 : memref<2048x1024xf32, #tpu.memory_space<hbm>>) target(%arg8 : memref<32x1024xf32, #tpu.memory_space<vmem>>) offsets(%arg6 : memref<32xi32, #tpu.memory_space<vmem>>) semaphore(%arg9 : memref<!tpu.dma_semaphore, #tpu.memory_space<semaphore_mem>>)
    %dma_wait3A_113 = arith.constant 0 : i32
    %dma_wait3A_114 = arith.constant 0 : i32
    %dma_wait3A_115 = tpu.memref_slice %arg5[%dma_wait3A_113, %dma_wait3A_114] : memref<32768x1024xf32, #tpu.memory_space<hbm>> -> memref<32768x1024xf32, #tpu.memory_space<hbm>>
    tpu.wait_indirect_dma semaphore(%arg15 : memref<!tpu.dma_semaphore, #tpu.memory_space<semaphore_mem>>) src(%arg13 : memref<32x1024xf32, #tpu.memory_space<vmem>>) dst(%dma_wait3A_115 : memref<32768x1024xf32, #tpu.memory_space<hbm>>)
    %dma_wait3A_116 = arith.constant 0 : i32
    %dma_wait3A_117 = arith.constant 0 : i32
    %dma_wait3A_118 = tpu.memref_slice %arg2[%dma_wait3A_116, %dma_wait3A_117] : memref<2048x1024xf32, #tpu.memory_space<hbm>> -> memref<2048x1024xf32, #tpu.memory_space<hbm>>
    tpu.wait_indirect_dma semaphore(%arg9 : memref<!tpu.dma_semaphore, #tpu.memory_space<semaphore_mem>>) src(%dma_wait3A_118 : memref<2048x1024xf32, #tpu.memory_space<hbm>>) dst(%arg8 : memref<32x1024xf32, #tpu.memory_space<vmem>>)
    %dma_start3A_119 = arith.constant 0 : i32
    %dma_start3A_120 = arith.constant 0 : i32
    %dma_start3A_121 = tpu.memref_slice %arg5[%dma_start3A_119, %dma_start3A_120] : memref<32768x1024xf32, #tpu.memory_space<hbm>> -> memref<32768x1024xf32, #tpu.memory_space<hbm>>
    tpu.enqueue_indirect_dma source(%arg8 : memref<32x1024xf32, #tpu.memory_space<vmem>>) target(%dma_start3A_121 : memref<32768x1024xf32, #tpu.memory_space<hbm>>) offsets(%arg7 : memref<32xi32, #tpu.memory_space<vmem>>) semaphore(%arg10 : memref<!tpu.dma_semaphore, #tpu.memory_space<semaphore_mem>>)
    %add3A_122 = arith.constant 288 : i32
    %add3A_123 = arith.addi %mul3A_2, %add3A_122 : i32
    "tpu.region"() ({
      %run_scoped3A = tpu.sem_alloc : memref<!tpu.dma_semaphore, #tpu.memory_space<semaphore_mem>>
      %dma_start3A_223 = tpu.memref_slice %arg3[%add3A_123] : memref<16384xi32, #tpu.memory_space<hbm>> -> memref<32xi32, #tpu.memory_space<hbm>>
      %dma_start3A_224 = tpu.memref_slice %arg3[%add3A_123] : memref<16384xi32, #tpu.memory_space<hbm>> -> memref<32xi32, #tpu.memory_space<hbm>>
      tpu.enqueue_dma source(%dma_start3A_224 : memref<32xi32, #tpu.memory_space<hbm>>) target(%arg11 : memref<32xi32, #tpu.memory_space<vmem>>) target_semaphore(%run_scoped3A : memref<!tpu.dma_semaphore, #tpu.memory_space<semaphore_mem>>)
      %dma_wait3A_225 = tpu.memref_slice %arg3[%add3A_123] : memref<16384xi32, #tpu.memory_space<hbm>> -> memref<32xi32, #tpu.memory_space<hbm>>
      %dma_wait3A_226 = tpu.memref_slice %arg3[%add3A_123] : memref<16384xi32, #tpu.memory_space<hbm>> -> memref<32xi32, #tpu.memory_space<hbm>>
      tpu.wait_dma2 semaphore(%run_scoped3A : memref<!tpu.dma_semaphore, #tpu.memory_space<semaphore_mem>>) src(%dma_wait3A_226 : memref<32xi32, #tpu.memory_space<hbm>>) dst(%arg11 : memref<32xi32, #tpu.memory_space<vmem>>)
      tpu.yield
    }) : () -> ()
    "tpu.region"() ({
      %run_scoped3A = tpu.sem_alloc : memref<!tpu.dma_semaphore, #tpu.memory_space<semaphore_mem>>
      %dma_start3A_223 = tpu.memref_slice %arg4[%add3A_123] : memref<16384xi32, #tpu.memory_space<hbm>> -> memref<32xi32, #tpu.memory_space<hbm>>
      %dma_start3A_224 = tpu.memref_slice %arg4[%add3A_123] : memref<16384xi32, #tpu.memory_space<hbm>> -> memref<32xi32, #tpu.memory_space<hbm>>
      tpu.enqueue_dma source(%dma_start3A_224 : memref<32xi32, #tpu.memory_space<hbm>>) target(%arg12 : memref<32xi32, #tpu.memory_space<vmem>>) target_semaphore(%run_scoped3A : memref<!tpu.dma_semaphore, #tpu.memory_space<semaphore_mem>>)
      %dma_wait3A_225 = tpu.memref_slice %arg4[%add3A_123] : memref<16384xi32, #tpu.memory_space<hbm>> -> memref<32xi32, #tpu.memory_space<hbm>>
      %dma_wait3A_226 = tpu.memref_slice %arg4[%add3A_123] : memref<16384xi32, #tpu.memory_space<hbm>> -> memref<32xi32, #tpu.memory_space<hbm>>
      tpu.wait_dma2 semaphore(%run_scoped3A : memref<!tpu.dma_semaphore, #tpu.memory_space<semaphore_mem>>) src(%dma_wait3A_226 : memref<32xi32, #tpu.memory_space<hbm>>) dst(%arg12 : memref<32xi32, #tpu.memory_space<vmem>>)
      tpu.yield
    }) : () -> ()
    %dma_start3A_124 = arith.constant 0 : i32
    %dma_start3A_125 = arith.constant 0 : i32
    %dma_start3A_126 = tpu.memref_slice %arg2[%dma_start3A_124, %dma_start3A_125] : memref<2048x1024xf32, #tpu.memory_space<hbm>> -> memref<2048x1024xf32, #tpu.memory_space<hbm>>
    tpu.enqueue_indirect_dma source(%dma_start3A_126 : memref<2048x1024xf32, #tpu.memory_space<hbm>>) target(%arg13 : memref<32x1024xf32, #tpu.memory_space<vmem>>) offsets(%arg11 : memref<32xi32, #tpu.memory_space<vmem>>) semaphore(%arg14 : memref<!tpu.dma_semaphore, #tpu.memory_space<semaphore_mem>>)
    %dma_wait3A_127 = arith.constant 0 : i32
    %dma_wait3A_128 = arith.constant 0 : i32
    %dma_wait3A_129 = tpu.memref_slice %arg5[%dma_wait3A_127, %dma_wait3A_128] : memref<32768x1024xf32, #tpu.memory_space<hbm>> -> memref<32768x1024xf32, #tpu.memory_space<hbm>>
    tpu.wait_indirect_dma semaphore(%arg10 : memref<!tpu.dma_semaphore, #tpu.memory_space<semaphore_mem>>) src(%arg8 : memref<32x1024xf32, #tpu.memory_space<vmem>>) dst(%dma_wait3A_129 : memref<32768x1024xf32, #tpu.memory_space<hbm>>)
    %dma_wait3A_130 = arith.constant 0 : i32
    %dma_wait3A_131 = arith.constant 0 : i32
    %dma_wait3A_132 = tpu.memref_slice %arg2[%dma_wait3A_130, %dma_wait3A_131] : memref<2048x1024xf32, #tpu.memory_space<hbm>> -> memref<2048x1024xf32, #tpu.memory_space<hbm>>
    tpu.wait_indirect_dma semaphore(%arg14 : memref<!tpu.dma_semaphore, #tpu.memory_space<semaphore_mem>>) src(%dma_wait3A_132 : memref<2048x1024xf32, #tpu.memory_space<hbm>>) dst(%arg13 : memref<32x1024xf32, #tpu.memory_space<vmem>>)
    %dma_start3A_133 = arith.constant 0 : i32
    %dma_start3A_134 = arith.constant 0 : i32
    %dma_start3A_135 = tpu.memref_slice %arg5[%dma_start3A_133, %dma_start3A_134] : memref<32768x1024xf32, #tpu.memory_space<hbm>> -> memref<32768x1024xf32, #tpu.memory_space<hbm>>
    tpu.enqueue_indirect_dma source(%arg13 : memref<32x1024xf32, #tpu.memory_space<vmem>>) target(%dma_start3A_135 : memref<32768x1024xf32, #tpu.memory_space<hbm>>) offsets(%arg12 : memref<32xi32, #tpu.memory_space<vmem>>) semaphore(%arg15 : memref<!tpu.dma_semaphore, #tpu.memory_space<semaphore_mem>>)
    %add3A_136 = arith.constant 320 : i32
    %add3A_137 = arith.addi %mul3A_2, %add3A_136 : i32
    "tpu.region"() ({
      %run_scoped3A = tpu.sem_alloc : memref<!tpu.dma_semaphore, #tpu.memory_space<semaphore_mem>>
      %dma_start3A_223 = tpu.memref_slice %arg3[%add3A_137] : memref<16384xi32, #tpu.memory_space<hbm>> -> memref<32xi32, #tpu.memory_space<hbm>>
      %dma_start3A_224 = tpu.memref_slice %arg3[%add3A_137] : memref<16384xi32, #tpu.memory_space<hbm>> -> memref<32xi32, #tpu.memory_space<hbm>>
      tpu.enqueue_dma source(%dma_start3A_224 : memref<32xi32, #tpu.memory_space<hbm>>) target(%arg6 : memref<32xi32, #tpu.memory_space<vmem>>) target_semaphore(%run_scoped3A : memref<!tpu.dma_semaphore, #tpu.memory_space<semaphore_mem>>)
      %dma_wait3A_225 = tpu.memref_slice %arg3[%add3A_137] : memref<16384xi32, #tpu.memory_space<hbm>> -> memref<32xi32, #tpu.memory_space<hbm>>
      %dma_wait3A_226 = tpu.memref_slice %arg3[%add3A_137] : memref<16384xi32, #tpu.memory_space<hbm>> -> memref<32xi32, #tpu.memory_space<hbm>>
      tpu.wait_dma2 semaphore(%run_scoped3A : memref<!tpu.dma_semaphore, #tpu.memory_space<semaphore_mem>>) src(%dma_wait3A_226 : memref<32xi32, #tpu.memory_space<hbm>>) dst(%arg6 : memref<32xi32, #tpu.memory_space<vmem>>)
      tpu.yield
    }) : () -> ()
    "tpu.region"() ({
      %run_scoped3A = tpu.sem_alloc : memref<!tpu.dma_semaphore, #tpu.memory_space<semaphore_mem>>
      %dma_start3A_223 = tpu.memref_slice %arg4[%add3A_137] : memref<16384xi32, #tpu.memory_space<hbm>> -> memref<32xi32, #tpu.memory_space<hbm>>
      %dma_start3A_224 = tpu.memref_slice %arg4[%add3A_137] : memref<16384xi32, #tpu.memory_space<hbm>> -> memref<32xi32, #tpu.memory_space<hbm>>
      tpu.enqueue_dma source(%dma_start3A_224 : memref<32xi32, #tpu.memory_space<hbm>>) target(%arg7 : memref<32xi32, #tpu.memory_space<vmem>>) target_semaphore(%run_scoped3A : memref<!tpu.dma_semaphore, #tpu.memory_space<semaphore_mem>>)
      %dma_wait3A_225 = tpu.memref_slice %arg4[%add3A_137] : memref<16384xi32, #tpu.memory_space<hbm>> -> memref<32xi32, #tpu.memory_space<hbm>>
      %dma_wait3A_226 = tpu.memref_slice %arg4[%add3A_137] : memref<16384xi32, #tpu.memory_space<hbm>> -> memref<32xi32, #tpu.memory_space<hbm>>
      tpu.wait_dma2 semaphore(%run_scoped3A : memref<!tpu.dma_semaphore, #tpu.memory_space<semaphore_mem>>) src(%dma_wait3A_226 : memref<32xi32, #tpu.memory_space<hbm>>) dst(%arg7 : memref<32xi32, #tpu.memory_space<vmem>>)
      tpu.yield
    }) : () -> ()
    %dma_start3A_138 = arith.constant 0 : i32
    %dma_start3A_139 = arith.constant 0 : i32
    %dma_start3A_140 = tpu.memref_slice %arg2[%dma_start3A_138, %dma_start3A_139] : memref<2048x1024xf32, #tpu.memory_space<hbm>> -> memref<2048x1024xf32, #tpu.memory_space<hbm>>
    tpu.enqueue_indirect_dma source(%dma_start3A_140 : memref<2048x1024xf32, #tpu.memory_space<hbm>>) target(%arg8 : memref<32x1024xf32, #tpu.memory_space<vmem>>) offsets(%arg6 : memref<32xi32, #tpu.memory_space<vmem>>) semaphore(%arg9 : memref<!tpu.dma_semaphore, #tpu.memory_space<semaphore_mem>>)
    %dma_wait3A_141 = arith.constant 0 : i32
    %dma_wait3A_142 = arith.constant 0 : i32
    %dma_wait3A_143 = tpu.memref_slice %arg5[%dma_wait3A_141, %dma_wait3A_142] : memref<32768x1024xf32, #tpu.memory_space<hbm>> -> memref<32768x1024xf32, #tpu.memory_space<hbm>>
    tpu.wait_indirect_dma semaphore(%arg15 : memref<!tpu.dma_semaphore, #tpu.memory_space<semaphore_mem>>) src(%arg13 : memref<32x1024xf32, #tpu.memory_space<vmem>>) dst(%dma_wait3A_143 : memref<32768x1024xf32, #tpu.memory_space<hbm>>)
    %dma_wait3A_144 = arith.constant 0 : i32
    %dma_wait3A_145 = arith.constant 0 : i32
    %dma_wait3A_146 = tpu.memref_slice %arg2[%dma_wait3A_144, %dma_wait3A_145] : memref<2048x1024xf32, #tpu.memory_space<hbm>> -> memref<2048x1024xf32, #tpu.memory_space<hbm>>
    tpu.wait_indirect_dma semaphore(%arg9 : memref<!tpu.dma_semaphore, #tpu.memory_space<semaphore_mem>>) src(%dma_wait3A_146 : memref<2048x1024xf32, #tpu.memory_space<hbm>>) dst(%arg8 : memref<32x1024xf32, #tpu.memory_space<vmem>>)
    %dma_start3A_147 = arith.constant 0 : i32
    %dma_start3A_148 = arith.constant 0 : i32
    %dma_start3A_149 = tpu.memref_slice %arg5[%dma_start3A_147, %dma_start3A_148] : memref<32768x1024xf32, #tpu.memory_space<hbm>> -> memref<32768x1024xf32, #tpu.memory_space<hbm>>
    tpu.enqueue_indirect_dma source(%arg8 : memref<32x1024xf32, #tpu.memory_space<vmem>>) target(%dma_start3A_149 : memref<32768x1024xf32, #tpu.memory_space<hbm>>) offsets(%arg7 : memref<32xi32, #tpu.memory_space<vmem>>) semaphore(%arg10 : memref<!tpu.dma_semaphore, #tpu.memory_space<semaphore_mem>>)
    %add3A_150 = arith.constant 352 : i32
    %add3A_151 = arith.addi %mul3A_2, %add3A_150 : i32
    "tpu.region"() ({
      %run_scoped3A = tpu.sem_alloc : memref<!tpu.dma_semaphore, #tpu.memory_space<semaphore_mem>>
      %dma_start3A_223 = tpu.memref_slice %arg3[%add3A_151] : memref<16384xi32, #tpu.memory_space<hbm>> -> memref<32xi32, #tpu.memory_space<hbm>>
      %dma_start3A_224 = tpu.memref_slice %arg3[%add3A_151] : memref<16384xi32, #tpu.memory_space<hbm>> -> memref<32xi32, #tpu.memory_space<hbm>>
      tpu.enqueue_dma source(%dma_start3A_224 : memref<32xi32, #tpu.memory_space<hbm>>) target(%arg11 : memref<32xi32, #tpu.memory_space<vmem>>) target_semaphore(%run_scoped3A : memref<!tpu.dma_semaphore, #tpu.memory_space<semaphore_mem>>)
      %dma_wait3A_225 = tpu.memref_slice %arg3[%add3A_151] : memref<16384xi32, #tpu.memory_space<hbm>> -> memref<32xi32, #tpu.memory_space<hbm>>
      %dma_wait3A_226 = tpu.memref_slice %arg3[%add3A_151] : memref<16384xi32, #tpu.memory_space<hbm>> -> memref<32xi32, #tpu.memory_space<hbm>>
      tpu.wait_dma2 semaphore(%run_scoped3A : memref<!tpu.dma_semaphore, #tpu.memory_space<semaphore_mem>>) src(%dma_wait3A_226 : memref<32xi32, #tpu.memory_space<hbm>>) dst(%arg11 : memref<32xi32, #tpu.memory_space<vmem>>)
      tpu.yield
    }) : () -> ()
    "tpu.region"() ({
      %run_scoped3A = tpu.sem_alloc : memref<!tpu.dma_semaphore, #tpu.memory_space<semaphore_mem>>
      %dma_start3A_223 = tpu.memref_slice %arg4[%add3A_151] : memref<16384xi32, #tpu.memory_space<hbm>> -> memref<32xi32, #tpu.memory_space<hbm>>
      %dma_start3A_224 = tpu.memref_slice %arg4[%add3A_151] : memref<16384xi32, #tpu.memory_space<hbm>> -> memref<32xi32, #tpu.memory_space<hbm>>
      tpu.enqueue_dma source(%dma_start3A_224 : memref<32xi32, #tpu.memory_space<hbm>>) target(%arg12 : memref<32xi32, #tpu.memory_space<vmem>>) target_semaphore(%run_scoped3A : memref<!tpu.dma_semaphore, #tpu.memory_space<semaphore_mem>>)
      %dma_wait3A_225 = tpu.memref_slice %arg4[%add3A_151] : memref<16384xi32, #tpu.memory_space<hbm>> -> memref<32xi32, #tpu.memory_space<hbm>>
      %dma_wait3A_226 = tpu.memref_slice %arg4[%add3A_151] : memref<16384xi32, #tpu.memory_space<hbm>> -> memref<32xi32, #tpu.memory_space<hbm>>
      tpu.wait_dma2 semaphore(%run_scoped3A : memref<!tpu.dma_semaphore, #tpu.memory_space<semaphore_mem>>) src(%dma_wait3A_226 : memref<32xi32, #tpu.memory_space<hbm>>) dst(%arg12 : memref<32xi32, #tpu.memory_space<vmem>>)
      tpu.yield
    }) : () -> ()
    %dma_start3A_152 = arith.constant 0 : i32
    %dma_start3A_153 = arith.constant 0 : i32
    %dma_start3A_154 = tpu.memref_slice %arg2[%dma_start3A_152, %dma_start3A_153] : memref<2048x1024xf32, #tpu.memory_space<hbm>> -> memref<2048x1024xf32, #tpu.memory_space<hbm>>
    tpu.enqueue_indirect_dma source(%dma_start3A_154 : memref<2048x1024xf32, #tpu.memory_space<hbm>>) target(%arg13 : memref<32x1024xf32, #tpu.memory_space<vmem>>) offsets(%arg11 : memref<32xi32, #tpu.memory_space<vmem>>) semaphore(%arg14 : memref<!tpu.dma_semaphore, #tpu.memory_space<semaphore_mem>>)
    %dma_wait3A_155 = arith.constant 0 : i32
    %dma_wait3A_156 = arith.constant 0 : i32
    %dma_wait3A_157 = tpu.memref_slice %arg5[%dma_wait3A_155, %dma_wait3A_156] : memref<32768x1024xf32, #tpu.memory_space<hbm>> -> memref<32768x1024xf32, #tpu.memory_space<hbm>>
    tpu.wait_indirect_dma semaphore(%arg10 : memref<!tpu.dma_semaphore, #tpu.memory_space<semaphore_mem>>) src(%arg8 : memref<32x1024xf32, #tpu.memory_space<vmem>>) dst(%dma_wait3A_157 : memref<32768x1024xf32, #tpu.memory_space<hbm>>)
    %dma_wait3A_158 = arith.constant 0 : i32
    %dma_wait3A_159 = arith.constant 0 : i32
    %dma_wait3A_160 = tpu.memref_slice %arg2[%dma_wait3A_158, %dma_wait3A_159] : memref<2048x1024xf32, #tpu.memory_space<hbm>> -> memref<2048x1024xf32, #tpu.memory_space<hbm>>
    tpu.wait_indirect_dma semaphore(%arg14 : memref<!tpu.dma_semaphore, #tpu.memory_space<semaphore_mem>>) src(%dma_wait3A_160 : memref<2048x1024xf32, #tpu.memory_space<hbm>>) dst(%arg13 : memref<32x1024xf32, #tpu.memory_space<vmem>>)
    %dma_start3A_161 = arith.constant 0 : i32
    %dma_start3A_162 = arith.constant 0 : i32
    %dma_start3A_163 = tpu.memref_slice %arg5[%dma_start3A_161, %dma_start3A_162] : memref<32768x1024xf32, #tpu.memory_space<hbm>> -> memref<32768x1024xf32, #tpu.memory_space<hbm>>
    tpu.enqueue_indirect_dma source(%arg13 : memref<32x1024xf32, #tpu.memory_space<vmem>>) target(%dma_start3A_163 : memref<32768x1024xf32, #tpu.memory_space<hbm>>) offsets(%arg12 : memref<32xi32, #tpu.memory_space<vmem>>) semaphore(%arg15 : memref<!tpu.dma_semaphore, #tpu.memory_space<semaphore_mem>>)
    %add3A_164 = arith.constant 384 : i32
    %add3A_165 = arith.addi %mul3A_2, %add3A_164 : i32
    "tpu.region"() ({
      %run_scoped3A = tpu.sem_alloc : memref<!tpu.dma_semaphore, #tpu.memory_space<semaphore_mem>>
      %dma_start3A_223 = tpu.memref_slice %arg3[%add3A_165] : memref<16384xi32, #tpu.memory_space<hbm>> -> memref<32xi32, #tpu.memory_space<hbm>>
      %dma_start3A_224 = tpu.memref_slice %arg3[%add3A_165] : memref<16384xi32, #tpu.memory_space<hbm>> -> memref<32xi32, #tpu.memory_space<hbm>>
      tpu.enqueue_dma source(%dma_start3A_224 : memref<32xi32, #tpu.memory_space<hbm>>) target(%arg6 : memref<32xi32, #tpu.memory_space<vmem>>) target_semaphore(%run_scoped3A : memref<!tpu.dma_semaphore, #tpu.memory_space<semaphore_mem>>)
      %dma_wait3A_225 = tpu.memref_slice %arg3[%add3A_165] : memref<16384xi32, #tpu.memory_space<hbm>> -> memref<32xi32, #tpu.memory_space<hbm>>
      %dma_wait3A_226 = tpu.memref_slice %arg3[%add3A_165] : memref<16384xi32, #tpu.memory_space<hbm>> -> memref<32xi32, #tpu.memory_space<hbm>>
      tpu.wait_dma2 semaphore(%run_scoped3A : memref<!tpu.dma_semaphore, #tpu.memory_space<semaphore_mem>>) src(%dma_wait3A_226 : memref<32xi32, #tpu.memory_space<hbm>>) dst(%arg6 : memref<32xi32, #tpu.memory_space<vmem>>)
      tpu.yield
    }) : () -> ()
    "tpu.region"() ({
      %run_scoped3A = tpu.sem_alloc : memref<!tpu.dma_semaphore, #tpu.memory_space<semaphore_mem>>
      %dma_start3A_223 = tpu.memref_slice %arg4[%add3A_165] : memref<16384xi32, #tpu.memory_space<hbm>> -> memref<32xi32, #tpu.memory_space<hbm>>
      %dma_start3A_224 = tpu.memref_slice %arg4[%add3A_165] : memref<16384xi32, #tpu.memory_space<hbm>> -> memref<32xi32, #tpu.memory_space<hbm>>
      tpu.enqueue_dma source(%dma_start3A_224 : memref<32xi32, #tpu.memory_space<hbm>>) target(%arg7 : memref<32xi32, #tpu.memory_space<vmem>>) target_semaphore(%run_scoped3A : memref<!tpu.dma_semaphore, #tpu.memory_space<semaphore_mem>>)
      %dma_wait3A_225 = tpu.memref_slice %arg4[%add3A_165] : memref<16384xi32, #tpu.memory_space<hbm>> -> memref<32xi32, #tpu.memory_space<hbm>>
      %dma_wait3A_226 = tpu.memref_slice %arg4[%add3A_165] : memref<16384xi32, #tpu.memory_space<hbm>> -> memref<32xi32, #tpu.memory_space<hbm>>
      tpu.wait_dma2 semaphore(%run_scoped3A : memref<!tpu.dma_semaphore, #tpu.memory_space<semaphore_mem>>) src(%dma_wait3A_226 : memref<32xi32, #tpu.memory_space<hbm>>) dst(%arg7 : memref<32xi32, #tpu.memory_space<vmem>>)
      tpu.yield
    }) : () -> ()
    %dma_start3A_166 = arith.constant 0 : i32
    %dma_start3A_167 = arith.constant 0 : i32
    %dma_start3A_168 = tpu.memref_slice %arg2[%dma_start3A_166, %dma_start3A_167] : memref<2048x1024xf32, #tpu.memory_space<hbm>> -> memref<2048x1024xf32, #tpu.memory_space<hbm>>
    tpu.enqueue_indirect_dma source(%dma_start3A_168 : memref<2048x1024xf32, #tpu.memory_space<hbm>>) target(%arg8 : memref<32x1024xf32, #tpu.memory_space<vmem>>) offsets(%arg6 : memref<32xi32, #tpu.memory_space<vmem>>) semaphore(%arg9 : memref<!tpu.dma_semaphore, #tpu.memory_space<semaphore_mem>>)
    %dma_wait3A_169 = arith.constant 0 : i32
    %dma_wait3A_170 = arith.constant 0 : i32
    %dma_wait3A_171 = tpu.memref_slice %arg5[%dma_wait3A_169, %dma_wait3A_170] : memref<32768x1024xf32, #tpu.memory_space<hbm>> -> memref<32768x1024xf32, #tpu.memory_space<hbm>>
    tpu.wait_indirect_dma semaphore(%arg15 : memref<!tpu.dma_semaphore, #tpu.memory_space<semaphore_mem>>) src(%arg13 : memref<32x1024xf32, #tpu.memory_space<vmem>>) dst(%dma_wait3A_171 : memref<32768x1024xf32, #tpu.memory_space<hbm>>)
    %dma_wait3A_172 = arith.constant 0 : i32
    %dma_wait3A_173 = arith.constant 0 : i32
    %dma_wait3A_174 = tpu.memref_slice %arg2[%dma_wait3A_172, %dma_wait3A_173] : memref<2048x1024xf32, #tpu.memory_space<hbm>> -> memref<2048x1024xf32, #tpu.memory_space<hbm>>
    tpu.wait_indirect_dma semaphore(%arg9 : memref<!tpu.dma_semaphore, #tpu.memory_space<semaphore_mem>>) src(%dma_wait3A_174 : memref<2048x1024xf32, #tpu.memory_space<hbm>>) dst(%arg8 : memref<32x1024xf32, #tpu.memory_space<vmem>>)
    %dma_start3A_175 = arith.constant 0 : i32
    %dma_start3A_176 = arith.constant 0 : i32
    %dma_start3A_177 = tpu.memref_slice %arg5[%dma_start3A_175, %dma_start3A_176] : memref<32768x1024xf32, #tpu.memory_space<hbm>> -> memref<32768x1024xf32, #tpu.memory_space<hbm>>
    tpu.enqueue_indirect_dma source(%arg8 : memref<32x1024xf32, #tpu.memory_space<vmem>>) target(%dma_start3A_177 : memref<32768x1024xf32, #tpu.memory_space<hbm>>) offsets(%arg7 : memref<32xi32, #tpu.memory_space<vmem>>) semaphore(%arg10 : memref<!tpu.dma_semaphore, #tpu.memory_space<semaphore_mem>>)
    %add3A_178 = arith.constant 416 : i32
    %add3A_179 = arith.addi %mul3A_2, %add3A_178 : i32
    "tpu.region"() ({
      %run_scoped3A = tpu.sem_alloc : memref<!tpu.dma_semaphore, #tpu.memory_space<semaphore_mem>>
      %dma_start3A_223 = tpu.memref_slice %arg3[%add3A_179] : memref<16384xi32, #tpu.memory_space<hbm>> -> memref<32xi32, #tpu.memory_space<hbm>>
      %dma_start3A_224 = tpu.memref_slice %arg3[%add3A_179] : memref<16384xi32, #tpu.memory_space<hbm>> -> memref<32xi32, #tpu.memory_space<hbm>>
      tpu.enqueue_dma source(%dma_start3A_224 : memref<32xi32, #tpu.memory_space<hbm>>) target(%arg11 : memref<32xi32, #tpu.memory_space<vmem>>) target_semaphore(%run_scoped3A : memref<!tpu.dma_semaphore, #tpu.memory_space<semaphore_mem>>)
      %dma_wait3A_225 = tpu.memref_slice %arg3[%add3A_179] : memref<16384xi32, #tpu.memory_space<hbm>> -> memref<32xi32, #tpu.memory_space<hbm>>
      %dma_wait3A_226 = tpu.memref_slice %arg3[%add3A_179] : memref<16384xi32, #tpu.memory_space<hbm>> -> memref<32xi32, #tpu.memory_space<hbm>>
      tpu.wait_dma2 semaphore(%run_scoped3A : memref<!tpu.dma_semaphore, #tpu.memory_space<semaphore_mem>>) src(%dma_wait3A_226 : memref<32xi32, #tpu.memory_space<hbm>>) dst(%arg11 : memref<32xi32, #tpu.memory_space<vmem>>)
      tpu.yield
    }) : () -> ()
    "tpu.region"() ({
      %run_scoped3A = tpu.sem_alloc : memref<!tpu.dma_semaphore, #tpu.memory_space<semaphore_mem>>
      %dma_start3A_223 = tpu.memref_slice %arg4[%add3A_179] : memref<16384xi32, #tpu.memory_space<hbm>> -> memref<32xi32, #tpu.memory_space<hbm>>
      %dma_start3A_224 = tpu.memref_slice %arg4[%add3A_179] : memref<16384xi32, #tpu.memory_space<hbm>> -> memref<32xi32, #tpu.memory_space<hbm>>
      tpu.enqueue_dma source(%dma_start3A_224 : memref<32xi32, #tpu.memory_space<hbm>>) target(%arg12 : memref<32xi32, #tpu.memory_space<vmem>>) target_semaphore(%run_scoped3A : memref<!tpu.dma_semaphore, #tpu.memory_space<semaphore_mem>>)
      %dma_wait3A_225 = tpu.memref_slice %arg4[%add3A_179] : memref<16384xi32, #tpu.memory_space<hbm>> -> memref<32xi32, #tpu.memory_space<hbm>>
      %dma_wait3A_226 = tpu.memref_slice %arg4[%add3A_179] : memref<16384xi32, #tpu.memory_space<hbm>> -> memref<32xi32, #tpu.memory_space<hbm>>
      tpu.wait_dma2 semaphore(%run_scoped3A : memref<!tpu.dma_semaphore, #tpu.memory_space<semaphore_mem>>) src(%dma_wait3A_226 : memref<32xi32, #tpu.memory_space<hbm>>) dst(%arg12 : memref<32xi32, #tpu.memory_space<vmem>>)
      tpu.yield
    }) : () -> ()
    %dma_start3A_180 = arith.constant 0 : i32
    %dma_start3A_181 = arith.constant 0 : i32
    %dma_start3A_182 = tpu.memref_slice %arg2[%dma_start3A_180, %dma_start3A_181] : memref<2048x1024xf32, #tpu.memory_space<hbm>> -> memref<2048x1024xf32, #tpu.memory_space<hbm>>
    tpu.enqueue_indirect_dma source(%dma_start3A_182 : memref<2048x1024xf32, #tpu.memory_space<hbm>>) target(%arg13 : memref<32x1024xf32, #tpu.memory_space<vmem>>) offsets(%arg11 : memref<32xi32, #tpu.memory_space<vmem>>) semaphore(%arg14 : memref<!tpu.dma_semaphore, #tpu.memory_space<semaphore_mem>>)
    %dma_wait3A_183 = arith.constant 0 : i32
    %dma_wait3A_184 = arith.constant 0 : i32
    %dma_wait3A_185 = tpu.memref_slice %arg5[%dma_wait3A_183, %dma_wait3A_184] : memref<32768x1024xf32, #tpu.memory_space<hbm>> -> memref<32768x1024xf32, #tpu.memory_space<hbm>>
    tpu.wait_indirect_dma semaphore(%arg10 : memref<!tpu.dma_semaphore, #tpu.memory_space<semaphore_mem>>) src(%arg8 : memref<32x1024xf32, #tpu.memory_space<vmem>>) dst(%dma_wait3A_185 : memref<32768x1024xf32, #tpu.memory_space<hbm>>)
    %dma_wait3A_186 = arith.constant 0 : i32
    %dma_wait3A_187 = arith.constant 0 : i32
    %dma_wait3A_188 = tpu.memref_slice %arg2[%dma_wait3A_186, %dma_wait3A_187] : memref<2048x1024xf32, #tpu.memory_space<hbm>> -> memref<2048x1024xf32, #tpu.memory_space<hbm>>
    tpu.wait_indirect_dma semaphore(%arg14 : memref<!tpu.dma_semaphore, #tpu.memory_space<semaphore_mem>>) src(%dma_wait3A_188 : memref<2048x1024xf32, #tpu.memory_space<hbm>>) dst(%arg13 : memref<32x1024xf32, #tpu.memory_space<vmem>>)
    %dma_start3A_189 = arith.constant 0 : i32
    %dma_start3A_190 = arith.constant 0 : i32
    %dma_start3A_191 = tpu.memref_slice %arg5[%dma_start3A_189, %dma_start3A_190] : memref<32768x1024xf32, #tpu.memory_space<hbm>> -> memref<32768x1024xf32, #tpu.memory_space<hbm>>
    tpu.enqueue_indirect_dma source(%arg13 : memref<32x1024xf32, #tpu.memory_space<vmem>>) target(%dma_start3A_191 : memref<32768x1024xf32, #tpu.memory_space<hbm>>) offsets(%arg12 : memref<32xi32, #tpu.memory_space<vmem>>) semaphore(%arg15 : memref<!tpu.dma_semaphore, #tpu.memory_space<semaphore_mem>>)
    %add3A_192 = arith.constant 448 : i32
    %add3A_193 = arith.addi %mul3A_2, %add3A_192 : i32
    "tpu.region"() ({
      %run_scoped3A = tpu.sem_alloc : memref<!tpu.dma_semaphore, #tpu.memory_space<semaphore_mem>>
      %dma_start3A_223 = tpu.memref_slice %arg3[%add3A_193] : memref<16384xi32, #tpu.memory_space<hbm>> -> memref<32xi32, #tpu.memory_space<hbm>>
      %dma_start3A_224 = tpu.memref_slice %arg3[%add3A_193] : memref<16384xi32, #tpu.memory_space<hbm>> -> memref<32xi32, #tpu.memory_space<hbm>>
      tpu.enqueue_dma source(%dma_start3A_224 : memref<32xi32, #tpu.memory_space<hbm>>) target(%arg6 : memref<32xi32, #tpu.memory_space<vmem>>) target_semaphore(%run_scoped3A : memref<!tpu.dma_semaphore, #tpu.memory_space<semaphore_mem>>)
      %dma_wait3A_225 = tpu.memref_slice %arg3[%add3A_193] : memref<16384xi32, #tpu.memory_space<hbm>> -> memref<32xi32, #tpu.memory_space<hbm>>
      %dma_wait3A_226 = tpu.memref_slice %arg3[%add3A_193] : memref<16384xi32, #tpu.memory_space<hbm>> -> memref<32xi32, #tpu.memory_space<hbm>>
      tpu.wait_dma2 semaphore(%run_scoped3A : memref<!tpu.dma_semaphore, #tpu.memory_space<semaphore_mem>>) src(%dma_wait3A_226 : memref<32xi32, #tpu.memory_space<hbm>>) dst(%arg6 : memref<32xi32, #tpu.memory_space<vmem>>)
      tpu.yield
    }) : () -> ()
    "tpu.region"() ({
      %run_scoped3A = tpu.sem_alloc : memref<!tpu.dma_semaphore, #tpu.memory_space<semaphore_mem>>
      %dma_start3A_223 = tpu.memref_slice %arg4[%add3A_193] : memref<16384xi32, #tpu.memory_space<hbm>> -> memref<32xi32, #tpu.memory_space<hbm>>
      %dma_start3A_224 = tpu.memref_slice %arg4[%add3A_193] : memref<16384xi32, #tpu.memory_space<hbm>> -> memref<32xi32, #tpu.memory_space<hbm>>
      tpu.enqueue_dma source(%dma_start3A_224 : memref<32xi32, #tpu.memory_space<hbm>>) target(%arg7 : memref<32xi32, #tpu.memory_space<vmem>>) target_semaphore(%run_scoped3A : memref<!tpu.dma_semaphore, #tpu.memory_space<semaphore_mem>>)
      %dma_wait3A_225 = tpu.memref_slice %arg4[%add3A_193] : memref<16384xi32, #tpu.memory_space<hbm>> -> memref<32xi32, #tpu.memory_space<hbm>>
      %dma_wait3A_226 = tpu.memref_slice %arg4[%add3A_193] : memref<16384xi32, #tpu.memory_space<hbm>> -> memref<32xi32, #tpu.memory_space<hbm>>
      tpu.wait_dma2 semaphore(%run_scoped3A : memref<!tpu.dma_semaphore, #tpu.memory_space<semaphore_mem>>) src(%dma_wait3A_226 : memref<32xi32, #tpu.memory_space<hbm>>) dst(%arg7 : memref<32xi32, #tpu.memory_space<vmem>>)
      tpu.yield
    }) : () -> ()
    %dma_start3A_194 = arith.constant 0 : i32
    %dma_start3A_195 = arith.constant 0 : i32
    %dma_start3A_196 = tpu.memref_slice %arg2[%dma_start3A_194, %dma_start3A_195] : memref<2048x1024xf32, #tpu.memory_space<hbm>> -> memref<2048x1024xf32, #tpu.memory_space<hbm>>
    tpu.enqueue_indirect_dma source(%dma_start3A_196 : memref<2048x1024xf32, #tpu.memory_space<hbm>>) target(%arg8 : memref<32x1024xf32, #tpu.memory_space<vmem>>) offsets(%arg6 : memref<32xi32, #tpu.memory_space<vmem>>) semaphore(%arg9 : memref<!tpu.dma_semaphore, #tpu.memory_space<semaphore_mem>>)
    %dma_wait3A_197 = arith.constant 0 : i32
    %dma_wait3A_198 = arith.constant 0 : i32
    %dma_wait3A_199 = tpu.memref_slice %arg5[%dma_wait3A_197, %dma_wait3A_198] : memref<32768x1024xf32, #tpu.memory_space<hbm>> -> memref<32768x1024xf32, #tpu.memory_space<hbm>>
    tpu.wait_indirect_dma semaphore(%arg15 : memref<!tpu.dma_semaphore, #tpu.memory_space<semaphore_mem>>) src(%arg13 : memref<32x1024xf32, #tpu.memory_space<vmem>>) dst(%dma_wait3A_199 : memref<32768x1024xf32, #tpu.memory_space<hbm>>)
    %dma_wait3A_200 = arith.constant 0 : i32
    %dma_wait3A_201 = arith.constant 0 : i32
    %dma_wait3A_202 = tpu.memref_slice %arg2[%dma_wait3A_200, %dma_wait3A_201] : memref<2048x1024xf32, #tpu.memory_space<hbm>> -> memref<2048x1024xf32, #tpu.memory_space<hbm>>
    tpu.wait_indirect_dma semaphore(%arg9 : memref<!tpu.dma_semaphore, #tpu.memory_space<semaphore_mem>>) src(%dma_wait3A_202 : memref<2048x1024xf32, #tpu.memory_space<hbm>>) dst(%arg8 : memref<32x1024xf32, #tpu.memory_space<vmem>>)
    %dma_start3A_203 = arith.constant 0 : i32
    %dma_start3A_204 = arith.constant 0 : i32
    %dma_start3A_205 = tpu.memref_slice %arg5[%dma_start3A_203, %dma_start3A_204] : memref<32768x1024xf32, #tpu.memory_space<hbm>> -> memref<32768x1024xf32, #tpu.memory_space<hbm>>
    tpu.enqueue_indirect_dma source(%arg8 : memref<32x1024xf32, #tpu.memory_space<vmem>>) target(%dma_start3A_205 : memref<32768x1024xf32, #tpu.memory_space<hbm>>) offsets(%arg7 : memref<32xi32, #tpu.memory_space<vmem>>) semaphore(%arg10 : memref<!tpu.dma_semaphore, #tpu.memory_space<semaphore_mem>>)
    %add3A_206 = arith.constant 480 : i32
    %add3A_207 = arith.addi %mul3A_2, %add3A_206 : i32
    "tpu.region"() ({
      %run_scoped3A = tpu.sem_alloc : memref<!tpu.dma_semaphore, #tpu.memory_space<semaphore_mem>>
      %dma_start3A_223 = tpu.memref_slice %arg3[%add3A_207] : memref<16384xi32, #tpu.memory_space<hbm>> -> memref<32xi32, #tpu.memory_space<hbm>>
      %dma_start3A_224 = tpu.memref_slice %arg3[%add3A_207] : memref<16384xi32, #tpu.memory_space<hbm>> -> memref<32xi32, #tpu.memory_space<hbm>>
      tpu.enqueue_dma source(%dma_start3A_224 : memref<32xi32, #tpu.memory_space<hbm>>) target(%arg11 : memref<32xi32, #tpu.memory_space<vmem>>) target_semaphore(%run_scoped3A : memref<!tpu.dma_semaphore, #tpu.memory_space<semaphore_mem>>)
      %dma_wait3A_225 = tpu.memref_slice %arg3[%add3A_207] : memref<16384xi32, #tpu.memory_space<hbm>> -> memref<32xi32, #tpu.memory_space<hbm>>
      %dma_wait3A_226 = tpu.memref_slice %arg3[%add3A_207] : memref<16384xi32, #tpu.memory_space<hbm>> -> memref<32xi32, #tpu.memory_space<hbm>>
      tpu.wait_dma2 semaphore(%run_scoped3A : memref<!tpu.dma_semaphore, #tpu.memory_space<semaphore_mem>>) src(%dma_wait3A_226 : memref<32xi32, #tpu.memory_space<hbm>>) dst(%arg11 : memref<32xi32, #tpu.memory_space<vmem>>)
      tpu.yield
    }) : () -> ()
    "tpu.region"() ({
      %run_scoped3A = tpu.sem_alloc : memref<!tpu.dma_semaphore, #tpu.memory_space<semaphore_mem>>
      %dma_start3A_223 = tpu.memref_slice %arg4[%add3A_207] : memref<16384xi32, #tpu.memory_space<hbm>> -> memref<32xi32, #tpu.memory_space<hbm>>
      %dma_start3A_224 = tpu.memref_slice %arg4[%add3A_207] : memref<16384xi32, #tpu.memory_space<hbm>> -> memref<32xi32, #tpu.memory_space<hbm>>
      tpu.enqueue_dma source(%dma_start3A_224 : memref<32xi32, #tpu.memory_space<hbm>>) target(%arg12 : memref<32xi32, #tpu.memory_space<vmem>>) target_semaphore(%run_scoped3A : memref<!tpu.dma_semaphore, #tpu.memory_space<semaphore_mem>>)
      %dma_wait3A_225 = tpu.memref_slice %arg4[%add3A_207] : memref<16384xi32, #tpu.memory_space<hbm>> -> memref<32xi32, #tpu.memory_space<hbm>>
      %dma_wait3A_226 = tpu.memref_slice %arg4[%add3A_207] : memref<16384xi32, #tpu.memory_space<hbm>> -> memref<32xi32, #tpu.memory_space<hbm>>
      tpu.wait_dma2 semaphore(%run_scoped3A : memref<!tpu.dma_semaphore, #tpu.memory_space<semaphore_mem>>) src(%dma_wait3A_226 : memref<32xi32, #tpu.memory_space<hbm>>) dst(%arg12 : memref<32xi32, #tpu.memory_space<vmem>>)
      tpu.yield
    }) : () -> ()
    %dma_start3A_208 = arith.constant 0 : i32
    %dma_start3A_209 = arith.constant 0 : i32
    %dma_start3A_210 = tpu.memref_slice %arg2[%dma_start3A_208, %dma_start3A_209] : memref<2048x1024xf32, #tpu.memory_space<hbm>> -> memref<2048x1024xf32, #tpu.memory_space<hbm>>
    tpu.enqueue_indirect_dma source(%dma_start3A_210 : memref<2048x1024xf32, #tpu.memory_space<hbm>>) target(%arg13 : memref<32x1024xf32, #tpu.memory_space<vmem>>) offsets(%arg11 : memref<32xi32, #tpu.memory_space<vmem>>) semaphore(%arg14 : memref<!tpu.dma_semaphore, #tpu.memory_space<semaphore_mem>>)
    %dma_wait3A_211 = arith.constant 0 : i32
    %dma_wait3A_212 = arith.constant 0 : i32
    %dma_wait3A_213 = tpu.memref_slice %arg5[%dma_wait3A_211, %dma_wait3A_212] : memref<32768x1024xf32, #tpu.memory_space<hbm>> -> memref<32768x1024xf32, #tpu.memory_space<hbm>>
    tpu.wait_indirect_dma semaphore(%arg10 : memref<!tpu.dma_semaphore, #tpu.memory_space<semaphore_mem>>) src(%arg8 : memref<32x1024xf32, #tpu.memory_space<vmem>>) dst(%dma_wait3A_213 : memref<32768x1024xf32, #tpu.memory_space<hbm>>)
    %dma_wait3A_214 = arith.constant 0 : i32
    %dma_wait3A_215 = arith.constant 0 : i32
    %dma_wait3A_216 = tpu.memref_slice %arg2[%dma_wait3A_214, %dma_wait3A_215] : memref<2048x1024xf32, #tpu.memory_space<hbm>> -> memref<2048x1024xf32, #tpu.memory_space<hbm>>
    tpu.wait_indirect_dma semaphore(%arg14 : memref<!tpu.dma_semaphore, #tpu.memory_space<semaphore_mem>>) src(%dma_wait3A_216 : memref<2048x1024xf32, #tpu.memory_space<hbm>>) dst(%arg13 : memref<32x1024xf32, #tpu.memory_space<vmem>>)
    %dma_start3A_217 = arith.constant 0 : i32
    %dma_start3A_218 = arith.constant 0 : i32
    %dma_start3A_219 = tpu.memref_slice %arg5[%dma_start3A_217, %dma_start3A_218] : memref<32768x1024xf32, #tpu.memory_space<hbm>> -> memref<32768x1024xf32, #tpu.memory_space<hbm>>
    tpu.enqueue_indirect_dma source(%arg13 : memref<32x1024xf32, #tpu.memory_space<vmem>>) target(%dma_start3A_219 : memref<32768x1024xf32, #tpu.memory_space<hbm>>) offsets(%arg12 : memref<32xi32, #tpu.memory_space<vmem>>) semaphore(%arg15 : memref<!tpu.dma_semaphore, #tpu.memory_space<semaphore_mem>>)
    %dma_wait3A_220 = arith.constant 0 : i32
    %dma_wait3A_221 = arith.constant 0 : i32
    %dma_wait3A_222 = tpu.memref_slice %arg5[%dma_wait3A_220, %dma_wait3A_221] : memref<32768x1024xf32, #tpu.memory_space<hbm>> -> memref<32768x1024xf32, #tpu.memory_space<hbm>>
    tpu.wait_indirect_dma semaphore(%arg15 : memref<!tpu.dma_semaphore, #tpu.memory_space<semaphore_mem>>) src(%arg13 : memref<32x1024xf32, #tpu.memory_space<vmem>>) dst(%dma_wait3A_222 : memref<32768x1024xf32, #tpu.memory_space<hbm>>)
    return
  }
}

module attributes {stable_mosaic.version = 14 : i64} {
  func.func @_gate_route_body(%arg0: memref<2048x1024xf32, #tpu.memory_space<vmem>>, %arg1: memref<64x1024xf32, #tpu.memory_space<vmem>>, %arg2: memref<2048x8xi32, #tpu.memory_space<vmem>>, %arg3: memref<2048x8xf32, #tpu.memory_space<vmem>>, %arg4: memref<136x1xi32, #tpu.memory_space<vmem>>, %arg5: memref<2048x64xf32, #tpu.memory_space<vmem>>) attributes {dimension_semantics = [], scalar_prefetch = 0 : i64, scratch_operands = 1 : i64, tpu.core_type = #tpu.core_type<tc>} {
    %get3A = arith.constant 0 : index
    %get3A_0 = arith.constant 0 : index
    %get3A_1 = vector.load %arg0[%get3A, %get3A_0] : memref<2048x1024xf32, #tpu.memory_space<vmem>>, vector<2048x1024xf32>
    %get3A_2 = arith.constant 0 : index
    %get3A_3 = arith.constant 0 : index
    %get3A_4 = vector.load %arg1[%get3A_2, %get3A_3] : memref<64x1024xf32, #tpu.memory_space<vmem>>, vector<64x1024xf32>
    %dot_general3A = arith.constant dense<0.000000e+00> : vector<2048x64xf32>
    %dot_general3A_5 = tpu.matmul %get3A_1, %get3A_4, %dot_general3A {dimension_numbers = #tpu.dot_dimension_numbers<[1], [1], [0], [0], [0, 0, 1, 0], [], []>, precision = #tpu.contract_precision<fp32>, transpose_lhs_hint = false} : vector<2048x1024xf32>, vector<64x1024xf32>, vector<2048x64xf32> -> vector<2048x64xf32>
    %reduce_max3A = arith.constant dense<0xFF800000> : vector<2048xf32>
    %reduce_max3A_6 = vector.multi_reduction <maximumf>, %dot_general3A_5, %reduce_max3A [1] : vector<2048x64xf32> to vector<2048xf32>
    %broadcast_in_dim3A = vector.shape_cast %reduce_max3A_6 : vector<2048xf32> to vector<2048x1xf32>
    %sub3A = vector.broadcast %broadcast_in_dim3A : vector<2048x1xf32> to vector<2048x64xf32>
    %sub3A_7 = arith.subf %dot_general3A_5, %sub3A : vector<2048x64xf32>
    %exp3A = math.exp %sub3A_7 : vector<2048x64xf32>
    %reduce_sum3A = arith.constant dense<0.000000e+00> : vector<2048xf32>
    %reduce_sum3A_8 = vector.multi_reduction <add>, %exp3A, %reduce_sum3A [1] : vector<2048x64xf32> to vector<2048xf32>
    %broadcast_in_dim3A_9 = vector.shape_cast %reduce_sum3A_8 : vector<2048xf32> to vector<2048x1xf32>
    %div3A = vector.broadcast %broadcast_in_dim3A_9 : vector<2048x1xf32> to vector<2048x64xf32>
    %div3A_10 = arith.divf %exp3A, %div3A : vector<2048x64xf32>
    %iota3A = tpu.iota {dimensions = array<i32: 1>} : vector<2048x64xi32>
    %broadcast_in_dim3A_11 = arith.constant 0.000000e+00 : f32
    %broadcast_in_dim3A_12 = vector.broadcast %broadcast_in_dim3A_11 : f32 to vector<2048x64xf32>
    %reduce_max3A_13 = arith.constant dense<0xFF800000> : vector<2048xf32>
    %reduce_max3A_14 = vector.multi_reduction <maximumf>, %div3A_10, %reduce_max3A_13 [1] : vector<2048x64xf32> to vector<2048xf32>
    %broadcast_in_dim3A_15 = vector.shape_cast %reduce_max3A_14 : vector<2048xf32> to vector<2048x1xf32>
    %eq3A = vector.broadcast %broadcast_in_dim3A_15 : vector<2048x1xf32> to vector<2048x64xf32>
    %eq3A_16 = arith.cmpf oeq, %div3A_10, %eq3A : vector<2048x64xf32>
    %jit3A = arith.constant 64 : i32
    %broadcast_in_dim3A_17 = vector.broadcast %jit3A : i32 to vector<2048x64xi32>
    %select_n3A = arith.select %eq3A_16, %iota3A, %broadcast_in_dim3A_17 : vector<2048x64xi1>, vector<2048x64xi32>
    %reduce_min3A = arith.constant dense<2147483647> : vector<2048xi32>
    %reduce_min3A_18 = vector.multi_reduction <minsi>, %select_n3A, %reduce_min3A [1] : vector<2048x64xi32> to vector<2048xi32>
    %broadcast_in_dim3A_19 = vector.shape_cast %reduce_min3A_18 : vector<2048xi32> to vector<2048x1xi32>
    %eq3A_20 = vector.broadcast %broadcast_in_dim3A_19 : vector<2048x1xi32> to vector<2048x64xi32>
    %eq3A_21 = arith.cmpi eq, %iota3A, %eq3A_20 : vector<2048x64xi32>
    %convert_element_type3A = arith.extui %eq3A_21 : vector<2048x64xi1> to vector<2048x64xi32>
    %convert_element_type3A_22 = arith.sitofp %convert_element_type3A : vector<2048x64xi32> to vector<2048x64xf32>
    %add3A = arith.addf %broadcast_in_dim3A_12, %convert_element_type3A_22 : vector<2048x64xf32>
    %eq3A_23 = vector.broadcast %broadcast_in_dim3A_19 : vector<2048x1xi32> to vector<2048x64xi32>
    %eq3A_24 = arith.cmpi eq, %iota3A, %eq3A_23 : vector<2048x64xi32>
    %jit3A_25 = arith.constant 0xFF800000 : f32
    %broadcast_in_dim3A_26 = vector.broadcast %jit3A_25 : f32 to vector<2048x64xf32>
    %select_n3A_27 = arith.select %eq3A_24, %broadcast_in_dim3A_26, %div3A_10 : vector<2048x64xi1>, vector<2048x64xf32>
    %reduce_max3A_28 = arith.constant dense<0xFF800000> : vector<2048xf32>
    %reduce_max3A_29 = vector.multi_reduction <maximumf>, %select_n3A_27, %reduce_max3A_28 [1] : vector<2048x64xf32> to vector<2048xf32>
    %broadcast_in_dim3A_30 = vector.shape_cast %reduce_max3A_29 : vector<2048xf32> to vector<2048x1xf32>
    %eq3A_31 = vector.broadcast %broadcast_in_dim3A_30 : vector<2048x1xf32> to vector<2048x64xf32>
    %eq3A_32 = arith.cmpf oeq, %select_n3A_27, %eq3A_31 : vector<2048x64xf32>
    %jit3A_33 = arith.constant 64 : i32
    %broadcast_in_dim3A_34 = vector.broadcast %jit3A_33 : i32 to vector<2048x64xi32>
    %select_n3A_35 = arith.select %eq3A_32, %iota3A, %broadcast_in_dim3A_34 : vector<2048x64xi1>, vector<2048x64xi32>
    %reduce_min3A_36 = arith.constant dense<2147483647> : vector<2048xi32>
    %reduce_min3A_37 = vector.multi_reduction <minsi>, %select_n3A_35, %reduce_min3A_36 [1] : vector<2048x64xi32> to vector<2048xi32>
    %broadcast_in_dim3A_38 = vector.shape_cast %reduce_min3A_37 : vector<2048xi32> to vector<2048x1xi32>
    %eq3A_39 = vector.broadcast %broadcast_in_dim3A_38 : vector<2048x1xi32> to vector<2048x64xi32>
    %eq3A_40 = arith.cmpi eq, %iota3A, %eq3A_39 : vector<2048x64xi32>
    %convert_element_type3A_41 = arith.extui %eq3A_40 : vector<2048x64xi1> to vector<2048x64xi32>
    %convert_element_type3A_42 = arith.sitofp %convert_element_type3A_41 : vector<2048x64xi32> to vector<2048x64xf32>
    %add3A_43 = arith.addf %add3A, %convert_element_type3A_42 : vector<2048x64xf32>
    %eq3A_44 = vector.broadcast %broadcast_in_dim3A_38 : vector<2048x1xi32> to vector<2048x64xi32>
    %eq3A_45 = arith.cmpi eq, %iota3A, %eq3A_44 : vector<2048x64xi32>
    %jit3A_46 = arith.constant 0xFF800000 : f32
    %broadcast_in_dim3A_47 = vector.broadcast %jit3A_46 : f32 to vector<2048x64xf32>
    %select_n3A_48 = arith.select %eq3A_45, %broadcast_in_dim3A_47, %select_n3A_27 : vector<2048x64xi1>, vector<2048x64xf32>
    %reduce_max3A_49 = arith.constant dense<0xFF800000> : vector<2048xf32>
    %reduce_max3A_50 = vector.multi_reduction <maximumf>, %select_n3A_48, %reduce_max3A_49 [1] : vector<2048x64xf32> to vector<2048xf32>
    %broadcast_in_dim3A_51 = vector.shape_cast %reduce_max3A_50 : vector<2048xf32> to vector<2048x1xf32>
    %eq3A_52 = vector.broadcast %broadcast_in_dim3A_51 : vector<2048x1xf32> to vector<2048x64xf32>
    %eq3A_53 = arith.cmpf oeq, %select_n3A_48, %eq3A_52 : vector<2048x64xf32>
    %jit3A_54 = arith.constant 64 : i32
    %broadcast_in_dim3A_55 = vector.broadcast %jit3A_54 : i32 to vector<2048x64xi32>
    %select_n3A_56 = arith.select %eq3A_53, %iota3A, %broadcast_in_dim3A_55 : vector<2048x64xi1>, vector<2048x64xi32>
    %reduce_min3A_57 = arith.constant dense<2147483647> : vector<2048xi32>
    %reduce_min3A_58 = vector.multi_reduction <minsi>, %select_n3A_56, %reduce_min3A_57 [1] : vector<2048x64xi32> to vector<2048xi32>
    %broadcast_in_dim3A_59 = vector.shape_cast %reduce_min3A_58 : vector<2048xi32> to vector<2048x1xi32>
    %eq3A_60 = vector.broadcast %broadcast_in_dim3A_59 : vector<2048x1xi32> to vector<2048x64xi32>
    %eq3A_61 = arith.cmpi eq, %iota3A, %eq3A_60 : vector<2048x64xi32>
    %convert_element_type3A_62 = arith.extui %eq3A_61 : vector<2048x64xi1> to vector<2048x64xi32>
    %convert_element_type3A_63 = arith.sitofp %convert_element_type3A_62 : vector<2048x64xi32> to vector<2048x64xf32>
    %add3A_64 = arith.addf %add3A_43, %convert_element_type3A_63 : vector<2048x64xf32>
    %eq3A_65 = vector.broadcast %broadcast_in_dim3A_59 : vector<2048x1xi32> to vector<2048x64xi32>
    %eq3A_66 = arith.cmpi eq, %iota3A, %eq3A_65 : vector<2048x64xi32>
    %jit3A_67 = arith.constant 0xFF800000 : f32
    %broadcast_in_dim3A_68 = vector.broadcast %jit3A_67 : f32 to vector<2048x64xf32>
    %select_n3A_69 = arith.select %eq3A_66, %broadcast_in_dim3A_68, %select_n3A_48 : vector<2048x64xi1>, vector<2048x64xf32>
    %reduce_max3A_70 = arith.constant dense<0xFF800000> : vector<2048xf32>
    %reduce_max3A_71 = vector.multi_reduction <maximumf>, %select_n3A_69, %reduce_max3A_70 [1] : vector<2048x64xf32> to vector<2048xf32>
    %broadcast_in_dim3A_72 = vector.shape_cast %reduce_max3A_71 : vector<2048xf32> to vector<2048x1xf32>
    %eq3A_73 = vector.broadcast %broadcast_in_dim3A_72 : vector<2048x1xf32> to vector<2048x64xf32>
    %eq3A_74 = arith.cmpf oeq, %select_n3A_69, %eq3A_73 : vector<2048x64xf32>
    %jit3A_75 = arith.constant 64 : i32
    %broadcast_in_dim3A_76 = vector.broadcast %jit3A_75 : i32 to vector<2048x64xi32>
    %select_n3A_77 = arith.select %eq3A_74, %iota3A, %broadcast_in_dim3A_76 : vector<2048x64xi1>, vector<2048x64xi32>
    %reduce_min3A_78 = arith.constant dense<2147483647> : vector<2048xi32>
    %reduce_min3A_79 = vector.multi_reduction <minsi>, %select_n3A_77, %reduce_min3A_78 [1] : vector<2048x64xi32> to vector<2048xi32>
    %broadcast_in_dim3A_80 = vector.shape_cast %reduce_min3A_79 : vector<2048xi32> to vector<2048x1xi32>
    %eq3A_81 = vector.broadcast %broadcast_in_dim3A_80 : vector<2048x1xi32> to vector<2048x64xi32>
    %eq3A_82 = arith.cmpi eq, %iota3A, %eq3A_81 : vector<2048x64xi32>
    %convert_element_type3A_83 = arith.extui %eq3A_82 : vector<2048x64xi1> to vector<2048x64xi32>
    %convert_element_type3A_84 = arith.sitofp %convert_element_type3A_83 : vector<2048x64xi32> to vector<2048x64xf32>
    %add3A_85 = arith.addf %add3A_64, %convert_element_type3A_84 : vector<2048x64xf32>
    %eq3A_86 = vector.broadcast %broadcast_in_dim3A_80 : vector<2048x1xi32> to vector<2048x64xi32>
    %eq3A_87 = arith.cmpi eq, %iota3A, %eq3A_86 : vector<2048x64xi32>
    %jit3A_88 = arith.constant 0xFF800000 : f32
    %broadcast_in_dim3A_89 = vector.broadcast %jit3A_88 : f32 to vector<2048x64xf32>
    %select_n3A_90 = arith.select %eq3A_87, %broadcast_in_dim3A_89, %select_n3A_69 : vector<2048x64xi1>, vector<2048x64xf32>
    %reduce_max3A_91 = arith.constant dense<0xFF800000> : vector<2048xf32>
    %reduce_max3A_92 = vector.multi_reduction <maximumf>, %select_n3A_90, %reduce_max3A_91 [1] : vector<2048x64xf32> to vector<2048xf32>
    %broadcast_in_dim3A_93 = vector.shape_cast %reduce_max3A_92 : vector<2048xf32> to vector<2048x1xf32>
    %eq3A_94 = vector.broadcast %broadcast_in_dim3A_93 : vector<2048x1xf32> to vector<2048x64xf32>
    %eq3A_95 = arith.cmpf oeq, %select_n3A_90, %eq3A_94 : vector<2048x64xf32>
    %jit3A_96 = arith.constant 64 : i32
    %broadcast_in_dim3A_97 = vector.broadcast %jit3A_96 : i32 to vector<2048x64xi32>
    %select_n3A_98 = arith.select %eq3A_95, %iota3A, %broadcast_in_dim3A_97 : vector<2048x64xi1>, vector<2048x64xi32>
    %reduce_min3A_99 = arith.constant dense<2147483647> : vector<2048xi32>
    %reduce_min3A_100 = vector.multi_reduction <minsi>, %select_n3A_98, %reduce_min3A_99 [1] : vector<2048x64xi32> to vector<2048xi32>
    %broadcast_in_dim3A_101 = vector.shape_cast %reduce_min3A_100 : vector<2048xi32> to vector<2048x1xi32>
    %eq3A_102 = vector.broadcast %broadcast_in_dim3A_101 : vector<2048x1xi32> to vector<2048x64xi32>
    %eq3A_103 = arith.cmpi eq, %iota3A, %eq3A_102 : vector<2048x64xi32>
    %convert_element_type3A_104 = arith.extui %eq3A_103 : vector<2048x64xi1> to vector<2048x64xi32>
    %convert_element_type3A_105 = arith.sitofp %convert_element_type3A_104 : vector<2048x64xi32> to vector<2048x64xf32>
    %add3A_106 = arith.addf %add3A_85, %convert_element_type3A_105 : vector<2048x64xf32>
    %eq3A_107 = vector.broadcast %broadcast_in_dim3A_101 : vector<2048x1xi32> to vector<2048x64xi32>
    %eq3A_108 = arith.cmpi eq, %iota3A, %eq3A_107 : vector<2048x64xi32>
    %jit3A_109 = arith.constant 0xFF800000 : f32
    %broadcast_in_dim3A_110 = vector.broadcast %jit3A_109 : f32 to vector<2048x64xf32>
    %select_n3A_111 = arith.select %eq3A_108, %broadcast_in_dim3A_110, %select_n3A_90 : vector<2048x64xi1>, vector<2048x64xf32>
    %reduce_max3A_112 = arith.constant dense<0xFF800000> : vector<2048xf32>
    %reduce_max3A_113 = vector.multi_reduction <maximumf>, %select_n3A_111, %reduce_max3A_112 [1] : vector<2048x64xf32> to vector<2048xf32>
    %broadcast_in_dim3A_114 = vector.shape_cast %reduce_max3A_113 : vector<2048xf32> to vector<2048x1xf32>
    %eq3A_115 = vector.broadcast %broadcast_in_dim3A_114 : vector<2048x1xf32> to vector<2048x64xf32>
    %eq3A_116 = arith.cmpf oeq, %select_n3A_111, %eq3A_115 : vector<2048x64xf32>
    %jit3A_117 = arith.constant 64 : i32
    %broadcast_in_dim3A_118 = vector.broadcast %jit3A_117 : i32 to vector<2048x64xi32>
    %select_n3A_119 = arith.select %eq3A_116, %iota3A, %broadcast_in_dim3A_118 : vector<2048x64xi1>, vector<2048x64xi32>
    %reduce_min3A_120 = arith.constant dense<2147483647> : vector<2048xi32>
    %reduce_min3A_121 = vector.multi_reduction <minsi>, %select_n3A_119, %reduce_min3A_120 [1] : vector<2048x64xi32> to vector<2048xi32>
    %broadcast_in_dim3A_122 = vector.shape_cast %reduce_min3A_121 : vector<2048xi32> to vector<2048x1xi32>
    %eq3A_123 = vector.broadcast %broadcast_in_dim3A_122 : vector<2048x1xi32> to vector<2048x64xi32>
    %eq3A_124 = arith.cmpi eq, %iota3A, %eq3A_123 : vector<2048x64xi32>
    %convert_element_type3A_125 = arith.extui %eq3A_124 : vector<2048x64xi1> to vector<2048x64xi32>
    %convert_element_type3A_126 = arith.sitofp %convert_element_type3A_125 : vector<2048x64xi32> to vector<2048x64xf32>
    %add3A_127 = arith.addf %add3A_106, %convert_element_type3A_126 : vector<2048x64xf32>
    %eq3A_128 = vector.broadcast %broadcast_in_dim3A_122 : vector<2048x1xi32> to vector<2048x64xi32>
    %eq3A_129 = arith.cmpi eq, %iota3A, %eq3A_128 : vector<2048x64xi32>
    %jit3A_130 = arith.constant 0xFF800000 : f32
    %broadcast_in_dim3A_131 = vector.broadcast %jit3A_130 : f32 to vector<2048x64xf32>
    %select_n3A_132 = arith.select %eq3A_129, %broadcast_in_dim3A_131, %select_n3A_111 : vector<2048x64xi1>, vector<2048x64xf32>
    %reduce_max3A_133 = arith.constant dense<0xFF800000> : vector<2048xf32>
    %reduce_max3A_134 = vector.multi_reduction <maximumf>, %select_n3A_132, %reduce_max3A_133 [1] : vector<2048x64xf32> to vector<2048xf32>
    %broadcast_in_dim3A_135 = vector.shape_cast %reduce_max3A_134 : vector<2048xf32> to vector<2048x1xf32>
    %eq3A_136 = vector.broadcast %broadcast_in_dim3A_135 : vector<2048x1xf32> to vector<2048x64xf32>
    %eq3A_137 = arith.cmpf oeq, %select_n3A_132, %eq3A_136 : vector<2048x64xf32>
    %jit3A_138 = arith.constant 64 : i32
    %broadcast_in_dim3A_139 = vector.broadcast %jit3A_138 : i32 to vector<2048x64xi32>
    %select_n3A_140 = arith.select %eq3A_137, %iota3A, %broadcast_in_dim3A_139 : vector<2048x64xi1>, vector<2048x64xi32>
    %reduce_min3A_141 = arith.constant dense<2147483647> : vector<2048xi32>
    %reduce_min3A_142 = vector.multi_reduction <minsi>, %select_n3A_140, %reduce_min3A_141 [1] : vector<2048x64xi32> to vector<2048xi32>
    %broadcast_in_dim3A_143 = vector.shape_cast %reduce_min3A_142 : vector<2048xi32> to vector<2048x1xi32>
    %eq3A_144 = vector.broadcast %broadcast_in_dim3A_143 : vector<2048x1xi32> to vector<2048x64xi32>
    %eq3A_145 = arith.cmpi eq, %iota3A, %eq3A_144 : vector<2048x64xi32>
    %convert_element_type3A_146 = arith.extui %eq3A_145 : vector<2048x64xi1> to vector<2048x64xi32>
    %convert_element_type3A_147 = arith.sitofp %convert_element_type3A_146 : vector<2048x64xi32> to vector<2048x64xf32>
    %add3A_148 = arith.addf %add3A_127, %convert_element_type3A_147 : vector<2048x64xf32>
    %eq3A_149 = vector.broadcast %broadcast_in_dim3A_143 : vector<2048x1xi32> to vector<2048x64xi32>
    %eq3A_150 = arith.cmpi eq, %iota3A, %eq3A_149 : vector<2048x64xi32>
    %jit3A_151 = arith.constant 0xFF800000 : f32
    %broadcast_in_dim3A_152 = vector.broadcast %jit3A_151 : f32 to vector<2048x64xf32>
    %select_n3A_153 = arith.select %eq3A_150, %broadcast_in_dim3A_152, %select_n3A_132 : vector<2048x64xi1>, vector<2048x64xf32>
    %reduce_max3A_154 = arith.constant dense<0xFF800000> : vector<2048xf32>
    %reduce_max3A_155 = vector.multi_reduction <maximumf>, %select_n3A_153, %reduce_max3A_154 [1] : vector<2048x64xf32> to vector<2048xf32>
    %broadcast_in_dim3A_156 = vector.shape_cast %reduce_max3A_155 : vector<2048xf32> to vector<2048x1xf32>
    %eq3A_157 = vector.broadcast %broadcast_in_dim3A_156 : vector<2048x1xf32> to vector<2048x64xf32>
    %eq3A_158 = arith.cmpf oeq, %select_n3A_153, %eq3A_157 : vector<2048x64xf32>
    %jit3A_159 = arith.constant 64 : i32
    %broadcast_in_dim3A_160 = vector.broadcast %jit3A_159 : i32 to vector<2048x64xi32>
    %select_n3A_161 = arith.select %eq3A_158, %iota3A, %broadcast_in_dim3A_160 : vector<2048x64xi1>, vector<2048x64xi32>
    %reduce_min3A_162 = arith.constant dense<2147483647> : vector<2048xi32>
    %reduce_min3A_163 = vector.multi_reduction <minsi>, %select_n3A_161, %reduce_min3A_162 [1] : vector<2048x64xi32> to vector<2048xi32>
    %broadcast_in_dim3A_164 = vector.shape_cast %reduce_min3A_163 : vector<2048xi32> to vector<2048x1xi32>
    %eq3A_165 = vector.broadcast %broadcast_in_dim3A_164 : vector<2048x1xi32> to vector<2048x64xi32>
    %eq3A_166 = arith.cmpi eq, %iota3A, %eq3A_165 : vector<2048x64xi32>
    %convert_element_type3A_167 = arith.extui %eq3A_166 : vector<2048x64xi1> to vector<2048x64xi32>
    %convert_element_type3A_168 = arith.sitofp %convert_element_type3A_167 : vector<2048x64xi32> to vector<2048x64xf32>
    %add3A_169 = arith.addf %add3A_148, %convert_element_type3A_168 : vector<2048x64xf32>
    %concatenate3A = tpu.concatenate %broadcast_in_dim3A_15, %broadcast_in_dim3A_30, %broadcast_in_dim3A_51, %broadcast_in_dim3A_72, %broadcast_in_dim3A_93, %broadcast_in_dim3A_114, %broadcast_in_dim3A_135, %broadcast_in_dim3A_156 in 1 : vector<2048x1xf32>, vector<2048x1xf32>, vector<2048x1xf32>, vector<2048x1xf32>, vector<2048x1xf32>, vector<2048x1xf32>, vector<2048x1xf32>, vector<2048x1xf32> -> vector<2048x8xf32>
    %swap3A = arith.constant 0 : index
    %swap3A_170 = arith.constant 0 : index
    %swap3A_171 = vector.load %arg3[%swap3A, %swap3A_170] : memref<2048x8xf32, #tpu.memory_space<vmem>>, vector<2048x8xf32>
    tpu.vector_store %arg3[%swap3A, %swap3A_170], %concatenate3A {strides = array<i32>} : memref<2048x8xf32, #tpu.memory_space<vmem>>, vector<2048x8xf32>,
    %iota3A_172 = tpu.iota {dimensions = array<i32: 0>} : vector<128x128xi32>
    %iota3A_173 = tpu.iota {dimensions = array<i32: 1>} : vector<128x128xi32>
    %ge3A = arith.cmpi sge, %iota3A_172, %iota3A_173 : vector<128x128xi32>
    %convert_element_type3A_174 = arith.extui %ge3A : vector<128x128xi1> to vector<128x128xi32>
    %convert_element_type3A_175 = arith.sitofp %convert_element_type3A_174 : vector<128x128xi32> to vector<128x128xf32>
    %convert_element_type3A_176 = arith.truncf %convert_element_type3A_175 : vector<128x128xf32> to vector<128x128xbf16>
    %broadcast_in_dim3A_177 = arith.constant 0.000000e+00 : f32
    %broadcast_in_dim3A_178 = vector.broadcast %broadcast_in_dim3A_177 : f32 to vector<1x64xf32>
    %slice3A = vector.extract_strided_slice %add3A_169 {offsets = [0, 0], sizes = [128, 64], strides = [1, 1]} : vector<2048x64xf32> to vector<128x64xf32>
    %convert_element_type3A_179 = arith.truncf %slice3A : vector<128x64xf32> to vector<128x64xbf16>
    %dot_general3A_180 = arith.constant dense<0.000000e+00> : vector<128x64xf32>
    %dot_general3A_181 = tpu.matmul %convert_element_type3A_176, %convert_element_type3A_179, %dot_general3A_180 {dimension_numbers = #tpu.dot_dimension_numbers<[1], [0], [0], [1], [0, 0, 1, 1], [], []>, transpose_lhs_hint = false} : vector<128x128xbf16>, vector<128x64xbf16>, vector<128x64xf32> -> vector<128x64xf32>
    %sub3A_182 = arith.subf %dot_general3A_181, %slice3A : vector<128x64xf32>
    %add3A_183 = vector.broadcast %broadcast_in_dim3A_178 : vector<1x64xf32> to vector<128x64xf32>
    %add3A_184 = arith.addf %sub3A_182, %add3A_183 : vector<128x64xf32>
    %swap3A_185 = arith.constant 0 : index
    %swap3A_186 = arith.constant 0 : index
    %swap3A_187 = vector.load %arg5[%swap3A_185, %swap3A_186] : memref<2048x64xf32, #tpu.memory_space<vmem>>, vector<128x64xf32>
    tpu.vector_store %arg5[%swap3A_185, %swap3A_186], %add3A_184 {strides = array<i32>} : memref<2048x64xf32, #tpu.memory_space<vmem>>, vector<128x64xf32>,
    %slice3A_188 = vector.extract_strided_slice %dot_general3A_181 {offsets = [127, 0], sizes = [1, 64], strides = [1, 1]} : vector<128x64xf32> to vector<1x64xf32>
    %add3A_189 = arith.addf %broadcast_in_dim3A_178, %slice3A_188 : vector<1x64xf32>
    %slice3A_190 = vector.extract_strided_slice %add3A_169 {offsets = [128, 0], sizes = [128, 64], strides = [1, 1]} : vector<2048x64xf32> to vector<128x64xf32>
    %convert_element_type3A_191 = arith.truncf %slice3A_190 : vector<128x64xf32> to vector<128x64xbf16>
    %dot_general3A_192 = arith.constant dense<0.000000e+00> : vector<128x64xf32>
    %dot_general3A_193 = tpu.matmul %convert_element_type3A_176, %convert_element_type3A_191, %dot_general3A_192 {dimension_numbers = #tpu.dot_dimension_numbers<[1], [0], [0], [1], [0, 0, 1, 1], [], []>, transpose_lhs_hint = false} : vector<128x128xbf16>, vector<128x64xbf16>, vector<128x64xf32> -> vector<128x64xf32>
    %sub3A_194 = arith.subf %dot_general3A_193, %slice3A_190 : vector<128x64xf32>
    %add3A_195 = vector.broadcast %add3A_189 : vector<1x64xf32> to vector<128x64xf32>
    %add3A_196 = arith.addf %sub3A_194, %add3A_195 : vector<128x64xf32>
    %swap3A_197 = arith.constant 128 : index
    %swap3A_198 = arith.constant 0 : index
    %swap3A_199 = vector.load %arg5[%swap3A_197, %swap3A_198] : memref<2048x64xf32, #tpu.memory_space<vmem>>, vector<128x64xf32>
    tpu.vector_store %arg5[%swap3A_197, %swap3A_198], %add3A_196 {strides = array<i32>} : memref<2048x64xf32, #tpu.memory_space<vmem>>, vector<128x64xf32>,
    %slice3A_200 = vector.extract_strided_slice %dot_general3A_193 {offsets = [127, 0], sizes = [1, 64], strides = [1, 1]} : vector<128x64xf32> to vector<1x64xf32>
    %add3A_201 = arith.addf %add3A_189, %slice3A_200 : vector<1x64xf32>
    %slice3A_202 = vector.extract_strided_slice %add3A_169 {offsets = [256, 0], sizes = [128, 64], strides = [1, 1]} : vector<2048x64xf32> to vector<128x64xf32>
    %convert_element_type3A_203 = arith.truncf %slice3A_202 : vector<128x64xf32> to vector<128x64xbf16>
    %dot_general3A_204 = arith.constant dense<0.000000e+00> : vector<128x64xf32>
    %dot_general3A_205 = tpu.matmul %convert_element_type3A_176, %convert_element_type3A_203, %dot_general3A_204 {dimension_numbers = #tpu.dot_dimension_numbers<[1], [0], [0], [1], [0, 0, 1, 1], [], []>, transpose_lhs_hint = false} : vector<128x128xbf16>, vector<128x64xbf16>, vector<128x64xf32> -> vector<128x64xf32>
    %sub3A_206 = arith.subf %dot_general3A_205, %slice3A_202 : vector<128x64xf32>
    %add3A_207 = vector.broadcast %add3A_201 : vector<1x64xf32> to vector<128x64xf32>
    %add3A_208 = arith.addf %sub3A_206, %add3A_207 : vector<128x64xf32>
    %swap3A_209 = arith.constant 256 : index
    %swap3A_210 = arith.constant 0 : index
    %swap3A_211 = vector.load %arg5[%swap3A_209, %swap3A_210] : memref<2048x64xf32, #tpu.memory_space<vmem>>, vector<128x64xf32>
    tpu.vector_store %arg5[%swap3A_209, %swap3A_210], %add3A_208 {strides = array<i32>} : memref<2048x64xf32, #tpu.memory_space<vmem>>, vector<128x64xf32>,
    %slice3A_212 = vector.extract_strided_slice %dot_general3A_205 {offsets = [127, 0], sizes = [1, 64], strides = [1, 1]} : vector<128x64xf32> to vector<1x64xf32>
    %add3A_213 = arith.addf %add3A_201, %slice3A_212 : vector<1x64xf32>
    %slice3A_214 = vector.extract_strided_slice %add3A_169 {offsets = [384, 0], sizes = [128, 64], strides = [1, 1]} : vector<2048x64xf32> to vector<128x64xf32>
    %convert_element_type3A_215 = arith.truncf %slice3A_214 : vector<128x64xf32> to vector<128x64xbf16>
    %dot_general3A_216 = arith.constant dense<0.000000e+00> : vector<128x64xf32>
    %dot_general3A_217 = tpu.matmul %convert_element_type3A_176, %convert_element_type3A_215, %dot_general3A_216 {dimension_numbers = #tpu.dot_dimension_numbers<[1], [0], [0], [1], [0, 0, 1, 1], [], []>, transpose_lhs_hint = false} : vector<128x128xbf16>, vector<128x64xbf16>, vector<128x64xf32> -> vector<128x64xf32>
    %sub3A_218 = arith.subf %dot_general3A_217, %slice3A_214 : vector<128x64xf32>
    %add3A_219 = vector.broadcast %add3A_213 : vector<1x64xf32> to vector<128x64xf32>
    %add3A_220 = arith.addf %sub3A_218, %add3A_219 : vector<128x64xf32>
    %swap3A_221 = arith.constant 384 : index
    %swap3A_222 = arith.constant 0 : index
    %swap3A_223 = vector.load %arg5[%swap3A_221, %swap3A_222] : memref<2048x64xf32, #tpu.memory_space<vmem>>, vector<128x64xf32>
    tpu.vector_store %arg5[%swap3A_221, %swap3A_222], %add3A_220 {strides = array<i32>} : memref<2048x64xf32, #tpu.memory_space<vmem>>, vector<128x64xf32>,
    %slice3A_224 = vector.extract_strided_slice %dot_general3A_217 {offsets = [127, 0], sizes = [1, 64], strides = [1, 1]} : vector<128x64xf32> to vector<1x64xf32>
    %add3A_225 = arith.addf %add3A_213, %slice3A_224 : vector<1x64xf32>
    %slice3A_226 = vector.extract_strided_slice %add3A_169 {offsets = [512, 0], sizes = [128, 64], strides = [1, 1]} : vector<2048x64xf32> to vector<128x64xf32>
    %convert_element_type3A_227 = arith.truncf %slice3A_226 : vector<128x64xf32> to vector<128x64xbf16>
    %dot_general3A_228 = arith.constant dense<0.000000e+00> : vector<128x64xf32>
    %dot_general3A_229 = tpu.matmul %convert_element_type3A_176, %convert_element_type3A_227, %dot_general3A_228 {dimension_numbers = #tpu.dot_dimension_numbers<[1], [0], [0], [1], [0, 0, 1, 1], [], []>, transpose_lhs_hint = false} : vector<128x128xbf16>, vector<128x64xbf16>, vector<128x64xf32> -> vector<128x64xf32>
    %sub3A_230 = arith.subf %dot_general3A_229, %slice3A_226 : vector<128x64xf32>
    %add3A_231 = vector.broadcast %add3A_225 : vector<1x64xf32> to vector<128x64xf32>
    %add3A_232 = arith.addf %sub3A_230, %add3A_231 : vector<128x64xf32>
    %swap3A_233 = arith.constant 512 : index
    %swap3A_234 = arith.constant 0 : index
    %swap3A_235 = vector.load %arg5[%swap3A_233, %swap3A_234] : memref<2048x64xf32, #tpu.memory_space<vmem>>, vector<128x64xf32>
    tpu.vector_store %arg5[%swap3A_233, %swap3A_234], %add3A_232 {strides = array<i32>} : memref<2048x64xf32, #tpu.memory_space<vmem>>, vector<128x64xf32>,
    %slice3A_236 = vector.extract_strided_slice %dot_general3A_229 {offsets = [127, 0], sizes = [1, 64], strides = [1, 1]} : vector<128x64xf32> to vector<1x64xf32>
    %add3A_237 = arith.addf %add3A_225, %slice3A_236 : vector<1x64xf32>
    %slice3A_238 = vector.extract_strided_slice %add3A_169 {offsets = [640, 0], sizes = [128, 64], strides = [1, 1]} : vector<2048x64xf32> to vector<128x64xf32>
    %convert_element_type3A_239 = arith.truncf %slice3A_238 : vector<128x64xf32> to vector<128x64xbf16>
    %dot_general3A_240 = arith.constant dense<0.000000e+00> : vector<128x64xf32>
    %dot_general3A_241 = tpu.matmul %convert_element_type3A_176, %convert_element_type3A_239, %dot_general3A_240 {dimension_numbers = #tpu.dot_dimension_numbers<[1], [0], [0], [1], [0, 0, 1, 1], [], []>, transpose_lhs_hint = false} : vector<128x128xbf16>, vector<128x64xbf16>, vector<128x64xf32> -> vector<128x64xf32>
    %sub3A_242 = arith.subf %dot_general3A_241, %slice3A_238 : vector<128x64xf32>
    %add3A_243 = vector.broadcast %add3A_237 : vector<1x64xf32> to vector<128x64xf32>
    %add3A_244 = arith.addf %sub3A_242, %add3A_243 : vector<128x64xf32>
    %swap3A_245 = arith.constant 640 : index
    %swap3A_246 = arith.constant 0 : index
    %swap3A_247 = vector.load %arg5[%swap3A_245, %swap3A_246] : memref<2048x64xf32, #tpu.memory_space<vmem>>, vector<128x64xf32>
    tpu.vector_store %arg5[%swap3A_245, %swap3A_246], %add3A_244 {strides = array<i32>} : memref<2048x64xf32, #tpu.memory_space<vmem>>, vector<128x64xf32>,
    %slice3A_248 = vector.extract_strided_slice %dot_general3A_241 {offsets = [127, 0], sizes = [1, 64], strides = [1, 1]} : vector<128x64xf32> to vector<1x64xf32>
    %add3A_249 = arith.addf %add3A_237, %slice3A_248 : vector<1x64xf32>
    %slice3A_250 = vector.extract_strided_slice %add3A_169 {offsets = [768, 0], sizes = [128, 64], strides = [1, 1]} : vector<2048x64xf32> to vector<128x64xf32>
    %convert_element_type3A_251 = arith.truncf %slice3A_250 : vector<128x64xf32> to vector<128x64xbf16>
    %dot_general3A_252 = arith.constant dense<0.000000e+00> : vector<128x64xf32>
    %dot_general3A_253 = tpu.matmul %convert_element_type3A_176, %convert_element_type3A_251, %dot_general3A_252 {dimension_numbers = #tpu.dot_dimension_numbers<[1], [0], [0], [1], [0, 0, 1, 1], [], []>, transpose_lhs_hint = false} : vector<128x128xbf16>, vector<128x64xbf16>, vector<128x64xf32> -> vector<128x64xf32>
    %sub3A_254 = arith.subf %dot_general3A_253, %slice3A_250 : vector<128x64xf32>
    %add3A_255 = vector.broadcast %add3A_249 : vector<1x64xf32> to vector<128x64xf32>
    %add3A_256 = arith.addf %sub3A_254, %add3A_255 : vector<128x64xf32>
    %swap3A_257 = arith.constant 768 : index
    %swap3A_258 = arith.constant 0 : index
    %swap3A_259 = vector.load %arg5[%swap3A_257, %swap3A_258] : memref<2048x64xf32, #tpu.memory_space<vmem>>, vector<128x64xf32>
    tpu.vector_store %arg5[%swap3A_257, %swap3A_258], %add3A_256 {strides = array<i32>} : memref<2048x64xf32, #tpu.memory_space<vmem>>, vector<128x64xf32>,
    %slice3A_260 = vector.extract_strided_slice %dot_general3A_253 {offsets = [127, 0], sizes = [1, 64], strides = [1, 1]} : vector<128x64xf32> to vector<1x64xf32>
    %add3A_261 = arith.addf %add3A_249, %slice3A_260 : vector<1x64xf32>
    %slice3A_262 = vector.extract_strided_slice %add3A_169 {offsets = [896, 0], sizes = [128, 64], strides = [1, 1]} : vector<2048x64xf32> to vector<128x64xf32>
    %convert_element_type3A_263 = arith.truncf %slice3A_262 : vector<128x64xf32> to vector<128x64xbf16>
    %dot_general3A_264 = arith.constant dense<0.000000e+00> : vector<128x64xf32>
    %dot_general3A_265 = tpu.matmul %convert_element_type3A_176, %convert_element_type3A_263, %dot_general3A_264 {dimension_numbers = #tpu.dot_dimension_numbers<[1], [0], [0], [1], [0, 0, 1, 1], [], []>, transpose_lhs_hint = false} : vector<128x128xbf16>, vector<128x64xbf16>, vector<128x64xf32> -> vector<128x64xf32>
    %sub3A_266 = arith.subf %dot_general3A_265, %slice3A_262 : vector<128x64xf32>
    %add3A_267 = vector.broadcast %add3A_261 : vector<1x64xf32> to vector<128x64xf32>
    %add3A_268 = arith.addf %sub3A_266, %add3A_267 : vector<128x64xf32>
    %swap3A_269 = arith.constant 896 : index
    %swap3A_270 = arith.constant 0 : index
    %swap3A_271 = vector.load %arg5[%swap3A_269, %swap3A_270] : memref<2048x64xf32, #tpu.memory_space<vmem>>, vector<128x64xf32>
    tpu.vector_store %arg5[%swap3A_269, %swap3A_270], %add3A_268 {strides = array<i32>} : memref<2048x64xf32, #tpu.memory_space<vmem>>, vector<128x64xf32>,
    %slice3A_272 = vector.extract_strided_slice %dot_general3A_265 {offsets = [127, 0], sizes = [1, 64], strides = [1, 1]} : vector<128x64xf32> to vector<1x64xf32>
    %add3A_273 = arith.addf %add3A_261, %slice3A_272 : vector<1x64xf32>
    %slice3A_274 = vector.extract_strided_slice %add3A_169 {offsets = [1024, 0], sizes = [128, 64], strides = [1, 1]} : vector<2048x64xf32> to vector<128x64xf32>
    %convert_element_type3A_275 = arith.truncf %slice3A_274 : vector<128x64xf32> to vector<128x64xbf16>
    %dot_general3A_276 = arith.constant dense<0.000000e+00> : vector<128x64xf32>
    %dot_general3A_277 = tpu.matmul %convert_element_type3A_176, %convert_element_type3A_275, %dot_general3A_276 {dimension_numbers = #tpu.dot_dimension_numbers<[1], [0], [0], [1], [0, 0, 1, 1], [], []>, transpose_lhs_hint = false} : vector<128x128xbf16>, vector<128x64xbf16>, vector<128x64xf32> -> vector<128x64xf32>
    %sub3A_278 = arith.subf %dot_general3A_277, %slice3A_274 : vector<128x64xf32>
    %add3A_279 = vector.broadcast %add3A_273 : vector<1x64xf32> to vector<128x64xf32>
    %add3A_280 = arith.addf %sub3A_278, %add3A_279 : vector<128x64xf32>
    %swap3A_281 = arith.constant 1024 : index
    %swap3A_282 = arith.constant 0 : index
    %swap3A_283 = vector.load %arg5[%swap3A_281, %swap3A_282] : memref<2048x64xf32, #tpu.memory_space<vmem>>, vector<128x64xf32>
    tpu.vector_store %arg5[%swap3A_281, %swap3A_282], %add3A_280 {strides = array<i32>} : memref<2048x64xf32, #tpu.memory_space<vmem>>, vector<128x64xf32>,
    %slice3A_284 = vector.extract_strided_slice %dot_general3A_277 {offsets = [127, 0], sizes = [1, 64], strides = [1, 1]} : vector<128x64xf32> to vector<1x64xf32>
    %add3A_285 = arith.addf %add3A_273, %slice3A_284 : vector<1x64xf32>
    %slice3A_286 = vector.extract_strided_slice %add3A_169 {offsets = [1152, 0], sizes = [128, 64], strides = [1, 1]} : vector<2048x64xf32> to vector<128x64xf32>
    %convert_element_type3A_287 = arith.truncf %slice3A_286 : vector<128x64xf32> to vector<128x64xbf16>
    %dot_general3A_288 = arith.constant dense<0.000000e+00> : vector<128x64xf32>
    %dot_general3A_289 = tpu.matmul %convert_element_type3A_176, %convert_element_type3A_287, %dot_general3A_288 {dimension_numbers = #tpu.dot_dimension_numbers<[1], [0], [0], [1], [0, 0, 1, 1], [], []>, transpose_lhs_hint = false} : vector<128x128xbf16>, vector<128x64xbf16>, vector<128x64xf32> -> vector<128x64xf32>
    %sub3A_290 = arith.subf %dot_general3A_289, %slice3A_286 : vector<128x64xf32>
    %add3A_291 = vector.broadcast %add3A_285 : vector<1x64xf32> to vector<128x64xf32>
    %add3A_292 = arith.addf %sub3A_290, %add3A_291 : vector<128x64xf32>
    %swap3A_293 = arith.constant 1152 : index
    %swap3A_294 = arith.constant 0 : index
    %swap3A_295 = vector.load %arg5[%swap3A_293, %swap3A_294] : memref<2048x64xf32, #tpu.memory_space<vmem>>, vector<128x64xf32>
    tpu.vector_store %arg5[%swap3A_293, %swap3A_294], %add3A_292 {strides = array<i32>} : memref<2048x64xf32, #tpu.memory_space<vmem>>, vector<128x64xf32>,
    %slice3A_296 = vector.extract_strided_slice %dot_general3A_289 {offsets = [127, 0], sizes = [1, 64], strides = [1, 1]} : vector<128x64xf32> to vector<1x64xf32>
    %add3A_297 = arith.addf %add3A_285, %slice3A_296 : vector<1x64xf32>
    %slice3A_298 = vector.extract_strided_slice %add3A_169 {offsets = [1280, 0], sizes = [128, 64], strides = [1, 1]} : vector<2048x64xf32> to vector<128x64xf32>
    %convert_element_type3A_299 = arith.truncf %slice3A_298 : vector<128x64xf32> to vector<128x64xbf16>
    %dot_general3A_300 = arith.constant dense<0.000000e+00> : vector<128x64xf32>
    %dot_general3A_301 = tpu.matmul %convert_element_type3A_176, %convert_element_type3A_299, %dot_general3A_300 {dimension_numbers = #tpu.dot_dimension_numbers<[1], [0], [0], [1], [0, 0, 1, 1], [], []>, transpose_lhs_hint = false} : vector<128x128xbf16>, vector<128x64xbf16>, vector<128x64xf32> -> vector<128x64xf32>
    %sub3A_302 = arith.subf %dot_general3A_301, %slice3A_298 : vector<128x64xf32>
    %add3A_303 = vector.broadcast %add3A_297 : vector<1x64xf32> to vector<128x64xf32>
    %add3A_304 = arith.addf %sub3A_302, %add3A_303 : vector<128x64xf32>
    %swap3A_305 = arith.constant 1280 : index
    %swap3A_306 = arith.constant 0 : index
    %swap3A_307 = vector.load %arg5[%swap3A_305, %swap3A_306] : memref<2048x64xf32, #tpu.memory_space<vmem>>, vector<128x64xf32>
    tpu.vector_store %arg5[%swap3A_305, %swap3A_306], %add3A_304 {strides = array<i32>} : memref<2048x64xf32, #tpu.memory_space<vmem>>, vector<128x64xf32>,
    %slice3A_308 = vector.extract_strided_slice %dot_general3A_301 {offsets = [127, 0], sizes = [1, 64], strides = [1, 1]} : vector<128x64xf32> to vector<1x64xf32>
    %add3A_309 = arith.addf %add3A_297, %slice3A_308 : vector<1x64xf32>
    %slice3A_310 = vector.extract_strided_slice %add3A_169 {offsets = [1408, 0], sizes = [128, 64], strides = [1, 1]} : vector<2048x64xf32> to vector<128x64xf32>
    %convert_element_type3A_311 = arith.truncf %slice3A_310 : vector<128x64xf32> to vector<128x64xbf16>
    %dot_general3A_312 = arith.constant dense<0.000000e+00> : vector<128x64xf32>
    %dot_general3A_313 = tpu.matmul %convert_element_type3A_176, %convert_element_type3A_311, %dot_general3A_312 {dimension_numbers = #tpu.dot_dimension_numbers<[1], [0], [0], [1], [0, 0, 1, 1], [], []>, transpose_lhs_hint = false} : vector<128x128xbf16>, vector<128x64xbf16>, vector<128x64xf32> -> vector<128x64xf32>
    %sub3A_314 = arith.subf %dot_general3A_313, %slice3A_310 : vector<128x64xf32>
    %add3A_315 = vector.broadcast %add3A_309 : vector<1x64xf32> to vector<128x64xf32>
    %add3A_316 = arith.addf %sub3A_314, %add3A_315 : vector<128x64xf32>
    %swap3A_317 = arith.constant 1408 : index
    %swap3A_318 = arith.constant 0 : index
    %swap3A_319 = vector.load %arg5[%swap3A_317, %swap3A_318] : memref<2048x64xf32, #tpu.memory_space<vmem>>, vector<128x64xf32>
    tpu.vector_store %arg5[%swap3A_317, %swap3A_318], %add3A_316 {strides = array<i32>} : memref<2048x64xf32, #tpu.memory_space<vmem>>, vector<128x64xf32>,
    %slice3A_320 = vector.extract_strided_slice %dot_general3A_313 {offsets = [127, 0], sizes = [1, 64], strides = [1, 1]} : vector<128x64xf32> to vector<1x64xf32>
    %add3A_321 = arith.addf %add3A_309, %slice3A_320 : vector<1x64xf32>
    %slice3A_322 = vector.extract_strided_slice %add3A_169 {offsets = [1536, 0], sizes = [128, 64], strides = [1, 1]} : vector<2048x64xf32> to vector<128x64xf32>
    %convert_element_type3A_323 = arith.truncf %slice3A_322 : vector<128x64xf32> to vector<128x64xbf16>
    %dot_general3A_324 = arith.constant dense<0.000000e+00> : vector<128x64xf32>
    %dot_general3A_325 = tpu.matmul %convert_element_type3A_176, %convert_element_type3A_323, %dot_general3A_324 {dimension_numbers = #tpu.dot_dimension_numbers<[1], [0], [0], [1], [0, 0, 1, 1], [], []>, transpose_lhs_hint = false} : vector<128x128xbf16>, vector<128x64xbf16>, vector<128x64xf32> -> vector<128x64xf32>
    %sub3A_326 = arith.subf %dot_general3A_325, %slice3A_322 : vector<128x64xf32>
    %add3A_327 = vector.broadcast %add3A_321 : vector<1x64xf32> to vector<128x64xf32>
    %add3A_328 = arith.addf %sub3A_326, %add3A_327 : vector<128x64xf32>
    %swap3A_329 = arith.constant 1536 : index
    %swap3A_330 = arith.constant 0 : index
    %swap3A_331 = vector.load %arg5[%swap3A_329, %swap3A_330] : memref<2048x64xf32, #tpu.memory_space<vmem>>, vector<128x64xf32>
    tpu.vector_store %arg5[%swap3A_329, %swap3A_330], %add3A_328 {strides = array<i32>} : memref<2048x64xf32, #tpu.memory_space<vmem>>, vector<128x64xf32>,
    %slice3A_332 = vector.extract_strided_slice %dot_general3A_325 {offsets = [127, 0], sizes = [1, 64], strides = [1, 1]} : vector<128x64xf32> to vector<1x64xf32>
    %add3A_333 = arith.addf %add3A_321, %slice3A_332 : vector<1x64xf32>
    %slice3A_334 = vector.extract_strided_slice %add3A_169 {offsets = [1664, 0], sizes = [128, 64], strides = [1, 1]} : vector<2048x64xf32> to vector<128x64xf32>
    %convert_element_type3A_335 = arith.truncf %slice3A_334 : vector<128x64xf32> to vector<128x64xbf16>
    %dot_general3A_336 = arith.constant dense<0.000000e+00> : vector<128x64xf32>
    %dot_general3A_337 = tpu.matmul %convert_element_type3A_176, %convert_element_type3A_335, %dot_general3A_336 {dimension_numbers = #tpu.dot_dimension_numbers<[1], [0], [0], [1], [0, 0, 1, 1], [], []>, transpose_lhs_hint = false} : vector<128x128xbf16>, vector<128x64xbf16>, vector<128x64xf32> -> vector<128x64xf32>
    %sub3A_338 = arith.subf %dot_general3A_337, %slice3A_334 : vector<128x64xf32>
    %add3A_339 = vector.broadcast %add3A_333 : vector<1x64xf32> to vector<128x64xf32>
    %add3A_340 = arith.addf %sub3A_338, %add3A_339 : vector<128x64xf32>
    %swap3A_341 = arith.constant 1664 : index
    %swap3A_342 = arith.constant 0 : index
    %swap3A_343 = vector.load %arg5[%swap3A_341, %swap3A_342] : memref<2048x64xf32, #tpu.memory_space<vmem>>, vector<128x64xf32>
    tpu.vector_store %arg5[%swap3A_341, %swap3A_342], %add3A_340 {strides = array<i32>} : memref<2048x64xf32, #tpu.memory_space<vmem>>, vector<128x64xf32>,
    %slice3A_344 = vector.extract_strided_slice %dot_general3A_337 {offsets = [127, 0], sizes = [1, 64], strides = [1, 1]} : vector<128x64xf32> to vector<1x64xf32>
    %add3A_345 = arith.addf %add3A_333, %slice3A_344 : vector<1x64xf32>
    %slice3A_346 = vector.extract_strided_slice %add3A_169 {offsets = [1792, 0], sizes = [128, 64], strides = [1, 1]} : vector<2048x64xf32> to vector<128x64xf32>
    %convert_element_type3A_347 = arith.truncf %slice3A_346 : vector<128x64xf32> to vector<128x64xbf16>
    %dot_general3A_348 = arith.constant dense<0.000000e+00> : vector<128x64xf32>
    %dot_general3A_349 = tpu.matmul %convert_element_type3A_176, %convert_element_type3A_347, %dot_general3A_348 {dimension_numbers = #tpu.dot_dimension_numbers<[1], [0], [0], [1], [0, 0, 1, 1], [], []>, transpose_lhs_hint = false} : vector<128x128xbf16>, vector<128x64xbf16>, vector<128x64xf32> -> vector<128x64xf32>
    %sub3A_350 = arith.subf %dot_general3A_349, %slice3A_346 : vector<128x64xf32>
    %add3A_351 = vector.broadcast %add3A_345 : vector<1x64xf32> to vector<128x64xf32>
    %add3A_352 = arith.addf %sub3A_350, %add3A_351 : vector<128x64xf32>
    %swap3A_353 = arith.constant 1792 : index
    %swap3A_354 = arith.constant 0 : index
    %swap3A_355 = vector.load %arg5[%swap3A_353, %swap3A_354] : memref<2048x64xf32, #tpu.memory_space<vmem>>, vector<128x64xf32>
    tpu.vector_store %arg5[%swap3A_353, %swap3A_354], %add3A_352 {strides = array<i32>} : memref<2048x64xf32, #tpu.memory_space<vmem>>, vector<128x64xf32>,
    %slice3A_356 = vector.extract_strided_slice %dot_general3A_349 {offsets = [127, 0], sizes = [1, 64], strides = [1, 1]} : vector<128x64xf32> to vector<1x64xf32>
    %add3A_357 = arith.addf %add3A_345, %slice3A_356 : vector<1x64xf32>
    %slice3A_358 = vector.extract_strided_slice %add3A_169 {offsets = [1920, 0], sizes = [128, 64], strides = [1, 1]} : vector<2048x64xf32> to vector<128x64xf32>
    %convert_element_type3A_359 = arith.truncf %slice3A_358 : vector<128x64xf32> to vector<128x64xbf16>
    %dot_general3A_360 = arith.constant dense<0.000000e+00> : vector<128x64xf32>
    %dot_general3A_361 = tpu.matmul %convert_element_type3A_176, %convert_element_type3A_359, %dot_general3A_360 {dimension_numbers = #tpu.dot_dimension_numbers<[1], [0], [0], [1], [0, 0, 1, 1], [], []>, transpose_lhs_hint = false} : vector<128x128xbf16>, vector<128x64xbf16>, vector<128x64xf32> -> vector<128x64xf32>
    %sub3A_362 = arith.subf %dot_general3A_361, %slice3A_358 : vector<128x64xf32>
    %add3A_363 = vector.broadcast %add3A_357 : vector<1x64xf32> to vector<128x64xf32>
    %add3A_364 = arith.addf %sub3A_362, %add3A_363 : vector<128x64xf32>
    %swap3A_365 = arith.constant 1920 : index
    %swap3A_366 = arith.constant 0 : index
    %swap3A_367 = vector.load %arg5[%swap3A_365, %swap3A_366] : memref<2048x64xf32, #tpu.memory_space<vmem>>, vector<128x64xf32>
    tpu.vector_store %arg5[%swap3A_365, %swap3A_366], %add3A_364 {strides = array<i32>} : memref<2048x64xf32, #tpu.memory_space<vmem>>, vector<128x64xf32>,
    %slice3A_368 = vector.extract_strided_slice %dot_general3A_361 {offsets = [127, 0], sizes = [1, 64], strides = [1, 1]} : vector<128x64xf32> to vector<1x64xf32>
    %add3A_369 = arith.addf %add3A_357, %slice3A_368 : vector<1x64xf32>
    %add3A_370 = arith.constant 2.550000e+02 : f32
    %add3A_371 = vector.broadcast %add3A_370 : f32 to vector<1x64xf32>
    %add3A_372 = arith.addf %add3A_369, %add3A_371 : vector<1x64xf32>
    %mul3A = arith.constant 3.906250e-03 : f32
    %mul3A_373 = vector.broadcast %mul3A : f32 to vector<1x64xf32>
    %mul3A_374 = arith.mulf %add3A_372, %mul3A_373 : vector<1x64xf32>
    %floor3A = math.floor %mul3A_374 : vector<1x64xf32>
    %iota3A_375 = tpu.iota {dimensions = array<i32: 0>} : vector<64x64xi32>
    %iota3A_376 = tpu.iota {dimensions = array<i32: 1>} : vector<64x64xi32>
    %lt3A = arith.cmpi slt, %iota3A_375, %iota3A_376 : vector<64x64xi32>
    %convert_element_type3A_377 = arith.extui %lt3A : vector<64x64xi1> to vector<64x64xi32>
    %convert_element_type3A_378 = arith.sitofp %convert_element_type3A_377 : vector<64x64xi32> to vector<64x64xf32>
    %convert_element_type3A_379 = arith.truncf %convert_element_type3A_378 : vector<64x64xf32> to vector<64x64xbf16>
    %convert_element_type3A_380 = arith.truncf %floor3A : vector<1x64xf32> to vector<1x64xbf16>
    %dot_general3A_381 = arith.constant dense<0.000000e+00> : vector<1x64xf32>
    %dot_general3A_382 = tpu.matmul %convert_element_type3A_380, %convert_element_type3A_379, %dot_general3A_381 {dimension_numbers = #tpu.dot_dimension_numbers<[1], [0], [0], [1], [0, 0, 1, 1], [], []>, transpose_lhs_hint = false} : vector<1x64xbf16>, vector<64x64xbf16>, vector<1x64xf32> -> vector<1x64xf32>
    %add3A_383 = arith.addf %dot_general3A_382, %floor3A : vector<1x64xf32>
    %mul3A_384 = arith.constant 2.560000e+02 : f32
    %mul3A_385 = vector.broadcast %mul3A_384 : f32 to vector<1x64xf32>
    %mul3A_386 = arith.mulf %dot_general3A_382, %mul3A_385 : vector<1x64xf32>
    %get3A_387 = arith.constant 0 : index
    %get3A_388 = arith.constant 0 : index
    %get3A_389 = vector.load %arg5[%get3A_387, %get3A_388] : memref<2048x64xf32, #tpu.memory_space<vmem>>, vector<2048x64xf32>
    %add3A_390 = vector.broadcast %mul3A_386 : vector<1x64xf32> to vector<2048x64xf32>
    %add3A_391 = arith.addf %add3A_390, %get3A_389 : vector<2048x64xf32>
    %mul3A_392 = arith.mulf %convert_element_type3A_22, %add3A_391 : vector<2048x64xf32>
    %reduce_sum3A_393 = arith.constant dense<0.000000e+00> : vector<2048xf32>
    %reduce_sum3A_394 = vector.multi_reduction <add>, %mul3A_392, %reduce_sum3A_393 [1] : vector<2048x64xf32> to vector<2048xf32>
    %broadcast_in_dim3A_395 = vector.shape_cast %reduce_sum3A_394 : vector<2048xf32> to vector<2048x1xf32>
    %mul3A_396 = arith.mulf %convert_element_type3A_42, %add3A_391 : vector<2048x64xf32>
    %reduce_sum3A_397 = arith.constant dense<0.000000e+00> : vector<2048xf32>
    %reduce_sum3A_398 = vector.multi_reduction <add>, %mul3A_396, %reduce_sum3A_397 [1] : vector<2048x64xf32> to vector<2048xf32>
    %broadcast_in_dim3A_399 = vector.shape_cast %reduce_sum3A_398 : vector<2048xf32> to vector<2048x1xf32>
    %mul3A_400 = arith.mulf %convert_element_type3A_63, %add3A_391 : vector<2048x64xf32>
    %reduce_sum3A_401 = arith.constant dense<0.000000e+00> : vector<2048xf32>
    %reduce_sum3A_402 = vector.multi_reduction <add>, %mul3A_400, %reduce_sum3A_401 [1] : vector<2048x64xf32> to vector<2048xf32>
    %broadcast_in_dim3A_403 = vector.shape_cast %reduce_sum3A_402 : vector<2048xf32> to vector<2048x1xf32>
    %mul3A_404 = arith.mulf %convert_element_type3A_84, %add3A_391 : vector<2048x64xf32>
    %reduce_sum3A_405 = arith.constant dense<0.000000e+00> : vector<2048xf32>
    %reduce_sum3A_406 = vector.multi_reduction <add>, %mul3A_404, %reduce_sum3A_405 [1] : vector<2048x64xf32> to vector<2048xf32>
    %broadcast_in_dim3A_407 = vector.shape_cast %reduce_sum3A_406 : vector<2048xf32> to vector<2048x1xf32>
    %mul3A_408 = arith.mulf %convert_element_type3A_105, %add3A_391 : vector<2048x64xf32>
    %reduce_sum3A_409 = arith.constant dense<0.000000e+00> : vector<2048xf32>
    %reduce_sum3A_410 = vector.multi_reduction <add>, %mul3A_408, %reduce_sum3A_409 [1] : vector<2048x64xf32> to vector<2048xf32>
    %broadcast_in_dim3A_411 = vector.shape_cast %reduce_sum3A_410 : vector<2048xf32> to vector<2048x1xf32>
    %mul3A_412 = arith.mulf %convert_element_type3A_126, %add3A_391 : vector<2048x64xf32>
    %reduce_sum3A_413 = arith.constant dense<0.000000e+00> : vector<2048xf32>
    %reduce_sum3A_414 = vector.multi_reduction <add>, %mul3A_412, %reduce_sum3A_413 [1] : vector<2048x64xf32> to vector<2048xf32>
    %broadcast_in_dim3A_415 = vector.shape_cast %reduce_sum3A_414 : vector<2048xf32> to vector<2048x1xf32>
    %mul3A_416 = arith.mulf %convert_element_type3A_147, %add3A_391 : vector<2048x64xf32>
    %reduce_sum3A_417 = arith.constant dense<0.000000e+00> : vector<2048xf32>
    %reduce_sum3A_418 = vector.multi_reduction <add>, %mul3A_416, %reduce_sum3A_417 [1] : vector<2048x64xf32> to vector<2048xf32>
    %broadcast_in_dim3A_419 = vector.shape_cast %reduce_sum3A_418 : vector<2048xf32> to vector<2048x1xf32>
    %mul3A_420 = arith.mulf %convert_element_type3A_168, %add3A_391 : vector<2048x64xf32>
    %reduce_sum3A_421 = arith.constant dense<0.000000e+00> : vector<2048xf32>
    %reduce_sum3A_422 = vector.multi_reduction <add>, %mul3A_420, %reduce_sum3A_421 [1] : vector<2048x64xf32> to vector<2048xf32>
    %broadcast_in_dim3A_423 = vector.shape_cast %reduce_sum3A_422 : vector<2048xf32> to vector<2048x1xf32>
    %concatenate3A_424 = tpu.concatenate %broadcast_in_dim3A_395, %broadcast_in_dim3A_399, %broadcast_in_dim3A_403, %broadcast_in_dim3A_407, %broadcast_in_dim3A_411, %broadcast_in_dim3A_415, %broadcast_in_dim3A_419, %broadcast_in_dim3A_423 in 1 : vector<2048x1xf32>, vector<2048x1xf32>, vector<2048x1xf32>, vector<2048x1xf32>, vector<2048x1xf32>, vector<2048x1xf32>, vector<2048x1xf32>, vector<2048x1xf32> -> vector<2048x8xf32>
    %convert_element_type3A_425 = arith.fptosi %concatenate3A_424 : vector<2048x8xf32> to vector<2048x8xi32>
    %swap3A_426 = arith.constant 0 : index
    %swap3A_427 = arith.constant 0 : index
    %swap3A_428 = vector.load %arg2[%swap3A_426, %swap3A_427] : memref<2048x8xi32, #tpu.memory_space<vmem>>, vector<2048x8xi32>
    tpu.vector_store %arg2[%swap3A_426, %swap3A_427], %convert_element_type3A_425 {strides = array<i32>} : memref<2048x8xi32, #tpu.memory_space<vmem>>, vector<2048x8xi32>,
    %iota3A_429 = tpu.iota {dimensions = array<i32: 0>} : vector<128x64xi32>
    %convert_element_type3A_430 = arith.sitofp %iota3A_429 : vector<128x64xi32> to vector<128x64xf32>
    %broadcast_in_dim3A_431 = vector.shape_cast %add3A_383 : vector<1x64xf32> to vector<1x64xf32>
    %broadcast_in_dim3A_432 = vector.broadcast %broadcast_in_dim3A_431 : vector<1x64xf32> to vector<128x64xf32>
    %ge3A_433 = arith.cmpf oge, %convert_element_type3A_430, %broadcast_in_dim3A_432 : vector<128x64xf32>
    %convert_element_type3A_434 = arith.extui %ge3A_433 : vector<128x64xi1> to vector<128x64xi32>
    %convert_element_type3A_435 = arith.sitofp %convert_element_type3A_434 : vector<128x64xi32> to vector<128x64xf32>
    %reduce_sum3A_436 = arith.constant dense<0.000000e+00> : vector<128xf32>
    %reduce_sum3A_437 = vector.multi_reduction <add>, %convert_element_type3A_435, %reduce_sum3A_436 [1] : vector<128x64xf32> to vector<128xf32>
    %broadcast_in_dim3A_438 = vector.shape_cast %reduce_sum3A_437 : vector<128xf32> to vector<128x1xf32>
    %min3A = arith.constant 6.300000e+01 : f32
    %min3A_439 = vector.broadcast %min3A : f32 to vector<128x1xf32>
    %min3A_440 = arith.minimumf %broadcast_in_dim3A_438, %min3A_439 : vector<128x1xf32>
    %convert_element_type3A_441 = arith.fptosi %min3A_440 : vector<128x1xf32> to vector<128x1xi32>
    %swap3A_442 = arith.constant 0 : index
    %swap3A_443 = arith.constant 0 : index
    %swap3A_444 = vector.load %arg4[%swap3A_442, %swap3A_443] : memref<136x1xi32, #tpu.memory_space<vmem>>, vector<128x1xi32>
    tpu.vector_store %arg4[%swap3A_442, %swap3A_443], %convert_element_type3A_441 {strides = array<i32>} : memref<136x1xi32, #tpu.memory_space<vmem>>, vector<128x1xi32>,
    %reduce_sum3A_445 = arith.constant dense<0.000000e+00> : vector<1xf32>
    %reduce_sum3A_446 = vector.multi_reduction <add>, %floor3A, %reduce_sum3A_445 [1] : vector<1x64xf32> to vector<1xf32>
    %broadcast_in_dim3A_447 = vector.shape_cast %reduce_sum3A_446 : vector<1xf32> to vector<1x1xf32>
    %broadcast_in_dim3A_448 = vector.shape_cast %broadcast_in_dim3A_447 : vector<1x1xf32> to vector<1x1xf32>
    %broadcast_in_dim3A_449 = vector.broadcast %broadcast_in_dim3A_448 : vector<1x1xf32> to vector<8x1xf32>
    %convert_element_type3A_450 = arith.fptosi %broadcast_in_dim3A_449 : vector<8x1xf32> to vector<8x1xi32>
    %swap3A_451 = arith.constant 128 : index
    %swap3A_452 = arith.constant 0 : index
    %swap3A_453 = vector.load %arg4[%swap3A_451, %swap3A_452] : memref<136x1xi32, #tpu.memory_space<vmem>>, vector<8x1xi32>
    tpu.vector_store %arg4[%swap3A_451, %swap3A_452], %convert_element_type3A_450 {strides = array<i32>} : memref<136x1xi32, #tpu.memory_space<vmem>>, vector<8x1xi32>,
    return
  }
}

module attributes {stable_mosaic.version = 14 : i64} {
  func.func @_ffn_body(%arg0: i32, %arg1: memref<136xi32, #tpu.memory_space<smem>>, %arg2: memref<256x1024xf32, #tpu.memory_space<vmem>>, %arg3: memref<704x1024xf32, #tpu.memory_space<vmem>>, %arg4: memref<704x1024xf32, #tpu.memory_space<vmem>>, %arg5: memref<1024x704xf32, #tpu.memory_space<vmem>>, %arg6: memref<256x1024xf32, #tpu.memory_space<vmem>>) attributes {dimension_semantics = [#tpu.dimension_semantics<arbitrary>], iteration_bounds = array<i64: 128>, scalar_prefetch = 1 : i64, scratch_operands = 0 : i64, tpu.core_type = #tpu.core_type<tc>, window_params = [{transform_indices = @transform_0, window_bounds = array<i64: 256, 1024>}, {transform_indices = @transform_1, window_bounds = array<i64: 704, 1024>}, {transform_indices = @transform_2, window_bounds = array<i64: 704, 1024>}, {transform_indices = @transform_3, window_bounds = array<i64: 1024, 704>}, {transform_indices = @transform_4, window_bounds = array<i64: 256, 1024>}]} {
    %get3A = arith.constant 128 : index
    %get3A_0 = memref.load %arg1[%get3A] : memref<136xi32, #tpu.memory_space<smem>>
    %lt3A = arith.cmpi slt, %arg0, %get3A_0 : i32
    %convert_element_type3A = arith.extui %lt3A : i1 to i32
    %cond3A = arith.constant 0 : i32
    %cond3A_1 = arith.cmpi ne, %convert_element_type3A, %cond3A : i32
    scf.if %cond3A_1 {
      %get3A_2 = arith.constant 0 : index
      %get3A_3 = arith.constant 0 : index
      %get3A_4 = vector.load %arg2[%get3A_2, %get3A_3] : memref<256x1024xf32, #tpu.memory_space<vmem>>, vector<256x1024xf32>
      %convert_element_type3A_5 = arith.truncf %get3A_4 : vector<256x1024xf32> to vector<256x1024xbf16>
      %get3A_6 = arith.constant 0 : index
      %get3A_7 = arith.constant 0 : index
      %get3A_8 = vector.load %arg3[%get3A_6, %get3A_7] : memref<704x1024xf32, #tpu.memory_space<vmem>>, vector<704x1024xf32>
      %convert_element_type3A_9 = arith.truncf %get3A_8 : vector<704x1024xf32> to vector<704x1024xbf16>
      %dot_general3A = arith.constant dense<0.000000e+00> : vector<256x704xf32>
      %dot_general3A_10 = tpu.matmul %convert_element_type3A_5, %convert_element_type3A_9, %dot_general3A {dimension_numbers = #tpu.dot_dimension_numbers<[1], [1], [0], [0], [0, 0, 1, 0], [], []>, transpose_lhs_hint = false} : vector<256x1024xbf16>, vector<704x1024xbf16>, vector<256x704xf32> -> vector<256x704xf32>
      %get3A_11 = arith.constant 0 : index
      %get3A_12 = arith.constant 0 : index
      %get3A_13 = vector.load %arg4[%get3A_11, %get3A_12] : memref<704x1024xf32, #tpu.memory_space<vmem>>, vector<704x1024xf32>
      %convert_element_type3A_14 = arith.truncf %get3A_13 : vector<704x1024xf32> to vector<704x1024xbf16>
      %dot_general3A_15 = arith.constant dense<0.000000e+00> : vector<256x704xf32>
      %dot_general3A_16 = tpu.matmul %convert_element_type3A_5, %convert_element_type3A_14, %dot_general3A_15 {dimension_numbers = #tpu.dot_dimension_numbers<[1], [1], [0], [0], [0, 0, 1, 0], [], []>, transpose_lhs_hint = false} : vector<256x1024xbf16>, vector<704x1024xbf16>, vector<256x704xf32> -> vector<256x704xf32>
      %logistic3A = arith.negf %dot_general3A_10 : vector<256x704xf32>
      %logistic3A_17 = math.exp %logistic3A : vector<256x704xf32>
      %logistic3A_18 = arith.constant 1.000000e+00 : f32
      %logistic3A_19 = vector.broadcast %logistic3A_18 : f32 to vector<256x704xf32>
      %logistic3A_20 = arith.addf %logistic3A_19, %logistic3A_17 : vector<256x704xf32>
      %logistic3A_21 = arith.divf %logistic3A_19, %logistic3A_20 : vector<256x704xf32>
      %mul3A = arith.mulf %dot_general3A_10, %logistic3A_21 : vector<256x704xf32>
      %mul3A_22 = arith.mulf %mul3A, %dot_general3A_16 : vector<256x704xf32>
      %convert_element_type3A_23 = arith.truncf %mul3A_22 : vector<256x704xf32> to vector<256x704xbf16>
      %get3A_24 = arith.constant 0 : index
      %get3A_25 = arith.constant 0 : index
      %get3A_26 = vector.load %arg5[%get3A_24, %get3A_25] : memref<1024x704xf32, #tpu.memory_space<vmem>>, vector<1024x704xf32>
      %convert_element_type3A_27 = arith.truncf %get3A_26 : vector<1024x704xf32> to vector<1024x704xbf16>
      %dot_general3A_28 = arith.constant dense<0.000000e+00> : vector<256x1024xf32>
      %dot_general3A_29 = tpu.matmul %convert_element_type3A_23, %convert_element_type3A_27, %dot_general3A_28 {dimension_numbers = #tpu.dot_dimension_numbers<[1], [1], [0], [0], [0, 0, 1, 0], [], []>, transpose_lhs_hint = false} : vector<256x704xbf16>, vector<1024x704xbf16>, vector<256x1024xf32> -> vector<256x1024xf32>
      %swap3A = arith.constant 0 : index
      %swap3A_30 = arith.constant 0 : index
      %swap3A_31 = vector.load %arg6[%swap3A, %swap3A_30] : memref<256x1024xf32, #tpu.memory_space<vmem>>, vector<256x1024xf32>
      tpu.vector_store %arg6[%swap3A, %swap3A_30], %dot_general3A_29 {strides = array<i32>} : memref<256x1024xf32, #tpu.memory_space<vmem>>, vector<256x1024xf32>,
    } else {
    }
    return
  }
  func.func @transform_0(%arg0: i32, %arg1: memref<136xi32, #tpu.memory_space<smem>>) -> (i32, i32) {
    %get3A = arith.constant 128 : index
    %get3A_0 = memref.load %arg1[%get3A] : memref<136xi32, #tpu.memory_space<smem>>
    %sub3A = arith.constant 1 : i32
    %sub3A_1 = arith.subi %get3A_0, %sub3A : i32
    %min3A = arith.minsi %arg0, %sub3A_1 : i32
    %c0_i32 = arith.constant 0 : i32
    %c0_i32_2 = arith.constant 0 : i32
    return %min3A, %c0_i32 : i32, i32
  }
  func.func @transform_1(%arg0: i32, %arg1: memref<136xi32, #tpu.memory_space<smem>>) -> (i32, i32) {
    %get3A = arith.constant 128 : index
    %get3A_0 = memref.load %arg1[%get3A] : memref<136xi32, #tpu.memory_space<smem>>
    %sub3A = arith.constant 1 : i32
    %sub3A_1 = arith.subi %get3A_0, %sub3A : i32
    %min3A = arith.minsi %arg0, %sub3A_1 : i32
    %get3A_2 = arith.index_cast %min3A : i32 to index
    %get3A_3 = memref.load %arg1[%get3A_2] : memref<136xi32, #tpu.memory_space<smem>>
    %c0_i32 = arith.constant 0 : i32
    %c0_i32_4 = arith.constant 0 : i32
    return %get3A_3, %c0_i32 : i32, i32
  }
  func.func @transform_2(%arg0: i32, %arg1: memref<136xi32, #tpu.memory_space<smem>>) -> (i32, i32) {
    %get3A = arith.constant 128 : index
    %get3A_0 = memref.load %arg1[%get3A] : memref<136xi32, #tpu.memory_space<smem>>
    %sub3A = arith.constant 1 : i32
    %sub3A_1 = arith.subi %get3A_0, %sub3A : i32
    %min3A = arith.minsi %arg0, %sub3A_1 : i32
    %get3A_2 = arith.index_cast %min3A : i32 to index
    %get3A_3 = memref.load %arg1[%get3A_2] : memref<136xi32, #tpu.memory_space<smem>>
    %c0_i32 = arith.constant 0 : i32
    %c0_i32_4 = arith.constant 0 : i32
    return %get3A_3, %c0_i32 : i32, i32
  }
  func.func @transform_3(%arg0: i32, %arg1: memref<136xi32, #tpu.memory_space<smem>>) -> (i32, i32) {
    %get3A = arith.constant 128 : index
    %get3A_0 = memref.load %arg1[%get3A] : memref<136xi32, #tpu.memory_space<smem>>
    %sub3A = arith.constant 1 : i32
    %sub3A_1 = arith.subi %get3A_0, %sub3A : i32
    %min3A = arith.minsi %arg0, %sub3A_1 : i32
    %get3A_2 = arith.index_cast %min3A : i32 to index
    %get3A_3 = memref.load %arg1[%get3A_2] : memref<136xi32, #tpu.memory_space<smem>>
    %c0_i32 = arith.constant 0 : i32
    %c0_i32_4 = arith.constant 0 : i32
    return %get3A_3, %c0_i32 : i32, i32
  }
  func.func @transform_4(%arg0: i32, %arg1: memref<136xi32, #tpu.memory_space<smem>>) -> (i32, i32) {
    %get3A = arith.constant 128 : index
    %get3A_0 = memref.load %arg1[%get3A] : memref<136xi32, #tpu.memory_space<smem>>
    %sub3A = arith.constant 1 : i32
    %sub3A_1 = arith.subi %get3A_0, %sub3A : i32
    %min3A = arith.minsi %arg0, %sub3A_1 : i32
    %c0_i32 = arith.constant 0 : i32
    %c0_i32_2 = arith.constant 0 : i32
    return %min3A, %c0_i32 : i32, i32
  }
}

module attributes {stable_mosaic.version = 14 : i64} {
  func.func @_shared_body(%arg0: i32, %arg1: memref<256x1024xf32, #tpu.memory_space<vmem>>, %arg2: memref<1408x1024xf32, #tpu.memory_space<vmem>>, %arg3: memref<1024x1408xf32, #tpu.memory_space<vmem>>, %arg4: memref<1408x1024xf32, #tpu.memory_space<vmem>>, %arg5: memref<256x1024xf32, #tpu.memory_space<vmem>>) attributes {dimension_semantics = [#tpu.dimension_semantics<arbitrary>], iteration_bounds = array<i64: 8>, scalar_prefetch = 0 : i64, scratch_operands = 0 : i64, tpu.core_type = #tpu.core_type<tc>, window_params = [{transform_indices = @transform_0, window_bounds = array<i64: 256, 1024>}, {pipeline_mode = #tpu.pipeline_mode<synchronous>, transform_indices = @transform_1, window_bounds = array<i64: 1408, 1024>}, {pipeline_mode = #tpu.pipeline_mode<synchronous>, transform_indices = @transform_2, window_bounds = array<i64: 1024, 1408>}, {pipeline_mode = #tpu.pipeline_mode<synchronous>, transform_indices = @transform_3, window_bounds = array<i64: 1408, 1024>}, {transform_indices = @transform_4, window_bounds = array<i64: 256, 1024>}]} {
    %get3A = arith.constant 0 : index
    %get3A_0 = arith.constant 0 : index
    %get3A_1 = vector.load %arg1[%get3A, %get3A_0] : memref<256x1024xf32, #tpu.memory_space<vmem>>, vector<256x1024xf32>
    %convert_element_type3A = arith.truncf %get3A_1 : vector<256x1024xf32> to vector<256x1024xbf16>
    %get3A_2 = arith.constant 0 : index
    %get3A_3 = arith.constant 0 : index
    %get3A_4 = vector.load %arg2[%get3A_2, %get3A_3] : memref<1408x1024xf32, #tpu.memory_space<vmem>>, vector<1408x1024xf32>
    %convert_element_type3A_5 = arith.truncf %get3A_4 : vector<1408x1024xf32> to vector<1408x1024xbf16>
    %dot_general3A = arith.constant dense<0.000000e+00> : vector<256x1408xf32>
    %dot_general3A_6 = tpu.matmul %convert_element_type3A, %convert_element_type3A_5, %dot_general3A {dimension_numbers = #tpu.dot_dimension_numbers<[1], [1], [0], [0], [0, 0, 1, 0], [], []>, transpose_lhs_hint = false} : vector<256x1024xbf16>, vector<1408x1024xbf16>, vector<256x1408xf32> -> vector<256x1408xf32>
    %get3A_7 = arith.constant 0 : index
    %get3A_8 = arith.constant 0 : index
    %get3A_9 = vector.load %arg4[%get3A_7, %get3A_8] : memref<1408x1024xf32, #tpu.memory_space<vmem>>, vector<1408x1024xf32>
    %convert_element_type3A_10 = arith.truncf %get3A_9 : vector<1408x1024xf32> to vector<1408x1024xbf16>
    %dot_general3A_11 = arith.constant dense<0.000000e+00> : vector<256x1408xf32>
    %dot_general3A_12 = tpu.matmul %convert_element_type3A, %convert_element_type3A_10, %dot_general3A_11 {dimension_numbers = #tpu.dot_dimension_numbers<[1], [1], [0], [0], [0, 0, 1, 0], [], []>, transpose_lhs_hint = false} : vector<256x1024xbf16>, vector<1408x1024xbf16>, vector<256x1408xf32> -> vector<256x1408xf32>
    %logistic3A = arith.negf %dot_general3A_6 : vector<256x1408xf32>
    %logistic3A_13 = math.exp %logistic3A : vector<256x1408xf32>
    %logistic3A_14 = arith.constant 1.000000e+00 : f32
    %logistic3A_15 = vector.broadcast %logistic3A_14 : f32 to vector<256x1408xf32>
    %logistic3A_16 = arith.addf %logistic3A_15, %logistic3A_13 : vector<256x1408xf32>
    %logistic3A_17 = arith.divf %logistic3A_15, %logistic3A_16 : vector<256x1408xf32>
    %mul3A = arith.mulf %dot_general3A_6, %logistic3A_17 : vector<256x1408xf32>
    %mul3A_18 = arith.mulf %mul3A, %dot_general3A_12 : vector<256x1408xf32>
    %convert_element_type3A_19 = arith.truncf %mul3A_18 : vector<256x1408xf32> to vector<256x1408xbf16>
    %get3A_20 = arith.constant 0 : index
    %get3A_21 = arith.constant 0 : index
    %get3A_22 = vector.load %arg3[%get3A_20, %get3A_21] : memref<1024x1408xf32, #tpu.memory_space<vmem>>, vector<1024x1408xf32>
    %convert_element_type3A_23 = arith.truncf %get3A_22 : vector<1024x1408xf32> to vector<1024x1408xbf16>
    %dot_general3A_24 = arith.constant dense<0.000000e+00> : vector<256x1024xf32>
    %dot_general3A_25 = tpu.matmul %convert_element_type3A_19, %convert_element_type3A_23, %dot_general3A_24 {dimension_numbers = #tpu.dot_dimension_numbers<[1], [1], [0], [0], [0, 0, 1, 0], [], []>, transpose_lhs_hint = false} : vector<256x1408xbf16>, vector<1024x1408xbf16>, vector<256x1024xf32> -> vector<256x1024xf32>
    %swap3A = arith.constant 0 : index
    %swap3A_26 = arith.constant 0 : index
    %swap3A_27 = vector.load %arg5[%swap3A, %swap3A_26] : memref<256x1024xf32, #tpu.memory_space<vmem>>, vector<256x1024xf32>
    tpu.vector_store %arg5[%swap3A, %swap3A_26], %dot_general3A_25 {strides = array<i32>} : memref<256x1024xf32, #tpu.memory_space<vmem>>, vector<256x1024xf32>,
    return
  }
  func.func @transform_0(%arg0: i32) -> (i32, i32) {
    %c0_i32 = arith.constant 0 : i32
    %c0_i32_0 = arith.constant 0 : i32
    return %arg0, %c0_i32 : i32, i32
  }
  func.func @transform_1(%arg0: i32) -> (i32, i32) {
    %c0_i32 = arith.constant 0 : i32
    %c0_i32_0 = arith.constant 0 : i32
    %c0_i32_1 = arith.constant 0 : i32
    return %c0_i32, %c0_i32_0 : i32, i32
  }
  func.func @transform_2(%arg0: i32) -> (i32, i32) {
    %c0_i32 = arith.constant 0 : i32
    %c0_i32_0 = arith.constant 0 : i32
    %c0_i32_1 = arith.constant 0 : i32
    return %c0_i32, %c0_i32_0 : i32, i32
  }
  func.func @transform_3(%arg0: i32) -> (i32, i32) {
    %c0_i32 = arith.constant 0 : i32
    %c0_i32_0 = arith.constant 0 : i32
    %c0_i32_1 = arith.constant 0 : i32
    return %c0_i32, %c0_i32_0 : i32, i32
  }
  func.func @transform_4(%arg0: i32) -> (i32, i32) {
    %c0_i32 = arith.constant 0 : i32
    %c0_i32_0 = arith.constant 0 : i32
    return %arg0, %c0_i32 : i32, i32
  }
}

module attributes {stable_mosaic.version = 14 : i64} {
  func.func @_combine_body(%arg0: i32, %arg1: memref<256x8x1024xf32, #tpu.memory_space<vmem>>, %arg2: memref<256x8xf32, #tpu.memory_space<vmem>>, %arg3: memref<256x1024xf32, #tpu.memory_space<vmem>>, %arg4: memref<256x1024xf32, #tpu.memory_space<vmem>>, %arg5: memref<256x1024xf32, #tpu.memory_space<vmem>>) attributes {dimension_semantics = [#tpu.dimension_semantics<arbitrary>], iteration_bounds = array<i64: 8>, scalar_prefetch = 0 : i64, scratch_operands = 0 : i64, tpu.core_type = #tpu.core_type<tc>, window_params = [{transform_indices = @transform_0, window_bounds = array<i64: 256, 8, 1024>}, {transform_indices = @transform_1, window_bounds = array<i64: 256, 8>}, {transform_indices = @transform_2, window_bounds = array<i64: 256, 1024>}, {transform_indices = @transform_3, window_bounds = array<i64: 256, 1024>}, {transform_indices = @transform_4, window_bounds = array<i64: 256, 1024>}]} {
    %broadcast_in_dim3A = arith.constant 0.000000e+00 : f32
    %broadcast_in_dim3A_0 = vector.broadcast %broadcast_in_dim3A : f32 to vector<256x1024xf32>
    %get3A = arith.constant 0 : index
    %get3A_1 = arith.constant 0 : index
    %get3A_2 = arith.constant 0 : index
    %get3A_3 = vector.load %arg1[%get3A, %get3A_1, %get3A_2] : memref<256x8x1024xf32, #tpu.memory_space<vmem>>, vector<256x1x1024xf32>
    %get3A_4 = vector.shape_cast %get3A_3 : vector<256x1x1024xf32> to vector<256x1024xf32>
    %get3A_5 = arith.constant 0 : index
    %get3A_6 = arith.constant 0 : index
    %get3A_7 = vector.load %arg2[%get3A_5, %get3A_6] : memref<256x8xf32, #tpu.memory_space<vmem>>, vector<256x1xf32>
    %get3A_8 = vector.shape_cast %get3A_7 : vector<256x1xf32> to vector<256xf32>
    %broadcast_in_dim3A_9 = vector.shape_cast %get3A_8 : vector<256xf32> to vector<256x1xf32>
    %mul3A = vector.broadcast %broadcast_in_dim3A_9 : vector<256x1xf32> to vector<256x1024xf32>
    %mul3A_10 = arith.mulf %get3A_4, %mul3A : vector<256x1024xf32>
    %add3A = arith.addf %broadcast_in_dim3A_0, %mul3A_10 : vector<256x1024xf32>
    %get3A_11 = arith.constant 0 : index
    %get3A_12 = arith.constant 1 : index
    %get3A_13 = arith.constant 0 : index
    %get3A_14 = vector.load %arg1[%get3A_11, %get3A_12, %get3A_13] : memref<256x8x1024xf32, #tpu.memory_space<vmem>>, vector<256x1x1024xf32>
    %get3A_15 = vector.shape_cast %get3A_14 : vector<256x1x1024xf32> to vector<256x1024xf32>
    %get3A_16 = arith.constant 0 : index
    %get3A_17 = arith.constant 1 : index
    %get3A_18 = vector.load %arg2[%get3A_16, %get3A_17] : memref<256x8xf32, #tpu.memory_space<vmem>>, vector<256x1xf32>
    %get3A_19 = vector.shape_cast %get3A_18 : vector<256x1xf32> to vector<256xf32>
    %broadcast_in_dim3A_20 = vector.shape_cast %get3A_19 : vector<256xf32> to vector<256x1xf32>
    %mul3A_21 = vector.broadcast %broadcast_in_dim3A_20 : vector<256x1xf32> to vector<256x1024xf32>
    %mul3A_22 = arith.mulf %get3A_15, %mul3A_21 : vector<256x1024xf32>
    %add3A_23 = arith.addf %add3A, %mul3A_22 : vector<256x1024xf32>
    %get3A_24 = arith.constant 0 : index
    %get3A_25 = arith.constant 2 : index
    %get3A_26 = arith.constant 0 : index
    %get3A_27 = vector.load %arg1[%get3A_24, %get3A_25, %get3A_26] : memref<256x8x1024xf32, #tpu.memory_space<vmem>>, vector<256x1x1024xf32>
    %get3A_28 = vector.shape_cast %get3A_27 : vector<256x1x1024xf32> to vector<256x1024xf32>
    %get3A_29 = arith.constant 0 : index
    %get3A_30 = arith.constant 2 : index
    %get3A_31 = vector.load %arg2[%get3A_29, %get3A_30] : memref<256x8xf32, #tpu.memory_space<vmem>>, vector<256x1xf32>
    %get3A_32 = vector.shape_cast %get3A_31 : vector<256x1xf32> to vector<256xf32>
    %broadcast_in_dim3A_33 = vector.shape_cast %get3A_32 : vector<256xf32> to vector<256x1xf32>
    %mul3A_34 = vector.broadcast %broadcast_in_dim3A_33 : vector<256x1xf32> to vector<256x1024xf32>
    %mul3A_35 = arith.mulf %get3A_28, %mul3A_34 : vector<256x1024xf32>
    %add3A_36 = arith.addf %add3A_23, %mul3A_35 : vector<256x1024xf32>
    %get3A_37 = arith.constant 0 : index
    %get3A_38 = arith.constant 3 : index
    %get3A_39 = arith.constant 0 : index
    %get3A_40 = vector.load %arg1[%get3A_37, %get3A_38, %get3A_39] : memref<256x8x1024xf32, #tpu.memory_space<vmem>>, vector<256x1x1024xf32>
    %get3A_41 = vector.shape_cast %get3A_40 : vector<256x1x1024xf32> to vector<256x1024xf32>
    %get3A_42 = arith.constant 0 : index
    %get3A_43 = arith.constant 3 : index
    %get3A_44 = vector.load %arg2[%get3A_42, %get3A_43] : memref<256x8xf32, #tpu.memory_space<vmem>>, vector<256x1xf32>
    %get3A_45 = vector.shape_cast %get3A_44 : vector<256x1xf32> to vector<256xf32>
    %broadcast_in_dim3A_46 = vector.shape_cast %get3A_45 : vector<256xf32> to vector<256x1xf32>
    %mul3A_47 = vector.broadcast %broadcast_in_dim3A_46 : vector<256x1xf32> to vector<256x1024xf32>
    %mul3A_48 = arith.mulf %get3A_41, %mul3A_47 : vector<256x1024xf32>
    %add3A_49 = arith.addf %add3A_36, %mul3A_48 : vector<256x1024xf32>
    %get3A_50 = arith.constant 0 : index
    %get3A_51 = arith.constant 4 : index
    %get3A_52 = arith.constant 0 : index
    %get3A_53 = vector.load %arg1[%get3A_50, %get3A_51, %get3A_52] : memref<256x8x1024xf32, #tpu.memory_space<vmem>>, vector<256x1x1024xf32>
    %get3A_54 = vector.shape_cast %get3A_53 : vector<256x1x1024xf32> to vector<256x1024xf32>
    %get3A_55 = arith.constant 0 : index
    %get3A_56 = arith.constant 4 : index
    %get3A_57 = vector.load %arg2[%get3A_55, %get3A_56] : memref<256x8xf32, #tpu.memory_space<vmem>>, vector<256x1xf32>
    %get3A_58 = vector.shape_cast %get3A_57 : vector<256x1xf32> to vector<256xf32>
    %broadcast_in_dim3A_59 = vector.shape_cast %get3A_58 : vector<256xf32> to vector<256x1xf32>
    %mul3A_60 = vector.broadcast %broadcast_in_dim3A_59 : vector<256x1xf32> to vector<256x1024xf32>
    %mul3A_61 = arith.mulf %get3A_54, %mul3A_60 : vector<256x1024xf32>
    %add3A_62 = arith.addf %add3A_49, %mul3A_61 : vector<256x1024xf32>
    %get3A_63 = arith.constant 0 : index
    %get3A_64 = arith.constant 5 : index
    %get3A_65 = arith.constant 0 : index
    %get3A_66 = vector.load %arg1[%get3A_63, %get3A_64, %get3A_65] : memref<256x8x1024xf32, #tpu.memory_space<vmem>>, vector<256x1x1024xf32>
    %get3A_67 = vector.shape_cast %get3A_66 : vector<256x1x1024xf32> to vector<256x1024xf32>
    %get3A_68 = arith.constant 0 : index
    %get3A_69 = arith.constant 5 : index
    %get3A_70 = vector.load %arg2[%get3A_68, %get3A_69] : memref<256x8xf32, #tpu.memory_space<vmem>>, vector<256x1xf32>
    %get3A_71 = vector.shape_cast %get3A_70 : vector<256x1xf32> to vector<256xf32>
    %broadcast_in_dim3A_72 = vector.shape_cast %get3A_71 : vector<256xf32> to vector<256x1xf32>
    %mul3A_73 = vector.broadcast %broadcast_in_dim3A_72 : vector<256x1xf32> to vector<256x1024xf32>
    %mul3A_74 = arith.mulf %get3A_67, %mul3A_73 : vector<256x1024xf32>
    %add3A_75 = arith.addf %add3A_62, %mul3A_74 : vector<256x1024xf32>
    %get3A_76 = arith.constant 0 : index
    %get3A_77 = arith.constant 6 : index
    %get3A_78 = arith.constant 0 : index
    %get3A_79 = vector.load %arg1[%get3A_76, %get3A_77, %get3A_78] : memref<256x8x1024xf32, #tpu.memory_space<vmem>>, vector<256x1x1024xf32>
    %get3A_80 = vector.shape_cast %get3A_79 : vector<256x1x1024xf32> to vector<256x1024xf32>
    %get3A_81 = arith.constant 0 : index
    %get3A_82 = arith.constant 6 : index
    %get3A_83 = vector.load %arg2[%get3A_81, %get3A_82] : memref<256x8xf32, #tpu.memory_space<vmem>>, vector<256x1xf32>
    %get3A_84 = vector.shape_cast %get3A_83 : vector<256x1xf32> to vector<256xf32>
    %broadcast_in_dim3A_85 = vector.shape_cast %get3A_84 : vector<256xf32> to vector<256x1xf32>
    %mul3A_86 = vector.broadcast %broadcast_in_dim3A_85 : vector<256x1xf32> to vector<256x1024xf32>
    %mul3A_87 = arith.mulf %get3A_80, %mul3A_86 : vector<256x1024xf32>
    %add3A_88 = arith.addf %add3A_75, %mul3A_87 : vector<256x1024xf32>
    %get3A_89 = arith.constant 0 : index
    %get3A_90 = arith.constant 7 : index
    %get3A_91 = arith.constant 0 : index
    %get3A_92 = vector.load %arg1[%get3A_89, %get3A_90, %get3A_91] : memref<256x8x1024xf32, #tpu.memory_space<vmem>>, vector<256x1x1024xf32>
    %get3A_93 = vector.shape_cast %get3A_92 : vector<256x1x1024xf32> to vector<256x1024xf32>
    %get3A_94 = arith.constant 0 : index
    %get3A_95 = arith.constant 7 : index
    %get3A_96 = vector.load %arg2[%get3A_94, %get3A_95] : memref<256x8xf32, #tpu.memory_space<vmem>>, vector<256x1xf32>
    %get3A_97 = vector.shape_cast %get3A_96 : vector<256x1xf32> to vector<256xf32>
    %broadcast_in_dim3A_98 = vector.shape_cast %get3A_97 : vector<256xf32> to vector<256x1xf32>
    %mul3A_99 = vector.broadcast %broadcast_in_dim3A_98 : vector<256x1xf32> to vector<256x1024xf32>
    %mul3A_100 = arith.mulf %get3A_93, %mul3A_99 : vector<256x1024xf32>
    %add3A_101 = arith.addf %add3A_88, %mul3A_100 : vector<256x1024xf32>
    %get3A_102 = arith.constant 0 : index
    %get3A_103 = arith.constant 0 : index
    %get3A_104 = vector.load %arg3[%get3A_102, %get3A_103] : memref<256x1024xf32, #tpu.memory_space<vmem>>, vector<256x1024xf32>
    %add3A_105 = arith.addf %get3A_104, %add3A_101 : vector<256x1024xf32>
    %get3A_106 = arith.constant 0 : index
    %get3A_107 = arith.constant 0 : index
    %get3A_108 = vector.load %arg4[%get3A_106, %get3A_107] : memref<256x1024xf32, #tpu.memory_space<vmem>>, vector<256x1024xf32>
    %add3A_109 = arith.addf %add3A_105, %get3A_108 : vector<256x1024xf32>
    %swap3A = arith.constant 0 : index
    %swap3A_110 = arith.constant 0 : index
    %swap3A_111 = vector.load %arg5[%swap3A, %swap3A_110] : memref<256x1024xf32, #tpu.memory_space<vmem>>, vector<256x1024xf32>
    tpu.vector_store %arg5[%swap3A, %swap3A_110], %add3A_109 {strides = array<i32>} : memref<256x1024xf32, #tpu.memory_space<vmem>>, vector<256x1024xf32>,
    return
  }
  func.func @transform_0(%arg0: i32) -> (i32, i32, i32) {
    %c0_i32 = arith.constant 0 : i32
    %c0_i32_0 = arith.constant 0 : i32
    %c0_i32_1 = arith.constant 0 : i32
    return %arg0, %c0_i32, %c0_i32_0 : i32, i32, i32
  }
  func.func @transform_1(%arg0: i32) -> (i32, i32) {
    %c0_i32 = arith.constant 0 : i32
    %c0_i32_0 = arith.constant 0 : i32
    return %arg0, %c0_i32 : i32, i32
  }
  func.func @transform_2(%arg0: i32) -> (i32, i32) {
    %c0_i32 = arith.constant 0 : i32
    %c0_i32_0 = arith.constant 0 : i32
    return %arg0, %c0_i32 : i32, i32
  }
  func.func @transform_3(%arg0: i32) -> (i32, i32) {
    %c0_i32 = arith.constant 0 : i32
    %c0_i32_0 = arith.constant 0 : i32
    return %arg0, %c0_i32 : i32, i32
  }
  func.func @transform_4(%arg0: i32) -> (i32, i32) {
    %c0_i32 = arith.constant 0 : i32
    %c0_i32_0 = arith.constant 0 : i32
    return %arg0, %c0_i32 : i32, i32
  }
}

</mosaic_0001>

<sc_bundles>
// kernel: kernel.11.cloned.1.call-start
scs
__scs_entry_jumppad:
0x0: {  	(pc) =	sbr.rel $0x88, $3  }
0x1: {  	(tag) =	ssettag $0x0;
	lr =	simm.s32 $0x1  }
0x2: {  	[smem:$0x3F98] =	sst lr;
	_ =	strace $0xD0000000  }
0x3: {  	_ = 	snop  }
0x4: {  	_ = 	snop  }
0x5: {  	_ = 	snop  }
0x6: {  	_ = 	snop  }
0x7: {  	_ = 	snop  }
__scs_overlays_trampoline_lowered:
0x8: {  	[smem:$0x3FA7] =	sst s0  }
0x9: {  	[smem:$0x3FA8] =	sst s1  }
0xa: {  	[smem:$0x3FA9] =	sst s2  }
0xb: {  	[smem:$0x3FAA] =	sst s3  }
0xc: {  	[smem:$0x3FAB] =	sst s4  }
0xd: {  	[smem:$0x3FAC] =	sst s5  }
0xe: {  	[smem:$0x3FAD] =	sst s6  }
0xf: {  	[smem:$0x3FAE] =	sst s7  }
0x10: {  	[smem:$0x3FAF] =	sst s8  }
0x11: {  	[smem:$0x3FB0] =	sst s9;
	s0 =	simm.s32 @!p0 $0x0  }
0x12: {  	s1 =	sld [smem:$0x3F96];
	s0 =	simm.s32 @p0 $0x1  }
0x13: {  	[smem:$0x3FB1] =	sst s0;
	s0 =	simm.s32 @!p1 $0x0  }
0x14: {  	s2 =	sld [smem:$0x3F95];
	s0 =	simm.s32 @p1 $0x1  }
0x15: {  	[smem:$0x3FB2] =	sst s0;
	s0 =	simm.s32 @!p2 $0x0  }
0x16: {  	s3 =	sld [smem:$0x3FDB];
	s0 =	simm.s32 @p2 $0x1  }
0x17: {  	s4 =	simm.s32 $0x1BF5;
	[smem:$0x3FB4] =	sst s0  }
0x18: {  	s0 =	sld [smem:$0x3F97];
	_ =	swait.ge [sflag:s4], $0x0  }
0x19: {  	s7 =	sld [smem:$0x3F98]  }
0x1a: {  	s8 =	sadd.s32 $0xFFFFE003, lr  }
0x1b: {  	s9 =	sadd.s32 $0xFFFFFEF7, lr;
	s5 =	simm.s32 $0xFFFFFFFF;
	p2 =	slt.u32 s8, $0xFFFFF086  }
0x1c: {  	p1 =	slt.u32 s9, $0xF7A;
	s5 =	simm.s32 @!p2 $0x0  }
0x1d: {  	s5 =	simm.s32 @p1 $0x1;
	p0 =	seq.s32 s7, s2  }
0x1e: {  	s7 =	smul.u32 @!p0 $0xF7A, s2;
	p2 =	seq.s32 @!p0 s5, $0x0  }
0x1f: {  	s9 =	smul.u32 $0xF7A, s1;
	s8 =	simm.s32 @!p0 $0x1BF5;
	p2 =	por !p2, p0  }
0x20: {  	[sflag:s8] =	ssyncset.s32 @!p0 $0xFFFFF086;
	s6 =	sadd.s32 @!p0 s3, s7;
	s7 =	simm.s32 @!p0 $0x108  }
0x21: {  	s3 =	sadd.s32 s3, s9;
	s6 =	sadd.s32 @!p0 $0x88, s6;
	s7 =	simm.s32 @p2 $0x1082  }
0x22: {  	[simem:s7], [sflag:s8] =	dma.local @!p0 [hbm:s6], $0xF7A  }
0x23: {  	s9 =	sor.u32 $0xD0000000, s2;
	s6 =	simm.s32 $0x108;
	_ =	swait.ge @!p0 [sflag:s8], $0x0  }
0x24: {  	s3 =	sadd.s32 $0x88, s3;
	s6 =	simm.s32 @!p1 $0x1082;
	[sflag:s4] =	ssyncset.s32 $0xFFFFF086  }
0x25: {  	[simem:s6], [sflag:s4] =	dma.local [hbm:s3], $0xF7A  }
0x26: {  	[smem:$0x3F98] =	sst s1;
	(tag) =	ssettag s2;
	_ =	strace s9  }
0x27: {  	s1 =	sld [smem:$0x3FA8]  }
0x28: {  	s2 =	sld [smem:$0x3FA9]  }
0x29: {  	s4 =	sld [smem:$0x3FAB]  }
0x2a: {  	p0 =	seq.s32 s5, $0x0;
	s5 =	sld [smem:$0x3FAC]  }
0x2b: {  	s6 =	sld [smem:$0x3FAD]  }
0x2c: {  	s7 =	sld [smem:$0x3FAE]  }
0x2d: {  	s3 =	simm.s32 $0x108;
	s8 =	sld [smem:$0x3FAF]  }
0x2e: {  	s3 =	simm.s32 @!p0 $0x1082;
	s9 =	sld [smem:$0x3FB0]  }
0x2f: {  	lr =	sadd.s32 s0, s3;
	s0 =	sld [smem:$0x3FA7]  }
0x30: {  	s3 =	sld [smem:$0x3FAA]  }
0x31: {  	[smem:$0x3FB3] =	sst s10  }
0x32: {  	s10 =	sld [smem:$0x3FB1];
	_ =	sdelay $0x3  }
0x33: {  	p0 =	seq.s32 s10, $0x1;
	s10 =	sld [smem:$0x3FB3];
	_ =	sdelay $0x3  }
0x34: {  	[smem:$0x3FB3] =	sst s10  }
0x35: {  	s10 =	sld [smem:$0x3FB2];
	_ =	sdelay $0x3  }
0x36: {  	p1 =	seq.s32 s10, $0x1;
	s10 =	sld [smem:$0x3FB3];
	_ =	sdelay $0x3  }
0x37: {  	[smem:$0x3FB3] =	sst s10  }
0x38: {  	s10 =	sld [smem:$0x3FB4]  }
0x39: {  	_ = 	snop;
	(pc) =	sbr.ind lr, $3  }
0x3a: {  	_ = 	snop  }
0x3b: {  	_ = 	snop  }
0x3c: {  	p2 =	seq.s32 s10, $0x1;
	s10 =	sld [smem:$0x3FB3]  }
0x3d: {  	_ =	shalt  }
0x3e: {  	_ =	shalt  }
0x3f: {  	_ =	shalt  }
0x40: {  	_ =	shalt  }
0x41: {  	_ =	shalt  }
0x42: {  	_ =	shalt  }
0x43: {  	_ =	shalt  }
0x44: {  	_ =	shalt  }
0x45: {  	_ =	shalt  }
0x46: {  	_ =	shalt  }
0x47: {  	_ =	shalt  }
0x48: {  	_ =	shalt  }
0x49: {  	_ =	shalt  }
0x4a: {  	_ =	shalt  }
0x4b: {  	_ =	shalt  }
0x4c: {  	_ =	shalt  }
0x4d: {  	_ =	shalt  }
0x4e: {  	_ =	shalt  }
0x4f: {  	_ =	shalt  }
0x50: {  	_ =	shalt  }
0x51: {  	_ =	shalt  }
0x52: {  	_ =	shalt  }
0x53: {  	_ =	shalt  }
0x54: {  	_ =	shalt  }
0x55: {  	_ =	shalt  }
0x56: {  	_ =	shalt  }
0x57: {  	_ =	shalt  }
0x58: {  	_ =	shalt  }
0x59: {  	_ =	shalt  }
0x5a: {  	_ =	shalt  }
0x5b: {  	_ =	shalt  }
0x5c: {  	_ =	shalt  }
0x5d: {  	_ =	shalt  }
0x5e: {  	_ =	shalt  }
0x5f: {  	_ =	shalt  }
0x60: {  	_ =	shalt  }
0x61: {  	_ =	shalt  }
0x62: {  	_ =	shalt  }
0x63: {  	_ =	shalt  }
0x64: {  	_ =	shalt  }
0x65: {  	_ =	shalt  }
0x66: {  	_ =	shalt  }
0x67: {  	_ =	shalt  }
0x68: {  	_ =	shalt  }
0x69: {  	_ =	shalt  }
0x6a: {  	_ =	shalt  }
0x6b: {  	_ =	shalt  }
0x6c: {  	_ =	shalt  }
0x6d: {  	_ =	shalt  }
0x6e: {  	_ =	shalt  }
0x6f: {  	_ =	shalt  }
0x70: {  	_ =	shalt  }
0x71: {  	_ =	shalt  }
0x72: {  	_ =	shalt  }
0x73: {  	_ =	shalt  }
0x74: {  	_ =	shalt  }
0x75: {  	_ =	shalt  }
0x76: {  	_ =	shalt  }
0x77: {  	_ =	shalt  }
0x78: {  	_ =	shalt  }
0x79: {  	_ =	shalt  }
0x7a: {  	_ =	shalt  }
0x7b: {  	_ =	shalt  }
0x7c: {  	_ =	shalt  }
0x7d: {  	_ =	shalt  }
0x7e: {  	_ =	shalt  }
0x7f: {  	_ =	shalt  }
0x80: {  	_ =	shalt  }
0x81: {  	_ =	shalt  }
0x82: {  	_ =	shalt  }
0x83: {  	_ =	shalt  }
0x84: {  	_ =	shalt  }
0x85: {  	_ =	shalt  }
0x86: {  	_ =	shalt  }
0x87: {  	_ =	shalt  }
.Lfunc_end0:
.L_simem_size_0:
called_computation.1_lowered:
.L_overlay_start_0:
0x88: {  	s2 =	sld [smem:$0x3FD9]  }
0x89: {  	s3 =	sld [smem:$0x3FFE];
	_ =	sdelay $0x1  }
0x8a: {  	s1 =	srdreg.scid  }
0x8b: {  	s0 =	sand.u32 $0x1, s1  }
0x8c: {  	s16 =	sshll.u32 s0, $0xA;
	s2 =	sadd.s32 s3, s2  }
0x8d: {  	s2 =	sadd.s32 s2, s16  }
0x8e: {  	[smem:$0x3FBF] =	sst s2  }
0x8f: {  	_ = 	snop  }
0x90: {  	(tm) =	ssettm $0x1  }
0x91: {  	s17 =	sld [smem:$0x3FFB];
	_ =	sdelay $0x3  }
0x92: {  	_ =	strace s17  }
0x93: {  	s2 =	sld [smem:$0x3FFC];
	_ =	sdelay $0x3  }
0x94: {  	_ =	strace s2  }
0x95: {  	s2 =	sld [smem:$0x3FFD];
	_ =	sdelay $0x3  }
0x96: {  	_ =	strace s2  }
0x97: {  	_ =	strace $0x8FFFFFFF  }
0x98: {  	s18 =	sld [smem:$0x3FDB];
	_ =	sdelay $0x1  }
0x99: {  	s19 =	simm.s32 $_scs_section_size  }
0x9a: {  	s4 =	simm.s32 $_size__tile_overlayer_lowered;
	s5 =	simm.s32 $_tile_overlayer_lowered  }
0x9b: {  	s22 =	simm.s32 $0x1BFF;
	s21 =	sshll.u32 s5, $0x1;
	s2 =	sadd.s32 s19, s18  }
0x9c: {  	s6 =	simm.s32 $0x0;
	s20 =	sshll.u32 s4, $0x1;
	s4 =	sadd.s32 s21, s2  }
0x9d: {  	[timem:s6], [sflag:s22] =	dma.local [hbm:s4], s20  }
0x9e: {  	_ =	swait.ge [sflag:s22], s20  }
0x9f: {  	s3 =	ssub.s32 $0x0, s20;
	[sflag:s22] =	ssyncset.done $0x0  }
0xa0: {  	[sflag:s22] =	ssyncadd.s32 s3;
	_ =	sdelay $0x1  }
0xa1: {  	s23 =	simm.s32 $0x1B8B  }
0xa2: {  	_ =	swait.ge [sflag:s23], $0x1  }
0xa3: {  	[sflag:s23] =	ssyncset.done $0x0  }
0xa4: {  	s25 =	simm.s32 $0x1B8E;
	s24 =	sld [smem:$0x3FFE];
	[sflag:s23] =	ssyncadd.s32 $0xFFFFFFFF  }
0xa5: {  	s26 =	simm.s32 $execute0_lowered;
	[smem:$0x3FD2] =	sst s25  }
0xa6: {  	s4 =	sshll.u32 s26, $0x1;
	_ =	strace $0x80000049;
	[dreg:$0x1] =	wrdreg $0xFFFFFFFF  }
0xa7: {  	s28 =	simm.s32 $_size_execute0_lowered;
	s2 =	sadd.s32 s2, s4;
	[dreg:$0x0] =	wrdreg $0x0  }
0xa8: {  	s4 =	sshll.u32 s28, $0x1;
	[dreg:$0x2] =	wrdreg s2  }
0xa9: {  	[dreg:$0x3] =	wrdreg s4  }
0xaa: {  	[dreg:$0x4] =	wrdreg $0xC0  }
0xab: {  	_ =	task [dreg:s6], $0x5FFFF  }
0xac: {  	[dreg:$0x1] =	wrdreg $0xFFFFFFFF  }
0xad: {  	[dreg:$0x0] =	wrdreg $0x60  }
0xae: {  	[dreg:$0x2] =	wrdreg s24  }
0xaf: {  	[dreg:$0x3] =	wrdreg $0x9  }
0xb0: {  	_ =	task.clear_ibuf [dreg:s6], $0x4FFFF;
	_ =	strace $0x90000049  }
0xb1: {  	s29 =	simm.s32 $0x9;
	_ =	strace $0x8000004B  }
0xb2: {  	_ =	swait.ge [sflag:s29], $0x1  }
0xb3: {  	[sflag:s29] =	ssyncadd.s32 $0xFFFFFFFF  }
0xb4: {  	_ =	strace $0x9000004B  }
0xb5: {  	_ =	sfence  }
0xb6: {  	s30 =	sld [smem:$0x0];
	_ =	sdelay $0x2  }
0xb7: {  	s31 =	sshll.u32 s1, $0xD;
	s1 =	sshrl.u32 s1, $0x2  }
0xb8: {  	s3 =	sand.u32 $0x4000, s31;
	s1 =	sadd.s32 s1, s30  }
0xb9: {  	s0 =	sor.u32 s3, s0;
	s1 =	sshll.u32 s1, $0x11  }
0xba: {  	s0 =	sor.u32 s1, s0  }
0xbb: {  	s0 =	sadd.s32 $0x8F2B, s0  }
0xbc: {  	[sflag:s0] =	ssyncadd.remote.s32 $0x1  }
0xbd: {  	_ =	sfence.sel $0xFFFF  }
0xbe: {  	[dreg:$0x0] =	wrdreg $0xFFFFFFFF;
	(pc) =	sbr.abs _section_cstart, $3  }
0xbf: {  	[dreg:$0x1] =	wrdreg $0xFFFFFFFF  }
0xc0: {  	_ =	task.clear_ibuf [dreg:s6], $0x2FFFF;
	_ =	strace $0x9FFFFFFF  }
0xc1: {  	(tm) =	ssettm $0x7FFFFFFF  }
tec
execute0_lowered:
.L_overlay_start_1:
0x0: {  	(tag) =	ssettag $0x1  }
0x1: {  	s0 =	rddreg [dreg:$0x0];
	s1 =	srdreg.scid;
	s2 =	simm.s32 $0x0  }
0x2: {  	s3 =	stileid.u32;
	s28 =	simm.s32 $0x8100;
	s6 =	sand.u32 $0x1, s1  }
0x3: {  	[smem:$0x7FF] =	sst s2;
	s14 =	sshll.u32 s3, $0xA;
	s15 =	sshll.u32 s6, $0x9  }
0x4: {  	s4 =	sadd.s32 $0x9A00, s0;
	s1 =	sadd.s32 $0xA200, s0;
	s5 =	sor.u32 s15, s14  }
0x5: {  	_ =	strace $0x8000004A;
	s6 =	ssub.s32 $0x2, s6;
	s3 =	sshrl.u32 s5, $0x3  }
0x6: {  	s7 =	sshll.u32 s5, $0x7;
	s8 =	sor.u32 $0x20, s5;
	s21 =	sor.u32 $0x40, s5  }
0x7: {  	s23 =	sor.u32 $0x60, s5;
	s31 =	sor.u32 $0x80, s5;
	s9 =	sor.u32 $0xA0, s5  }
0x8: {  	s15 =	sor.u32 $0xC0, s5;
	s3 =	sadd.s32 s4, s3;
	s16 =	sadd.s32 s1, s7  }
0x9: {  	s17 =	sshrl.u32 s8, $0x3;
	s19 =	sshll.u32 s8, $0x7;
	s22 =	sshrl.u32 s21, $0x3  }
0xa: {  	s7 =	sshll.u32 s21, $0x7;
	s25 =	sshrl.u32 s23, $0x3;
	s29 =	sshll.u32 s23, $0x7  }
0xb: {  	s8 =	sshrl.u32 s31, $0x3;
	s11 =	sshrl.u32 s9, $0x3;
	[dreg:$0x2] =	wrdreg s3  }
0xc: {  	s13 =	sshll.u32 s9, $0x7;
	s9 =	sor.u32 $0x120, s5;
	[dreg:$0x3] =	wrdreg s16  }
0xd: {  	s18 =	sadd.s32 s4, s17;
	s20 =	sadd.s32 s1, s19;
	s3 =	sadd.s32 s4, s22  }
0xe: {  	s24 =	sadd.s32 s1, s7;
	s26 =	sadd.s32 s4, s25;
	[dreg:$0x4] =	wrdreg s18  }
0xf: {  	s30 =	sadd.s32 s1, s29;
	s7 =	sshll.u32 s31, $0x7;
	[dreg:$0x5] =	wrdreg s20  }
0x10: {  	s12 =	sadd.s32 s4, s11;
	s14 =	sadd.s32 s1, s13;
	[dreg:$0x6] =	wrdreg s3  }
0x11: {  	s16 =	sshrl.u32 s15, $0x3;
	s17 =	sor.u32 $0xE0, s5;
	[dreg:$0x7] =	wrdreg s24  }
0x12: {  	s22 =	sor.u32 $0x100, s5;
	s25 =	sshrl.u32 s9, $0x3;
	[dreg:$0x8] =	wrdreg s26  }
0x13: {  	s29 =	sshll.u32 s9, $0x7;
	s31 =	sor.u32 $0x140, s5;
	[dreg:$0x9] =	wrdreg s30  }
0x14: {  	s3 =	sadd.s32 s4, s8;
	s10 =	sadd.s32 s1, s7;
	[dreg:$0xc] =	wrdreg s12  }
0x15: {  	[dreg:$0xd] =	wrdreg s14;
	s7 =	sshll.u32 s15, $0x7;
	s19 =	sshrl.u32 s17, $0x3  }
0x16: {  	s21 =	sshll.u32 s17, $0x7;
	s23 =	sshrl.u32 s22, $0x3;
	[dreg:$0xa] =	wrdreg s3  }
0x17: {  	s8 =	sshll.u32 s22, $0x7;
	s26 =	sadd.s32 s4, s25;
	[dreg:$0xb] =	wrdreg s10  }
0x18: {  	s30 =	sadd.s32 s1, s29;
	s9 =	sshrl.u32 s31, $0x3;
	[dreg:$0x14] =	wrdreg s26  }
0x19: {  	s17 =	sshrl.u32 s6, $0x1;
	s3 =	sadd.s32 s4, s16;
	[dreg:$0x15] =	wrdreg s30  }
0x1a: {  	s18 =	sadd.s32 s1, s7;
	s20 =	sadd.s32 s4, s19;
	[dreg:$0xe] =	wrdreg s3  }
0x1b: {  	s7 =	sadd.s32 s1, s21;
	s24 =	sadd.s32 s1, s8;
	[dreg:$0xf] =	wrdreg s18  }
0x1c: {  	s8 =	sshll.u32 s31, $0x7;
	s10 =	sor.u32 $0x160, s5;
	[dreg:$0x10] =	wrdreg s20  }
0x1d: {  	s16 =	sor.u32 $0x180, s5;
	s3 =	sadd.s32 $0xA0A200, s0;
	[dreg:$0x11] =	wrdreg s7  }
0x1e: {  	s7 =	sadd.s32 s4, s23;
	[dreg:$0x13] =	wrdreg s24;
	s11 =	sadd.s32 s1, s8  }
0x1f: {  	s12 =	sshrl.u32 s10, $0x3;
	s14 =	sshll.u32 s10, $0x7;
	s18 =	sshrl.u32 s16, $0x3  }
0x20: {  	s8 =	sshll.u32 s16, $0x7;
	s10 =	sor.u32 $0x1A0, s5;
	s24 =	sor.u32 $0x1C0, s5  }
0x21: {  	s5 =	sor.u32 $0x1E0, s5;
	[dreg:$0x12] =	wrdreg s7;
	s7 =	sadd.s32 s4, s9  }
0x22: {  	[dreg:$0x17] =	wrdreg s11;
	s13 =	sadd.s32 s4, s12;
	s15 =	sadd.s32 s1, s14  }
0x23: {  	s19 =	sadd.s32 s1, s8;
	s20 =	sshrl.u32 s10, $0x3;
	s22 =	sshll.u32 s10, $0x7  }
0x24: {  	s9 =	ssub.s32 s6, s17;
	s25 =	sshrl.u32 s24, $0x3;
	[dreg:$0x16] =	wrdreg s7  }
0x25: {  	s26 =	sshll.u32 s24, $0x7;
	s30 =	sshrl.u32 s5, $0x3;
	[dreg:$0x18] =	wrdreg s13  }
0x26: {  	s5 =	sshll.u32 s5, $0x7;
	s8 =	simm.s32 $0x5;
	[dreg:$0x19] =	wrdreg s15  }
0x27: {  	s7 =	sadd.s32 s4, s18;
	[dreg:$0x1b] =	wrdreg s19;
	s21 =	sadd.s32 s4, s20  }
0x28: {  	s23 =	sadd.s32 s1, s22;
	s6 =	sadd.s32 s4, s25;
	[dreg:$0x1a] =	wrdreg s7  }
0x29: {  	s29 =	sadd.s32 s1, s26;
	s31 =	sadd.s32 s4, s30;
	[dreg:$0x1c] =	wrdreg s21  }
0x2a: {  	s4 =	sadd.s32 $0xA0A300, s0;
	s1 =	sadd.s32 s1, s5;
	[dreg:$0x1d] =	wrdreg s23  }
0x2b: {  	s5 =	sadd.s32 $0xA0A400, s0;
	s10 =	smax.u32 s9, $0x1;
	[dreg:$0x1e] =	wrdreg s6  }
0x2c: {  	v2 =	vlaneseq.u32;
	s9 =	simm.s32 $0x80;
	s25 =	simm.s32 $0x1;
	[dreg:$0x1f] =	wrdreg s29  }
0x2d: {  	vm0 =	vmmov $0xffff;
	v1 =	vshrl.u32 v2, $0x3;
	s20 =	simm.s32 $0x2;
	s22 =	simm.s32 $0x4;
	[smem:$0x7FC] =	sst s31  }
0x2e: {  	v0 =	vand.u32 $0x7, v2;
	v2 =	vor.u32 $0x8, v2;
	v1 =	vmul.u32 $0x8, v1;
	s6 =	sadd.s32 $0xA0A500, s0;
	[smem:$0x7FD] =	sst s1;
	s21 =	simm.s32 $0x3  }
.LBB2_1:
0x2f: {  	s23 =	rddreg [dreg:$0x2]  }
0x30: {  	[tilespmem:s2], [sflag:$0x5] =	stream.linear.gather [hbm4b:s23+s2], $0x20, $0x38;
	[tilespmem:$0x10100] =	vst v63  }
0x31: {  	_ =	swait.ge [sflag:s8], $0x20  }
0x32: {  	[sflag:s8] =	ssyncset.done $0x0  }
0x33: {  	[sflag:s8] =	ssyncadd.s32 $0xFFFFFFE0  }
0x34: {  	v3 =	vld [tilespmem:$0x0];
	_ =	sdelay $0x4  }
0x35: {  	v4 =	vshll.u32 v3, $0x3  }
0x36: {  	v3 =	vand.u32 $0x7, v3;
	v4 =	vand.u32 $0xFFFFFFC0, v4  }
0x37: {  	v3 =	vor.u32 v3, v4  }
0x38: {  	v4 =	vperm.xlane v3, v0;
	_ =	sdelay $0x1  }
0x39: {  	v4 =	vadd.s32 v1, v4;
	_ =	sdelay $0x4  }
0x3a: {  	[tilespmem:s9], [sflag:$0x1] =	stream.indirect_vreg.gather [hbm4b:s3+s2], $0x80, v4, vm0, $0xb8;
	[tilespmem:$0x10100] =	vst v63  }
0x3b: {  	s0 =	simm.s32 $0x880;
	v3 =	vperm.xlane v3, v2  }
0x3c: {  	[tilespmem:s0], [sflag:$0x1] =	stream.indirect_vreg.gather [hbm4b:s4+s2], $0x80, v4, vm0, $0xb8;
	[tilespmem:$0x10100] =	vst v63  }
0x3d: {  	s17 =	simm.s32 $0x1080;
	v3 =	vadd.s32 v1, v3  }
0x3e: {  	[tilespmem:s17], [sflag:$0x1] =	stream.indirect_vreg.gather [hbm4b:s5+s2], $0x80, v4, vm0, $0xb8;
	[tilespmem:$0x10100] =	vst v63  }
0x3f: {  	s18 =	simm.s32 $0x1880  }
0x40: {  	[tilespmem:s18], [sflag:$0x1] =	stream.indirect_vreg.gather [hbm4b:s6+s2], $0x80, v4, vm0, $0xb8;
	[tilespmem:$0x10100] =	vst v63  }
0x41: {  	s19 =	simm.s32 $0x2080  }
0x42: {  	[tilespmem:s19], [sflag:$0x1] =	stream.indirect_vreg.gather [hbm4b:s3+s2], $0x80, v3, vm0, $0xb8;
	[tilespmem:$0x10100] =	vst v63  }
0x43: {  	s23 =	simm.s32 $0x2880  }
0x44: {  	[tilespmem:s23], [sflag:$0x1] =	stream.indirect_vreg.gather [hbm4b:s4+s2], $0x80, v3, vm0, $0xb8;
	[tilespmem:$0x10100] =	vst v63  }
0x45: {  	s24 =	simm.s32 $0x3080  }
0x46: {  	[tilespmem:s24], [sflag:$0x1] =	stream.indirect_vreg.gather [hbm4b:s5+s2], $0x80, v3, vm0, $0xb8;
	[tilespmem:$0x10100] =	vst v63  }
0x47: {  	s26 =	simm.s32 $0x3880  }
0x48: {  	[tilespmem:s26], [sflag:$0x1] =	stream.indirect_vreg.gather [hbm4b:s6+s2], $0x80, v3, vm0, $0xb8;
	[tilespmem:$0x10100] =	vst v63  }
0x49: {  	v3 =	vld [tilespmem:$0x10];
	_ =	sdelay $0x4  }
0x4a: {  	v33 =	vshll.u32 v3, $0x3  }
0x4b: {  	v3 =	vand.u32 $0x7, v3;
	v4 =	vand.u32 $0xFFFFFFC0, v33  }
0x4c: {  	v3 =	vor.u32 v3, v4  }
0x4d: {  	v4 =	vperm.xlane v3, v0;
	_ =	sdelay $0x1  }
0x4e: {  	v4 =	vadd.s32 v1, v4;
	_ =	sdelay $0x3  }
0x4f: {  	s29 =	simm.s32 $0x4080  }
0x50: {  	[tilespmem:s29], [sflag:$0x1] =	stream.indirect_vreg.gather [hbm4b:s3+s2], $0x80, v4, vm0, $0xb8;
	[tilespmem:$0x10100] =	vst v63  }
0x51: {  	s30 =	simm.s32 $0x4880;
	v3 =	vperm.xlane v3, v2  }
0x52: {  	[tilespmem:s30], [sflag:$0x1] =	stream.indirect_vreg.gather [hbm4b:s4+s2], $0x80, v4, vm0, $0xb8;
	[tilespmem:$0x10100] =	vst v63  }
0x53: {  	s31 =	simm.s32 $0x5080;
	v3 =	vadd.s32 v1, v3  }
0x54: {  	[tilespmem:s31], [sflag:$0x1] =	stream.indirect_vreg.gather [hbm4b:s5+s2], $0x80, v4, vm0, $0xb8;
	[tilespmem:$0x10100] =	vst v63  }
0x55: {  	s7 =	simm.s32 $0x5880  }
0x56: {  	[tilespmem:s7], [sflag:$0x1] =	stream.indirect_vreg.gather [hbm4b:s6+s2], $0x80, v4, vm0, $0xb8;
	[tilespmem:$0x10100] =	vst v63  }
0x57: {  	s11 =	simm.s32 $0x6080  }
0x58: {  	[tilespmem:s11], [sflag:$0x1] =	stream.indirect_vreg.gather [hbm4b:s3+s2], $0x80, v3, vm0, $0xb8;
	[tilespmem:$0x10100] =	vst v63  }
0x59: {  	s12 =	simm.s32 $0x6880  }
0x5a: {  	[tilespmem:s12], [sflag:$0x1] =	stream.indirect_vreg.gather [hbm4b:s4+s2], $0x80, v3, vm0, $0xb8;
	[tilespmem:$0x10100] =	vst v63  }
0x5b: {  	s13 =	simm.s32 $0x7080  }
0x5c: {  	[tilespmem:s13], [sflag:$0x1] =	stream.indirect_vreg.gather [hbm4b:s5+s2], $0x80, v3, vm0, $0xb8;
	[tilespmem:$0x10100] =	vst v63  }
0x5d: {  	s14 =	simm.s32 $0x7880  }
0x5e: {  	[tilespmem:s14], [sflag:$0x1] =	stream.indirect_vreg.gather [hbm4b:s6+s2], $0x80, v3, vm0, $0xb8;
	[tilespmem:$0x10100] =	vst v63  }
0x5f: {  	_ =	swait.ge [sflag:s25], $0x8000  }
0x60: {  	[sflag:s25] =	ssyncset.done $0x0  }
0x61: {  	s15 =	rddreg [dreg:$0x3];
	[sflag:s25] =	ssyncadd.s32 $0xFFFF8000  }
0x62: {  	[hbm4b:s15+s2] =	stream.linear.scatter [tilespmem:s9], [sflag:$0x2], $0x8000, $0x38;
	[tilespmem:$0x10100] =	vst v63  }
0x63: {  	s16 =	simm.s32 $0x8080;
	s24 =	rddreg [dreg:$0x4]  }
0x64: {  	[tilespmem:s16], [sflag:$0x5] =	stream.linear.gather [hbm4b:s24+s2], $0x20, $0x38;
	[tilespmem:$0x10100] =	vst v63  }
0x65: {  	_ =	swait.ge [sflag:s8], $0x20  }
0x66: {  	[sflag:s8] =	ssyncset.done $0x0  }
0x67: {  	[sflag:s8] =	ssyncadd.s32 $0xFFFFFFE0  }
0x68: {  	v3 =	vld [tilespmem:$0x8080];
	_ =	sdelay $0x4  }
0x69: {  	v34 =	vshll.u32 v3, $0x3  }
0x6a: {  	v3 =	vand.u32 $0x7, v3;
	v4 =	vand.u32 $0xFFFFFFC0, v34  }
0x6b: {  	v3 =	vor.u32 v3, v4  }
0x6c: {  	v4 =	vperm.xlane v3, v0;
	_ =	sdelay $0x1  }
0x6d: {  	v4 =	vadd.s32 v1, v4;
	_ =	sdelay $0x4  }
0x6e: {  	[tilespmem:s28], [sflag:$0x3] =	stream.indirect_vreg.gather [hbm4b:s3+s2], $0x80, v4, vm0, $0xb8;
	[tilespmem:$0x10100] =	vst v63  }
0x6f: {  	s17 =	simm.s32 $0x8900;
	v3 =	vperm.xlane v3, v2  }
0x70: {  	[tilespmem:s17], [sflag:$0x3] =	stream.indirect_vreg.gather [hbm4b:s4+s2], $0x80, v4, vm0, $0xb8;
	[tilespmem:$0x10100] =	vst v63  }
0x71: {  	s24 =	simm.s32 $0x9100;
	v3 =	vadd.s32 v1, v3  }
0x72: {  	[tilespmem:s24], [sflag:$0x3] =	stream.indirect_vreg.gather [hbm4b:s5+s2], $0x80, v4, vm0, $0xb8;
	[tilespmem:$0x10100] =	vst v63  }
0x73: {  	s29 =	simm.s32 $0x9900  }
0x74: {  	[tilespmem:s29], [sflag:$0x3] =	stream.indirect_vreg.gather [hbm4b:s6+s2], $0x80, v4, vm0, $0xb8;
	[tilespmem:$0x10100] =	vst v63  }
0x75: {  	s30 =	simm.s32 $0xA100  }
0x76: {  	[tilespmem:s30], [sflag:$0x3] =	stream.indirect_vreg.gather [hbm4b:s3+s2], $0x80, v3, vm0, $0xb8;
	[tilespmem:$0x10100] =	vst v63  }
0x77: {  	s31 =	simm.s32 $0xA900  }
0x78: {  	[tilespmem:s31], [sflag:$0x3] =	stream.indirect_vreg.gather [hbm4b:s4+s2], $0x80, v3, vm0, $0xb8;
	[tilespmem:$0x10100] =	vst v63  }
0x79: {  	s0 =	simm.s32 $0xB100  }
0x7a: {  	[tilespmem:s0], [sflag:$0x3] =	stream.indirect_vreg.gather [hbm4b:s5+s2], $0x80, v3, vm0, $0xb8;
	[tilespmem:$0x10100] =	vst v63  }
0x7b: {  	s7 =	simm.s32 $0xB900  }
0x7c: {  	[tilespmem:s7], [sflag:$0x3] =	stream.indirect_vreg.gather [hbm4b:s6+s2], $0x80, v3, vm0, $0xb8;
	[tilespmem:$0x10100] =	vst v63  }
0x7d: {  	v3 =	vld [tilespmem:$0x8090];
	_ =	sdelay $0x4  }
0x7e: {  	v35 =	vshll.u32 v3, $0x3  }
0x7f: {  	v3 =	vand.u32 $0x7, v3;
	v4 =	vand.u32 $0xFFFFFFC0, v35  }
0x80: {  	v3 =	vor.u32 v3, v4  }
0x81: {  	v4 =	vperm.xlane v3, v0;
	_ =	sdelay $0x1  }
0x82: {  	v4 =	vadd.s32 v1, v4;
	_ =	sdelay $0x3  }
0x83: {  	s11 =	simm.s32 $0xC100  }
0x84: {  	[tilespmem:s11], [sflag:$0x3] =	stream.indirect_vreg.gather [hbm4b:s3+s2], $0x80, v4, vm0, $0xb8;
	[tilespmem:$0x10100] =	vst v63  }
0x85: {  	s12 =	simm.s32 $0xC900;
	v3 =	vperm.xlane v3, v2  }
0x86: {  	[tilespmem:s12], [sflag:$0x3] =	stream.indirect_vreg.gather [hbm4b:s4+s2], $0x80, v4, vm0, $0xb8;
	[tilespmem:$0x10100] =	vst v63  }
0x87: {  	s16 =	simm.s32 $0xD100;
	v3 =	vadd.s32 v1, v3  }
0x88: {  	[tilespmem:s16], [sflag:$0x3] =	stream.indirect_vreg.gather [hbm4b:s5+s2], $0x80, v4, vm0, $0xb8;
	[tilespmem:$0x10100] =	vst v63  }
0x89: {  	s17 =	simm.s32 $0xD900  }
0x8a: {  	[tilespmem:s17], [sflag:$0x3] =	stream.indirect_vreg.gather [hbm4b:s6+s2], $0x80, v4, vm0, $0xb8;
	[tilespmem:$0x10100] =	vst v63  }
0x8b: {  	s24 =	simm.s32 $0xE100  }
0x8c: {  	[tilespmem:s24], [sflag:$0x3] =	stream.indirect_vreg.gather [hbm4b:s3+s2], $0x80, v3, vm0, $0xb8;
	[tilespmem:$0x10100] =	vst v63  }
0x8d: {  	s29 =	simm.s32 $0xE900  }
0x8e: {  	[tilespmem:s29], [sflag:$0x3] =	stream.indirect_vreg.gather [hbm4b:s4+s2], $0x80, v3, vm0, $0xb8;
	[tilespmem:$0x10100] =	vst v63  }
0x8f: {  	s30 =	simm.s32 $0xF100  }
0x90: {  	[tilespmem:s30], [sflag:$0x3] =	stream.indirect_vreg.gather [hbm4b:s5+s2], $0x80, v3, vm0, $0xb8;
	[tilespmem:$0x10100] =	vst v63  }
0x91: {  	s31 =	simm.s32 $0xF900  }
0x92: {  	[tilespmem:s31], [sflag:$0x3] =	stream.indirect_vreg.gather [hbm4b:s6+s2], $0x80, v3, vm0, $0xb8;
	[tilespmem:$0x10100] =	vst v63  }
0x93: {  	_ =	swait.ge [sflag:s20], $0x8000  }
0x94: {  	[sflag:s20] =	ssyncset.done $0x0  }
0x95: {  	[sflag:s20] =	ssyncadd.s32 $0xFFFF8000  }
0x96: {  	_ =	swait.ge [sflag:s21], $0x8000  }
0x97: {  	[sflag:s21] =	ssyncset.done $0x0  }
0x98: {  	s0 =	rddreg [dreg:$0x5];
	[sflag:s21] =	ssyncadd.s32 $0xFFFF8000  }
0x99: {  	[hbm4b:s0+s2] =	stream.linear.scatter [tilespmem:s28], [sflag:$0x4], $0x8000, $0x38;
	[tilespmem:$0x10100] =	vst v63  }
0x9a: {  	s7 =	rddreg [dreg:$0x6]  }
0x9b: {  	[tilespmem:s2], [sflag:$0x5] =	stream.linear.gather [hbm4b:s7+s2], $0x20, $0x38;
	[tilespmem:$0x10100] =	vst v63  }
0x9c: {  	_ =	swait.ge [sflag:s8], $0x20  }
0x9d: {  	[sflag:s8] =	ssyncset.done $0x0  }
0x9e: {  	[sflag:s8] =	ssyncadd.s32 $0xFFFFFFE0  }
0x9f: {  	v3 =	vld [tilespmem:$0x0];
	_ =	sdelay $0x4  }
0xa0: {  	v36 =	vshll.u32 v3, $0x3  }
0xa1: {  	v3 =	vand.u32 $0x7, v3;
	v4 =	vand.u32 $0xFFFFFFC0, v36  }
0xa2: {  	v3 =	vor.u32 v3, v4  }
0xa3: {  	v4 =	vperm.xlane v3, v0;
	_ =	sdelay $0x1  }
0xa4: {  	v4 =	vadd.s32 v1, v4;
	_ =	sdelay $0x4  }
0xa5: {  	[tilespmem:s9], [sflag:$0x1] =	stream.indirect_vreg.gather [hbm4b:s3+s2], $0x80, v4, vm0, $0xb8;
	[tilespmem:$0x10100] =	vst v63  }
0xa6: {  	s1 =	simm.s32 $0x880;
	v3 =	vperm.xlane v3, v2  }
0xa7: {  	[tilespmem:s1], [sflag:$0x1] =	stream.indirect_vreg.gather [hbm4b:s4+s2], $0x80, v4, vm0, $0xb8;
	[tilespmem:$0x10100] =	vst v63  }
0xa8: {  	s0 =	simm.s32 $0x1080;
	v3 =	vadd.s32 v1, v3  }
0xa9: {  	[tilespmem:s0], [sflag:$0x1] =	stream.indirect_vreg.gather [hbm4b:s5+s2], $0x80, v4, vm0, $0xb8;
	[tilespmem:$0x10100] =	vst v63  }
0xaa: {  	s1 =	simm.s32 $0x1880  }
0xab: {  	[tilespmem:s1], [sflag:$0x1] =	stream.indirect_vreg.gather [hbm4b:s6+s2], $0x80, v4, vm0, $0xb8;
	[tilespmem:$0x10100] =	vst v63  }
0xac: {  	s7 =	simm.s32 $0x2080  }
0xad: {  	[tilespmem:s7], [sflag:$0x1] =	stream.indirect_vreg.gather [hbm4b:s3+s2], $0x80, v3, vm0, $0xb8;
	[tilespmem:$0x10100] =	vst v63  }
0xae: {  	s16 =	simm.s32 $0x2880  }
0xaf: {  	[tilespmem:s16], [sflag:$0x1] =	stream.indirect_vreg.gather [hbm4b:s4+s2], $0x80, v3, vm0, $0xb8;
	[tilespmem:$0x10100] =	vst v63  }
0xb0: {  	s17 =	simm.s32 $0x3080  }
0xb1: {  	[tilespmem:s17], [sflag:$0x1] =	stream.indirect_vreg.gather [hbm4b:s5+s2], $0x80, v3, vm0, $0xb8;
	[tilespmem:$0x10100] =	vst v63  }
0xb2: {  	s18 =	simm.s32 $0x3880  }
0xb3: {  	[tilespmem:s18], [sflag:$0x1] =	stream.indirect_vreg.gather [hbm4b:s6+s2], $0x80, v3, vm0, $0xb8;
	[tilespmem:$0x10100] =	vst v63  }
0xb4: {  	v3 =	vld [tilespmem:$0x10];
	_ =	sdelay $0x4  }
0xb5: {  	v37 =	vshll.u32 v3, $0x3  }
0xb6: {  	v3 =	vand.u32 $0x7, v3;
	v4 =	vand.u32 $0xFFFFFFC0, v37  }
0xb7: {  	v3 =	vor.u32 v3, v4  }
0xb8: {  	v4 =	vperm.xlane v3, v0;
	_ =	sdelay $0x1  }
0xb9: {  	v4 =	vadd.s32 v1, v4;
	_ =	sdelay $0x3  }
0xba: {  	s19 =	simm.s32 $0x4080  }
0xbb: {  	[tilespmem:s19], [sflag:$0x1] =	stream.indirect_vreg.gather [hbm4b:s3+s2], $0x80, v4, vm0, $0xb8;
	[tilespmem:$0x10100] =	vst v63  }
0xbc: {  	s26 =	simm.s32 $0x4880;
	v3 =	vperm.xlane v3, v2  }
0xbd: {  	[tilespmem:s26], [sflag:$0x1] =	stream.indirect_vreg.gather [hbm4b:s4+s2], $0x80, v4, vm0, $0xb8;
	[tilespmem:$0x10100] =	vst v63  }
0xbe: {  	s18 =	simm.s32 $0x5080;
	v3 =	vadd.s32 v1, v3  }
0xbf: {  	[tilespmem:s18], [sflag:$0x1] =	stream.indirect_vreg.gather [hbm4b:s5+s2], $0x80, v4, vm0, $0xb8;
	[tilespmem:$0x10100] =	vst v63  }
0xc0: {  	s19 =	simm.s32 $0x5880  }
0xc1: {  	[tilespmem:s19], [sflag:$0x1] =	stream.indirect_vreg.gather [hbm4b:s6+s2], $0x80, v4, vm0, $0xb8;
	[tilespmem:$0x10100] =	vst v63  }
0xc2: {  	s26 =	simm.s32 $0x6080  }
0xc3: {  	[tilespmem:s26], [sflag:$0x1] =	stream.indirect_vreg.gather [hbm4b:s3+s2], $0x80, v3, vm0, $0xb8;
	[tilespmem:$0x10100] =	vst v63  }
0xc4: {  	s29 =	simm.s32 $0x6880  }
0xc5: {  	[tilespmem:s29], [sflag:$0x1] =	stream.indirect_vreg.gather [hbm4b:s4+s2], $0x80, v3, vm0, $0xb8;
	[tilespmem:$0x10100] =	vst v63  }
0xc6: {  	s30 =	simm.s32 $0x7080  }
0xc7: {  	[tilespmem:s30], [sflag:$0x1] =	stream.indirect_vreg.gather [hbm4b:s5+s2], $0x80, v3, vm0, $0xb8;
	[tilespmem:$0x10100] =	vst v63  }
0xc8: {  	s31 =	simm.s32 $0x7880  }
0xc9: {  	[tilespmem:s31], [sflag:$0x1] =	stream.indirect_vreg.gather [hbm4b:s6+s2], $0x80, v3, vm0, $0xb8;
	[tilespmem:$0x10100] =	vst v63  }
0xca: {  	_ =	swait.ge [sflag:s22], $0x8000  }
0xcb: {  	[sflag:s22] =	ssyncset.done $0x0  }
0xcc: {  	[sflag:s22] =	ssyncadd.s32 $0xFFFF8000  }
0xcd: {  	_ =	swait.ge [sflag:s25], $0x8000  }
0xce: {  	[sflag:s25] =	ssyncset.done $0x0  }
0xcf: {  	s23 =	rddreg [dreg:$0x7];
	[sflag:s25] =	ssyncadd.s32 $0xFFFF8000  }
0xd0: {  	[hbm4b:s23+s2] =	stream.linear.scatter [tilespmem:s9], [sflag:$0x2], $0x8000, $0x38;
	[tilespmem:$0x10100] =	vst v63  }
0xd1: {  	s13 =	simm.s32 $0x8080;
	s24 =	rddreg [dreg:$0x8]  }
0xd2: {  	[tilespmem:s13], [sflag:$0x5] =	stream.linear.gather [hbm4b:s24+s2], $0x20, $0x38;
	[tilespmem:$0x10100] =	vst v63  }
0xd3: {  	_ =	swait.ge [sflag:s8], $0x20  }
0xd4: {  	[sflag:s8] =	ssyncset.done $0x0  }
0xd5: {  	[sflag:s8] =	ssyncadd.s32 $0xFFFFFFE0  }
0xd6: {  	v3 =	vld [tilespmem:$0x8080];
	_ =	sdelay $0x4  }
0xd7: {  	v38 =	vshll.u32 v3, $0x3  }
0xd8: {  	v3 =	vand.u32 $0x7, v3;
	v4 =	vand.u32 $0xFFFFFFC0, v38  }
0xd9: {  	v3 =	vor.u32 v3, v4  }
0xda: {  	v4 =	vperm.xlane v3, v0;
	_ =	sdelay $0x1  }
0xdb: {  	v4 =	vadd.s32 v1, v4;
	_ =	sdelay $0x4  }
0xdc: {  	[tilespmem:s28], [sflag:$0x3] =	stream.indirect_vreg.gather [hbm4b:s3+s2], $0x80, v4, vm0, $0xb8;
	[tilespmem:$0x10100] =	vst v63  }
0xdd: {  	s14 =	simm.s32 $0x8900;
	v3 =	vperm.xlane v3, v2  }
0xde: {  	[tilespmem:s14], [sflag:$0x3] =	stream.indirect_vreg.gather [hbm4b:s4+s2], $0x80, v4, vm0, $0xb8;
	[tilespmem:$0x10100] =	vst v63  }
0xdf: {  	v3 =	vadd.s32 v1, v3;
	s14 =	simm.s32 $0x9100  }
0xe0: {  	[tilespmem:s14], [sflag:$0x3] =	stream.indirect_vreg.gather [hbm4b:s5+s2], $0x80, v4, vm0, $0xb8;
	[tilespmem:$0x10100] =	vst v63  }
0xe1: {  	s23 =	simm.s32 $0x9900  }
0xe2: {  	[tilespmem:s23], [sflag:$0x3] =	stream.indirect_vreg.gather [hbm4b:s6+s2], $0x80, v4, vm0, $0xb8;
	[tilespmem:$0x10100] =	vst v63  }
0xe3: {  	s24 =	simm.s32 $0xA100  }
0xe4: {  	[tilespmem:s24], [sflag:$0x3] =	stream.indirect_vreg.gather [hbm4b:s3+s2], $0x80, v3, vm0, $0xb8;
	[tilespmem:$0x10100] =	vst v63  }
0xe5: {  	s24 =	simm.s32 $0xA900  }
0xe6: {  	[tilespmem:s24], [sflag:$0x3] =	stream.indirect_vreg.gather [hbm4b:s4+s2], $0x80, v3, vm0, $0xb8;
	[tilespmem:$0x10100] =	vst v63  }
0xe7: {  	s24 =	simm.s32 $0xB100  }
0xe8: {  	[tilespmem:s24], [sflag:$0x3] =	stream.indirect_vreg.gather [hbm4b:s5+s2], $0x80, v3, vm0, $0xb8;
	[tilespmem:$0x10100] =	vst v63  }
0xe9: {  	s15 =	simm.s32 $0xB900  }
0xea: {  	[tilespmem:s15], [sflag:$0x3] =	stream.indirect_vreg.gather [hbm4b:s6+s2], $0x80, v3, vm0, $0xb8;
	[tilespmem:$0x10100] =	vst v63  }
0xeb: {  	v3 =	vld [tilespmem:$0x8090];
	_ =	sdelay $0x4  }
0xec: {  	v39 =	vshll.u32 v3, $0x3  }
0xed: {  	v3 =	vand.u32 $0x7, v3;
	v4 =	vand.u32 $0xFFFFFFC0, v39  }
0xee: {  	v3 =	vor.u32 v3, v4  }
0xef: {  	v4 =	vperm.xlane v3, v0;
	_ =	sdelay $0x1  }
0xf0: {  	v4 =	vadd.s32 v1, v4;
	_ =	sdelay $0x3  }
0xf1: {  	s24 =	simm.s32 $0xC100  }
0xf2: {  	[tilespmem:s24], [sflag:$0x3] =	stream.indirect_vreg.gather [hbm4b:s3+s2], $0x80, v4, vm0, $0xb8;
	[tilespmem:$0x10100] =	vst v63  }
0xf3: {  	s11 =	simm.s32 $0xC900;
	v3 =	vperm.xlane v3, v2  }
0xf4: {  	[tilespmem:s11], [sflag:$0x3] =	stream.indirect_vreg.gather [hbm4b:s4+s2], $0x80, v4, vm0, $0xb8;
	[tilespmem:$0x10100] =	vst v63  }
0xf5: {  	s15 =	simm.s32 $0xD100;
	v3 =	vadd.s32 v1, v3  }
0xf6: {  	[tilespmem:s15], [sflag:$0x3] =	stream.indirect_vreg.gather [hbm4b:s5+s2], $0x80, v4, vm0, $0xb8;
	[tilespmem:$0x10100] =	vst v63  }
0xf7: {  	s23 =	simm.s32 $0xD900  }
0xf8: {  	[tilespmem:s23], [sflag:$0x3] =	stream.indirect_vreg.gather [hbm4b:s6+s2], $0x80, v4, vm0, $0xb8;
	[tilespmem:$0x10100] =	vst v63  }
0xf9: {  	s24 =	simm.s32 $0xE100  }
0xfa: {  	[tilespmem:s24], [sflag:$0x3] =	stream.indirect_vreg.gather [hbm4b:s3+s2], $0x80, v3, vm0, $0xb8;
	[tilespmem:$0x10100] =	vst v63  }
0xfb: {  	s24 =	simm.s32 $0xE900  }
0xfc: {  	[tilespmem:s24], [sflag:$0x3] =	stream.indirect_vreg.gather [hbm4b:s4+s2], $0x80, v3, vm0, $0xb8;
	[tilespmem:$0x10100] =	vst v63  }
0xfd: {  	s24 =	simm.s32 $0xF100  }
0xfe: {  	[tilespmem:s24], [sflag:$0x3] =	stream.indirect_vreg.gather [hbm4b:s5+s2], $0x80, v3, vm0, $0xb8;
	[tilespmem:$0x10100] =	vst v63  }
0xff: {  	s12 =	simm.s32 $0xF900  }
0x100: {  	[tilespmem:s12], [sflag:$0x3] =	stream.indirect_vreg.gather [hbm4b:s6+s2], $0x80, v3, vm0, $0xb8;
	[tilespmem:$0x10100] =	vst v63  }
0x101: {  	_ =	swait.ge [sflag:s20], $0x8000  }
0x102: {  	[sflag:s20] =	ssyncset.done $0x0  }
0x103: {  	[sflag:s20] =	ssyncadd.s32 $0xFFFF8000  }
0x104: {  	_ =	swait.ge [sflag:s21], $0x8000  }
0x105: {  	[sflag:s21] =	ssyncset.done $0x0  }
0x106: {  	s23 =	rddreg [dreg:$0x9];
	[sflag:s21] =	ssyncadd.s32 $0xFFFF8000  }
0x107: {  	[hbm4b:s23+s2] =	stream.linear.scatter [tilespmem:s28], [sflag:$0x4], $0x8000, $0x38;
	[tilespmem:$0x10100] =	vst v63  }
0x108: {  	s24 =	rddreg [dreg:$0xa]  }
0x109: {  	[tilespmem:s2], [sflag:$0x5] =	stream.linear.gather [hbm4b:s24+s2], $0x20, $0x38;
	[tilespmem:$0x10100] =	vst v63  }
0x10a: {  	_ =	swait.ge [sflag:s8], $0x20  }
0x10b: {  	[sflag:s8] =	ssyncset.done $0x0  }
0x10c: {  	[sflag:s8] =	ssyncadd.s32 $0xFFFFFFE0  }
0x10d: {  	v3 =	vld [tilespmem:$0x0];
	_ =	sdelay $0x4  }
0x10e: {  	v40 =	vshll.u32 v3, $0x3  }
0x10f: {  	v3 =	vand.u32 $0x7, v3;
	v4 =	vand.u32 $0xFFFFFFC0, v40  }
0x110: {  	v3 =	vor.u32 v3, v4  }
0x111: {  	v4 =	vperm.xlane v3, v0;
	_ =	sdelay $0x1  }
0x112: {  	v4 =	vadd.s32 v1, v4;
	_ =	sdelay $0x4  }
0x113: {  	[tilespmem:s9], [sflag:$0x1] =	stream.indirect_vreg.gather [hbm4b:s3+s2], $0x80, v4, vm0, $0xb8;
	[tilespmem:$0x10100] =	vst v63  }
0x114: {  	s24 =	simm.s32 $0x880;
	v3 =	vperm.xlane v3, v2  }
0x115: {  	[tilespmem:s24], [sflag:$0x1] =	stream.indirect_vreg.gather [hbm4b:s4+s2], $0x80, v4, vm0, $0xb8;
	[tilespmem:$0x10100] =	vst v63  }
0x116: {  	v3 =	vadd.s32 v1, v3  }
0x117: {  	[tilespmem:s0], [sflag:$0x1] =	stream.indirect_vreg.gather [hbm4b:s5+s2], $0x80, v4, vm0, $0xb8;
	[tilespmem:$0x10100] =	vst v63  }
0x118: {  	_ = 	snop  }
0x119: {  	[tilespmem:s1], [sflag:$0x1] =	stream.indirect_vreg.gather [hbm4b:s6+s2], $0x80, v4, vm0, $0xb8;
	[tilespmem:$0x10100] =	vst v63  }
0x11a: {  	_ = 	snop  }
0x11b: {  	[tilespmem:s7], [sflag:$0x1] =	stream.indirect_vreg.gather [hbm4b:s3+s2], $0x80, v3, vm0, $0xb8;
	[tilespmem:$0x10100] =	vst v63  }
0x11c: {  	_ = 	snop  }
0x11d: {  	[tilespmem:s16], [sflag:$0x1] =	stream.indirect_vreg.gather [hbm4b:s4+s2], $0x80, v3, vm0, $0xb8;
	[tilespmem:$0x10100] =	vst v63  }
0x11e: {  	_ = 	snop  }
0x11f: {  	[tilespmem:s17], [sflag:$0x1] =	stream.indirect_vreg.gather [hbm4b:s5+s2], $0x80, v3, vm0, $0xb8;
	[tilespmem:$0x10100] =	vst v63  }
0x120: {  	s24 =	simm.s32 $0x3880  }
0x121: {  	[tilespmem:s24], [sflag:$0x1] =	stream.indirect_vreg.gather [hbm4b:s6+s2], $0x80, v3, vm0, $0xb8;
	[tilespmem:$0x10100] =	vst v63  }
0x122: {  	v3 =	vld [tilespmem:$0x10];
	_ =	sdelay $0x4  }
0x123: {  	v41 =	vshll.u32 v3, $0x3  }
0x124: {  	v3 =	vand.u32 $0x7, v3;
	v4 =	vand.u32 $0xFFFFFFC0, v41  }
0x125: {  	v3 =	vor.u32 v3, v4  }
0x126: {  	v4 =	vperm.xlane v3, v0;
	_ =	sdelay $0x1  }
0x127: {  	v4 =	vadd.s32 v1, v4;
	_ =	sdelay $0x3  }
0x128: {  	s24 =	simm.s32 $0x4080  }
0x129: {  	[tilespmem:s24], [sflag:$0x1] =	stream.indirect_vreg.gather [hbm4b:s3+s2], $0x80, v4, vm0, $0xb8;
	[tilespmem:$0x10100] =	vst v63  }
0x12a: {  	v3 =	vperm.xlane v3, v2;
	s24 =	simm.s32 $0x4880  }
0x12b: {  	[tilespmem:s24], [sflag:$0x1] =	stream.indirect_vreg.gather [hbm4b:s4+s2], $0x80, v4, vm0, $0xb8;
	[tilespmem:$0x10100] =	vst v63  }
0x12c: {  	v3 =	vadd.s32 v1, v3  }
0x12d: {  	[tilespmem:s18], [sflag:$0x1] =	stream.indirect_vreg.gather [hbm4b:s5+s2], $0x80, v4, vm0, $0xb8;
	[tilespmem:$0x10100] =	vst v63  }
0x12e: {  	_ = 	snop  }
0x12f: {  	[tilespmem:s19], [sflag:$0x1] =	stream.indirect_vreg.gather [hbm4b:s6+s2], $0x80, v4, vm0, $0xb8;
	[tilespmem:$0x10100] =	vst v63  }
0x130: {  	_ = 	snop  }
0x131: {  	[tilespmem:s26], [sflag:$0x1] =	stream.indirect_vreg.gather [hbm4b:s3+s2], $0x80, v3, vm0, $0xb8;
	[tilespmem:$0x10100] =	vst v63  }
0x132: {  	_ = 	snop  }
0x133: {  	[tilespmem:s29], [sflag:$0x1] =	stream.indirect_vreg.gather [hbm4b:s4+s2], $0x80, v3, vm0, $0xb8;
	[tilespmem:$0x10100] =	vst v63  }
0x134: {  	_ = 	snop  }
0x135: {  	[tilespmem:s30], [sflag:$0x1] =	stream.indirect_vreg.gather [hbm4b:s5+s2], $0x80, v3, vm0, $0xb8;
	[tilespmem:$0x10100] =	vst v63  }
0x136: {  	_ = 	snop  }
0x137: {  	[tilespmem:s31], [sflag:$0x1] =	stream.indirect_vreg.gather [hbm4b:s6+s2], $0x80, v3, vm0, $0xb8;
	[tilespmem:$0x10100] =	vst v63  }
0x138: {  	_ =	swait.ge [sflag:s22], $0x8000  }
0x139: {  	[sflag:s22] =	ssyncset.done $0x0  }
0x13a: {  	[sflag:s22] =	ssyncadd.s32 $0xFFFF8000  }
0x13b: {  	_ =	swait.ge [sflag:s25], $0x8000  }
0x13c: {  	[sflag:s25] =	ssyncset.done $0x0  }
0x13d: {  	s23 =	rddreg [dreg:$0xb];
	[sflag:s25] =	ssyncadd.s32 $0xFFFF8000  }
0x13e: {  	[hbm4b:s23+s2] =	stream.linear.scatter [tilespmem:s9], [sflag:$0x2], $0x8000, $0x38;
	[tilespmem:$0x10100] =	vst v63  }
0x13f: {  	s24 =	rddreg [dreg:$0xc];
	s23 =	simm.s32 $0x8080  }
0x140: {  	[tilespmem:s23], [sflag:$0x5] =	stream.linear.gather [hbm4b:s24+s2], $0x20, $0x38;
	[tilespmem:$0x10100] =	vst v63  }
0x141: {  	_ =	swait.ge [sflag:s8], $0x20  }
0x142: {  	[sflag:s8] =	ssyncset.done $0x0  }
0x143: {  	[sflag:s8] =	ssyncadd.s32 $0xFFFFFFE0  }
0x144: {  	v3 =	vld [tilespmem:$0x8080];
	_ =	sdelay $0x4  }
0x145: {  	v42 =	vshll.u32 v3, $0x3  }
0x146: {  	v3 =	vand.u32 $0x7, v3;
	v4 =	vand.u32 $0xFFFFFFC0, v42  }
0x147: {  	v3 =	vor.u32 v3, v4  }
0x148: {  	v4 =	vperm.xlane v3, v0;
	_ =	sdelay $0x1  }
0x149: {  	v4 =	vadd.s32 v1, v4;
	_ =	sdelay $0x4  }
0x14a: {  	[tilespmem:s28], [sflag:$0x3] =	stream.indirect_vreg.gather [hbm4b:s3+s2], $0x80, v4, vm0, $0xb8;
	[tilespmem:$0x10100] =	vst v63  }
0x14b: {  	s24 =	simm.s32 $0x8900;
	v3 =	vperm.xlane v3, v2  }
0x14c: {  	[tilespmem:s24], [sflag:$0x3] =	stream.indirect_vreg.gather [hbm4b:s4+s2], $0x80, v4, vm0, $0xb8;
	[tilespmem:$0x10100] =	vst v63  }
0x14d: {  	s13 =	simm.s32 $0x9100;
	v3 =	vadd.s32 v1, v3  }
0x14e: {  	[tilespmem:s13], [sflag:$0x3] =	stream.indirect_vreg.gather [hbm4b:s5+s2], $0x80, v4, vm0, $0xb8;
	[tilespmem:$0x10100] =	vst v63  }
0x14f: {  	s14 =	simm.s32 $0x9900  }
0x150: {  	[tilespmem:s14], [sflag:$0x3] =	stream.indirect_vreg.gather [hbm4b:s6+s2], $0x80, v4, vm0, $0xb8;
	[tilespmem:$0x10100] =	vst v63  }
0x151: {  	s24 =	simm.s32 $0xA100  }
0x152: {  	[tilespmem:s24], [sflag:$0x3] =	stream.indirect_vreg.gather [hbm4b:s3+s2], $0x80, v3, vm0, $0xb8;
	[tilespmem:$0x10100] =	vst v63  }
0x153: {  	s24 =	simm.s32 $0xA900  }
0x154: {  	[tilespmem:s24], [sflag:$0x3] =	stream.indirect_vreg.gather [hbm4b:s4+s2], $0x80, v3, vm0, $0xb8;
	[tilespmem:$0x10100] =	vst v63  }
0x155: {  	s24 =	simm.s32 $0xB100  }
0x156: {  	[tilespmem:s24], [sflag:$0x3] =	stream.indirect_vreg.gather [hbm4b:s5+s2], $0x80, v3, vm0, $0xb8;
	[tilespmem:$0x10100] =	vst v63  }
0x157: {  	s24 =	simm.s32 $0xB900  }
0x158: {  	[tilespmem:s24], [sflag:$0x3] =	stream.indirect_vreg.gather [hbm4b:s6+s2], $0x80, v3, vm0, $0xb8;
	[tilespmem:$0x10100] =	vst v63  }
0x159: {  	v3 =	vld [tilespmem:$0x8090];
	_ =	sdelay $0x4  }
0x15a: {  	v43 =	vshll.u32 v3, $0x3  }
0x15b: {  	v3 =	vand.u32 $0x7, v3;
	v4 =	vand.u32 $0xFFFFFFC0, v43  }
0x15c: {  	v3 =	vor.u32 v3, v4  }
0x15d: {  	v4 =	vperm.xlane v3, v0;
	_ =	sdelay $0x1  }
0x15e: {  	v4 =	vadd.s32 v1, v4;
	_ =	sdelay $0x3  }
0x15f: {  	s24 =	simm.s32 $0xC100  }
0x160: {  	[tilespmem:s24], [sflag:$0x3] =	stream.indirect_vreg.gather [hbm4b:s3+s2], $0x80, v4, vm0, $0xb8;
	[tilespmem:$0x10100] =	vst v63  }
0x161: {  	v3 =	vperm.xlane v3, v2;
	s24 =	simm.s32 $0xC900  }
0x162: {  	[tilespmem:s24], [sflag:$0x3] =	stream.indirect_vreg.gather [hbm4b:s4+s2], $0x80, v4, vm0, $0xb8;
	[tilespmem:$0x10100] =	vst v63  }
0x163: {  	s11 =	simm.s32 $0xD100;
	v3 =	vadd.s32 v1, v3  }
0x164: {  	[tilespmem:s11], [sflag:$0x3] =	stream.indirect_vreg.gather [hbm4b:s5+s2], $0x80, v4, vm0, $0xb8;
	[tilespmem:$0x10100] =	vst v63  }
0x165: {  	s15 =	simm.s32 $0xD900  }
0x166: {  	[tilespmem:s15], [sflag:$0x3] =	stream.indirect_vreg.gather [hbm4b:s6+s2], $0x80, v4, vm0, $0xb8;
	[tilespmem:$0x10100] =	vst v63  }
0x167: {  	s24 =	simm.s32 $0xE100  }
0x168: {  	[tilespmem:s24], [sflag:$0x3] =	stream.indirect_vreg.gather [hbm4b:s3+s2], $0x80, v3, vm0, $0xb8;
	[tilespmem:$0x10100] =	vst v63  }
0x169: {  	s24 =	simm.s32 $0xE900  }
0x16a: {  	[tilespmem:s24], [sflag:$0x3] =	stream.indirect_vreg.gather [hbm4b:s4+s2], $0x80, v3, vm0, $0xb8;
	[tilespmem:$0x10100] =	vst v63  }
0x16b: {  	s24 =	simm.s32 $0xF100  }
0x16c: {  	[tilespmem:s24], [sflag:$0x3] =	stream.indirect_vreg.gather [hbm4b:s5+s2], $0x80, v3, vm0, $0xb8;
	[tilespmem:$0x10100] =	vst v63  }
0x16d: {  	s12 =	simm.s32 $0xF900  }
0x16e: {  	[tilespmem:s12], [sflag:$0x3] =	stream.indirect_vreg.gather [hbm4b:s6+s2], $0x80, v3, vm0, $0xb8;
	[tilespmem:$0x10100] =	vst v63  }
0x16f: {  	_ =	swait.ge [sflag:s20], $0x8000  }
0x170: {  	[sflag:s20] =	ssyncset.done $0x0  }
0x171: {  	[sflag:s20] =	ssyncadd.s32 $0xFFFF8000  }
0x172: {  	_ =	swait.ge [sflag:s21], $0x8000  }
0x173: {  	[sflag:s21] =	ssyncset.done $0x0  }
0x174: {  	s23 =	rddreg [dreg:$0xd];
	[sflag:s21] =	ssyncadd.s32 $0xFFFF8000  }
0x175: {  	[hbm4b:s23+s2] =	stream.linear.scatter [tilespmem:s28], [sflag:$0x4], $0x8000, $0x38;
	[tilespmem:$0x10100] =	vst v63  }
0x176: {  	s24 =	rddreg [dreg:$0xe]  }
0x177: {  	[tilespmem:s2], [sflag:$0x5] =	stream.linear.gather [hbm4b:s24+s2], $0x20, $0x38;
	[tilespmem:$0x10100] =	vst v63  }
0x178: {  	_ =	swait.ge [sflag:s8], $0x20  }
0x179: {  	[sflag:s8] =	ssyncset.done $0x0  }
0x17a: {  	[sflag:s8] =	ssyncadd.s32 $0xFFFFFFE0  }
0x17b: {  	v3 =	vld [tilespmem:$0x0];
	_ =	sdelay $0x4  }
0x17c: {  	v44 =	vshll.u32 v3, $0x3  }
0x17d: {  	v3 =	vand.u32 $0x7, v3;
	v4 =	vand.u32 $0xFFFFFFC0, v44  }
0x17e: {  	v3 =	vor.u32 v3, v4  }
0x17f: {  	v4 =	vperm.xlane v3, v0;
	_ =	sdelay $0x1  }
0x180: {  	v4 =	vadd.s32 v1, v4;
	_ =	sdelay $0x4  }
0x181: {  	[tilespmem:s9], [sflag:$0x1] =	stream.indirect_vreg.gather [hbm4b:s3+s2], $0x80, v4, vm0, $0xb8;
	[tilespmem:$0x10100] =	vst v63  }
0x182: {  	s24 =	simm.s32 $0x880;
	v3 =	vperm.xlane v3, v2  }
0x183: {  	[tilespmem:s24], [sflag:$0x1] =	stream.indirect_vreg.gather [hbm4b:s4+s2], $0x80, v4, vm0, $0xb8;
	[tilespmem:$0x10100] =	vst v63  }
0x184: {  	s0 =	simm.s32 $0x1080;
	v3 =	vadd.s32 v1, v3  }
0x185: {  	[tilespmem:s0], [sflag:$0x1] =	stream.indirect_vreg.gather [hbm4b:s5+s2], $0x80, v4, vm0, $0xb8;
	[tilespmem:$0x10100] =	vst v63  }
0x186: {  	s1 =	simm.s32 $0x1880  }
0x187: {  	[tilespmem:s1], [sflag:$0x1] =	stream.indirect_vreg.gather [hbm4b:s6+s2], $0x80, v4, vm0, $0xb8;
	[tilespmem:$0x10100] =	vst v63  }
0x188: {  	s7 =	simm.s32 $0x2080  }
0x189: {  	[tilespmem:s7], [sflag:$0x1] =	stream.indirect_vreg.gather [hbm4b:s3+s2], $0x80, v3, vm0, $0xb8;
	[tilespmem:$0x10100] =	vst v63  }
0x18a: {  	s16 =	simm.s32 $0x2880  }
0x18b: {  	[tilespmem:s16], [sflag:$0x1] =	stream.indirect_vreg.gather [hbm4b:s4+s2], $0x80, v3, vm0, $0xb8;
	[tilespmem:$0x10100] =	vst v63  }
0x18c: {  	s17 =	simm.s32 $0x3080  }
0x18d: {  	[tilespmem:s17], [sflag:$0x1] =	stream.indirect_vreg.gather [hbm4b:s5+s2], $0x80, v3, vm0, $0xb8;
	[tilespmem:$0x10100] =	vst v63  }
0x18e: {  	s24 =	simm.s32 $0x3880  }
0x18f: {  	[tilespmem:s24], [sflag:$0x1] =	stream.indirect_vreg.gather [hbm4b:s6+s2], $0x80, v3, vm0, $0xb8;
	[tilespmem:$0x10100] =	vst v63  }
0x190: {  	v3 =	vld [tilespmem:$0x10];
	_ =	sdelay $0x4  }
0x191: {  	v45 =	vshll.u32 v3, $0x3  }
0x192: {  	v3 =	vand.u32 $0x7, v3;
	v4 =	vand.u32 $0xFFFFFFC0, v45  }
0x193: {  	v3 =	vor.u32 v3, v4  }
0x194: {  	v4 =	vperm.xlane v3, v0;
	_ =	sdelay $0x1  }
0x195: {  	v4 =	vadd.s32 v1, v4;
	_ =	sdelay $0x3  }
0x196: {  	s24 =	simm.s32 $0x4080  }
0x197: {  	[tilespmem:s24], [sflag:$0x1] =	stream.indirect_vreg.gather [hbm4b:s3+s2], $0x80, v4, vm0, $0xb8;
	[tilespmem:$0x10100] =	vst v63  }
0x198: {  	v3 =	vperm.xlane v3, v2;
	s24 =	simm.s32 $0x4880  }
0x199: {  	[tilespmem:s24], [sflag:$0x1] =	stream.indirect_vreg.gather [hbm4b:s4+s2], $0x80, v4, vm0, $0xb8;
	[tilespmem:$0x10100] =	vst v63  }
0x19a: {  	s18 =	simm.s32 $0x5080;
	v3 =	vadd.s32 v1, v3  }
0x19b: {  	[tilespmem:s18], [sflag:$0x1] =	stream.indirect_vreg.gather [hbm4b:s5+s2], $0x80, v4, vm0, $0xb8;
	[tilespmem:$0x10100] =	vst v63  }
0x19c: {  	s19 =	simm.s32 $0x5880  }
0x19d: {  	[tilespmem:s19], [sflag:$0x1] =	stream.indirect_vreg.gather [hbm4b:s6+s2], $0x80, v4, vm0, $0xb8;
	[tilespmem:$0x10100] =	vst v63  }
0x19e: {  	s26 =	simm.s32 $0x6080  }
0x19f: {  	[tilespmem:s26], [sflag:$0x1] =	stream.indirect_vreg.gather [hbm4b:s3+s2], $0x80, v3, vm0, $0xb8;
	[tilespmem:$0x10100] =	vst v63  }
0x1a0: {  	s29 =	simm.s32 $0x6880  }
0x1a1: {  	[tilespmem:s29], [sflag:$0x1] =	stream.indirect_vreg.gather [hbm4b:s4+s2], $0x80, v3, vm0, $0xb8;
	[tilespmem:$0x10100] =	vst v63  }
0x1a2: {  	s30 =	simm.s32 $0x7080  }
0x1a3: {  	[tilespmem:s30], [sflag:$0x1] =	stream.indirect_vreg.gather [hbm4b:s5+s2], $0x80, v3, vm0, $0xb8;
	[tilespmem:$0x10100] =	vst v63  }
0x1a4: {  	s31 =	simm.s32 $0x7880  }
0x1a5: {  	[tilespmem:s31], [sflag:$0x1] =	stream.indirect_vreg.gather [hbm4b:s6+s2], $0x80, v3, vm0, $0xb8;
	[tilespmem:$0x10100] =	vst v63  }
0x1a6: {  	_ =	swait.ge [sflag:s22], $0x8000  }
0x1a7: {  	[sflag:s22] =	ssyncset.done $0x0  }
0x1a8: {  	[sflag:s22] =	ssyncadd.s32 $0xFFFF8000  }
0x1a9: {  	_ =	swait.ge [sflag:s25], $0x8000  }
0x1aa: {  	[sflag:s25] =	ssyncset.done $0x0  }
0x1ab: {  	s23 =	rddreg [dreg:$0xf];
	[sflag:s25] =	ssyncadd.s32 $0xFFFF8000  }
0x1ac: {  	[hbm4b:s23+s2] =	stream.linear.scatter [tilespmem:s9], [sflag:$0x2], $0x8000, $0x38;
	[tilespmem:$0x10100] =	vst v63  }
0x1ad: {  	s24 =	rddreg [dreg:$0x10];
	s23 =	simm.s32 $0x8080  }
0x1ae: {  	[tilespmem:s23], [sflag:$0x5] =	stream.linear.gather [hbm4b:s24+s2], $0x20, $0x38;
	[tilespmem:$0x10100] =	vst v63  }
0x1af: {  	_ =	swait.ge [sflag:s8], $0x20  }
0x1b0: {  	[sflag:s8] =	ssyncset.done $0x0  }
0x1b1: {  	[sflag:s8] =	ssyncadd.s32 $0xFFFFFFE0  }
0x1b2: {  	v3 =	vld [tilespmem:$0x8080];
	_ =	sdelay $0x4  }
0x1b3: {  	v46 =	vshll.u32 v3, $0x3  }
0x1b4: {  	v3 =	vand.u32 $0x7, v3;
	v4 =	vand.u32 $0xFFFFFFC0, v46  }
0x1b5: {  	v3 =	vor.u32 v3, v4  }
0x1b6: {  	v4 =	vperm.xlane v3, v0;
	_ =	sdelay $0x1  }
0x1b7: {  	v4 =	vadd.s32 v1, v4;
	_ =	sdelay $0x4  }
0x1b8: {  	[tilespmem:s28], [sflag:$0x3] =	stream.indirect_vreg.gather [hbm4b:s3+s2], $0x80, v4, vm0, $0xb8;
	[tilespmem:$0x10100] =	vst v63  }
0x1b9: {  	s24 =	simm.s32 $0x8900;
	v3 =	vperm.xlane v3, v2  }
0x1ba: {  	[tilespmem:s24], [sflag:$0x3] =	stream.indirect_vreg.gather [hbm4b:s4+s2], $0x80, v4, vm0, $0xb8;
	[tilespmem:$0x10100] =	vst v63  }
0x1bb: {  	s13 =	simm.s32 $0x9100;
	v3 =	vadd.s32 v1, v3  }
0x1bc: {  	[tilespmem:s13], [sflag:$0x3] =	stream.indirect_vreg.gather [hbm4b:s5+s2], $0x80, v4, vm0, $0xb8;
	[tilespmem:$0x10100] =	vst v63  }
0x1bd: {  	s14 =	simm.s32 $0x9900  }
0x1be: {  	[tilespmem:s14], [sflag:$0x3] =	stream.indirect_vreg.gather [hbm4b:s6+s2], $0x80, v4, vm0, $0xb8;
	[tilespmem:$0x10100] =	vst v63  }
0x1bf: {  	s24 =	simm.s32 $0xA100  }
0x1c0: {  	[tilespmem:s24], [sflag:$0x3] =	stream.indirect_vreg.gather [hbm4b:s3+s2], $0x80, v3, vm0, $0xb8;
	[tilespmem:$0x10100] =	vst v63  }
0x1c1: {  	s24 =	simm.s32 $0xA900  }
0x1c2: {  	[tilespmem:s24], [sflag:$0x3] =	stream.indirect_vreg.gather [hbm4b:s4+s2], $0x80, v3, vm0, $0xb8;
	[tilespmem:$0x10100] =	vst v63  }
0x1c3: {  	s24 =	simm.s32 $0xB100  }
0x1c4: {  	[tilespmem:s24], [sflag:$0x3] =	stream.indirect_vreg.gather [hbm4b:s5+s2], $0x80, v3, vm0, $0xb8;
	[tilespmem:$0x10100] =	vst v63  }
0x1c5: {  	s24 =	simm.s32 $0xB900  }
0x1c6: {  	[tilespmem:s24], [sflag:$0x3] =	stream.indirect_vreg.gather [hbm4b:s6+s2], $0x80, v3, vm0, $0xb8;
	[tilespmem:$0x10100] =	vst v63  }
0x1c7: {  	v3 =	vld [tilespmem:$0x8090];
	_ =	sdelay $0x4  }
0x1c8: {  	v47 =	vshll.u32 v3, $0x3  }
0x1c9: {  	v3 =	vand.u32 $0x7, v3;
	v4 =	vand.u32 $0xFFFFFFC0, v47  }
0x1ca: {  	v3 =	vor.u32 v3, v4  }
0x1cb: {  	v4 =	vperm.xlane v3, v0;
	_ =	sdelay $0x1  }
0x1cc: {  	v4 =	vadd.s32 v1, v4;
	_ =	sdelay $0x3  }
0x1cd: {  	s24 =	simm.s32 $0xC100  }
0x1ce: {  	[tilespmem:s24], [sflag:$0x3] =	stream.indirect_vreg.gather [hbm4b:s3+s2], $0x80, v4, vm0, $0xb8;
	[tilespmem:$0x10100] =	vst v63  }
0x1cf: {  	v3 =	vperm.xlane v3, v2;
	s24 =	simm.s32 $0xC900  }
0x1d0: {  	[tilespmem:s24], [sflag:$0x3] =	stream.indirect_vreg.gather [hbm4b:s4+s2], $0x80, v4, vm0, $0xb8;
	[tilespmem:$0x10100] =	vst v63  }
0x1d1: {  	s11 =	simm.s32 $0xD100;
	v3 =	vadd.s32 v1, v3  }
0x1d2: {  	[tilespmem:s11], [sflag:$0x3] =	stream.indirect_vreg.gather [hbm4b:s5+s2], $0x80, v4, vm0, $0xb8;
	[tilespmem:$0x10100] =	vst v63  }
0x1d3: {  	s15 =	simm.s32 $0xD900  }
0x1d4: {  	[tilespmem:s15], [sflag:$0x3] =	stream.indirect_vreg.gather [hbm4b:s6+s2], $0x80, v4, vm0, $0xb8;
	[tilespmem:$0x10100] =	vst v63  }
0x1d5: {  	s24 =	simm.s32 $0xE100  }
0x1d6: {  	[tilespmem:s24], [sflag:$0x3] =	stream.indirect_vreg.gather [hbm4b:s3+s2], $0x80, v3, vm0, $0xb8;
	[tilespmem:$0x10100] =	vst v63  }
0x1d7: {  	s24 =	simm.s32 $0xE900  }
0x1d8: {  	[tilespmem:s24], [sflag:$0x3] =	stream.indirect_vreg.gather [hbm4b:s4+s2], $0x80, v3, vm0, $0xb8;
	[tilespmem:$0x10100] =	vst v63  }
0x1d9: {  	s24 =	simm.s32 $0xF100  }
0x1da: {  	[tilespmem:s24], [sflag:$0x3] =	stream.indirect_vreg.gather [hbm4b:s5+s2], $0x80, v3, vm0, $0xb8;
	[tilespmem:$0x10100] =	vst v63  }
0x1db: {  	s12 =	simm.s32 $0xF900  }
0x1dc: {  	[tilespmem:s12], [sflag:$0x3] =	stream.indirect_vreg.gather [hbm4b:s6+s2], $0x80, v3, vm0, $0xb8;
	[tilespmem:$0x10100] =	vst v63  }
0x1dd: {  	_ =	swait.ge [sflag:s20], $0x8000  }
0x1de: {  	[sflag:s20] =	ssyncset.done $0x0  }
0x1df: {  	[sflag:s20] =	ssyncadd.s32 $0xFFFF8000  }
0x1e0: {  	_ =	swait.ge [sflag:s21], $0x8000  }
0x1e1: {  	[sflag:s21] =	ssyncset.done $0x0  }
0x1e2: {  	s23 =	rddreg [dreg:$0x11];
	[sflag:s21] =	ssyncadd.s32 $0xFFFF8000  }
0x1e3: {  	[hbm4b:s23+s2] =	stream.linear.scatter [tilespmem:s28], [sflag:$0x4], $0x8000, $0x38;
	[tilespmem:$0x10100] =	vst v63  }
0x1e4: {  	s24 =	rddreg [dreg:$0x12]  }
0x1e5: {  	[tilespmem:s2], [sflag:$0x5] =	stream.linear.gather [hbm4b:s24+s2], $0x20, $0x38;
	[tilespmem:$0x10100] =	vst v63  }
0x1e6: {  	_ =	swait.ge [sflag:s8], $0x20  }
0x1e7: {  	[sflag:s8] =	ssyncset.done $0x0  }
0x1e8: {  	[sflag:s8] =	ssyncadd.s32 $0xFFFFFFE0  }
0x1e9: {  	v3 =	vld [tilespmem:$0x0];
	_ =	sdelay $0x4  }
0x1ea: {  	v48 =	vshll.u32 v3, $0x3  }
0x1eb: {  	v3 =	vand.u32 $0x7, v3;
	v4 =	vand.u32 $0xFFFFFFC0, v48  }
0x1ec: {  	v3 =	vor.u32 v3, v4  }
0x1ed: {  	v4 =	vperm.xlane v3, v0;
	_ =	sdelay $0x1  }
0x1ee: {  	v4 =	vadd.s32 v1, v4;
	_ =	sdelay $0x4  }
0x1ef: {  	[tilespmem:s9], [sflag:$0x1] =	stream.indirect_vreg.gather [hbm4b:s3+s2], $0x80, v4, vm0, $0xb8;
	[tilespmem:$0x10100] =	vst v63  }
0x1f0: {  	s24 =	simm.s32 $0x880;
	v3 =	vperm.xlane v3, v2  }
0x1f1: {  	[tilespmem:s24], [sflag:$0x1] =	stream.indirect_vreg.gather [hbm4b:s4+s2], $0x80, v4, vm0, $0xb8;
	[tilespmem:$0x10100] =	vst v63  }
0x1f2: {  	s0 =	simm.s32 $0x1080;
	v3 =	vadd.s32 v1, v3  }
0x1f3: {  	[tilespmem:s0], [sflag:$0x1] =	stream.indirect_vreg.gather [hbm4b:s5+s2], $0x80, v4, vm0, $0xb8;
	[tilespmem:$0x10100] =	vst v63  }
0x1f4: {  	s1 =	simm.s32 $0x1880  }
0x1f5: {  	[tilespmem:s1], [sflag:$0x1] =	stream.indirect_vreg.gather [hbm4b:s6+s2], $0x80, v4, vm0, $0xb8;
	[tilespmem:$0x10100] =	vst v63  }
0x1f6: {  	s7 =	simm.s32 $0x2080  }
0x1f7: {  	[tilespmem:s7], [sflag:$0x1] =	stream.indirect_vreg.gather [hbm4b:s3+s2], $0x80, v3, vm0, $0xb8;
	[tilespmem:$0x10100] =	vst v63  }
0x1f8: {  	s16 =	simm.s32 $0x2880  }
0x1f9: {  	[tilespmem:s16], [sflag:$0x1] =	stream.indirect_vreg.gather [hbm4b:s4+s2], $0x80, v3, vm0, $0xb8;
	[tilespmem:$0x10100] =	vst v63  }
0x1fa: {  	s17 =	simm.s32 $0x3080  }
0x1fb: {  	[tilespmem:s17], [sflag:$0x1] =	stream.indirect_vreg.gather [hbm4b:s5+s2], $0x80, v3, vm0, $0xb8;
	[tilespmem:$0x10100] =	vst v63  }
0x1fc: {  	s24 =	simm.s32 $0x3880  }
0x1fd: {  	[tilespmem:s24], [sflag:$0x1] =	stream.indirect_vreg.gather [hbm4b:s6+s2], $0x80, v3, vm0, $0xb8;
	[tilespmem:$0x10100] =	vst v63  }
0x1fe: {  	v3 =	vld [tilespmem:$0x10];
	_ =	sdelay $0x4  }
0x1ff: {  	v49 =	vshll.u32 v3, $0x3  }
0x200: {  	v3 =	vand.u32 $0x7, v3;
	v4 =	vand.u32 $0xFFFFFFC0, v49  }
0x201: {  	v3 =	vor.u32 v3, v4  }
0x202: {  	v4 =	vperm.xlane v3, v0;
	_ =	sdelay $0x1  }
0x203: {  	v4 =	vadd.s32 v1, v4;
	_ =	sdelay $0x3  }
0x204: {  	s24 =	simm.s32 $0x4080  }
0x205: {  	[tilespmem:s24], [sflag:$0x1] =	stream.indirect_vreg.gather [hbm4b:s3+s2], $0x80, v4, vm0, $0xb8;
	[tilespmem:$0x10100] =	vst v63  }
0x206: {  	v3 =	vperm.xlane v3, v2;
	s24 =	simm.s32 $0x4880  }
0x207: {  	[tilespmem:s24], [sflag:$0x1] =	stream.indirect_vreg.gather [hbm4b:s4+s2], $0x80, v4, vm0, $0xb8;
	[tilespmem:$0x10100] =	vst v63  }
0x208: {  	s18 =	simm.s32 $0x5080;
	v3 =	vadd.s32 v1, v3  }
0x209: {  	[tilespmem:s18], [sflag:$0x1] =	stream.indirect_vreg.gather [hbm4b:s5+s2], $0x80, v4, vm0, $0xb8;
	[tilespmem:$0x10100] =	vst v63  }
0x20a: {  	s19 =	simm.s32 $0x5880  }
0x20b: {  	[tilespmem:s19], [sflag:$0x1] =	stream.indirect_vreg.gather [hbm4b:s6+s2], $0x80, v4, vm0, $0xb8;
	[tilespmem:$0x10100] =	vst v63  }
0x20c: {  	s26 =	simm.s32 $0x6080  }
0x20d: {  	[tilespmem:s26], [sflag:$0x1] =	stream.indirect_vreg.gather [hbm4b:s3+s2], $0x80, v3, vm0, $0xb8;
	[tilespmem:$0x10100] =	vst v63  }
0x20e: {  	s29 =	simm.s32 $0x6880  }
0x20f: {  	[tilespmem:s29], [sflag:$0x1] =	stream.indirect_vreg.gather [hbm4b:s4+s2], $0x80, v3, vm0, $0xb8;
	[tilespmem:$0x10100] =	vst v63  }
0x210: {  	s30 =	simm.s32 $0x7080  }
0x211: {  	[tilespmem:s30], [sflag:$0x1] =	stream.indirect_vreg.gather [hbm4b:s5+s2], $0x80, v3, vm0, $0xb8;
	[tilespmem:$0x10100] =	vst v63  }
0x212: {  	s31 =	simm.s32 $0x7880  }
0x213: {  	[tilespmem:s31], [sflag:$0x1] =	stream.indirect_vreg.gather [hbm4b:s6+s2], $0x80, v3, vm0, $0xb8;
	[tilespmem:$0x10100] =	vst v63  }
0x214: {  	_ =	swait.ge [sflag:s22], $0x8000  }
0x215: {  	[sflag:s22] =	ssyncset.done $0x0  }
0x216: {  	[sflag:s22] =	ssyncadd.s32 $0xFFFF8000  }
0x217: {  	_ =	swait.ge [sflag:s25], $0x8000  }
0x218: {  	[sflag:s25] =	ssyncset.done $0x0  }
0x219: {  	s23 =	rddreg [dreg:$0x13];
	[sflag:s25] =	ssyncadd.s32 $0xFFFF8000  }
0x21a: {  	[hbm4b:s23+s2] =	stream.linear.scatter [tilespmem:s9], [sflag:$0x2], $0x8000, $0x38;
	[tilespmem:$0x10100] =	vst v63  }
0x21b: {  	s24 =	rddreg [dreg:$0x14];
	s23 =	simm.s32 $0x8080  }
0x21c: {  	[tilespmem:s23], [sflag:$0x5] =	stream.linear.gather [hbm4b:s24+s2], $0x20, $0x38;
	[tilespmem:$0x10100] =	vst v63  }
0x21d: {  	_ =	swait.ge [sflag:s8], $0x20  }
0x21e: {  	[sflag:s8] =	ssyncset.done $0x0  }
0x21f: {  	[sflag:s8] =	ssyncadd.s32 $0xFFFFFFE0  }
0x220: {  	v3 =	vld [tilespmem:$0x8080];
	_ =	sdelay $0x4  }
0x221: {  	v50 =	vshll.u32 v3, $0x3  }
0x222: {  	v3 =	vand.u32 $0x7, v3;
	v4 =	vand.u32 $0xFFFFFFC0, v50  }
0x223: {  	v3 =	vor.u32 v3, v4  }
0x224: {  	v4 =	vperm.xlane v3, v0;
	_ =	sdelay $0x1  }
0x225: {  	v4 =	vadd.s32 v1, v4;
	_ =	sdelay $0x4  }
0x226: {  	[tilespmem:s28], [sflag:$0x3] =	stream.indirect_vreg.gather [hbm4b:s3+s2], $0x80, v4, vm0, $0xb8;
	[tilespmem:$0x10100] =	vst v63  }
0x227: {  	s24 =	simm.s32 $0x8900;
	v3 =	vperm.xlane v3, v2  }
0x228: {  	[tilespmem:s24], [sflag:$0x3] =	stream.indirect_vreg.gather [hbm4b:s4+s2], $0x80, v4, vm0, $0xb8;
	[tilespmem:$0x10100] =	vst v63  }
0x229: {  	s13 =	simm.s32 $0x9100;
	v3 =	vadd.s32 v1, v3  }
0x22a: {  	[tilespmem:s13], [sflag:$0x3] =	stream.indirect_vreg.gather [hbm4b:s5+s2], $0x80, v4, vm0, $0xb8;
	[tilespmem:$0x10100] =	vst v63  }
0x22b: {  	s14 =	simm.s32 $0x9900  }
0x22c: {  	[tilespmem:s14], [sflag:$0x3] =	stream.indirect_vreg.gather [hbm4b:s6+s2], $0x80, v4, vm0, $0xb8;
	[tilespmem:$0x10100] =	vst v63  }
0x22d: {  	s24 =	simm.s32 $0xA100  }
0x22e: {  	[tilespmem:s24], [sflag:$0x3] =	stream.indirect_vreg.gather [hbm4b:s3+s2], $0x80, v3, vm0, $0xb8;
	[tilespmem:$0x10100] =	vst v63  }
0x22f: {  	s24 =	simm.s32 $0xA900  }
0x230: {  	[tilespmem:s24], [sflag:$0x3] =	stream.indirect_vreg.gather [hbm4b:s4+s2], $0x80, v3, vm0, $0xb8;
	[tilespmem:$0x10100] =	vst v63  }
0x231: {  	s24 =	simm.s32 $0xB100  }
0x232: {  	[tilespmem:s24], [sflag:$0x3] =	stream.indirect_vreg.gather [hbm4b:s5+s2], $0x80, v3, vm0, $0xb8;
	[tilespmem:$0x10100] =	vst v63  }
0x233: {  	s24 =	simm.s32 $0xB900  }
0x234: {  	[tilespmem:s24], [sflag:$0x3] =	stream.indirect_vreg.gather [hbm4b:s6+s2], $0x80, v3, vm0, $0xb8;
	[tilespmem:$0x10100] =	vst v63  }
0x235: {  	v3 =	vld [tilespmem:$0x8090];
	_ =	sdelay $0x4  }
0x236: {  	v51 =	vshll.u32 v3, $0x3  }
0x237: {  	v3 =	vand.u32 $0x7, v3;
	v4 =	vand.u32 $0xFFFFFFC0, v51  }
0x238: {  	v3 =	vor.u32 v3, v4  }
0x239: {  	v4 =	vperm.xlane v3, v0;
	_ =	sdelay $0x1  }
0x23a: {  	v4 =	vadd.s32 v1, v4;
	_ =	sdelay $0x3  }
0x23b: {  	s24 =	simm.s32 $0xC100  }
0x23c: {  	[tilespmem:s24], [sflag:$0x3] =	stream.indirect_vreg.gather [hbm4b:s3+s2], $0x80, v4, vm0, $0xb8;
	[tilespmem:$0x10100] =	vst v63  }
0x23d: {  	v3 =	vperm.xlane v3, v2;
	s24 =	simm.s32 $0xC900  }
0x23e: {  	[tilespmem:s24], [sflag:$0x3] =	stream.indirect_vreg.gather [hbm4b:s4+s2], $0x80, v4, vm0, $0xb8;
	[tilespmem:$0x10100] =	vst v63  }
0x23f: {  	s11 =	simm.s32 $0xD100;
	v3 =	vadd.s32 v1, v3  }
0x240: {  	[tilespmem:s11], [sflag:$0x3] =	stream.indirect_vreg.gather [hbm4b:s5+s2], $0x80, v4, vm0, $0xb8;
	[tilespmem:$0x10100] =	vst v63  }
0x241: {  	s15 =	simm.s32 $0xD900  }
0x242: {  	[tilespmem:s15], [sflag:$0x3] =	stream.indirect_vreg.gather [hbm4b:s6+s2], $0x80, v4, vm0, $0xb8;
	[tilespmem:$0x10100] =	vst v63  }
0x243: {  	s24 =	simm.s32 $0xE100  }
0x244: {  	[tilespmem:s24], [sflag:$0x3] =	stream.indirect_vreg.gather [hbm4b:s3+s2], $0x80, v3, vm0, $0xb8;
	[tilespmem:$0x10100] =	vst v63  }
0x245: {  	s24 =	simm.s32 $0xE900  }
0x246: {  	[tilespmem:s24], [sflag:$0x3] =	stream.indirect_vreg.gather [hbm4b:s4+s2], $0x80, v3, vm0, $0xb8;
	[tilespmem:$0x10100] =	vst v63  }
0x247: {  	s24 =	simm.s32 $0xF100  }
0x248: {  	[tilespmem:s24], [sflag:$0x3] =	stream.indirect_vreg.gather [hbm4b:s5+s2], $0x80, v3, vm0, $0xb8;
	[tilespmem:$0x10100] =	vst v63  }
0x249: {  	s12 =	simm.s32 $0xF900  }
0x24a: {  	[tilespmem:s12], [sflag:$0x3] =	stream.indirect_vreg.gather [hbm4b:s6+s2], $0x80, v3, vm0, $0xb8;
	[tilespmem:$0x10100] =	vst v63  }
0x24b: {  	_ =	swait.ge [sflag:s20], $0x8000  }
0x24c: {  	[sflag:s20] =	ssyncset.done $0x0  }
0x24d: {  	[sflag:s20] =	ssyncadd.s32 $0xFFFF8000  }
0x24e: {  	_ =	swait.ge [sflag:s21], $0x8000  }
0x24f: {  	[sflag:s21] =	ssyncset.done $0x0  }
0x250: {  	s23 =	rddreg [dreg:$0x15];
	[sflag:s21] =	ssyncadd.s32 $0xFFFF8000  }
0x251: {  	[hbm4b:s23+s2] =	stream.linear.scatter [tilespmem:s28], [sflag:$0x4], $0x8000, $0x38;
	[tilespmem:$0x10100] =	vst v63  }
0x252: {  	s24 =	rddreg [dreg:$0x16]  }
0x253: {  	[tilespmem:s2], [sflag:$0x5] =	stream.linear.gather [hbm4b:s24+s2], $0x20, $0x38;
	[tilespmem:$0x10100] =	vst v63  }
0x254: {  	_ =	swait.ge [sflag:s8], $0x20  }
0x255: {  	[sflag:s8] =	ssyncset.done $0x0  }
0x256: {  	[sflag:s8] =	ssyncadd.s32 $0xFFFFFFE0  }
0x257: {  	v3 =	vld [tilespmem:$0x0];
	_ =	sdelay $0x4  }
0x258: {  	v52 =	vshll.u32 v3, $0x3  }
0x259: {  	v3 =	vand.u32 $0x7, v3;
	v4 =	vand.u32 $0xFFFFFFC0, v52  }
0x25a: {  	v3 =	vor.u32 v3, v4  }
0x25b: {  	v4 =	vperm.xlane v3, v0;
	_ =	sdelay $0x1  }
0x25c: {  	v4 =	vadd.s32 v1, v4;
	_ =	sdelay $0x4  }
0x25d: {  	[tilespmem:s9], [sflag:$0x1] =	stream.indirect_vreg.gather [hbm4b:s3+s2], $0x80, v4, vm0, $0xb8;
	[tilespmem:$0x10100] =	vst v63  }
0x25e: {  	s24 =	simm.s32 $0x880;
	v3 =	vperm.xlane v3, v2  }
0x25f: {  	[tilespmem:s24], [sflag:$0x1] =	stream.indirect_vreg.gather [hbm4b:s4+s2], $0x80, v4, vm0, $0xb8;
	[tilespmem:$0x10100] =	vst v63  }
0x260: {  	s0 =	simm.s32 $0x1080;
	v3 =	vadd.s32 v1, v3  }
0x261: {  	[tilespmem:s0], [sflag:$0x1] =	stream.indirect_vreg.gather [hbm4b:s5+s2], $0x80, v4, vm0, $0xb8;
	[tilespmem:$0x10100] =	vst v63  }
0x262: {  	s1 =	simm.s32 $0x1880  }
0x263: {  	[tilespmem:s1], [sflag:$0x1] =	stream.indirect_vreg.gather [hbm4b:s6+s2], $0x80, v4, vm0, $0xb8;
	[tilespmem:$0x10100] =	vst v63  }
0x264: {  	s7 =	simm.s32 $0x2080  }
0x265: {  	[tilespmem:s7], [sflag:$0x1] =	stream.indirect_vreg.gather [hbm4b:s3+s2], $0x80, v3, vm0, $0xb8;
	[tilespmem:$0x10100] =	vst v63  }
0x266: {  	s16 =	simm.s32 $0x2880  }
0x267: {  	[tilespmem:s16], [sflag:$0x1] =	stream.indirect_vreg.gather [hbm4b:s4+s2], $0x80, v3, vm0, $0xb8;
	[tilespmem:$0x10100] =	vst v63  }
0x268: {  	s17 =	simm.s32 $0x3080  }
0x269: {  	[tilespmem:s17], [sflag:$0x1] =	stream.indirect_vreg.gather [hbm4b:s5+s2], $0x80, v3, vm0, $0xb8;
	[tilespmem:$0x10100] =	vst v63  }
0x26a: {  	s24 =	simm.s32 $0x3880  }
0x26b: {  	[tilespmem:s24], [sflag:$0x1] =	stream.indirect_vreg.gather [hbm4b:s6+s2], $0x80, v3, vm0, $0xb8;
	[tilespmem:$0x10100] =	vst v63  }
0x26c: {  	v3 =	vld [tilespmem:$0x10];
	_ =	sdelay $0x4  }
0x26d: {  	v53 =	vshll.u32 v3, $0x3  }
0x26e: {  	v3 =	vand.u32 $0x7, v3;
	v4 =	vand.u32 $0xFFFFFFC0, v53  }
0x26f: {  	v3 =	vor.u32 v3, v4  }
0x270: {  	v4 =	vperm.xlane v3, v0;
	_ =	sdelay $0x1  }
0x271: {  	v4 =	vadd.s32 v1, v4;
	_ =	sdelay $0x3  }
0x272: {  	s24 =	simm.s32 $0x4080  }
0x273: {  	[tilespmem:s24], [sflag:$0x1] =	stream.indirect_vreg.gather [hbm4b:s3+s2], $0x80, v4, vm0, $0xb8;
	[tilespmem:$0x10100] =	vst v63  }
0x274: {  	v3 =	vperm.xlane v3, v2;
	s24 =	simm.s32 $0x4880  }
0x275: {  	[tilespmem:s24], [sflag:$0x1] =	stream.indirect_vreg.gather [hbm4b:s4+s2], $0x80, v4, vm0, $0xb8;
	[tilespmem:$0x10100] =	vst v63  }
0x276: {  	s18 =	simm.s32 $0x5080;
	v3 =	vadd.s32 v1, v3  }
0x277: {  	[tilespmem:s18], [sflag:$0x1] =	stream.indirect_vreg.gather [hbm4b:s5+s2], $0x80, v4, vm0, $0xb8;
	[tilespmem:$0x10100] =	vst v63  }
0x278: {  	s19 =	simm.s32 $0x5880  }
0x279: {  	[tilespmem:s19], [sflag:$0x1] =	stream.indirect_vreg.gather [hbm4b:s6+s2], $0x80, v4, vm0, $0xb8;
	[tilespmem:$0x10100] =	vst v63  }
0x27a: {  	s26 =	simm.s32 $0x6080  }
0x27b: {  	[tilespmem:s26], [sflag:$0x1] =	stream.indirect_vreg.gather [hbm4b:s3+s2], $0x80, v3, vm0, $0xb8;
	[tilespmem:$0x10100] =	vst v63  }
0x27c: {  	s29 =	simm.s32 $0x6880  }
0x27d: {  	[tilespmem:s29], [sflag:$0x1] =	stream.indirect_vreg.gather [hbm4b:s4+s2], $0x80, v3, vm0, $0xb8;
	[tilespmem:$0x10100] =	vst v63  }
0x27e: {  	s30 =	simm.s32 $0x7080  }
0x27f: {  	[tilespmem:s30], [sflag:$0x1] =	stream.indirect_vreg.gather [hbm4b:s5+s2], $0x80, v3, vm0, $0xb8;
	[tilespmem:$0x10100] =	vst v63  }
0x280: {  	s31 =	simm.s32 $0x7880  }
0x281: {  	[tilespmem:s31], [sflag:$0x1] =	stream.indirect_vreg.gather [hbm4b:s6+s2], $0x80, v3, vm0, $0xb8;
	[tilespmem:$0x10100] =	vst v63  }
0x282: {  	_ =	swait.ge [sflag:s22], $0x8000  }
0x283: {  	[sflag:s22] =	ssyncset.done $0x0  }
0x284: {  	[sflag:s22] =	ssyncadd.s32 $0xFFFF8000  }
0x285: {  	_ =	swait.ge [sflag:s25], $0x8000  }
0x286: {  	[sflag:s25] =	ssyncset.done $0x0  }
0x287: {  	s23 =	rddreg [dreg:$0x17];
	[sflag:s25] =	ssyncadd.s32 $0xFFFF8000  }
0x288: {  	[hbm4b:s23+s2] =	stream.linear.scatter [tilespmem:s9], [sflag:$0x2], $0x8000, $0x38;
	[tilespmem:$0x10100] =	vst v63  }
0x289: {  	s24 =	rddreg [dreg:$0x18];
	s23 =	simm.s32 $0x8080  }
0x28a: {  	[tilespmem:s23], [sflag:$0x5] =	stream.linear.gather [hbm4b:s24+s2], $0x20, $0x38;
	[tilespmem:$0x10100] =	vst v63  }
0x28b: {  	_ =	swait.ge [sflag:s8], $0x20  }
0x28c: {  	[sflag:s8] =	ssyncset.done $0x0  }
0x28d: {  	[sflag:s8] =	ssyncadd.s32 $0xFFFFFFE0  }
0x28e: {  	v3 =	vld [tilespmem:$0x8080];
	_ =	sdelay $0x4  }
0x28f: {  	v54 =	vshll.u32 v3, $0x3  }
0x290: {  	v3 =	vand.u32 $0x7, v3;
	v4 =	vand.u32 $0xFFFFFFC0, v54  }
0x291: {  	v3 =	vor.u32 v3, v4  }
0x292: {  	v4 =	vperm.xlane v3, v0;
	_ =	sdelay $0x1  }
0x293: {  	v4 =	vadd.s32 v1, v4;
	_ =	sdelay $0x4  }
0x294: {  	[tilespmem:s28], [sflag:$0x3] =	stream.indirect_vreg.gather [hbm4b:s3+s2], $0x80, v4, vm0, $0xb8;
	[tilespmem:$0x10100] =	vst v63  }
0x295: {  	s24 =	simm.s32 $0x8900;
	v3 =	vperm.xlane v3, v2  }
0x296: {  	[tilespmem:s24], [sflag:$0x3] =	stream.indirect_vreg.gather [hbm4b:s4+s2], $0x80, v4, vm0, $0xb8;
	[tilespmem:$0x10100] =	vst v63  }
0x297: {  	s13 =	simm.s32 $0x9100;
	v3 =	vadd.s32 v1, v3  }
0x298: {  	[tilespmem:s13], [sflag:$0x3] =	stream.indirect_vreg.gather [hbm4b:s5+s2], $0x80, v4, vm0, $0xb8;
	[tilespmem:$0x10100] =	vst v63  }
0x299: {  	s14 =	simm.s32 $0x9900  }
0x29a: {  	[tilespmem:s14], [sflag:$0x3] =	stream.indirect_vreg.gather [hbm4b:s6+s2], $0x80, v4, vm0, $0xb8;
	[tilespmem:$0x10100] =	vst v63  }
0x29b: {  	s24 =	simm.s32 $0xA100  }
0x29c: {  	[tilespmem:s24], [sflag:$0x3] =	stream.indirect_vreg.gather [hbm4b:s3+s2], $0x80, v3, vm0, $0xb8;
	[tilespmem:$0x10100] =	vst v63  }
0x29d: {  	s24 =	simm.s32 $0xA900  }
0x29e: {  	[tilespmem:s24], [sflag:$0x3] =	stream.indirect_vreg.gather [hbm4b:s4+s2], $0x80, v3, vm0, $0xb8;
	[tilespmem:$0x10100] =	vst v63  }
0x29f: {  	s24 =	simm.s32 $0xB100  }
0x2a0: {  	[tilespmem:s24], [sflag:$0x3] =	stream.indirect_vreg.gather [hbm4b:s5+s2], $0x80, v3, vm0, $0xb8;
	[tilespmem:$0x10100] =	vst v63  }
0x2a1: {  	s24 =	simm.s32 $0xB900  }
0x2a2: {  	[tilespmem:s24], [sflag:$0x3] =	stream.indirect_vreg.gather [hbm4b:s6+s2], $0x80, v3, vm0, $0xb8;
	[tilespmem:$0x10100] =	vst v63  }
0x2a3: {  	v3 =	vld [tilespmem:$0x8090];
	_ =	sdelay $0x4  }
0x2a4: {  	v55 =	vshll.u32 v3, $0x3  }
0x2a5: {  	v3 =	vand.u32 $0x7, v3;
	v4 =	vand.u32 $0xFFFFFFC0, v55  }
0x2a6: {  	v3 =	vor.u32 v3, v4  }
0x2a7: {  	v4 =	vperm.xlane v3, v0;
	_ =	sdelay $0x1  }
0x2a8: {  	v4 =	vadd.s32 v1, v4;
	_ =	sdelay $0x3  }
0x2a9: {  	s24 =	simm.s32 $0xC100  }
0x2aa: {  	[tilespmem:s24], [sflag:$0x3] =	stream.indirect_vreg.gather [hbm4b:s3+s2], $0x80, v4, vm0, $0xb8;
	[tilespmem:$0x10100] =	vst v63  }
0x2ab: {  	v3 =	vperm.xlane v3, v2;
	s24 =	simm.s32 $0xC900  }
0x2ac: {  	[tilespmem:s24], [sflag:$0x3] =	stream.indirect_vreg.gather [hbm4b:s4+s2], $0x80, v4, vm0, $0xb8;
	[tilespmem:$0x10100] =	vst v63  }
0x2ad: {  	s11 =	simm.s32 $0xD100;
	v3 =	vadd.s32 v1, v3  }
0x2ae: {  	[tilespmem:s11], [sflag:$0x3] =	stream.indirect_vreg.gather [hbm4b:s5+s2], $0x80, v4, vm0, $0xb8;
	[tilespmem:$0x10100] =	vst v63  }
0x2af: {  	s15 =	simm.s32 $0xD900  }
0x2b0: {  	[tilespmem:s15], [sflag:$0x3] =	stream.indirect_vreg.gather [hbm4b:s6+s2], $0x80, v4, vm0, $0xb8;
	[tilespmem:$0x10100] =	vst v63  }
0x2b1: {  	s15 =	simm.s32 $0xE100  }
0x2b2: {  	[tilespmem:s15], [sflag:$0x3] =	stream.indirect_vreg.gather [hbm4b:s3+s2], $0x80, v3, vm0, $0xb8;
	[tilespmem:$0x10100] =	vst v63  }
0x2b3: {  	s23 =	simm.s32 $0xE900  }
0x2b4: {  	[tilespmem:s23], [sflag:$0x3] =	stream.indirect_vreg.gather [hbm4b:s4+s2], $0x80, v3, vm0, $0xb8;
	[tilespmem:$0x10100] =	vst v63  }
0x2b5: {  	s24 =	simm.s32 $0xF100  }
0x2b6: {  	[tilespmem:s24], [sflag:$0x3] =	stream.indirect_vreg.gather [hbm4b:s5+s2], $0x80, v3, vm0, $0xb8;
	[tilespmem:$0x10100] =	vst v63  }
0x2b7: {  	s12 =	simm.s32 $0xF900  }
0x2b8: {  	[tilespmem:s12], [sflag:$0x3] =	stream.indirect_vreg.gather [hbm4b:s6+s2], $0x80, v3, vm0, $0xb8;
	[tilespmem:$0x10100] =	vst v63  }
0x2b9: {  	_ =	swait.ge [sflag:s20], $0x8000  }
0x2ba: {  	[sflag:s20] =	ssyncset.done $0x0  }
0x2bb: {  	[sflag:s20] =	ssyncadd.s32 $0xFFFF8000  }
0x2bc: {  	_ =	swait.ge [sflag:s21], $0x8000  }
0x2bd: {  	[sflag:s21] =	ssyncset.done $0x0  }
0x2be: {  	s11 =	rddreg [dreg:$0x19];
	[sflag:s21] =	ssyncadd.s32 $0xFFFF8000  }
0x2bf: {  	[hbm4b:s11+s2] =	stream.linear.scatter [tilespmem:s28], [sflag:$0x4], $0x8000, $0x38;
	[tilespmem:$0x10100] =	vst v63  }
0x2c0: {  	s12 =	rddreg [dreg:$0x1a]  }
0x2c1: {  	[tilespmem:s2], [sflag:$0x5] =	stream.linear.gather [hbm4b:s12+s2], $0x20, $0x38;
	[tilespmem:$0x10100] =	vst v63  }
0x2c2: {  	_ =	swait.ge [sflag:s8], $0x20  }
0x2c3: {  	[sflag:s8] =	ssyncset.done $0x0  }
0x2c4: {  	[sflag:s8] =	ssyncadd.s32 $0xFFFFFFE0  }
0x2c5: {  	v3 =	vld [tilespmem:$0x0];
	_ =	sdelay $0x4  }
0x2c6: {  	v56 =	vshll.u32 v3, $0x3  }
0x2c7: {  	v3 =	vand.u32 $0x7, v3;
	v4 =	vand.u32 $0xFFFFFFC0, v56  }
0x2c8: {  	v3 =	vor.u32 v3, v4  }
0x2c9: {  	v4 =	vperm.xlane v3, v0;
	_ =	sdelay $0x1  }
0x2ca: {  	v4 =	vadd.s32 v1, v4;
	_ =	sdelay $0x4  }
0x2cb: {  	[tilespmem:s9], [sflag:$0x1] =	stream.indirect_vreg.gather [hbm4b:s3+s2], $0x80, v4, vm0, $0xb8;
	[tilespmem:$0x10100] =	vst v63  }
0x2cc: {  	s15 =	simm.s32 $0x880;
	v3 =	vperm.xlane v3, v2  }
0x2cd: {  	[tilespmem:s15], [sflag:$0x1] =	stream.indirect_vreg.gather [hbm4b:s4+s2], $0x80, v4, vm0, $0xb8;
	[tilespmem:$0x10100] =	vst v63  }
0x2ce: {  	s0 =	simm.s32 $0x1080;
	v3 =	vadd.s32 v1, v3  }
0x2cf: {  	[tilespmem:s0], [sflag:$0x1] =	stream.indirect_vreg.gather [hbm4b:s5+s2], $0x80, v4, vm0, $0xb8;
	[tilespmem:$0x10100] =	vst v63  }
0x2d0: {  	s1 =	simm.s32 $0x1880  }
0x2d1: {  	[tilespmem:s1], [sflag:$0x1] =	stream.indirect_vreg.gather [hbm4b:s6+s2], $0x80, v4, vm0, $0xb8;
	[tilespmem:$0x10100] =	vst v63  }
0x2d2: {  	s7 =	simm.s32 $0x2080  }
0x2d3: {  	[tilespmem:s7], [sflag:$0x1] =	stream.indirect_vreg.gather [hbm4b:s3+s2], $0x80, v3, vm0, $0xb8;
	[tilespmem:$0x10100] =	vst v63  }
0x2d4: {  	s16 =	simm.s32 $0x2880  }
0x2d5: {  	[tilespmem:s16], [sflag:$0x1] =	stream.indirect_vreg.gather [hbm4b:s4+s2], $0x80, v3, vm0, $0xb8;
	[tilespmem:$0x10100] =	vst v63  }
0x2d6: {  	s17 =	simm.s32 $0x3080  }
0x2d7: {  	[tilespmem:s17], [sflag:$0x1] =	stream.indirect_vreg.gather [hbm4b:s5+s2], $0x80, v3, vm0, $0xb8;
	[tilespmem:$0x10100] =	vst v63  }
0x2d8: {  	s17 =	simm.s32 $0x3880  }
0x2d9: {  	[tilespmem:s17], [sflag:$0x1] =	stream.indirect_vreg.gather [hbm4b:s6+s2], $0x80, v3, vm0, $0xb8;
	[tilespmem:$0x10100] =	vst v63  }
0x2da: {  	v3 =	vld [tilespmem:$0x10];
	_ =	sdelay $0x4  }
0x2db: {  	v57 =	vshll.u32 v3, $0x3  }
0x2dc: {  	v3 =	vand.u32 $0x7, v3;
	v4 =	vand.u32 $0xFFFFFFC0, v57  }
0x2dd: {  	v3 =	vor.u32 v3, v4  }
0x2de: {  	v4 =	vperm.xlane v3, v0;
	_ =	sdelay $0x1  }
0x2df: {  	v4 =	vadd.s32 v1, v4;
	_ =	sdelay $0x3  }
0x2e0: {  	s23 =	simm.s32 $0x4080  }
0x2e1: {  	[tilespmem:s23], [sflag:$0x1] =	stream.indirect_vreg.gather [hbm4b:s3+s2], $0x80, v4, vm0, $0xb8;
	[tilespmem:$0x10100] =	vst v63  }
0x2e2: {  	s24 =	simm.s32 $0x4880;
	v3 =	vperm.xlane v3, v2  }
0x2e3: {  	[tilespmem:s24], [sflag:$0x1] =	stream.indirect_vreg.gather [hbm4b:s4+s2], $0x80, v4, vm0, $0xb8;
	[tilespmem:$0x10100] =	vst v63  }
0x2e4: {  	s18 =	simm.s32 $0x5080;
	v3 =	vadd.s32 v1, v3  }
0x2e5: {  	[tilespmem:s18], [sflag:$0x1] =	stream.indirect_vreg.gather [hbm4b:s5+s2], $0x80, v4, vm0, $0xb8;
	[tilespmem:$0x10100] =	vst v63  }
0x2e6: {  	s19 =	simm.s32 $0x5880  }
0x2e7: {  	[tilespmem:s19], [sflag:$0x1] =	stream.indirect_vreg.gather [hbm4b:s6+s2], $0x80, v4, vm0, $0xb8;
	[tilespmem:$0x10100] =	vst v63  }
0x2e8: {  	s26 =	simm.s32 $0x6080  }
0x2e9: {  	[tilespmem:s26], [sflag:$0x1] =	stream.indirect_vreg.gather [hbm4b:s3+s2], $0x80, v3, vm0, $0xb8;
	[tilespmem:$0x10100] =	vst v63  }
0x2ea: {  	s29 =	simm.s32 $0x6880  }
0x2eb: {  	[tilespmem:s29], [sflag:$0x1] =	stream.indirect_vreg.gather [hbm4b:s4+s2], $0x80, v3, vm0, $0xb8;
	[tilespmem:$0x10100] =	vst v63  }
0x2ec: {  	s30 =	simm.s32 $0x7080  }
0x2ed: {  	[tilespmem:s30], [sflag:$0x1] =	stream.indirect_vreg.gather [hbm4b:s5+s2], $0x80, v3, vm0, $0xb8;
	[tilespmem:$0x10100] =	vst v63  }
0x2ee: {  	s31 =	simm.s32 $0x7880  }
0x2ef: {  	[tilespmem:s31], [sflag:$0x1] =	stream.indirect_vreg.gather [hbm4b:s6+s2], $0x80, v3, vm0, $0xb8;
	[tilespmem:$0x10100] =	vst v63  }
0x2f0: {  	_ =	swait.ge [sflag:s22], $0x8000  }
0x2f1: {  	[sflag:s22] =	ssyncset.done $0x0  }
0x2f2: {  	[sflag:s22] =	ssyncadd.s32 $0xFFFF8000  }
0x2f3: {  	_ =	swait.ge [sflag:s25], $0x8000  }
0x2f4: {  	[sflag:s25] =	ssyncset.done $0x0  }
0x2f5: {  	s11 =	rddreg [dreg:$0x1b];
	[sflag:s25] =	ssyncadd.s32 $0xFFFF8000  }
0x2f6: {  	[hbm4b:s11+s2] =	stream.linear.scatter [tilespmem:s9], [sflag:$0x2], $0x8000, $0x38;
	[tilespmem:$0x10100] =	vst v63  }
0x2f7: {  	s23 =	simm.s32 $0x8080;
	s15 =	rddreg [dreg:$0x1c]  }
0x2f8: {  	[tilespmem:s23], [sflag:$0x5] =	stream.linear.gather [hbm4b:s15+s2], $0x20, $0x38;
	[tilespmem:$0x10100] =	vst v63  }
0x2f9: {  	_ =	swait.ge [sflag:s8], $0x20  }
0x2fa: {  	[sflag:s8] =	ssyncset.done $0x0  }
0x2fb: {  	[sflag:s8] =	ssyncadd.s32 $0xFFFFFFE0  }
0x2fc: {  	v3 =	vld [tilespmem:$0x8080];
	_ =	sdelay $0x4  }
0x2fd: {  	v58 =	vshll.u32 v3, $0x3  }
0x2fe: {  	v3 =	vand.u32 $0x7, v3;
	v4 =	vand.u32 $0xFFFFFFC0, v58  }
0x2ff: {  	v3 =	vor.u32 v3, v4  }
0x300: {  	v4 =	vperm.xlane v3, v0;
	_ =	sdelay $0x1  }
0x301: {  	v4 =	vadd.s32 v1, v4;
	_ =	sdelay $0x4  }
0x302: {  	[tilespmem:s28], [sflag:$0x3] =	stream.indirect_vreg.gather [hbm4b:s3+s2], $0x80, v4, vm0, $0xb8;
	[tilespmem:$0x10100] =	vst v63  }
0x303: {  	s31 =	simm.s32 $0x8900;
	v3 =	vperm.xlane v3, v2  }
0x304: {  	[tilespmem:s31], [sflag:$0x3] =	stream.indirect_vreg.gather [hbm4b:s4+s2], $0x80, v4, vm0, $0xb8;
	[tilespmem:$0x10100] =	vst v63  }
0x305: {  	s13 =	simm.s32 $0x9100;
	v3 =	vadd.s32 v1, v3  }
0x306: {  	[tilespmem:s13], [sflag:$0x3] =	stream.indirect_vreg.gather [hbm4b:s5+s2], $0x80, v4, vm0, $0xb8;
	[tilespmem:$0x10100] =	vst v63  }
0x307: {  	s14 =	simm.s32 $0x9900  }
0x308: {  	[tilespmem:s14], [sflag:$0x3] =	stream.indirect_vreg.gather [hbm4b:s6+s2], $0x80, v4, vm0, $0xb8;
	[tilespmem:$0x10100] =	vst v63  }
0x309: {  	s11 =	simm.s32 $0xA100  }
0x30a: {  	[tilespmem:s11], [sflag:$0x3] =	stream.indirect_vreg.gather [hbm4b:s3+s2], $0x80, v3, vm0, $0xb8;
	[tilespmem:$0x10100] =	vst v63  }
0x30b: {  	s15 =	simm.s32 $0xA900  }
0x30c: {  	[tilespmem:s15], [sflag:$0x3] =	stream.indirect_vreg.gather [hbm4b:s4+s2], $0x80, v3, vm0, $0xb8;
	[tilespmem:$0x10100] =	vst v63  }
0x30d: {  	s23 =	simm.s32 $0xB100  }
0x30e: {  	[tilespmem:s23], [sflag:$0x3] =	stream.indirect_vreg.gather [hbm4b:s5+s2], $0x80, v3, vm0, $0xb8;
	[tilespmem:$0x10100] =	vst v63  }
0x30f: {  	s24 =	simm.s32 $0xB900  }
0x310: {  	[tilespmem:s24], [sflag:$0x3] =	stream.indirect_vreg.gather [hbm4b:s6+s2], $0x80, v3, vm0, $0xb8;
	[tilespmem:$0x10100] =	vst v63  }
0x311: {  	v3 =	vld [tilespmem:$0x8090];
	_ =	sdelay $0x4  }
0x312: {  	v59 =	vshll.u32 v3, $0x3  }
0x313: {  	v3 =	vand.u32 $0x7, v3;
	v4 =	vand.u32 $0xFFFFFFC0, v59  }
0x314: {  	v3 =	vor.u32 v3, v4  }
0x315: {  	v4 =	vperm.xlane v3, v0;
	_ =	sdelay $0x1  }
0x316: {  	v4 =	vadd.s32 v1, v4;
	_ =	sdelay $0x3  }
0x317: {  	s24 =	simm.s32 $0xC100  }
0x318: {  	[tilespmem:s24], [sflag:$0x3] =	stream.indirect_vreg.gather [hbm4b:s3+s2], $0x80, v4, vm0, $0xb8;
	[tilespmem:$0x10100] =	vst v63  }
0x319: {  	v3 =	vperm.xlane v3, v2;
	s24 =	simm.s32 $0xC900  }
0x31a: {  	[tilespmem:s24], [sflag:$0x3] =	stream.indirect_vreg.gather [hbm4b:s4+s2], $0x80, v4, vm0, $0xb8;
	[tilespmem:$0x10100] =	vst v63  }
0x31b: {  	v3 =	vadd.s32 v1, v3;
	s24 =	simm.s32 $0xD100  }
0x31c: {  	[tilespmem:s24], [sflag:$0x3] =	stream.indirect_vreg.gather [hbm4b:s5+s2], $0x80, v4, vm0, $0xb8;
	[tilespmem:$0x10100] =	vst v63  }
0x31d: {  	s24 =	simm.s32 $0xD900  }
0x31e: {  	[tilespmem:s24], [sflag:$0x3] =	stream.indirect_vreg.gather [hbm4b:s6+s2], $0x80, v4, vm0, $0xb8;
	[tilespmem:$0x10100] =	vst v63  }
0x31f: {  	s24 =	simm.s32 $0xE100  }
0x320: {  	[tilespmem:s24], [sflag:$0x3] =	stream.indirect_vreg.gather [hbm4b:s3+s2], $0x80, v3, vm0, $0xb8;
	[tilespmem:$0x10100] =	vst v63  }
0x321: {  	s24 =	simm.s32 $0xE900  }
0x322: {  	[tilespmem:s24], [sflag:$0x3] =	stream.indirect_vreg.gather [hbm4b:s4+s2], $0x80, v3, vm0, $0xb8;
	[tilespmem:$0x10100] =	vst v63  }
0x323: {  	s24 =	simm.s32 $0xF100  }
0x324: {  	[tilespmem:s24], [sflag:$0x3] =	stream.indirect_vreg.gather [hbm4b:s5+s2], $0x80, v3, vm0, $0xb8;
	[tilespmem:$0x10100] =	vst v63  }
0x325: {  	s24 =	simm.s32 $0xF900  }
0x326: {  	[tilespmem:s24], [sflag:$0x3] =	stream.indirect_vreg.gather [hbm4b:s6+s2], $0x80, v3, vm0, $0xb8;
	[tilespmem:$0x10100] =	vst v63  }
0x327: {  	_ =	swait.ge [sflag:s20], $0x8000  }
0x328: {  	[sflag:s20] =	ssyncset.done $0x0  }
0x329: {  	[sflag:s20] =	ssyncadd.s32 $0xFFFF8000  }
0x32a: {  	_ =	swait.ge [sflag:s21], $0x8000  }
0x32b: {  	[sflag:s21] =	ssyncset.done $0x0  }
0x32c: {  	s23 =	rddreg [dreg:$0x1d];
	[sflag:s21] =	ssyncadd.s32 $0xFFFF8000  }
0x32d: {  	[hbm4b:s23+s2] =	stream.linear.scatter [tilespmem:s28], [sflag:$0x4], $0x8000, $0x38;
	[tilespmem:$0x10100] =	vst v63  }
0x32e: {  	s24 =	rddreg [dreg:$0x1e]  }
0x32f: {  	[tilespmem:s2], [sflag:$0x5] =	stream.linear.gather [hbm4b:s24+s2], $0x20, $0x38;
	[tilespmem:$0x10100] =	vst v63  }
0x330: {  	_ =	swait.ge [sflag:s8], $0x20  }
0x331: {  	[sflag:s8] =	ssyncset.done $0x0  }
0x332: {  	[sflag:s8] =	ssyncadd.s32 $0xFFFFFFE0  }
0x333: {  	v3 =	vld [tilespmem:$0x0];
	_ =	sdelay $0x4  }
0x334: {  	v60 =	vshll.u32 v3, $0x3  }
0x335: {  	v3 =	vand.u32 $0x7, v3;
	v4 =	vand.u32 $0xFFFFFFC0, v60  }
0x336: {  	v3 =	vor.u32 v3, v4  }
0x337: {  	v4 =	vperm.xlane v3, v0;
	_ =	sdelay $0x1  }
0x338: {  	v4 =	vadd.s32 v1, v4;
	_ =	sdelay $0x4  }
0x339: {  	[tilespmem:s9], [sflag:$0x1] =	stream.indirect_vreg.gather [hbm4b:s3+s2], $0x80, v4, vm0, $0xb8;
	[tilespmem:$0x10100] =	vst v63  }
0x33a: {  	s24 =	simm.s32 $0x880;
	v3 =	vperm.xlane v3, v2  }
0x33b: {  	[tilespmem:s24], [sflag:$0x1] =	stream.indirect_vreg.gather [hbm4b:s4+s2], $0x80, v4, vm0, $0xb8;
	[tilespmem:$0x10100] =	vst v63  }
0x33c: {  	s12 =	simm.s32 $0x1080;
	v3 =	vadd.s32 v1, v3  }
0x33d: {  	[tilespmem:s12], [sflag:$0x1] =	stream.indirect_vreg.gather [hbm4b:s5+s2], $0x80, v4, vm0, $0xb8;
	[tilespmem:$0x10100] =	vst v63  }
0x33e: {  	s0 =	simm.s32 $0x1880  }
0x33f: {  	[tilespmem:s0], [sflag:$0x1] =	stream.indirect_vreg.gather [hbm4b:s6+s2], $0x80, v4, vm0, $0xb8;
	[tilespmem:$0x10100] =	vst v63  }
0x340: {  	s1 =	simm.s32 $0x2080  }
0x341: {  	[tilespmem:s1], [sflag:$0x1] =	stream.indirect_vreg.gather [hbm4b:s3+s2], $0x80, v3, vm0, $0xb8;
	[tilespmem:$0x10100] =	vst v63  }
0x342: {  	s7 =	simm.s32 $0x2880  }
0x343: {  	[tilespmem:s7], [sflag:$0x1] =	stream.indirect_vreg.gather [hbm4b:s4+s2], $0x80, v3, vm0, $0xb8;
	[tilespmem:$0x10100] =	vst v63  }
0x344: {  	s16 =	simm.s32 $0x3080  }
0x345: {  	[tilespmem:s16], [sflag:$0x1] =	stream.indirect_vreg.gather [hbm4b:s5+s2], $0x80, v3, vm0, $0xb8;
	[tilespmem:$0x10100] =	vst v63  }
0x346: {  	s16 =	simm.s32 $0x3880  }
0x347: {  	[tilespmem:s16], [sflag:$0x1] =	stream.indirect_vreg.gather [hbm4b:s6+s2], $0x80, v3, vm0, $0xb8;
	[tilespmem:$0x10100] =	vst v63  }
0x348: {  	v3 =	vld [tilespmem:$0x10];
	_ =	sdelay $0x4  }
0x349: {  	v61 =	vshll.u32 v3, $0x3  }
0x34a: {  	v3 =	vand.u32 $0x7, v3;
	v4 =	vand.u32 $0xFFFFFFC0, v61  }
0x34b: {  	v3 =	vor.u32 v3, v4  }
0x34c: {  	v4 =	vperm.xlane v3, v0;
	_ =	sdelay $0x1  }
0x34d: {  	v4 =	vadd.s32 v1, v4;
	_ =	sdelay $0x3  }
0x34e: {  	s23 =	simm.s32 $0x4080  }
0x34f: {  	[tilespmem:s23], [sflag:$0x1] =	stream.indirect_vreg.gather [hbm4b:s3+s2], $0x80, v4, vm0, $0xb8;
	[tilespmem:$0x10100] =	vst v63  }
0x350: {  	s24 =	simm.s32 $0x4880;
	v3 =	vperm.xlane v3, v2  }
0x351: {  	[tilespmem:s24], [sflag:$0x1] =	stream.indirect_vreg.gather [hbm4b:s4+s2], $0x80, v4, vm0, $0xb8;
	[tilespmem:$0x10100] =	vst v63  }
0x352: {  	s17 =	simm.s32 $0x5080;
	v3 =	vadd.s32 v1, v3  }
0x353: {  	[tilespmem:s17], [sflag:$0x1] =	stream.indirect_vreg.gather [hbm4b:s5+s2], $0x80, v4, vm0, $0xb8;
	[tilespmem:$0x10100] =	vst v63  }
0x354: {  	s18 =	simm.s32 $0x5880  }
0x355: {  	[tilespmem:s18], [sflag:$0x1] =	stream.indirect_vreg.gather [hbm4b:s6+s2], $0x80, v4, vm0, $0xb8;
	[tilespmem:$0x10100] =	vst v63  }
0x356: {  	s19 =	simm.s32 $0x6080  }
0x357: {  	[tilespmem:s19], [sflag:$0x1] =	stream.indirect_vreg.gather [hbm4b:s3+s2], $0x80, v3, vm0, $0xb8;
	[tilespmem:$0x10100] =	vst v63  }
0x358: {  	s26 =	simm.s32 $0x6880  }
0x359: {  	[tilespmem:s26], [sflag:$0x1] =	stream.indirect_vreg.gather [hbm4b:s4+s2], $0x80, v3, vm0, $0xb8;
	[tilespmem:$0x10100] =	vst v63  }
0x35a: {  	s29 =	simm.s32 $0x7080  }
0x35b: {  	[tilespmem:s29], [sflag:$0x1] =	stream.indirect_vreg.gather [hbm4b:s5+s2], $0x80, v3, vm0, $0xb8;
	[tilespmem:$0x10100] =	vst v63  }
0x35c: {  	s30 =	simm.s32 $0x7880  }
0x35d: {  	[tilespmem:s30], [sflag:$0x1] =	stream.indirect_vreg.gather [hbm4b:s6+s2], $0x80, v3, vm0, $0xb8;
	[tilespmem:$0x10100] =	vst v63  }
0x35e: {  	_ =	swait.ge [sflag:s22], $0x8000  }
0x35f: {  	[sflag:s22] =	ssyncset.done $0x0  }
0x360: {  	[sflag:s22] =	ssyncadd.s32 $0xFFFF8000  }
0x361: {  	_ =	swait.ge [sflag:s25], $0x8000  }
0x362: {  	s0 =	rddreg [dreg:$0x1f];
	[sflag:s25] =	ssyncset.done $0x0  }
0x363: {  	s1 =	sld [smem:$0x7FC];
	[sflag:s25] =	ssyncadd.s32 $0xFFFF8000  }
0x364: {  	[hbm4b:s0+s2] =	stream.linear.scatter [tilespmem:s9], [sflag:$0x2], $0x8000, $0x38;
	[tilespmem:$0x10100] =	vst v63  }
0x365: {  	s7 =	simm.s32 $0x8080  }
0x366: {  	[tilespmem:s7], [sflag:$0x5] =	stream.linear.gather [hbm4b:s1+s2], $0x20, $0x38;
	[tilespmem:$0x10100] =	vst v63  }
0x367: {  	_ =	swait.ge [sflag:s8], $0x20  }
0x368: {  	[sflag:s8] =	ssyncset.done $0x0  }
0x369: {  	[sflag:s8] =	ssyncadd.s32 $0xFFFFFFE0  }
0x36a: {  	v3 =	vld [tilespmem:$0x8080];
	_ =	sdelay $0x4  }
0x36b: {  	v62 =	vshll.u32 v3, $0x3  }
0x36c: {  	v3 =	vand.u32 $0x7, v3;
	v4 =	vand.u32 $0xFFFFFFC0, v62  }
0x36d: {  	v3 =	vor.u32 v3, v4  }
0x36e: {  	v4 =	vperm.xlane v3, v0;
	_ =	sdelay $0x1  }
0x36f: {  	v4 =	vadd.s32 v1, v4;
	_ =	sdelay $0x4  }
0x370: {  	[tilespmem:s28], [sflag:$0x3] =	stream.indirect_vreg.gather [hbm4b:s3+s2], $0x80, v4, vm0, $0xb8;
	[tilespmem:$0x10100] =	vst v63  }
0x371: {  	s12 =	simm.s32 $0x8900;
	v3 =	vperm.xlane v3, v2  }
0x372: {  	[tilespmem:s12], [sflag:$0x3] =	stream.indirect_vreg.gather [hbm4b:s4+s2], $0x80, v4, vm0, $0xb8;
	[tilespmem:$0x10100] =	vst v63  }
0x373: {  	s31 =	simm.s32 $0x9100;
	v3 =	vadd.s32 v1, v3  }
0x374: {  	[tilespmem:s31], [sflag:$0x3] =	stream.indirect_vreg.gather [hbm4b:s5+s2], $0x80, v4, vm0, $0xb8;
	[tilespmem:$0x10100] =	vst v63  }
0x375: {  	s13 =	simm.s32 $0x9900  }
0x376: {  	[tilespmem:s13], [sflag:$0x3] =	stream.indirect_vreg.gather [hbm4b:s6+s2], $0x80, v4, vm0, $0xb8;
	[tilespmem:$0x10100] =	vst v63  }
0x377: {  	s14 =	simm.s32 $0xA100  }
0x378: {  	[tilespmem:s14], [sflag:$0x3] =	stream.indirect_vreg.gather [hbm4b:s3+s2], $0x80, v3, vm0, $0xb8;
	[tilespmem:$0x10100] =	vst v63  }
0x379: {  	s11 =	simm.s32 $0xA900  }
0x37a: {  	[tilespmem:s11], [sflag:$0x3] =	stream.indirect_vreg.gather [hbm4b:s4+s2], $0x80, v3, vm0, $0xb8;
	[tilespmem:$0x10100] =	vst v63  }
0x37b: {  	s15 =	simm.s32 $0xB100  }
0x37c: {  	[tilespmem:s15], [sflag:$0x3] =	stream.indirect_vreg.gather [hbm4b:s5+s2], $0x80, v3, vm0, $0xb8;
	[tilespmem:$0x10100] =	vst v63  }
0x37d: {  	s16 =	simm.s32 $0xB900  }
0x37e: {  	[tilespmem:s16], [sflag:$0x3] =	stream.indirect_vreg.gather [hbm4b:s6+s2], $0x80, v3, vm0, $0xb8;
	[tilespmem:$0x10100] =	vst v63  }
0x37f: {  	v3 =	vld [tilespmem:$0x8090];
	_ =	sdelay $0x4  }
0x380: {  	v63 =	vshll.u32 v3, $0x3  }
0x381: {  	v3 =	vand.u32 $0x7, v3;
	v4 =	vand.u32 $0xFFFFFFC0, v63  }
0x382: {  	v3 =	vor.u32 v3, v4  }
0x383: {  	v4 =	vperm.xlane v3, v0;
	_ =	sdelay $0x1  }
0x384: {  	v4 =	vadd.s32 v1, v4;
	_ =	sdelay $0x3  }
0x385: {  	s17 =	simm.s32 $0xC100  }
0x386: {  	[tilespmem:s17], [sflag:$0x3] =	stream.indirect_vreg.gather [hbm4b:s3+s2], $0x80, v4, vm0, $0xb8;
	[tilespmem:$0x10100] =	vst v63  }
0x387: {  	s18 =	simm.s32 $0xC900;
	v3 =	vperm.xlane v3, v2  }
0x388: {  	[tilespmem:s18], [sflag:$0x3] =	stream.indirect_vreg.gather [hbm4b:s4+s2], $0x80, v4, vm0, $0xb8;
	[tilespmem:$0x10100] =	vst v63  }
0x389: {  	s19 =	simm.s32 $0xD100;
	v3 =	vadd.s32 v1, v3  }
0x38a: {  	[tilespmem:s19], [sflag:$0x3] =	stream.indirect_vreg.gather [hbm4b:s5+s2], $0x80, v4, vm0, $0xb8;
	[tilespmem:$0x10100] =	vst v63  }
0x38b: {  	s23 =	simm.s32 $0xD900  }
0x38c: {  	[tilespmem:s23], [sflag:$0x3] =	stream.indirect_vreg.gather [hbm4b:s6+s2], $0x80, v4, vm0, $0xb8;
	[tilespmem:$0x10100] =	vst v63  }
0x38d: {  	s24 =	simm.s32 $0xE100  }
0x38e: {  	[tilespmem:s24], [sflag:$0x3] =	stream.indirect_vreg.gather [hbm4b:s3+s2], $0x80, v3, vm0, $0xb8;
	[tilespmem:$0x10100] =	vst v63  }
0x38f: {  	s26 =	simm.s32 $0xE900  }
0x390: {  	[tilespmem:s26], [sflag:$0x3] =	stream.indirect_vreg.gather [hbm4b:s4+s2], $0x80, v3, vm0, $0xb8;
	[tilespmem:$0x10100] =	vst v63  }
0x391: {  	s29 =	simm.s32 $0xF100  }
0x392: {  	[tilespmem:s29], [sflag:$0x3] =	stream.indirect_vreg.gather [hbm4b:s5+s2], $0x80, v3, vm0, $0xb8;
	[tilespmem:$0x10100] =	vst v63  }
0x393: {  	s30 =	simm.s32 $0xF900  }
0x394: {  	[tilespmem:s30], [sflag:$0x3] =	stream.indirect_vreg.gather [hbm4b:s6+s2], $0x80, v3, vm0, $0xb8;
	[tilespmem:$0x10100] =	vst v63  }
0x395: {  	_ =	swait.ge [sflag:s20], $0x8000  }
0x396: {  	[sflag:s20] =	ssyncset.done $0x0  }
0x397: {  	[sflag:s20] =	ssyncadd.s32 $0xFFFF8000  }
0x398: {  	_ =	swait.ge [sflag:s21], $0x8000  }
0x399: {  	s31 =	sld [smem:$0x7FD]  }
0x39a: {  	p0 =	sne.s32 s10, $0x1;
	[sflag:s21] =	ssyncset.done $0x0  }
.Ltmp0:
0x39b: {  	[sflag:s21] =	ssyncadd.s32 $0xFFFF8000;
	(pc) =	sbr.rel @p0 .LBB2_1-.Ltmp0, $4  }
0x39c: {  	[hbm4b:s31+s2] =	stream.linear.scatter [tilespmem:s28], [sflag:$0x4], $0x8000, $0x38;
	[tilespmem:$0x10100] =	vst v63  }
0x39d: {  	_ =	swait.ge [sflag:s22], $0x8000  }
0x39e: {  	[sflag:s22] =	ssyncset.done $0x0  }
0x39f: {  	s10 =	sadd.s32 $0xFFFFFFFF, s10;
	[sflag:s22] =	ssyncadd.s32 $0xFFFF8000  }
0x3a0: {  	_ =	sfence.sel $0x180000  }
0x3a1: {  	[bflag:$0x0] =	sbarrier.arrive $0xFFFF  }
0x3a2: {  	_ =	strace $0x9000004A  }
0x3a3: {  	s0 =	stileid.u32;
	[bflag:$0x2] =	sbarrier.arrive $0xFFFF  }
0x3a4: {  	p0 =	sne.s32 s0, $0x0;
	s0 =	rddreg [dreg:$0x1]  }
0x3a5: {  	s0 =	sadd.s32 @!p0 $0x100000, s0  }
0x3a6: {  	[sflag:s0] =	ssyncadd.tile.s32 @!p0 $0x1;
	_ =	shalt  }
.Lfunc_end2:
_tile_overlayer_lowered:
.L_overlay_start_2:
0x3a7: {  	(tag) =	ssettag $0x2  }
0x3a8: {  	s0 =	rddreg [dreg:$0x0];
	s2 =	stileid.u32  }
0x3a9: {  	s1 =	rddreg [dreg:$0x1];
	p0 =	sne.s32 s2, $0x0  }
0x3aa: {  	s3 =	rddreg [dreg:$0x2];
	[bflag:$0x3] =	sbarrier.arrive $0xFFFF;
	s2 =	simm.s32 @!p0 $0x1C05  }
0x3ab: {  	[timem:s3], [sflag:s2] =	dma.local @!p0 [hbm:s0], s1  }
0x3ac: {  	s0 =	simm.s32 @!p0 $0x5  }
0x3ad: {  	_ =	swait.ge @!p0 [sflag:s0], s1  }
0x3ae: {  	s1 =	ssub.s32 @!p0 $0x0, s1;
	[sflag:s0] =	ssyncset.done @!p0 $0x0  }
0x3af: {  	[sflag:s0] =	ssyncadd.s32 @!p0 s1  }
0x3b0: {  	[bflag:$0x3] =	sbarrier.arrive $0xFFFF  }
0x3b1: {  	_ =	shalt  }

// kernel: kernel.8.cloned.1.call-start
scs
__scs_entry_jumppad:
0x0: {  	(pc) =	sbr.rel $0x88, $3  }
0x1: {  	(tag) =	ssettag $0x0;
	lr =	simm.s32 $0x1  }
0x2: {  	[smem:$0x3F98] =	sst lr;
	_ =	strace $0xD0000000  }
0x3: {  	_ = 	snop  }
0x4: {  	_ = 	snop  }
0x5: {  	_ = 	snop  }
0x6: {  	_ = 	snop  }
0x7: {  	_ = 	snop  }
__scs_overlays_trampoline_lowered:
0x8: {  	[smem:$0x3FA7] =	sst s0  }
0x9: {  	[smem:$0x3FA8] =	sst s1  }
0xa: {  	[smem:$0x3FA9] =	sst s2  }
0xb: {  	[smem:$0x3FAA] =	sst s3  }
0xc: {  	[smem:$0x3FAB] =	sst s4  }
0xd: {  	[smem:$0x3FAC] =	sst s5  }
0xe: {  	[smem:$0x3FAD] =	sst s6  }
0xf: {  	[smem:$0x3FAE] =	sst s7  }
0x10: {  	[smem:$0x3FAF] =	sst s8  }
0x11: {  	[smem:$0x3FB0] =	sst s9;
	s0 =	simm.s32 @!p0 $0x0  }
0x12: {  	s1 =	sld [smem:$0x3F96];
	s0 =	simm.s32 @p0 $0x1  }
0x13: {  	[smem:$0x3FB1] =	sst s0;
	s0 =	simm.s32 @!p1 $0x0  }
0x14: {  	s2 =	sld [smem:$0x3F95];
	s0 =	simm.s32 @p1 $0x1  }
0x15: {  	[smem:$0x3FB2] =	sst s0;
	s0 =	simm.s32 @!p2 $0x0  }
0x16: {  	s3 =	sld [smem:$0x3FDB];
	s0 =	simm.s32 @p2 $0x1  }
0x17: {  	s4 =	simm.s32 $0x1BF5;
	[smem:$0x3FB4] =	sst s0  }
0x18: {  	s0 =	sld [smem:$0x3F97];
	_ =	swait.ge [sflag:s4], $0x0  }
0x19: {  	s7 =	sld [smem:$0x3F98]  }
0x1a: {  	s8 =	sadd.s32 $0xFFFFE003, lr  }
0x1b: {  	s9 =	sadd.s32 $0xFFFFFEF7, lr;
	s5 =	simm.s32 $0xFFFFFFFF;
	p2 =	slt.u32 s8, $0xFFFFF086  }
0x1c: {  	p1 =	slt.u32 s9, $0xF7A;
	s5 =	simm.s32 @!p2 $0x0  }
0x1d: {  	s5 =	simm.s32 @p1 $0x1;
	p0 =	seq.s32 s7, s2  }
0x1e: {  	s7 =	smul.u32 @!p0 $0xF7A, s2;
	p2 =	seq.s32 @!p0 s5, $0x0  }
0x1f: {  	s9 =	smul.u32 $0xF7A, s1;
	s8 =	simm.s32 @!p0 $0x1BF5;
	p2 =	por !p2, p0  }
0x20: {  	[sflag:s8] =	ssyncset.s32 @!p0 $0xFFFFF086;
	s6 =	sadd.s32 @!p0 s3, s7;
	s7 =	simm.s32 @!p0 $0x108  }
0x21: {  	s3 =	sadd.s32 s3, s9;
	s6 =	sadd.s32 @!p0 $0x88, s6;
	s7 =	simm.s32 @p2 $0x1082  }
0x22: {  	[simem:s7], [sflag:s8] =	dma.local @!p0 [hbm:s6], $0xF7A  }
0x23: {  	s9 =	sor.u32 $0xD0000000, s2;
	s6 =	simm.s32 $0x108;
	_ =	swait.ge @!p0 [sflag:s8], $0x0  }
0x24: {  	s3 =	sadd.s32 $0x88, s3;
	s6 =	simm.s32 @!p1 $0x1082;
	[sflag:s4] =	ssyncset.s32 $0xFFFFF086  }
0x25: {  	[simem:s6], [sflag:s4] =	dma.local [hbm:s3], $0xF7A  }
0x26: {  	[smem:$0x3F98] =	sst s1;
	(tag) =	ssettag s2;
	_ =	strace s9  }
0x27: {  	s1 =	sld [smem:$0x3FA8]  }
0x28: {  	s2 =	sld [smem:$0x3FA9]  }
0x29: {  	s4 =	sld [smem:$0x3FAB]  }
0x2a: {  	p0 =	seq.s32 s5, $0x0;
	s5 =	sld [smem:$0x3FAC]  }
0x2b: {  	s6 =	sld [smem:$0x3FAD]  }
0x2c: {  	s7 =	sld [smem:$0x3FAE]  }
0x2d: {  	s3 =	simm.s32 $0x108;
	s8 =	sld [smem:$0x3FAF]  }
0x2e: {  	s3 =	simm.s32 @!p0 $0x1082;
	s9 =	sld [smem:$0x3FB0]  }
0x2f: {  	lr =	sadd.s32 s0, s3;
	s0 =	sld [smem:$0x3FA7]  }
0x30: {  	s3 =	sld [smem:$0x3FAA]  }
0x31: {  	[smem:$0x3FB3] =	sst s10  }
0x32: {  	s10 =	sld [smem:$0x3FB1];
	_ =	sdelay $0x3  }
0x33: {  	p0 =	seq.s32 s10, $0x1;
	s10 =	sld [smem:$0x3FB3];
	_ =	sdelay $0x3  }
0x34: {  	[smem:$0x3FB3] =	sst s10  }
0x35: {  	s10 =	sld [smem:$0x3FB2];
	_ =	sdelay $0x3  }
0x36: {  	p1 =	seq.s32 s10, $0x1;
	s10 =	sld [smem:$0x3FB3];
	_ =	sdelay $0x3  }
0x37: {  	[smem:$0x3FB3] =	sst s10  }
0x38: {  	s10 =	sld [smem:$0x3FB4]  }
0x39: {  	_ = 	snop;
	(pc) =	sbr.ind lr, $3  }
0x3a: {  	_ = 	snop  }
0x3b: {  	_ = 	snop  }
0x3c: {  	p2 =	seq.s32 s10, $0x1;
	s10 =	sld [smem:$0x3FB3]  }
0x3d: {  	_ =	shalt  }
0x3e: {  	_ =	shalt  }
0x3f: {  	_ =	shalt  }
0x40: {  	_ =	shalt  }
0x41: {  	_ =	shalt  }
0x42: {  	_ =	shalt  }
0x43: {  	_ =	shalt  }
0x44: {  	_ =	shalt  }
0x45: {  	_ =	shalt  }
0x46: {  	_ =	shalt  }
0x47: {  	_ =	shalt  }
0x48: {  	_ =	shalt  }
0x49: {  	_ =	shalt  }
0x4a: {  	_ =	shalt  }
0x4b: {  	_ =	shalt  }
0x4c: {  	_ =	shalt  }
0x4d: {  	_ =	shalt  }
0x4e: {  	_ =	shalt  }
0x4f: {  	_ =	shalt  }
0x50: {  	_ =	shalt  }
0x51: {  	_ =	shalt  }
0x52: {  	_ =	shalt  }
0x53: {  	_ =	shalt  }
0x54: {  	_ =	shalt  }
0x55: {  	_ =	shalt  }
0x56: {  	_ =	shalt  }
0x57: {  	_ =	shalt  }
0x58: {  	_ =	shalt  }
0x59: {  	_ =	shalt  }
0x5a: {  	_ =	shalt  }
0x5b: {  	_ =	shalt  }
0x5c: {  	_ =	shalt  }
0x5d: {  	_ =	shalt  }
0x5e: {  	_ =	shalt  }
0x5f: {  	_ =	shalt  }
0x60: {  	_ =	shalt  }
0x61: {  	_ =	shalt  }
0x62: {  	_ =	shalt  }
0x63: {  	_ =	shalt  }
0x64: {  	_ =	shalt  }
0x65: {  	_ =	shalt  }
0x66: {  	_ =	shalt  }
0x67: {  	_ =	shalt  }
0x68: {  	_ =	shalt  }
0x69: {  	_ =	shalt  }
0x6a: {  	_ =	shalt  }
0x6b: {  	_ =	shalt  }
0x6c: {  	_ =	shalt  }
0x6d: {  	_ =	shalt  }
0x6e: {  	_ =	shalt  }
0x6f: {  	_ =	shalt  }
0x70: {  	_ =	shalt  }
0x71: {  	_ =	shalt  }
0x72: {  	_ =	shalt  }
0x73: {  	_ =	shalt  }
0x74: {  	_ =	shalt  }
0x75: {  	_ =	shalt  }
0x76: {  	_ =	shalt  }
0x77: {  	_ =	shalt  }
0x78: {  	_ =	shalt  }
0x79: {  	_ =	shalt  }
0x7a: {  	_ =	shalt  }
0x7b: {  	_ =	shalt  }
0x7c: {  	_ =	shalt  }
0x7d: {  	_ =	shalt  }
0x7e: {  	_ =	shalt  }
0x7f: {  	_ =	shalt  }
0x80: {  	_ =	shalt  }
0x81: {  	_ =	shalt  }
0x82: {  	_ =	shalt  }
0x83: {  	_ =	shalt  }
0x84: {  	_ =	shalt  }
0x85: {  	_ =	shalt  }
0x86: {  	_ =	shalt  }
0x87: {  	_ =	shalt  }
.Lfunc_end0:
.L_simem_size_0:
called_computation_lowered:
.L_overlay_start_0:
0x88: {  	s2 =	sld [smem:$0x3FD9]  }
0x89: {  	s3 =	sld [smem:$0x3FFE];
	_ =	sdelay $0x1  }
0x8a: {  	s1 =	srdreg.scid  }
0x8b: {  	s0 =	sand.u32 $0x1, s1  }
0x8c: {  	s17 =	sshll.u32 s0, $0xA;
	s2 =	sadd.s32 s3, s2  }
0x8d: {  	s2 =	sadd.s32 s2, s17  }
0x8e: {  	[smem:$0x3FBF] =	sst s2  }
0x8f: {  	_ = 	snop  }
0x90: {  	s2 =	sld [smem:$0x3FC9];
	(tm) =	ssettm $0x1  }
0x91: {  	s18 =	sld [smem:$0x3FFB];
	_ =	sdelay $0x3  }
0x92: {  	_ =	strace s18  }
0x93: {  	s3 =	sld [smem:$0x3FFC];
	_ =	sdelay $0x3  }
0x94: {  	_ =	strace s3  }
0x95: {  	s3 =	sld [smem:$0x3FFD];
	_ =	sdelay $0x3  }
0x96: {  	_ =	strace s3  }
0x97: {  	_ =	strace $0x8FFFFFFF  }
0x98: {  	s19 =	sld [smem:$0x3FDB];
	_ =	sdelay $0x1  }
0x99: {  	s4 =	simm.s32 $_scs_section_size  }
0x9a: {  	s5 =	simm.s32 $_size__tile_overlayer_lowered;
	s6 =	simm.s32 $_tile_overlayer_lowered  }
0x9b: {  	s22 =	simm.s32 $0x1BFF;
	s21 =	sshll.u32 s6, $0x1;
	s3 =	sadd.s32 s4, s19  }
0x9c: {  	s7 =	simm.s32 $0x0;
	s20 =	sshll.u32 s5, $0x1;
	s5 =	sadd.s32 s21, s3  }
0x9d: {  	[timem:s7], [sflag:s22] =	dma.local [hbm:s5], s20  }
0x9e: {  	_ =	swait.ge [sflag:s22], s20  }
0x9f: {  	s4 =	ssub.s32 $0x0, s20;
	[sflag:s22] =	ssyncset.done $0x0  }
0xa0: {  	[sflag:s22] =	ssyncadd.s32 s4;
	_ =	sdelay $0x1  }
0xa1: {  	s23 =	simm.s32 $0x1B8B  }
0xa2: {  	_ =	swait.ge [sflag:s23], $0x1  }
0xa3: {  	[sflag:s23] =	ssyncset.done $0x0  }
0xa4: {  	s25 =	simm.s32 $0x1B8E;
	s24 =	sld [smem:$0x3FFE];
	[sflag:s23] =	ssyncadd.s32 $0xFFFFFFFF  }
0xa5: {  	s26 =	simm.s32 $execute0_lowered;
	[smem:$0x3FD2] =	sst s25  }
0xa6: {  	s5 =	sshll.u32 s26, $0x1;
	_ =	strace $0x80000046;
	[dreg:$0x1] =	wrdreg $0xFFFFFFFF  }
0xa7: {  	s28 =	simm.s32 $_size_execute0_lowered;
	s3 =	sadd.s32 s3, s5;
	[dreg:$0x0] =	wrdreg $0x0  }
0xa8: {  	s5 =	sshll.u32 s28, $0x1;
	[dreg:$0x2] =	wrdreg s3  }
0xa9: {  	[dreg:$0x3] =	wrdreg s5  }
0xaa: {  	[dreg:$0x4] =	wrdreg $0xC0  }
0xab: {  	_ =	task [dreg:s7], $0x5FFFF  }
0xac: {  	[dreg:$0x1] =	wrdreg $0xFFFFFFFF  }
0xad: {  	[dreg:$0x0] =	wrdreg $0x60  }
0xae: {  	[dreg:$0x2] =	wrdreg s2  }
0xaf: {  	[dreg:$0x3] =	wrdreg s24  }
0xb0: {  	[dreg:$0x4] =	wrdreg $0x9  }
0xb1: {  	_ =	task.clear_ibuf [dreg:s7], $0x5FFFF;
	_ =	strace $0x90000046  }
0xb2: {  	s29 =	simm.s32 $0x9;
	_ =	strace $0x80000048  }
0xb3: {  	_ =	swait.ge [sflag:s29], $0x1  }
0xb4: {  	[sflag:s29] =	ssyncadd.s32 $0xFFFFFFFF  }
0xb5: {  	_ =	strace $0x90000048  }
0xb6: {  	_ =	sfence  }
0xb7: {  	s30 =	sld [smem:$0x0];
	_ =	sdelay $0x2  }
0xb8: {  	s31 =	sshll.u32 s1, $0xD;
	s1 =	sshrl.u32 s1, $0x2  }
0xb9: {  	s3 =	sand.u32 $0x4000, s31;
	s1 =	sadd.s32 s1, s30  }
0xba: {  	s0 =	sor.u32 s3, s0;
	s1 =	sshll.u32 s1, $0x11  }
0xbb: {  	s0 =	sor.u32 s1, s0  }
0xbc: {  	s0 =	sadd.s32 $0x8F2B, s0  }
0xbd: {  	[sflag:s0] =	ssyncadd.remote.s32 $0x1  }
0xbe: {  	_ =	sfence.sel $0xFFFF  }
0xbf: {  	[dreg:$0x0] =	wrdreg $0xFFFFFFFF;
	(pc) =	sbr.abs _section_cstart, $3  }
0xc0: {  	[dreg:$0x1] =	wrdreg $0xFFFFFFFF  }
0xc1: {  	_ =	task.clear_ibuf [dreg:s7], $0x2FFFF;
	_ =	strace $0x9FFFFFFF  }
0xc2: {  	(tm) =	ssettm $0x7FFFFFFF  }
0xc3: {  	_ =	shalt  }
tec
execute0_lowered:
.L_overlay_start_1:
0x0: {  	(tag) =	ssettag $0x1  }
0x1: {  	s2 =	rddreg [dreg:$0x0];
	s1 =	srdreg.scid  }
0x2: {  	s0 =	rddreg [dreg:$0x1];
	s4 =	stileid.u32;
	s5 =	sand.u32 $0x1, s1  }
0x3: {  	s3 =	simm.s32 $0x0;
	s4 =	sshll.u32 s4, $0x7;
	s6 =	sshll.u32 s5, $0x6  }
0x4: {  	[smem:$0x7FF] =	sst s3;
	s1 =	sadd.s32 $0x800, s0;
	s9 =	sor.u32 s6, s4  }
0x5: {  	s11 =	sadd.s32 $0x9A00, s0;
	_ =	strace $0x80000047;
	s4 =	sadd.s32 s1, s9  }
0x6: {  	s14 =	sadd.s32 s11, s9;
	s6 =	sor.u32 $0x4, s9;
	[dreg:$0x3] =	wrdreg s4  }
0x7: {  	[dreg:$0x4] =	wrdreg s14;
	s15 =	sadd.s32 s1, s6  }
0x8: {  	s17 =	sor.u32 $0x8, s9;
	s16 =	sadd.s32 s11, s6;
	[dreg:$0x5] =	wrdreg s15  }
0x9: {  	s18 =	sadd.s32 s1, s17;
	[dreg:$0x6] =	wrdreg s16  }
0xa: {  	s20 =	sor.u32 $0xC, s9;
	s19 =	sadd.s32 s11, s17;
	[dreg:$0x7] =	wrdreg s18  }
0xb: {  	s21 =	sadd.s32 s1, s20;
	[dreg:$0x8] =	wrdreg s19  }
0xc: {  	s23 =	sor.u32 $0x10, s9;
	s22 =	sadd.s32 s11, s20;
	[dreg:$0x9] =	wrdreg s21  }
0xd: {  	s24 =	sadd.s32 s1, s23;
	[dreg:$0xa] =	wrdreg s22  }
0xe: {  	s26 =	sor.u32 $0x14, s9;
	s25 =	sadd.s32 s11, s23;
	[dreg:$0xb] =	wrdreg s24  }
0xf: {  	s28 =	sadd.s32 s1, s26;
	[dreg:$0xc] =	wrdreg s25  }
0x10: {  	s31 =	sor.u32 $0x18, s9;
	s29 =	sadd.s32 s11, s26;
	[dreg:$0xd] =	wrdreg s28  }
0x11: {  	s7 =	sadd.s32 s1, s31;
	[dreg:$0xe] =	wrdreg s29  }
0x12: {  	s12 =	sor.u32 $0x20, s9;
	s6 =	sadd.s32 s11, s31;
	[dreg:$0xf] =	wrdreg s7  }
0x13: {  	s5 =	ssub.s32 $0x2, s5;
	s13 =	sadd.s32 s1, s12;
	[dreg:$0x10] =	wrdreg s6  }
0x14: {  	s14 =	sadd.s32 s11, s12;
	s23 =	sor.u32 $0x30, s9;
	[dreg:$0x13] =	wrdreg s13  }
0x15: {  	s7 =	sor.u32 $0x1C, s9;
	[dreg:$0x14] =	wrdreg s14;
	s24 =	sadd.s32 s1, s23  }
0x16: {  	s4 =	sadd.s32 $0xA200, s0;
	s8 =	sadd.s32 s1, s7;
	[dreg:$0x1b] =	wrdreg s24  }
0x17: {  	s15 =	sor.u32 $0x24, s9;
	s10 =	sadd.s32 s11, s7;
	[dreg:$0x11] =	wrdreg s8  }
0x18: {  	s18 =	sor.u32 $0x28, s9;
	s16 =	sadd.s32 s1, s15;
	[dreg:$0x12] =	wrdreg s10  }
0x19: {  	s21 =	sor.u32 $0x2C, s9;
	s17 =	sadd.s32 s11, s15;
	[dreg:$0x15] =	wrdreg s16  }
0x1a: {  	s6 =	sadd.s32 $0x200, s2;
	s19 =	sadd.s32 s1, s18;
	[dreg:$0x16] =	wrdreg s17  }
0x1b: {  	s13 =	sor.u32 $0x38, s9;
	s20 =	sadd.s32 s11, s18;
	[dreg:$0x17] =	wrdreg s19  }
0x1c: {  	s29 =	sor.u32 $0x3C, s9;
	s22 =	sadd.s32 s1, s21;
	[dreg:$0x18] =	wrdreg s20  }
0x1d: {  	s7 =	sadd.s32 s11, s21;
	s26 =	sadd.s32 s1, s13;
	[dreg:$0x19] =	wrdreg s22  }
0x1e: {  	s28 =	sadd.s32 s11, s13;
	s31 =	sadd.s32 s11, s29;
	[dreg:$0x1a] =	wrdreg s7  }
0x1f: {  	s8 =	sshrl.u32 s5, $0x1;
	s10 =	sor.u32 $0x34, s9;
	[dreg:$0x1f] =	wrdreg s26  }
0x20: {  	s7 =	sadd.s32 $0x300, s2;
	s9 =	sadd.s32 $0xA400, s0;
	[smem:$0x7FB] =	sst s28  }
0x21: {  	[smem:$0x7FD] =	sst s31;
	s12 =	ssub.s32 s5, s8;
	s8 =	sadd.s32 s11, s23  }
0x22: {  	s5 =	sadd.s32 $0x100, s2;
	s25 =	sadd.s32 s1, s10;
	[dreg:$0x1c] =	wrdreg s8  }
0x23: {  	v2 =	vlaneseq.u32;
	s10 =	sadd.s32 s11, s10;
	s1 =	sadd.s32 s1, s29;
	[dreg:$0x1d] =	wrdreg s25  }
0x24: {  	vm0 =	vmmov $0xffff;
	v1 =	vshrl.u32 v2, $0x3;
	s8 =	sadd.s32 $0xA300, s0;
	[dreg:$0x1e] =	wrdreg s10;
	s10 =	sadd.s32 $0xA500, s0  }
0x25: {  	v0 =	vand.u32 $0x7, v2;
	v2 =	vor.u32 $0x8, v2;
	v1 =	vmul.u32 $0x8, v1;
	[smem:$0x7FC] =	sst s1;
	s30 =	smax.u32 s12, $0x1;
	s12 =	simm.s32 $0x5  }
.LBB2_1:
0x26: {  	[smem:$0x7FA] =	sst s30  }
0x27: {  	s30 =	rddreg [dreg:$0x3]  }
0x28: {  	[tilespmem:s3], [sflag:$0x5] =	stream.linear.gather [hbm4b:s30+s3], $0x20, $0x38;
	[tilespmem:$0x10200] =	vst v63  }
0x29: {  	_ =	swait.ge [sflag:s12], $0x20  }
0x2a: {  	[sflag:s12] =	ssyncset.done $0x0  }
0x2b: {  	s0 =	simm.s32 $0x80;
	s30 =	rddreg [dreg:$0x4];
	[sflag:s12] =	ssyncadd.s32 $0xFFFFFFE0  }
0x2c: {  	[tilespmem:s0], [sflag:$0x5] =	stream.linear.gather [hbm4b:s30+s3], $0x20, $0x38;
	[tilespmem:$0x10200] =	vst v63  }
0x2d: {  	_ =	swait.ge [sflag:s12], $0x20  }
0x2e: {  	[sflag:s12] =	ssyncset.done $0x0  }
0x2f: {  	[sflag:s12] =	ssyncadd.s32 $0xFFFFFFE0  }
0x30: {  	v3 =	vld [tilespmem:$0x0];
	_ =	sdelay $0x4  }
0x31: {  	v4 =	vshll.u32 v3, $0x3  }
0x32: {  	v3 =	vand.u32 $0x7, v3;
	v4 =	vand.u32 $0xFFFFFFC0, v4  }
0x33: {  	v3 =	vor.u32 v3, v4  }
0x34: {  	v4 =	vperm.xlane v3, v0;
	_ =	sdelay $0x1  }
0x35: {  	v4 =	vadd.s32 v1, v4;
	_ =	sdelay $0x3  }
0x36: {  	s20 =	simm.s32 $0x100;
	s26 =	rddreg [dreg:$0x0]  }
0x37: {  	[tilespmem:s20], [sflag:$0x1] =	stream.indirect_vreg.gather [hbm4b:s26+s3], $0x80, v4, vm0, $0xb8;
	[tilespmem:$0x10200] =	vst v63  }
0x38: {  	s21 =	simm.s32 $0x900;
	v3 =	vperm.xlane v3, v2  }
0x39: {  	[tilespmem:s21], [sflag:$0x1] =	stream.indirect_vreg.gather [hbm4b:s5+s3], $0x80, v4, vm0, $0xb8;
	[tilespmem:$0x10200] =	vst v63  }
0x3a: {  	s22 =	simm.s32 $0x1100;
	v3 =	vadd.s32 v1, v3  }
0x3b: {  	[tilespmem:s22], [sflag:$0x1] =	stream.indirect_vreg.gather [hbm4b:s6+s3], $0x80, v4, vm0, $0xb8;
	[tilespmem:$0x10200] =	vst v63  }
0x3c: {  	s23 =	simm.s32 $0x1900  }
0x3d: {  	[tilespmem:s23], [sflag:$0x1] =	stream.indirect_vreg.gather [hbm4b:s7+s3], $0x80, v4, vm0, $0xb8;
	[tilespmem:$0x10200] =	vst v63  }
0x3e: {  	s28 =	simm.s32 $0x2100  }
0x3f: {  	[tilespmem:s28], [sflag:$0x1] =	stream.indirect_vreg.gather [hbm4b:s26+s3], $0x80, v3, vm0, $0xb8;
	[tilespmem:$0x10200] =	vst v63  }
0x40: {  	s29 =	simm.s32 $0x2900  }
0x41: {  	[tilespmem:s29], [sflag:$0x1] =	stream.indirect_vreg.gather [hbm4b:s5+s3], $0x80, v3, vm0, $0xb8;
	[tilespmem:$0x10200] =	vst v63  }
0x42: {  	s31 =	simm.s32 $0x3100  }
0x43: {  	[tilespmem:s31], [sflag:$0x1] =	stream.indirect_vreg.gather [hbm4b:s6+s3], $0x80, v3, vm0, $0xb8;
	[tilespmem:$0x10200] =	vst v63  }
0x44: {  	s1 =	simm.s32 $0x3900  }
0x45: {  	[tilespmem:s1], [sflag:$0x1] =	stream.indirect_vreg.gather [hbm4b:s7+s3], $0x80, v3, vm0, $0xb8;
	[tilespmem:$0x10200] =	vst v63  }
0x46: {  	v3 =	vld [tilespmem:$0x10];
	_ =	sdelay $0x4  }
0x47: {  	v57 =	vshll.u32 v3, $0x3  }
0x48: {  	v3 =	vand.u32 $0x7, v3;
	v4 =	vand.u32 $0xFFFFFFC0, v57  }
0x49: {  	v3 =	vor.u32 v3, v4  }
0x4a: {  	v4 =	vperm.xlane v3, v0;
	_ =	sdelay $0x1  }
0x4b: {  	v4 =	vadd.s32 v1, v4;
	_ =	sdelay $0x3  }
0x4c: {  	s11 =	simm.s32 $0x4100  }
0x4d: {  	[tilespmem:s11], [sflag:$0x1] =	stream.indirect_vreg.gather [hbm4b:s26+s3], $0x80, v4, vm0, $0xb8;
	[tilespmem:$0x10200] =	vst v63  }
0x4e: {  	s17 =	simm.s32 $0x4900;
	v3 =	vperm.xlane v3, v2  }
0x4f: {  	[tilespmem:s17], [sflag:$0x1] =	stream.indirect_vreg.gather [hbm4b:s5+s3], $0x80, v4, vm0, $0xb8;
	[tilespmem:$0x10200] =	vst v63  }
0x50: {  	s18 =	simm.s32 $0x5100;
	v3 =	vadd.s32 v1, v3  }
0x51: {  	[tilespmem:s18], [sflag:$0x1] =	stream.indirect_vreg.gather [hbm4b:s6+s3], $0x80, v4, vm0, $0xb8;
	[tilespmem:$0x10200] =	vst v63  }
0x52: {  	s19 =	simm.s32 $0x5900  }
0x53: {  	[tilespmem:s19], [sflag:$0x1] =	stream.indirect_vreg.gather [hbm4b:s7+s3], $0x80, v4, vm0, $0xb8;
	[tilespmem:$0x10200] =	vst v63  }
0x54: {  	s20 =	simm.s32 $0x6100  }
0x55: {  	[tilespmem:s20], [sflag:$0x1] =	stream.indirect_vreg.gather [hbm4b:s26+s3], $0x80, v3, vm0, $0xb8;
	[tilespmem:$0x10200] =	vst v63  }
0x56: {  	s21 =	simm.s32 $0x6900  }
0x57: {  	[tilespmem:s21], [sflag:$0x1] =	stream.indirect_vreg.gather [hbm4b:s5+s3], $0x80, v3, vm0, $0xb8;
	[tilespmem:$0x10200] =	vst v63  }
0x58: {  	s23 =	simm.s32 $0x7100  }
0x59: {  	[tilespmem:s23], [sflag:$0x1] =	stream.indirect_vreg.gather [hbm4b:s6+s3], $0x80, v3, vm0, $0xb8;
	[tilespmem:$0x10200] =	vst v63  }
0x5a: {  	s28 =	simm.s32 $0x7900;
	s1 =	simm.s32 $0x1  }
0x5b: {  	[tilespmem:s28], [sflag:$0x1] =	stream.indirect_vreg.gather [hbm4b:s7+s3], $0x80, v3, vm0, $0xb8;
	[tilespmem:$0x10200] =	vst v63  }
0x5c: {  	_ =	swait.ge [sflag:s1], $0x8000  }
0x5d: {  	[sflag:s1] =	ssyncset.done $0x0  }
0x5e: {  	[sflag:s1] =	ssyncadd.s32 $0xFFFF8000  }
0x5f: {  	v3 =	vld [tilespmem:$0x80];
	_ =	sdelay $0x4  }
0x60: {  	v58 =	vshll.u32 v3, $0x3  }
0x61: {  	v3 =	vand.u32 $0x7, v3;
	v4 =	vand.u32 $0xFFFFFFC0, v58  }
0x62: {  	v3 =	vor.u32 v3, v4  }
0x63: {  	v4 =	vperm.xlane v3, v0;
	_ =	sdelay $0x1  }
0x64: {  	v4 =	vadd.s32 v1, v4;
	_ =	sdelay $0x3  }
0x65: {  	s25 =	simm.s32 $0x100  }
0x66: {  	[hbm4b:s4+s3] =	stream.indirect_vreg.scatter [tilespmem:s25], [sflag:$0x2], $0x80, v4, vm0, $0xb8;
	[tilespmem:$0x10200] =	vst v63  }
0x67: {  	s24 =	simm.s32 $0x900;
	v3 =	vperm.xlane v3, v2  }
0x68: {  	[hbm4b:s8+s3] =	stream.indirect_vreg.scatter [tilespmem:s24], [sflag:$0x2], $0x80, v4, vm0, $0xb8;
	[tilespmem:$0x10200] =	vst v63  }
0x69: {  	s2 =	simm.s32 $0x1100;
	v3 =	vadd.s32 v1, v3  }
0x6a: {  	[hbm4b:s9+s3] =	stream.indirect_vreg.scatter [tilespmem:s2], [sflag:$0x2], $0x80, v4, vm0, $0xb8;
	[tilespmem:$0x10200] =	vst v63  }
0x6b: {  	s13 =	simm.s32 $0x1900  }
0x6c: {  	[hbm4b:s10+s3] =	stream.indirect_vreg.scatter [tilespmem:s13], [sflag:$0x2], $0x80, v4, vm0, $0xb8;
	[tilespmem:$0x10200] =	vst v63  }
0x6d: {  	s14 =	simm.s32 $0x2100  }
0x6e: {  	[hbm4b:s4+s3] =	stream.indirect_vreg.scatter [tilespmem:s14], [sflag:$0x2], $0x80, v3, vm0, $0xb8;
	[tilespmem:$0x10200] =	vst v63  }
0x6f: {  	s15 =	simm.s32 $0x2900  }
0x70: {  	[hbm4b:s8+s3] =	stream.indirect_vreg.scatter [tilespmem:s15], [sflag:$0x2], $0x80, v3, vm0, $0xb8;
	[tilespmem:$0x10200] =	vst v63  }
0x71: {  	s16 =	simm.s32 $0x3100  }
0x72: {  	[hbm4b:s9+s3] =	stream.indirect_vreg.scatter [tilespmem:s16], [sflag:$0x2], $0x80, v3, vm0, $0xb8;
	[tilespmem:$0x10200] =	vst v63  }
0x73: {  	s29 =	simm.s32 $0x3900  }
0x74: {  	[hbm4b:s10+s3] =	stream.indirect_vreg.scatter [tilespmem:s29], [sflag:$0x2], $0x80, v3, vm0, $0xb8;
	[tilespmem:$0x10200] =	vst v63  }
0x75: {  	v3 =	vld [tilespmem:$0x90];
	_ =	sdelay $0x4  }
0x76: {  	v59 =	vshll.u32 v3, $0x3  }
0x77: {  	v3 =	vand.u32 $0x7, v3;
	v4 =	vand.u32 $0xFFFFFFC0, v59  }
0x78: {  	v3 =	vor.u32 v3, v4  }
0x79: {  	v4 =	vperm.xlane v3, v0;
	_ =	sdelay $0x1  }
0x7a: {  	v4 =	vadd.s32 v1, v4;
	_ =	sdelay $0x3  }
0x7b: {  	s22 =	simm.s32 $0x4100  }
0x7c: {  	[hbm4b:s4+s3] =	stream.indirect_vreg.scatter [tilespmem:s22], [sflag:$0x2], $0x80, v4, vm0, $0xb8;
	[tilespmem:$0x10200] =	vst v63  }
0x7d: {  	s11 =	simm.s32 $0x4900;
	v3 =	vperm.xlane v3, v2  }
0x7e: {  	[hbm4b:s8+s3] =	stream.indirect_vreg.scatter [tilespmem:s11], [sflag:$0x2], $0x80, v4, vm0, $0xb8;
	[tilespmem:$0x10200] =	vst v63  }
0x7f: {  	s17 =	simm.s32 $0x5100;
	v3 =	vadd.s32 v1, v3  }
0x80: {  	[hbm4b:s9+s3] =	stream.indirect_vreg.scatter [tilespmem:s17], [sflag:$0x2], $0x80, v4, vm0, $0xb8;
	[tilespmem:$0x10200] =	vst v63  }
0x81: {  	s18 =	simm.s32 $0x5900  }
0x82: {  	[hbm4b:s10+s3] =	stream.indirect_vreg.scatter [tilespmem:s18], [sflag:$0x2], $0x80, v4, vm0, $0xb8;
	[tilespmem:$0x10200] =	vst v63  }
0x83: {  	s19 =	simm.s32 $0x6100  }
0x84: {  	[hbm4b:s4+s3] =	stream.indirect_vreg.scatter [tilespmem:s19], [sflag:$0x2], $0x80, v3, vm0, $0xb8;
	[tilespmem:$0x10200] =	vst v63  }
0x85: {  	s20 =	simm.s32 $0x6900  }
0x86: {  	[hbm4b:s8+s3] =	stream.indirect_vreg.scatter [tilespmem:s20], [sflag:$0x2], $0x80, v3, vm0, $0xb8;
	[tilespmem:$0x10200] =	vst v63  }
0x87: {  	s21 =	simm.s32 $0x7100  }
0x88: {  	[hbm4b:s9+s3] =	stream.indirect_vreg.scatter [tilespmem:s21], [sflag:$0x2], $0x80, v3, vm0, $0xb8;
	[tilespmem:$0x10200] =	vst v63  }
0x89: {  	s31 =	simm.s32 $0x7900  }
0x8a: {  	[hbm4b:s10+s3] =	stream.indirect_vreg.scatter [tilespmem:s31], [sflag:$0x2], $0x80, v3, vm0, $0xb8;
	[tilespmem:$0x10200] =	vst v63  }
0x8b: {  	s23 =	simm.s32 $0x8100;
	s30 =	rddreg [dreg:$0x5]  }
0x8c: {  	[tilespmem:s23], [sflag:$0x5] =	stream.linear.gather [hbm4b:s30+s3], $0x20, $0x38;
	[tilespmem:$0x10200] =	vst v63  }
0x8d: {  	_ =	swait.ge [sflag:s12], $0x20  }
0x8e: {  	[sflag:s12] =	ssyncset.done $0x0  }
0x8f: {  	s24 =	simm.s32 $0x8180;
	s30 =	rddreg [dreg:$0x6];
	[sflag:s12] =	ssyncadd.s32 $0xFFFFFFE0  }
0x90: {  	[tilespmem:s24], [sflag:$0x5] =	stream.linear.gather [hbm4b:s30+s3], $0x20, $0x38;
	[tilespmem:$0x10200] =	vst v63  }
0x91: {  	_ =	swait.ge [sflag:s12], $0x20  }
0x92: {  	[sflag:s12] =	ssyncset.done $0x0  }
0x93: {  	[sflag:s12] =	ssyncadd.s32 $0xFFFFFFE0  }
0x94: {  	v3 =	vld [tilespmem:$0x8100];
	_ =	sdelay $0x4  }
0x95: {  	v60 =	vshll.u32 v3, $0x3  }
0x96: {  	v3 =	vand.u32 $0x7, v3;
	v4 =	vand.u32 $0xFFFFFFC0, v60  }
0x97: {  	v3 =	vor.u32 v3, v4  }
0x98: {  	v4 =	vperm.xlane v3, v0;
	_ =	sdelay $0x1  }
0x99: {  	v4 =	vadd.s32 v1, v4;
	_ =	sdelay $0x3  }
0x9a: {  	s30 =	simm.s32 $0x8200  }
0x9b: {  	[tilespmem:s30], [sflag:$0x3] =	stream.indirect_vreg.gather [hbm4b:s26+s3], $0x80, v4, vm0, $0xb8;
	[tilespmem:$0x10200] =	vst v63  }
0x9c: {  	v3 =	vperm.xlane v3, v2;
	s30 =	simm.s32 $0x8A00  }
0x9d: {  	[tilespmem:s30], [sflag:$0x3] =	stream.indirect_vreg.gather [hbm4b:s5+s3], $0x80, v4, vm0, $0xb8;
	[tilespmem:$0x10200] =	vst v63  }
0x9e: {  	v3 =	vadd.s32 v1, v3;
	s30 =	simm.s32 $0x9200  }
0x9f: {  	[tilespmem:s30], [sflag:$0x3] =	stream.indirect_vreg.gather [hbm4b:s6+s3], $0x80, v4, vm0, $0xb8;
	[tilespmem:$0x10200] =	vst v63  }
0xa0: {  	s30 =	simm.s32 $0x9A00  }
0xa1: {  	[tilespmem:s30], [sflag:$0x3] =	stream.indirect_vreg.gather [hbm4b:s7+s3], $0x80, v4, vm0, $0xb8;
	[tilespmem:$0x10200] =	vst v63  }
0xa2: {  	s30 =	simm.s32 $0xA200  }
0xa3: {  	[tilespmem:s30], [sflag:$0x3] =	stream.indirect_vreg.gather [hbm4b:s26+s3], $0x80, v3, vm0, $0xb8;
	[tilespmem:$0x10200] =	vst v63  }
0xa4: {  	s30 =	simm.s32 $0xAA00  }
0xa5: {  	[tilespmem:s30], [sflag:$0x3] =	stream.indirect_vreg.gather [hbm4b:s5+s3], $0x80, v3, vm0, $0xb8;
	[tilespmem:$0x10200] =	vst v63  }
0xa6: {  	s30 =	simm.s32 $0xB200  }
0xa7: {  	[tilespmem:s30], [sflag:$0x3] =	stream.indirect_vreg.gather [hbm4b:s6+s3], $0x80, v3, vm0, $0xb8;
	[tilespmem:$0x10200] =	vst v63  }
0xa8: {  	s30 =	simm.s32 $0xBA00  }
0xa9: {  	[tilespmem:s30], [sflag:$0x3] =	stream.indirect_vreg.gather [hbm4b:s7+s3], $0x80, v3, vm0, $0xb8;
	[tilespmem:$0x10200] =	vst v63  }
0xaa: {  	v3 =	vld [tilespmem:$0x8110];
	_ =	sdelay $0x4  }
0xab: {  	v61 =	vshll.u32 v3, $0x3  }
0xac: {  	v3 =	vand.u32 $0x7, v3;
	v4 =	vand.u32 $0xFFFFFFC0, v61  }
0xad: {  	v3 =	vor.u32 v3, v4  }
0xae: {  	v4 =	vperm.xlane v3, v0;
	_ =	sdelay $0x1  }
0xaf: {  	v4 =	vadd.s32 v1, v4;
	_ =	sdelay $0x3  }
0xb0: {  	s30 =	simm.s32 $0xC200  }
0xb1: {  	[tilespmem:s30], [sflag:$0x3] =	stream.indirect_vreg.gather [hbm4b:s26+s3], $0x80, v4, vm0, $0xb8;
	[tilespmem:$0x10200] =	vst v63  }
0xb2: {  	v3 =	vperm.xlane v3, v2;
	s30 =	simm.s32 $0xCA00  }
0xb3: {  	[tilespmem:s30], [sflag:$0x3] =	stream.indirect_vreg.gather [hbm4b:s5+s3], $0x80, v4, vm0, $0xb8;
	[tilespmem:$0x10200] =	vst v63  }
0xb4: {  	v3 =	vadd.s32 v1, v3;
	s30 =	simm.s32 $0xD200  }
0xb5: {  	[tilespmem:s30], [sflag:$0x3] =	stream.indirect_vreg.gather [hbm4b:s6+s3], $0x80, v4, vm0, $0xb8;
	[tilespmem:$0x10200] =	vst v63  }
0xb6: {  	s30 =	simm.s32 $0xDA00  }
0xb7: {  	[tilespmem:s30], [sflag:$0x3] =	stream.indirect_vreg.gather [hbm4b:s7+s3], $0x80, v4, vm0, $0xb8;
	[tilespmem:$0x10200] =	vst v63  }
0xb8: {  	s30 =	simm.s32 $0xE200  }
0xb9: {  	[tilespmem:s30], [sflag:$0x3] =	stream.indirect_vreg.gather [hbm4b:s26+s3], $0x80, v3, vm0, $0xb8;
	[tilespmem:$0x10200] =	vst v63  }
0xba: {  	s30 =	simm.s32 $0xEA00  }
0xbb: {  	[tilespmem:s30], [sflag:$0x3] =	stream.indirect_vreg.gather [hbm4b:s5+s3], $0x80, v3, vm0, $0xb8;
	[tilespmem:$0x10200] =	vst v63  }
0xbc: {  	s30 =	simm.s32 $0xF200  }
0xbd: {  	[tilespmem:s30], [sflag:$0x3] =	stream.indirect_vreg.gather [hbm4b:s6+s3], $0x80, v3, vm0, $0xb8;
	[tilespmem:$0x10200] =	vst v63  }
0xbe: {  	s28 =	simm.s32 $0x2;
	s30 =	simm.s32 $0xFA00  }
0xbf: {  	[tilespmem:s30], [sflag:$0x3] =	stream.indirect_vreg.gather [hbm4b:s7+s3], $0x80, v3, vm0, $0xb8;
	[tilespmem:$0x10200] =	vst v63  }
0xc0: {  	_ =	swait.ge [sflag:s28], $0x8000  }
0xc1: {  	[sflag:s28] =	ssyncset.done $0x0  }
0xc2: {  	[sflag:s28] =	ssyncadd.s32 $0xFFFF8000;
	s28 =	simm.s32 $0x3  }
0xc3: {  	_ =	swait.ge [sflag:s28], $0x8000  }
0xc4: {  	[sflag:s28] =	ssyncset.done $0x0  }
0xc5: {  	[sflag:s28] =	ssyncadd.s32 $0xFFFF8000  }
0xc6: {  	v3 =	vld [tilespmem:$0x8180];
	_ =	sdelay $0x4  }
0xc7: {  	v62 =	vshll.u32 v3, $0x3  }
0xc8: {  	v3 =	vand.u32 $0x7, v3;
	v4 =	vand.u32 $0xFFFFFFC0, v62  }
0xc9: {  	v3 =	vor.u32 v3, v4  }
0xca: {  	v4 =	vperm.xlane v3, v0;
	_ =	sdelay $0x1  }
0xcb: {  	v4 =	vadd.s32 v1, v4;
	_ =	sdelay $0x3  }
0xcc: {  	s2 =	simm.s32 $0x8200  }
0xcd: {  	[hbm4b:s4+s3] =	stream.indirect_vreg.scatter [tilespmem:s2], [sflag:$0x4], $0x80, v4, vm0, $0xb8;
	[tilespmem:$0x10200] =	vst v63  }
0xce: {  	s11 =	simm.s32 $0x8A00;
	v3 =	vperm.xlane v3, v2  }
0xcf: {  	[hbm4b:s8+s3] =	stream.indirect_vreg.scatter [tilespmem:s11], [sflag:$0x4], $0x80, v4, vm0, $0xb8;
	[tilespmem:$0x10200] =	vst v63  }
0xd0: {  	s14 =	simm.s32 $0x9200;
	v3 =	vadd.s32 v1, v3  }
0xd1: {  	[hbm4b:s9+s3] =	stream.indirect_vreg.scatter [tilespmem:s14], [sflag:$0x4], $0x80, v4, vm0, $0xb8;
	[tilespmem:$0x10200] =	vst v63  }
0xd2: {  	s21 =	simm.s32 $0x9A00  }
0xd3: {  	[hbm4b:s10+s3] =	stream.indirect_vreg.scatter [tilespmem:s21], [sflag:$0x4], $0x80, v4, vm0, $0xb8;
	[tilespmem:$0x10200] =	vst v63  }
0xd4: {  	s22 =	simm.s32 $0xA200  }
0xd5: {  	[hbm4b:s4+s3] =	stream.indirect_vreg.scatter [tilespmem:s22], [sflag:$0x4], $0x80, v3, vm0, $0xb8;
	[tilespmem:$0x10200] =	vst v63  }
0xd6: {  	s23 =	simm.s32 $0xAA00  }
0xd7: {  	[hbm4b:s8+s3] =	stream.indirect_vreg.scatter [tilespmem:s23], [sflag:$0x4], $0x80, v3, vm0, $0xb8;
	[tilespmem:$0x10200] =	vst v63  }
0xd8: {  	s15 =	simm.s32 $0xB200  }
0xd9: {  	[hbm4b:s9+s3] =	stream.indirect_vreg.scatter [tilespmem:s15], [sflag:$0x4], $0x80, v3, vm0, $0xb8;
	[tilespmem:$0x10200] =	vst v63  }
0xda: {  	s13 =	simm.s32 $0xBA00  }
0xdb: {  	[hbm4b:s10+s3] =	stream.indirect_vreg.scatter [tilespmem:s13], [sflag:$0x4], $0x80, v3, vm0, $0xb8;
	[tilespmem:$0x10200] =	vst v63  }
0xdc: {  	v3 =	vld [tilespmem:$0x8190];
	_ =	sdelay $0x4  }
0xdd: {  	v63 =	vshll.u32 v3, $0x3  }
0xde: {  	v3 =	vand.u32 $0x7, v3;
	v4 =	vand.u32 $0xFFFFFFC0, v63  }
0xdf: {  	v3 =	vor.u32 v3, v4  }
0xe0: {  	v4 =	vperm.xlane v3, v0;
	_ =	sdelay $0x1  }
0xe1: {  	v4 =	vadd.s32 v1, v4;
	_ =	sdelay $0x3  }
0xe2: {  	s31 =	simm.s32 $0xC200  }
0xe3: {  	[hbm4b:s4+s3] =	stream.indirect_vreg.scatter [tilespmem:s31], [sflag:$0x4], $0x80, v4, vm0, $0xb8;
	[tilespmem:$0x10200] =	vst v63  }
0xe4: {  	s1 =	simm.s32 $0xCA00;
	v3 =	vperm.xlane v3, v2  }
0xe5: {  	[hbm4b:s8+s3] =	stream.indirect_vreg.scatter [tilespmem:s1], [sflag:$0x4], $0x80, v4, vm0, $0xb8;
	[tilespmem:$0x10200] =	vst v63  }
0xe6: {  	s16 =	simm.s32 $0xD200;
	v3 =	vadd.s32 v1, v3  }
0xe7: {  	[hbm4b:s9+s3] =	stream.indirect_vreg.scatter [tilespmem:s16], [sflag:$0x4], $0x80, v4, vm0, $0xb8;
	[tilespmem:$0x10200] =	vst v63  }
0xe8: {  	s17 =	simm.s32 $0xDA00  }
0xe9: {  	[hbm4b:s10+s3] =	stream.indirect_vreg.scatter [tilespmem:s17], [sflag:$0x4], $0x80, v4, vm0, $0xb8;
	[tilespmem:$0x10200] =	vst v63  }
0xea: {  	s18 =	simm.s32 $0xE200  }
0xeb: {  	[hbm4b:s4+s3] =	stream.indirect_vreg.scatter [tilespmem:s18], [sflag:$0x4], $0x80, v3, vm0, $0xb8;
	[tilespmem:$0x10200] =	vst v63  }
0xec: {  	s19 =	simm.s32 $0xEA00  }
0xed: {  	[hbm4b:s8+s3] =	stream.indirect_vreg.scatter [tilespmem:s19], [sflag:$0x4], $0x80, v3, vm0, $0xb8;
	[tilespmem:$0x10200] =	vst v63  }
0xee: {  	s20 =	simm.s32 $0xF200  }
0xef: {  	[hbm4b:s9+s3] =	stream.indirect_vreg.scatter [tilespmem:s20], [sflag:$0x4], $0x80, v3, vm0, $0xb8;
	[tilespmem:$0x10200] =	vst v63  }
0xf0: {  	s24 =	simm.s32 $0xFA00  }
0xf1: {  	[hbm4b:s10+s3] =	stream.indirect_vreg.scatter [tilespmem:s24], [sflag:$0x4], $0x80, v3, vm0, $0xb8;
	[tilespmem:$0x10200] =	vst v63  }
0xf2: {  	s30 =	rddreg [dreg:$0x7]  }
0xf3: {  	[tilespmem:s3], [sflag:$0x5] =	stream.linear.gather [hbm4b:s30+s3], $0x20, $0x38;
	[tilespmem:$0x10200] =	vst v63  }
0xf4: {  	_ =	swait.ge [sflag:s12], $0x20  }
0xf5: {  	[sflag:s12] =	ssyncset.done $0x0  }
0xf6: {  	s24 =	simm.s32 $0x80;
	s30 =	rddreg [dreg:$0x8];
	[sflag:s12] =	ssyncadd.s32 $0xFFFFFFE0  }
0xf7: {  	[tilespmem:s24], [sflag:$0x5] =	stream.linear.gather [hbm4b:s30+s3], $0x20, $0x38;
	[tilespmem:$0x10200] =	vst v63  }
0xf8: {  	_ =	swait.ge [sflag:s12], $0x20  }
0xf9: {  	[sflag:s12] =	ssyncset.done $0x0  }
0xfa: {  	[sflag:s12] =	ssyncadd.s32 $0xFFFFFFE0  }
0xfb: {  	v3 =	vld [tilespmem:$0x0];
	_ =	sdelay $0x4  }
0xfc: {  	v8 =	vshll.u32 v3, $0x3  }
0xfd: {  	v3 =	vand.u32 $0x7, v3;
	v4 =	vand.u32 $0xFFFFFFC0, v8  }
0xfe: {  	v3 =	vor.u32 v3, v4  }
0xff: {  	v4 =	vperm.xlane v3, v0;
	_ =	sdelay $0x1  }
0x100: {  	v4 =	vadd.s32 v1, v4;
	_ =	sdelay $0x4  }
0x101: {  	[tilespmem:s25], [sflag:$0x1] =	stream.indirect_vreg.gather [hbm4b:s26+s3], $0x80, v4, vm0, $0xb8;
	[tilespmem:$0x10200] =	vst v63  }
0x102: {  	s30 =	simm.s32 $0x900;
	v3 =	vperm.xlane v3, v2  }
0x103: {  	[tilespmem:s30], [sflag:$0x1] =	stream.indirect_vreg.gather [hbm4b:s5+s3], $0x80, v4, vm0, $0xb8;
	[tilespmem:$0x10200] =	vst v63  }
0x104: {  	s11 =	simm.s32 $0x1100;
	v3 =	vadd.s32 v1, v3  }
0x105: {  	[tilespmem:s11], [sflag:$0x1] =	stream.indirect_vreg.gather [hbm4b:s6+s3], $0x80, v4, vm0, $0xb8;
	[tilespmem:$0x10200] =	vst v63  }
0x106: {  	s14 =	simm.s32 $0x1900  }
0x107: {  	[tilespmem:s14], [sflag:$0x1] =	stream.indirect_vreg.gather [hbm4b:s7+s3], $0x80, v4, vm0, $0xb8;
	[tilespmem:$0x10200] =	vst v63  }
0x108: {  	s15 =	simm.s32 $0x2100  }
0x109: {  	[tilespmem:s15], [sflag:$0x1] =	stream.indirect_vreg.gather [hbm4b:s26+s3], $0x80, v3, vm0, $0xb8;
	[tilespmem:$0x10200] =	vst v63  }
0x10a: {  	s16 =	simm.s32 $0x2900  }
0x10b: {  	[tilespmem:s16], [sflag:$0x1] =	stream.indirect_vreg.gather [hbm4b:s5+s3], $0x80, v3, vm0, $0xb8;
	[tilespmem:$0x10200] =	vst v63  }
0x10c: {  	s17 =	simm.s32 $0x3100  }
0x10d: {  	[tilespmem:s17], [sflag:$0x1] =	stream.indirect_vreg.gather [hbm4b:s6+s3], $0x80, v3, vm0, $0xb8;
	[tilespmem:$0x10200] =	vst v63  }
0x10e: {  	_ = 	snop  }
0x10f: {  	[tilespmem:s29], [sflag:$0x1] =	stream.indirect_vreg.gather [hbm4b:s7+s3], $0x80, v3, vm0, $0xb8;
	[tilespmem:$0x10200] =	vst v63  }
0x110: {  	v3 =	vld [tilespmem:$0x10];
	_ =	sdelay $0x4  }
0x111: {  	v9 =	vshll.u32 v3, $0x3  }
0x112: {  	v3 =	vand.u32 $0x7, v3;
	v4 =	vand.u32 $0xFFFFFFC0, v9  }
0x113: {  	v3 =	vor.u32 v3, v4  }
0x114: {  	v4 =	vperm.xlane v3, v0;
	_ =	sdelay $0x1  }
0x115: {  	v4 =	vadd.s32 v1, v4;
	_ =	sdelay $0x3  }
0x116: {  	s23 =	simm.s32 $0x4100  }
0x117: {  	[tilespmem:s23], [sflag:$0x1] =	stream.indirect_vreg.gather [hbm4b:s26+s3], $0x80, v4, vm0, $0xb8;
	[tilespmem:$0x10200] =	vst v63  }
0x118: {  	s0 =	simm.s32 $0x4900;
	v3 =	vperm.xlane v3, v2  }
0x119: {  	[tilespmem:s0], [sflag:$0x1] =	stream.indirect_vreg.gather [hbm4b:s5+s3], $0x80, v4, vm0, $0xb8;
	[tilespmem:$0x10200] =	vst v63  }
0x11a: {  	s18 =	simm.s32 $0x5100;
	v3 =	vadd.s32 v1, v3  }
0x11b: {  	[tilespmem:s18], [sflag:$0x1] =	stream.indirect_vreg.gather [hbm4b:s6+s3], $0x80, v4, vm0, $0xb8;
	[tilespmem:$0x10200] =	vst v63  }
0x11c: {  	s19 =	simm.s32 $0x5900  }
0x11d: {  	[tilespmem:s19], [sflag:$0x1] =	stream.indirect_vreg.gather [hbm4b:s7+s3], $0x80, v4, vm0, $0xb8;
	[tilespmem:$0x10200] =	vst v63  }
0x11e: {  	s20 =	simm.s32 $0x6100  }
0x11f: {  	[tilespmem:s20], [sflag:$0x1] =	stream.indirect_vreg.gather [hbm4b:s26+s3], $0x80, v3, vm0, $0xb8;
	[tilespmem:$0x10200] =	vst v63  }
0x120: {  	s21 =	simm.s32 $0x6900  }
0x121: {  	[tilespmem:s21], [sflag:$0x1] =	stream.indirect_vreg.gather [hbm4b:s5+s3], $0x80, v3, vm0, $0xb8;
	[tilespmem:$0x10200] =	vst v63  }
0x122: {  	s22 =	simm.s32 $0x7100  }
0x123: {  	[tilespmem:s22], [sflag:$0x1] =	stream.indirect_vreg.gather [hbm4b:s6+s3], $0x80, v3, vm0, $0xb8;
	[tilespmem:$0x10200] =	vst v63  }
0x124: {  	s31 =	simm.s32 $0x4;
	s24 =	simm.s32 $0x7900  }
0x125: {  	[tilespmem:s24], [sflag:$0x1] =	stream.indirect_vreg.gather [hbm4b:s7+s3], $0x80, v3, vm0, $0xb8;
	[tilespmem:$0x10200] =	vst v63  }
0x126: {  	_ =	swait.ge [sflag:s31], $0x8000  }
0x127: {  	[sflag:s31] =	ssyncset.done $0x0  }
0x128: {  	[sflag:s31] =	ssyncadd.s32 $0xFFFF8000;
	s31 =	simm.s32 $0x1  }
0x129: {  	_ =	swait.ge [sflag:s31], $0x8000  }
0x12a: {  	[sflag:s31] =	ssyncset.done $0x0  }
0x12b: {  	[sflag:s31] =	ssyncadd.s32 $0xFFFF8000  }
0x12c: {  	v3 =	vld [tilespmem:$0x80];
	_ =	sdelay $0x4  }
0x12d: {  	v10 =	vshll.u32 v3, $0x3  }
0x12e: {  	v3 =	vand.u32 $0x7, v3;
	v4 =	vand.u32 $0xFFFFFFC0, v10  }
0x12f: {  	v3 =	vor.u32 v3, v4  }
0x130: {  	v4 =	vperm.xlane v3, v0;
	_ =	sdelay $0x1  }
0x131: {  	v4 =	vadd.s32 v1, v4;
	_ =	sdelay $0x4  }
0x132: {  	[hbm4b:s4+s3] =	stream.indirect_vreg.scatter [tilespmem:s25], [sflag:$0x2], $0x80, v4, vm0, $0xb8;
	[tilespmem:$0x10200] =	vst v63  }
0x133: {  	v3 =	vperm.xlane v3, v2  }
0x134: {  	[hbm4b:s8+s3] =	stream.indirect_vreg.scatter [tilespmem:s30], [sflag:$0x2], $0x80, v4, vm0, $0xb8;
	[tilespmem:$0x10200] =	vst v63  }
0x135: {  	v3 =	vadd.s32 v1, v3  }
0x136: {  	[hbm4b:s9+s3] =	stream.indirect_vreg.scatter [tilespmem:s11], [sflag:$0x2], $0x80, v4, vm0, $0xb8;
	[tilespmem:$0x10200] =	vst v63  }
0x137: {  	_ = 	snop  }
0x138: {  	[hbm4b:s10+s3] =	stream.indirect_vreg.scatter [tilespmem:s14], [sflag:$0x2], $0x80, v4, vm0, $0xb8;
	[tilespmem:$0x10200] =	vst v63  }
0x139: {  	_ = 	snop  }
0x13a: {  	[hbm4b:s4+s3] =	stream.indirect_vreg.scatter [tilespmem:s15], [sflag:$0x2], $0x80, v3, vm0, $0xb8;
	[tilespmem:$0x10200] =	vst v63  }
0x13b: {  	_ = 	snop  }
0x13c: {  	[hbm4b:s8+s3] =	stream.indirect_vreg.scatter [tilespmem:s16], [sflag:$0x2], $0x80, v3, vm0, $0xb8;
	[tilespmem:$0x10200] =	vst v63  }
0x13d: {  	_ = 	snop  }
0x13e: {  	[hbm4b:s9+s3] =	stream.indirect_vreg.scatter [tilespmem:s17], [sflag:$0x2], $0x80, v3, vm0, $0xb8;
	[tilespmem:$0x10200] =	vst v63  }
0x13f: {  	_ = 	snop  }
0x140: {  	[hbm4b:s10+s3] =	stream.indirect_vreg.scatter [tilespmem:s29], [sflag:$0x2], $0x80, v3, vm0, $0xb8;
	[tilespmem:$0x10200] =	vst v63  }
0x141: {  	v3 =	vld [tilespmem:$0x90];
	_ =	sdelay $0x4  }
0x142: {  	v11 =	vshll.u32 v3, $0x3  }
0x143: {  	v3 =	vand.u32 $0x7, v3;
	v4 =	vand.u32 $0xFFFFFFC0, v11  }
0x144: {  	v3 =	vor.u32 v3, v4  }
0x145: {  	v4 =	vperm.xlane v3, v0;
	_ =	sdelay $0x1  }
0x146: {  	v4 =	vadd.s32 v1, v4;
	_ =	sdelay $0x4  }
0x147: {  	[hbm4b:s4+s3] =	stream.indirect_vreg.scatter [tilespmem:s23], [sflag:$0x2], $0x80, v4, vm0, $0xb8;
	[tilespmem:$0x10200] =	vst v63  }
0x148: {  	v3 =	vperm.xlane v3, v2  }
0x149: {  	[hbm4b:s8+s3] =	stream.indirect_vreg.scatter [tilespmem:s0], [sflag:$0x2], $0x80, v4, vm0, $0xb8;
	[tilespmem:$0x10200] =	vst v63  }
0x14a: {  	v3 =	vadd.s32 v1, v3  }
0x14b: {  	[hbm4b:s9+s3] =	stream.indirect_vreg.scatter [tilespmem:s18], [sflag:$0x2], $0x80, v4, vm0, $0xb8;
	[tilespmem:$0x10200] =	vst v63  }
0x14c: {  	_ = 	snop  }
0x14d: {  	[hbm4b:s10+s3] =	stream.indirect_vreg.scatter [tilespmem:s19], [sflag:$0x2], $0x80, v4, vm0, $0xb8;
	[tilespmem:$0x10200] =	vst v63  }
0x14e: {  	_ = 	snop  }
0x14f: {  	[hbm4b:s4+s3] =	stream.indirect_vreg.scatter [tilespmem:s20], [sflag:$0x2], $0x80, v3, vm0, $0xb8;
	[tilespmem:$0x10200] =	vst v63  }
0x150: {  	_ = 	snop  }
0x151: {  	[hbm4b:s8+s3] =	stream.indirect_vreg.scatter [tilespmem:s21], [sflag:$0x2], $0x80, v3, vm0, $0xb8;
	[tilespmem:$0x10200] =	vst v63  }
0x152: {  	_ = 	snop  }
0x153: {  	[hbm4b:s9+s3] =	stream.indirect_vreg.scatter [tilespmem:s22], [sflag:$0x2], $0x80, v3, vm0, $0xb8;
	[tilespmem:$0x10200] =	vst v63  }
0x154: {  	_ = 	snop  }
0x155: {  	[hbm4b:s10+s3] =	stream.indirect_vreg.scatter [tilespmem:s24], [sflag:$0x2], $0x80, v3, vm0, $0xb8;
	[tilespmem:$0x10200] =	vst v63  }
0x156: {  	s30 =	rddreg [dreg:$0x9];
	s22 =	simm.s32 $0x8100  }
0x157: {  	[tilespmem:s22], [sflag:$0x5] =	stream.linear.gather [hbm4b:s30+s3], $0x20, $0x38;
	[tilespmem:$0x10200] =	vst v63  }
0x158: {  	_ =	swait.ge [sflag:s12], $0x20  }
0x159: {  	[sflag:s12] =	ssyncset.done $0x0  }
0x15a: {  	s23 =	simm.s32 $0x8180;
	s30 =	rddreg [dreg:$0xa];
	[sflag:s12] =	ssyncadd.s32 $0xFFFFFFE0  }
0x15b: {  	[tilespmem:s23], [sflag:$0x5] =	stream.linear.gather [hbm4b:s30+s3], $0x20, $0x38;
	[tilespmem:$0x10200] =	vst v63  }
0x15c: {  	_ =	swait.ge [sflag:s12], $0x20  }
0x15d: {  	[sflag:s12] =	ssyncset.done $0x0  }
0x15e: {  	[sflag:s12] =	ssyncadd.s32 $0xFFFFFFE0  }
0x15f: {  	v3 =	vld [tilespmem:$0x8100];
	_ =	sdelay $0x4  }
0x160: {  	v12 =	vshll.u32 v3, $0x3  }
0x161: {  	v3 =	vand.u32 $0x7, v3;
	v4 =	vand.u32 $0xFFFFFFC0, v12  }
0x162: {  	v3 =	vor.u32 v3, v4  }
0x163: {  	v4 =	vperm.xlane v3, v0;
	_ =	sdelay $0x1  }
0x164: {  	v4 =	vadd.s32 v1, v4;
	_ =	sdelay $0x3  }
0x165: {  	s24 =	simm.s32 $0x8200  }
0x166: {  	[tilespmem:s24], [sflag:$0x3] =	stream.indirect_vreg.gather [hbm4b:s26+s3], $0x80, v4, vm0, $0xb8;
	[tilespmem:$0x10200] =	vst v63  }
0x167: {  	s11 =	simm.s32 $0x8A00;
	v3 =	vperm.xlane v3, v2  }
0x168: {  	[tilespmem:s11], [sflag:$0x3] =	stream.indirect_vreg.gather [hbm4b:s5+s3], $0x80, v4, vm0, $0xb8;
	[tilespmem:$0x10200] =	vst v63  }
0x169: {  	s15 =	simm.s32 $0x9200;
	v3 =	vadd.s32 v1, v3  }
0x16a: {  	[tilespmem:s15], [sflag:$0x3] =	stream.indirect_vreg.gather [hbm4b:s6+s3], $0x80, v4, vm0, $0xb8;
	[tilespmem:$0x10200] =	vst v63  }
0x16b: {  	s2 =	simm.s32 $0x9A00  }
0x16c: {  	[tilespmem:s2], [sflag:$0x3] =	stream.indirect_vreg.gather [hbm4b:s7+s3], $0x80, v4, vm0, $0xb8;
	[tilespmem:$0x10200] =	vst v63  }
0x16d: {  	s17 =	simm.s32 $0xA200  }
0x16e: {  	[tilespmem:s17], [sflag:$0x3] =	stream.indirect_vreg.gather [hbm4b:s26+s3], $0x80, v3, vm0, $0xb8;
	[tilespmem:$0x10200] =	vst v63  }
0x16f: {  	s0 =	simm.s32 $0xAA00  }
0x170: {  	[tilespmem:s0], [sflag:$0x3] =	stream.indirect_vreg.gather [hbm4b:s5+s3], $0x80, v3, vm0, $0xb8;
	[tilespmem:$0x10200] =	vst v63  }
0x171: {  	s14 =	simm.s32 $0xB200  }
0x172: {  	[tilespmem:s14], [sflag:$0x3] =	stream.indirect_vreg.gather [hbm4b:s6+s3], $0x80, v3, vm0, $0xb8;
	[tilespmem:$0x10200] =	vst v63  }
0x173: {  	s13 =	simm.s32 $0xBA00  }
0x174: {  	[tilespmem:s13], [sflag:$0x3] =	stream.indirect_vreg.gather [hbm4b:s7+s3], $0x80, v3, vm0, $0xb8;
	[tilespmem:$0x10200] =	vst v63  }
0x175: {  	v3 =	vld [tilespmem:$0x8110];
	_ =	sdelay $0x4  }
0x176: {  	v13 =	vshll.u32 v3, $0x3  }
0x177: {  	v3 =	vand.u32 $0x7, v3;
	v4 =	vand.u32 $0xFFFFFFC0, v13  }
0x178: {  	v3 =	vor.u32 v3, v4  }
0x179: {  	v4 =	vperm.xlane v3, v0;
	_ =	sdelay $0x1  }
0x17a: {  	v4 =	vadd.s32 v1, v4;
	_ =	sdelay $0x3  }
0x17b: {  	s30 =	simm.s32 $0xC200  }
0x17c: {  	[tilespmem:s30], [sflag:$0x3] =	stream.indirect_vreg.gather [hbm4b:s26+s3], $0x80, v4, vm0, $0xb8;
	[tilespmem:$0x10200] =	vst v63  }
0x17d: {  	s18 =	simm.s32 $0xCA00;
	v3 =	vperm.xlane v3, v2  }
0x17e: {  	[tilespmem:s18], [sflag:$0x3] =	stream.indirect_vreg.gather [hbm4b:s5+s3], $0x80, v4, vm0, $0xb8;
	[tilespmem:$0x10200] =	vst v63  }
0x17f: {  	s19 =	simm.s32 $0xD200;
	v3 =	vadd.s32 v1, v3  }
0x180: {  	[tilespmem:s19], [sflag:$0x3] =	stream.indirect_vreg.gather [hbm4b:s6+s3], $0x80, v4, vm0, $0xb8;
	[tilespmem:$0x10200] =	vst v63  }
0x181: {  	s20 =	simm.s32 $0xDA00  }
0x182: {  	[tilespmem:s20], [sflag:$0x3] =	stream.indirect_vreg.gather [hbm4b:s7+s3], $0x80, v4, vm0, $0xb8;
	[tilespmem:$0x10200] =	vst v63  }
0x183: {  	s21 =	simm.s32 $0xE200  }
0x184: {  	[tilespmem:s21], [sflag:$0x3] =	stream.indirect_vreg.gather [hbm4b:s26+s3], $0x80, v3, vm0, $0xb8;
	[tilespmem:$0x10200] =	vst v63  }
0x185: {  	s22 =	simm.s32 $0xEA00  }
0x186: {  	[tilespmem:s22], [sflag:$0x3] =	stream.indirect_vreg.gather [hbm4b:s5+s3], $0x80, v3, vm0, $0xb8;
	[tilespmem:$0x10200] =	vst v63  }
0x187: {  	s29 =	simm.s32 $0xF200  }
0x188: {  	[tilespmem:s29], [sflag:$0x3] =	stream.indirect_vreg.gather [hbm4b:s6+s3], $0x80, v3, vm0, $0xb8;
	[tilespmem:$0x10200] =	vst v63  }
0x189: {  	s31 =	simm.s32 $0xFA00;
	s25 =	simm.s32 $0x2  }
0x18a: {  	[tilespmem:s31], [sflag:$0x3] =	stream.indirect_vreg.gather [hbm4b:s7+s3], $0x80, v3, vm0, $0xb8;
	[tilespmem:$0x10200] =	vst v63  }
0x18b: {  	_ =	swait.ge [sflag:s25], $0x8000  }
0x18c: {  	[sflag:s25] =	ssyncset.done $0x0  }
0x18d: {  	[sflag:s25] =	ssyncadd.s32 $0xFFFF8000  }
0x18e: {  	_ =	swait.ge [sflag:s28], $0x8000  }
0x18f: {  	[sflag:s28] =	ssyncset.done $0x0  }
0x190: {  	[sflag:s28] =	ssyncadd.s32 $0xFFFF8000  }
0x191: {  	v3 =	vld [tilespmem:$0x8180];
	_ =	sdelay $0x4  }
0x192: {  	v14 =	vshll.u32 v3, $0x3  }
0x193: {  	v3 =	vand.u32 $0x7, v3;
	v4 =	vand.u32 $0xFFFFFFC0, v14  }
0x194: {  	v3 =	vor.u32 v3, v4  }
0x195: {  	v4 =	vperm.xlane v3, v0;
	_ =	sdelay $0x1  }
0x196: {  	v4 =	vadd.s32 v1, v4;
	_ =	sdelay $0x4  }
0x197: {  	[hbm4b:s4+s3] =	stream.indirect_vreg.scatter [tilespmem:s24], [sflag:$0x4], $0x80, v4, vm0, $0xb8;
	[tilespmem:$0x10200] =	vst v63  }
0x198: {  	v3 =	vperm.xlane v3, v2  }
0x199: {  	[hbm4b:s8+s3] =	stream.indirect_vreg.scatter [tilespmem:s11], [sflag:$0x4], $0x80, v4, vm0, $0xb8;
	[tilespmem:$0x10200] =	vst v63  }
0x19a: {  	v3 =	vadd.s32 v1, v3  }
0x19b: {  	[hbm4b:s9+s3] =	stream.indirect_vreg.scatter [tilespmem:s15], [sflag:$0x4], $0x80, v4, vm0, $0xb8;
	[tilespmem:$0x10200] =	vst v63  }
0x19c: {  	_ = 	snop  }
0x19d: {  	[hbm4b:s10+s3] =	stream.indirect_vreg.scatter [tilespmem:s2], [sflag:$0x4], $0x80, v4, vm0, $0xb8;
	[tilespmem:$0x10200] =	vst v63  }
0x19e: {  	_ = 	snop  }
0x19f: {  	[hbm4b:s4+s3] =	stream.indirect_vreg.scatter [tilespmem:s17], [sflag:$0x4], $0x80, v3, vm0, $0xb8;
	[tilespmem:$0x10200] =	vst v63  }
0x1a0: {  	_ = 	snop  }
0x1a1: {  	[hbm4b:s8+s3] =	stream.indirect_vreg.scatter [tilespmem:s0], [sflag:$0x4], $0x80, v3, vm0, $0xb8;
	[tilespmem:$0x10200] =	vst v63  }
0x1a2: {  	_ = 	snop  }
0x1a3: {  	[hbm4b:s9+s3] =	stream.indirect_vreg.scatter [tilespmem:s14], [sflag:$0x4], $0x80, v3, vm0, $0xb8;
	[tilespmem:$0x10200] =	vst v63  }
0x1a4: {  	_ = 	snop  }
0x1a5: {  	[hbm4b:s10+s3] =	stream.indirect_vreg.scatter [tilespmem:s13], [sflag:$0x4], $0x80, v3, vm0, $0xb8;
	[tilespmem:$0x10200] =	vst v63  }
0x1a6: {  	v3 =	vld [tilespmem:$0x8190];
	_ =	sdelay $0x4  }
0x1a7: {  	v15 =	vshll.u32 v3, $0x3  }
0x1a8: {  	v3 =	vand.u32 $0x7, v3;
	v4 =	vand.u32 $0xFFFFFFC0, v15  }
0x1a9: {  	v3 =	vor.u32 v3, v4  }
0x1aa: {  	v4 =	vperm.xlane v3, v0;
	_ =	sdelay $0x1  }
0x1ab: {  	v4 =	vadd.s32 v1, v4;
	_ =	sdelay $0x4  }
0x1ac: {  	[hbm4b:s4+s3] =	stream.indirect_vreg.scatter [tilespmem:s30], [sflag:$0x4], $0x80, v4, vm0, $0xb8;
	[tilespmem:$0x10200] =	vst v63  }
0x1ad: {  	v3 =	vperm.xlane v3, v2  }
0x1ae: {  	[hbm4b:s8+s3] =	stream.indirect_vreg.scatter [tilespmem:s18], [sflag:$0x4], $0x80, v4, vm0, $0xb8;
	[tilespmem:$0x10200] =	vst v63  }
0x1af: {  	v3 =	vadd.s32 v1, v3  }
0x1b0: {  	[hbm4b:s9+s3] =	stream.indirect_vreg.scatter [tilespmem:s19], [sflag:$0x4], $0x80, v4, vm0, $0xb8;
	[tilespmem:$0x10200] =	vst v63  }
0x1b1: {  	_ = 	snop  }
0x1b2: {  	[hbm4b:s10+s3] =	stream.indirect_vreg.scatter [tilespmem:s20], [sflag:$0x4], $0x80, v4, vm0, $0xb8;
	[tilespmem:$0x10200] =	vst v63  }
0x1b3: {  	_ = 	snop  }
0x1b4: {  	[hbm4b:s4+s3] =	stream.indirect_vreg.scatter [tilespmem:s21], [sflag:$0x4], $0x80, v3, vm0, $0xb8;
	[tilespmem:$0x10200] =	vst v63  }
0x1b5: {  	_ = 	snop  }
0x1b6: {  	[hbm4b:s8+s3] =	stream.indirect_vreg.scatter [tilespmem:s22], [sflag:$0x4], $0x80, v3, vm0, $0xb8;
	[tilespmem:$0x10200] =	vst v63  }
0x1b7: {  	_ = 	snop  }
0x1b8: {  	[hbm4b:s9+s3] =	stream.indirect_vreg.scatter [tilespmem:s29], [sflag:$0x4], $0x80, v3, vm0, $0xb8;
	[tilespmem:$0x10200] =	vst v63  }
0x1b9: {  	_ = 	snop  }
0x1ba: {  	[hbm4b:s10+s3] =	stream.indirect_vreg.scatter [tilespmem:s31], [sflag:$0x4], $0x80, v3, vm0, $0xb8;
	[tilespmem:$0x10200] =	vst v63  }
0x1bb: {  	s30 =	rddreg [dreg:$0xb]  }
0x1bc: {  	[tilespmem:s3], [sflag:$0x5] =	stream.linear.gather [hbm4b:s30+s3], $0x20, $0x38;
	[tilespmem:$0x10200] =	vst v63  }
0x1bd: {  	_ =	swait.ge [sflag:s12], $0x20  }
0x1be: {  	[sflag:s12] =	ssyncset.done $0x0  }
0x1bf: {  	s29 =	simm.s32 $0x80;
	s30 =	rddreg [dreg:$0xc];
	[sflag:s12] =	ssyncadd.s32 $0xFFFFFFE0  }
0x1c0: {  	[tilespmem:s29], [sflag:$0x5] =	stream.linear.gather [hbm4b:s30+s3], $0x20, $0x38;
	[tilespmem:$0x10200] =	vst v63  }
0x1c1: {  	_ =	swait.ge [sflag:s12], $0x20  }
0x1c2: {  	[sflag:s12] =	ssyncset.done $0x0  }
0x1c3: {  	[sflag:s12] =	ssyncadd.s32 $0xFFFFFFE0  }
0x1c4: {  	v3 =	vld [tilespmem:$0x0];
	_ =	sdelay $0x4  }
0x1c5: {  	v16 =	vshll.u32 v3, $0x3  }
0x1c6: {  	v3 =	vand.u32 $0x7, v3;
	v4 =	vand.u32 $0xFFFFFFC0, v16  }
0x1c7: {  	v3 =	vor.u32 v3, v4  }
0x1c8: {  	v4 =	vperm.xlane v3, v0;
	_ =	sdelay $0x1  }
0x1c9: {  	v4 =	vadd.s32 v1, v4;
	_ =	sdelay $0x3  }
0x1ca: {  	s23 =	simm.s32 $0x100  }
0x1cb: {  	[tilespmem:s23], [sflag:$0x1] =	stream.indirect_vreg.gather [hbm4b:s26+s3], $0x80, v4, vm0, $0xb8;
	[tilespmem:$0x10200] =	vst v63  }
0x1cc: {  	s24 =	simm.s32 $0x900;
	v3 =	vperm.xlane v3, v2  }
0x1cd: {  	[tilespmem:s24], [sflag:$0x1] =	stream.indirect_vreg.gather [hbm4b:s5+s3], $0x80, v4, vm0, $0xb8;
	[tilespmem:$0x10200] =	vst v63  }
0x1ce: {  	s1 =	simm.s32 $0x1100;
	v3 =	vadd.s32 v1, v3  }
0x1cf: {  	[tilespmem:s1], [sflag:$0x1] =	stream.indirect_vreg.gather [hbm4b:s6+s3], $0x80, v4, vm0, $0xb8;
	[tilespmem:$0x10200] =	vst v63  }
0x1d0: {  	s14 =	simm.s32 $0x1900  }
0x1d1: {  	[tilespmem:s14], [sflag:$0x1] =	stream.indirect_vreg.gather [hbm4b:s7+s3], $0x80, v4, vm0, $0xb8;
	[tilespmem:$0x10200] =	vst v63  }
0x1d2: {  	s15 =	simm.s32 $0x2100  }
0x1d3: {  	[tilespmem:s15], [sflag:$0x1] =	stream.indirect_vreg.gather [hbm4b:s26+s3], $0x80, v3, vm0, $0xb8;
	[tilespmem:$0x10200] =	vst v63  }
0x1d4: {  	s16 =	simm.s32 $0x2900  }
0x1d5: {  	[tilespmem:s16], [sflag:$0x1] =	stream.indirect_vreg.gather [hbm4b:s5+s3], $0x80, v3, vm0, $0xb8;
	[tilespmem:$0x10200] =	vst v63  }
0x1d6: {  	s17 =	simm.s32 $0x3100  }
0x1d7: {  	[tilespmem:s17], [sflag:$0x1] =	stream.indirect_vreg.gather [hbm4b:s6+s3], $0x80, v3, vm0, $0xb8;
	[tilespmem:$0x10200] =	vst v63  }
0x1d8: {  	s25 =	simm.s32 $0x3900  }
0x1d9: {  	[tilespmem:s25], [sflag:$0x1] =	stream.indirect_vreg.gather [hbm4b:s7+s3], $0x80, v3, vm0, $0xb8;
	[tilespmem:$0x10200] =	vst v63  }
0x1da: {  	v3 =	vld [tilespmem:$0x10];
	_ =	sdelay $0x4  }
0x1db: {  	v17 =	vshll.u32 v3, $0x3  }
0x1dc: {  	v3 =	vand.u32 $0x7, v3;
	v4 =	vand.u32 $0xFFFFFFC0, v17  }
0x1dd: {  	v3 =	vor.u32 v3, v4  }
0x1de: {  	v4 =	vperm.xlane v3, v0;
	_ =	sdelay $0x1  }
0x1df: {  	v4 =	vadd.s32 v1, v4;
	_ =	sdelay $0x3  }
0x1e0: {  	s30 =	simm.s32 $0x4100  }
0x1e1: {  	[tilespmem:s30], [sflag:$0x1] =	stream.indirect_vreg.gather [hbm4b:s26+s3], $0x80, v4, vm0, $0xb8;
	[tilespmem:$0x10200] =	vst v63  }
0x1e2: {  	s29 =	simm.s32 $0x4900;
	v3 =	vperm.xlane v3, v2  }
0x1e3: {  	[tilespmem:s29], [sflag:$0x1] =	stream.indirect_vreg.gather [hbm4b:s5+s3], $0x80, v4, vm0, $0xb8;
	[tilespmem:$0x10200] =	vst v63  }
0x1e4: {  	s18 =	simm.s32 $0x5100;
	v3 =	vadd.s32 v1, v3  }
0x1e5: {  	[tilespmem:s18], [sflag:$0x1] =	stream.indirect_vreg.gather [hbm4b:s6+s3], $0x80, v4, vm0, $0xb8;
	[tilespmem:$0x10200] =	vst v63  }
0x1e6: {  	s19 =	simm.s32 $0x5900  }
0x1e7: {  	[tilespmem:s19], [sflag:$0x1] =	stream.indirect_vreg.gather [hbm4b:s7+s3], $0x80, v4, vm0, $0xb8;
	[tilespmem:$0x10200] =	vst v63  }
0x1e8: {  	s20 =	simm.s32 $0x6100  }
0x1e9: {  	[tilespmem:s20], [sflag:$0x1] =	stream.indirect_vreg.gather [hbm4b:s26+s3], $0x80, v3, vm0, $0xb8;
	[tilespmem:$0x10200] =	vst v63  }
0x1ea: {  	s21 =	simm.s32 $0x6900  }
0x1eb: {  	[tilespmem:s21], [sflag:$0x1] =	stream.indirect_vreg.gather [hbm4b:s5+s3], $0x80, v3, vm0, $0xb8;
	[tilespmem:$0x10200] =	vst v63  }
0x1ec: {  	s22 =	simm.s32 $0x7100  }
0x1ed: {  	[tilespmem:s22], [sflag:$0x1] =	stream.indirect_vreg.gather [hbm4b:s6+s3], $0x80, v3, vm0, $0xb8;
	[tilespmem:$0x10200] =	vst v63  }
0x1ee: {  	s0 =	simm.s32 $0x7900;
	s31 =	simm.s32 $0x4  }
0x1ef: {  	[tilespmem:s0], [sflag:$0x1] =	stream.indirect_vreg.gather [hbm4b:s7+s3], $0x80, v3, vm0, $0xb8;
	[tilespmem:$0x10200] =	vst v63  }
0x1f0: {  	_ =	swait.ge [sflag:s31], $0x8000  }
0x1f1: {  	[sflag:s31] =	ssyncset.done $0x0  }
0x1f2: {  	s13 =	simm.s32 $0x1;
	[sflag:s31] =	ssyncadd.s32 $0xFFFF8000  }
0x1f3: {  	_ =	swait.ge [sflag:s13], $0x8000  }
0x1f4: {  	[sflag:s13] =	ssyncset.done $0x0  }
0x1f5: {  	[sflag:s13] =	ssyncadd.s32 $0xFFFF8000  }
0x1f6: {  	v3 =	vld [tilespmem:$0x80];
	_ =	sdelay $0x4  }
0x1f7: {  	v18 =	vshll.u32 v3, $0x3  }
0x1f8: {  	v3 =	vand.u32 $0x7, v3;
	v4 =	vand.u32 $0xFFFFFFC0, v18  }
0x1f9: {  	v3 =	vor.u32 v3, v4  }
0x1fa: {  	v4 =	vperm.xlane v3, v0;
	_ =	sdelay $0x1  }
0x1fb: {  	v4 =	vadd.s32 v1, v4;
	_ =	sdelay $0x4  }
0x1fc: {  	[hbm4b:s4+s3] =	stream.indirect_vreg.scatter [tilespmem:s23], [sflag:$0x2], $0x80, v4, vm0, $0xb8;
	[tilespmem:$0x10200] =	vst v63  }
0x1fd: {  	v3 =	vperm.xlane v3, v2  }
0x1fe: {  	[hbm4b:s8+s3] =	stream.indirect_vreg.scatter [tilespmem:s24], [sflag:$0x2], $0x80, v4, vm0, $0xb8;
	[tilespmem:$0x10200] =	vst v63  }
0x1ff: {  	v3 =	vadd.s32 v1, v3  }
0x200: {  	[hbm4b:s9+s3] =	stream.indirect_vreg.scatter [tilespmem:s1], [sflag:$0x2], $0x80, v4, vm0, $0xb8;
	[tilespmem:$0x10200] =	vst v63  }
0x201: {  	_ = 	snop  }
0x202: {  	[hbm4b:s10+s3] =	stream.indirect_vreg.scatter [tilespmem:s14], [sflag:$0x2], $0x80, v4, vm0, $0xb8;
	[tilespmem:$0x10200] =	vst v63  }
0x203: {  	_ = 	snop  }
0x204: {  	[hbm4b:s4+s3] =	stream.indirect_vreg.scatter [tilespmem:s15], [sflag:$0x2], $0x80, v3, vm0, $0xb8;
	[tilespmem:$0x10200] =	vst v63  }
0x205: {  	_ = 	snop  }
0x206: {  	[hbm4b:s8+s3] =	stream.indirect_vreg.scatter [tilespmem:s16], [sflag:$0x2], $0x80, v3, vm0, $0xb8;
	[tilespmem:$0x10200] =	vst v63  }
0x207: {  	_ = 	snop  }
0x208: {  	[hbm4b:s9+s3] =	stream.indirect_vreg.scatter [tilespmem:s17], [sflag:$0x2], $0x80, v3, vm0, $0xb8;
	[tilespmem:$0x10200] =	vst v63  }
0x209: {  	_ = 	snop  }
0x20a: {  	[hbm4b:s10+s3] =	stream.indirect_vreg.scatter [tilespmem:s25], [sflag:$0x2], $0x80, v3, vm0, $0xb8;
	[tilespmem:$0x10200] =	vst v63  }
0x20b: {  	v3 =	vld [tilespmem:$0x90];
	_ =	sdelay $0x4  }
0x20c: {  	v19 =	vshll.u32 v3, $0x3  }
0x20d: {  	v3 =	vand.u32 $0x7, v3;
	v4 =	vand.u32 $0xFFFFFFC0, v19  }
0x20e: {  	v3 =	vor.u32 v3, v4  }
0x20f: {  	v4 =	vperm.xlane v3, v0;
	_ =	sdelay $0x1  }
0x210: {  	v4 =	vadd.s32 v1, v4;
	_ =	sdelay $0x4  }
0x211: {  	[hbm4b:s4+s3] =	stream.indirect_vreg.scatter [tilespmem:s30], [sflag:$0x2], $0x80, v4, vm0, $0xb8;
	[tilespmem:$0x10200] =	vst v63  }
0x212: {  	v3 =	vperm.xlane v3, v2  }
0x213: {  	[hbm4b:s8+s3] =	stream.indirect_vreg.scatter [tilespmem:s29], [sflag:$0x2], $0x80, v4, vm0, $0xb8;
	[tilespmem:$0x10200] =	vst v63  }
0x214: {  	v3 =	vadd.s32 v1, v3  }
0x215: {  	[hbm4b:s9+s3] =	stream.indirect_vreg.scatter [tilespmem:s18], [sflag:$0x2], $0x80, v4, vm0, $0xb8;
	[tilespmem:$0x10200] =	vst v63  }
0x216: {  	_ = 	snop  }
0x217: {  	[hbm4b:s10+s3] =	stream.indirect_vreg.scatter [tilespmem:s19], [sflag:$0x2], $0x80, v4, vm0, $0xb8;
	[tilespmem:$0x10200] =	vst v63  }
0x218: {  	_ = 	snop  }
0x219: {  	[hbm4b:s4+s3] =	stream.indirect_vreg.scatter [tilespmem:s20], [sflag:$0x2], $0x80, v3, vm0, $0xb8;
	[tilespmem:$0x10200] =	vst v63  }
0x21a: {  	_ = 	snop  }
0x21b: {  	[hbm4b:s8+s3] =	stream.indirect_vreg.scatter [tilespmem:s21], [sflag:$0x2], $0x80, v3, vm0, $0xb8;
	[tilespmem:$0x10200] =	vst v63  }
0x21c: {  	_ = 	snop  }
0x21d: {  	[hbm4b:s9+s3] =	stream.indirect_vreg.scatter [tilespmem:s22], [sflag:$0x2], $0x80, v3, vm0, $0xb8;
	[tilespmem:$0x10200] =	vst v63  }
0x21e: {  	_ = 	snop  }
0x21f: {  	[hbm4b:s10+s3] =	stream.indirect_vreg.scatter [tilespmem:s0], [sflag:$0x2], $0x80, v3, vm0, $0xb8;
	[tilespmem:$0x10200] =	vst v63  }
0x220: {  	s30 =	rddreg [dreg:$0xd];
	s20 =	simm.s32 $0x8100  }
0x221: {  	[tilespmem:s20], [sflag:$0x5] =	stream.linear.gather [hbm4b:s30+s3], $0x20, $0x38;
	[tilespmem:$0x10200] =	vst v63  }
0x222: {  	_ =	swait.ge [sflag:s12], $0x20  }
0x223: {  	[sflag:s12] =	ssyncset.done $0x0  }
0x224: {  	s21 =	simm.s32 $0x8180;
	s30 =	rddreg [dreg:$0xe];
	[sflag:s12] =	ssyncadd.s32 $0xFFFFFFE0  }
0x225: {  	[tilespmem:s21], [sflag:$0x5] =	stream.linear.gather [hbm4b:s30+s3], $0x20, $0x38;
	[tilespmem:$0x10200] =	vst v63  }
0x226: {  	_ =	swait.ge [sflag:s12], $0x20  }
0x227: {  	[sflag:s12] =	ssyncset.done $0x0  }
0x228: {  	[sflag:s12] =	ssyncadd.s32 $0xFFFFFFE0  }
0x229: {  	v3 =	vld [tilespmem:$0x8100];
	_ =	sdelay $0x4  }
0x22a: {  	v20 =	vshll.u32 v3, $0x3  }
0x22b: {  	v3 =	vand.u32 $0x7, v3;
	v4 =	vand.u32 $0xFFFFFFC0, v20  }
0x22c: {  	v3 =	vor.u32 v3, v4  }
0x22d: {  	v4 =	vperm.xlane v3, v0;
	_ =	sdelay $0x1  }
0x22e: {  	v4 =	vadd.s32 v1, v4;
	_ =	sdelay $0x3  }
0x22f: {  	s25 =	simm.s32 $0x8200  }
0x230: {  	[tilespmem:s25], [sflag:$0x3] =	stream.indirect_vreg.gather [hbm4b:s26+s3], $0x80, v4, vm0, $0xb8;
	[tilespmem:$0x10200] =	vst v63  }
0x231: {  	s22 =	simm.s32 $0x8A00;
	v3 =	vperm.xlane v3, v2  }
0x232: {  	[tilespmem:s22], [sflag:$0x3] =	stream.indirect_vreg.gather [hbm4b:s5+s3], $0x80, v4, vm0, $0xb8;
	[tilespmem:$0x10200] =	vst v63  }
0x233: {  	s1 =	simm.s32 $0x9200;
	v3 =	vadd.s32 v1, v3  }
0x234: {  	[tilespmem:s1], [sflag:$0x3] =	stream.indirect_vreg.gather [hbm4b:s6+s3], $0x80, v4, vm0, $0xb8;
	[tilespmem:$0x10200] =	vst v63  }
0x235: {  	s13 =	simm.s32 $0x9A00  }
0x236: {  	[tilespmem:s13], [sflag:$0x3] =	stream.indirect_vreg.gather [hbm4b:s7+s3], $0x80, v4, vm0, $0xb8;
	[tilespmem:$0x10200] =	vst v63  }
0x237: {  	s14 =	simm.s32 $0xA200  }
0x238: {  	[tilespmem:s14], [sflag:$0x3] =	stream.indirect_vreg.gather [hbm4b:s26+s3], $0x80, v3, vm0, $0xb8;
	[tilespmem:$0x10200] =	vst v63  }
0x239: {  	s15 =	simm.s32 $0xAA00  }
0x23a: {  	[tilespmem:s15], [sflag:$0x3] =	stream.indirect_vreg.gather [hbm4b:s5+s3], $0x80, v3, vm0, $0xb8;
	[tilespmem:$0x10200] =	vst v63  }
0x23b: {  	s16 =	simm.s32 $0xB200  }
0x23c: {  	[tilespmem:s16], [sflag:$0x3] =	stream.indirect_vreg.gather [hbm4b:s6+s3], $0x80, v3, vm0, $0xb8;
	[tilespmem:$0x10200] =	vst v63  }
0x23d: {  	s30 =	simm.s32 $0xBA00  }
0x23e: {  	[tilespmem:s30], [sflag:$0x3] =	stream.indirect_vreg.gather [hbm4b:s7+s3], $0x80, v3, vm0, $0xb8;
	[tilespmem:$0x10200] =	vst v63  }
0x23f: {  	v3 =	vld [tilespmem:$0x8110];
	_ =	sdelay $0x4  }
0x240: {  	v21 =	vshll.u32 v3, $0x3  }
0x241: {  	v3 =	vand.u32 $0x7, v3;
	v4 =	vand.u32 $0xFFFFFFC0, v21  }
0x242: {  	v3 =	vor.u32 v3, v4  }
0x243: {  	v4 =	vperm.xlane v3, v0;
	_ =	sdelay $0x1  }
0x244: {  	v4 =	vadd.s32 v1, v4;
	_ =	sdelay $0x3  }
0x245: {  	s2 =	simm.s32 $0xC200  }
0x246: {  	[tilespmem:s2], [sflag:$0x3] =	stream.indirect_vreg.gather [hbm4b:s26+s3], $0x80, v4, vm0, $0xb8;
	[tilespmem:$0x10200] =	vst v63  }
0x247: {  	s11 =	simm.s32 $0xCA00;
	v3 =	vperm.xlane v3, v2  }
0x248: {  	[tilespmem:s11], [sflag:$0x3] =	stream.indirect_vreg.gather [hbm4b:s5+s3], $0x80, v4, vm0, $0xb8;
	[tilespmem:$0x10200] =	vst v63  }
0x249: {  	s17 =	simm.s32 $0xD200;
	v3 =	vadd.s32 v1, v3  }
0x24a: {  	[tilespmem:s17], [sflag:$0x3] =	stream.indirect_vreg.gather [hbm4b:s6+s3], $0x80, v4, vm0, $0xb8;
	[tilespmem:$0x10200] =	vst v63  }
0x24b: {  	s18 =	simm.s32 $0xDA00  }
0x24c: {  	[tilespmem:s18], [sflag:$0x3] =	stream.indirect_vreg.gather [hbm4b:s7+s3], $0x80, v4, vm0, $0xb8;
	[tilespmem:$0x10200] =	vst v63  }
0x24d: {  	s19 =	simm.s32 $0xE200  }
0x24e: {  	[tilespmem:s19], [sflag:$0x3] =	stream.indirect_vreg.gather [hbm4b:s26+s3], $0x80, v3, vm0, $0xb8;
	[tilespmem:$0x10200] =	vst v63  }
0x24f: {  	s20 =	simm.s32 $0xEA00  }
0x250: {  	[tilespmem:s20], [sflag:$0x3] =	stream.indirect_vreg.gather [hbm4b:s5+s3], $0x80, v3, vm0, $0xb8;
	[tilespmem:$0x10200] =	vst v63  }
0x251: {  	s21 =	simm.s32 $0xF200  }
0x252: {  	[tilespmem:s21], [sflag:$0x3] =	stream.indirect_vreg.gather [hbm4b:s6+s3], $0x80, v3, vm0, $0xb8;
	[tilespmem:$0x10200] =	vst v63  }
0x253: {  	s29 =	simm.s32 $0x2;
	s0 =	simm.s32 $0xFA00  }
0x254: {  	[tilespmem:s0], [sflag:$0x3] =	stream.indirect_vreg.gather [hbm4b:s7+s3], $0x80, v3, vm0, $0xb8;
	[tilespmem:$0x10200] =	vst v63  }
0x255: {  	_ =	swait.ge [sflag:s29], $0x8000  }
0x256: {  	[sflag:s29] =	ssyncset.done $0x0  }
0x257: {  	[sflag:s29] =	ssyncadd.s32 $0xFFFF8000  }
0x258: {  	_ =	swait.ge [sflag:s28], $0x8000  }
0x259: {  	[sflag:s28] =	ssyncset.done $0x0  }
0x25a: {  	[sflag:s28] =	ssyncadd.s32 $0xFFFF8000  }
0x25b: {  	v3 =	vld [tilespmem:$0x8180];
	_ =	sdelay $0x4  }
0x25c: {  	v22 =	vshll.u32 v3, $0x3  }
0x25d: {  	v3 =	vand.u32 $0x7, v3;
	v4 =	vand.u32 $0xFFFFFFC0, v22  }
0x25e: {  	v3 =	vor.u32 v3, v4  }
0x25f: {  	v4 =	vperm.xlane v3, v0;
	_ =	sdelay $0x1  }
0x260: {  	v4 =	vadd.s32 v1, v4;
	_ =	sdelay $0x4  }
0x261: {  	[hbm4b:s4+s3] =	stream.indirect_vreg.scatter [tilespmem:s25], [sflag:$0x4], $0x80, v4, vm0, $0xb8;
	[tilespmem:$0x10200] =	vst v63  }
0x262: {  	v3 =	vperm.xlane v3, v2  }
0x263: {  	[hbm4b:s8+s3] =	stream.indirect_vreg.scatter [tilespmem:s22], [sflag:$0x4], $0x80, v4, vm0, $0xb8;
	[tilespmem:$0x10200] =	vst v63  }
0x264: {  	v3 =	vadd.s32 v1, v3  }
0x265: {  	[hbm4b:s9+s3] =	stream.indirect_vreg.scatter [tilespmem:s1], [sflag:$0x4], $0x80, v4, vm0, $0xb8;
	[tilespmem:$0x10200] =	vst v63  }
0x266: {  	_ = 	snop  }
0x267: {  	[hbm4b:s10+s3] =	stream.indirect_vreg.scatter [tilespmem:s13], [sflag:$0x4], $0x80, v4, vm0, $0xb8;
	[tilespmem:$0x10200] =	vst v63  }
0x268: {  	_ = 	snop  }
0x269: {  	[hbm4b:s4+s3] =	stream.indirect_vreg.scatter [tilespmem:s14], [sflag:$0x4], $0x80, v3, vm0, $0xb8;
	[tilespmem:$0x10200] =	vst v63  }
0x26a: {  	_ = 	snop  }
0x26b: {  	[hbm4b:s8+s3] =	stream.indirect_vreg.scatter [tilespmem:s15], [sflag:$0x4], $0x80, v3, vm0, $0xb8;
	[tilespmem:$0x10200] =	vst v63  }
0x26c: {  	_ = 	snop  }
0x26d: {  	[hbm4b:s9+s3] =	stream.indirect_vreg.scatter [tilespmem:s16], [sflag:$0x4], $0x80, v3, vm0, $0xb8;
	[tilespmem:$0x10200] =	vst v63  }
0x26e: {  	_ = 	snop  }
0x26f: {  	[hbm4b:s10+s3] =	stream.indirect_vreg.scatter [tilespmem:s30], [sflag:$0x4], $0x80, v3, vm0, $0xb8;
	[tilespmem:$0x10200] =	vst v63  }
0x270: {  	v3 =	vld [tilespmem:$0x8190];
	_ =	sdelay $0x4  }
0x271: {  	v23 =	vshll.u32 v3, $0x3  }
0x272: {  	v3 =	vand.u32 $0x7, v3;
	v4 =	vand.u32 $0xFFFFFFC0, v23  }
0x273: {  	v3 =	vor.u32 v3, v4  }
0x274: {  	v4 =	vperm.xlane v3, v0;
	_ =	sdelay $0x1  }
0x275: {  	v4 =	vadd.s32 v1, v4;
	_ =	sdelay $0x4  }
0x276: {  	[hbm4b:s4+s3] =	stream.indirect_vreg.scatter [tilespmem:s2], [sflag:$0x4], $0x80, v4, vm0, $0xb8;
	[tilespmem:$0x10200] =	vst v63  }
0x277: {  	v3 =	vperm.xlane v3, v2  }
0x278: {  	[hbm4b:s8+s3] =	stream.indirect_vreg.scatter [tilespmem:s11], [sflag:$0x4], $0x80, v4, vm0, $0xb8;
	[tilespmem:$0x10200] =	vst v63  }
0x279: {  	v3 =	vadd.s32 v1, v3  }
0x27a: {  	[hbm4b:s9+s3] =	stream.indirect_vreg.scatter [tilespmem:s17], [sflag:$0x4], $0x80, v4, vm0, $0xb8;
	[tilespmem:$0x10200] =	vst v63  }
0x27b: {  	_ = 	snop  }
0x27c: {  	[hbm4b:s10+s3] =	stream.indirect_vreg.scatter [tilespmem:s18], [sflag:$0x4], $0x80, v4, vm0, $0xb8;
	[tilespmem:$0x10200] =	vst v63  }
0x27d: {  	_ = 	snop  }
0x27e: {  	[hbm4b:s4+s3] =	stream.indirect_vreg.scatter [tilespmem:s19], [sflag:$0x4], $0x80, v3, vm0, $0xb8;
	[tilespmem:$0x10200] =	vst v63  }
0x27f: {  	_ = 	snop  }
0x280: {  	[hbm4b:s8+s3] =	stream.indirect_vreg.scatter [tilespmem:s20], [sflag:$0x4], $0x80, v3, vm0, $0xb8;
	[tilespmem:$0x10200] =	vst v63  }
0x281: {  	_ = 	snop  }
0x282: {  	[hbm4b:s9+s3] =	stream.indirect_vreg.scatter [tilespmem:s21], [sflag:$0x4], $0x80, v3, vm0, $0xb8;
	[tilespmem:$0x10200] =	vst v63  }
0x283: {  	_ = 	snop  }
0x284: {  	[hbm4b:s10+s3] =	stream.indirect_vreg.scatter [tilespmem:s0], [sflag:$0x4], $0x80, v3, vm0, $0xb8;
	[tilespmem:$0x10200] =	vst v63  }
0x285: {  	s30 =	rddreg [dreg:$0xf]  }
0x286: {  	[tilespmem:s3], [sflag:$0x5] =	stream.linear.gather [hbm4b:s30+s3], $0x20, $0x38;
	[tilespmem:$0x10200] =	vst v63  }
0x287: {  	_ =	swait.ge [sflag:s12], $0x20  }
0x288: {  	[sflag:s12] =	ssyncset.done $0x0  }
0x289: {  	s22 =	simm.s32 $0x80;
	s30 =	rddreg [dreg:$0x10];
	[sflag:s12] =	ssyncadd.s32 $0xFFFFFFE0  }
0x28a: {  	[tilespmem:s22], [sflag:$0x5] =	stream.linear.gather [hbm4b:s30+s3], $0x20, $0x38;
	[tilespmem:$0x10200] =	vst v63  }
0x28b: {  	_ =	swait.ge [sflag:s12], $0x20  }
0x28c: {  	[sflag:s12] =	ssyncset.done $0x0  }
0x28d: {  	[sflag:s12] =	ssyncadd.s32 $0xFFFFFFE0  }
0x28e: {  	v3 =	vld [tilespmem:$0x0];
	_ =	sdelay $0x4  }
0x28f: {  	v24 =	vshll.u32 v3, $0x3  }
0x290: {  	v3 =	vand.u32 $0x7, v3;
	v4 =	vand.u32 $0xFFFFFFC0, v24  }
0x291: {  	v3 =	vor.u32 v3, v4  }
0x292: {  	v4 =	vperm.xlane v3, v0;
	_ =	sdelay $0x1  }
0x293: {  	v4 =	vadd.s32 v1, v4;
	_ =	sdelay $0x3  }
0x294: {  	s17 =	simm.s32 $0x100  }
0x295: {  	[tilespmem:s17], [sflag:$0x1] =	stream.indirect_vreg.gather [hbm4b:s26+s3], $0x80, v4, vm0, $0xb8;
	[tilespmem:$0x10200] =	vst v63  }
0x296: {  	s21 =	simm.s32 $0x900;
	v3 =	vperm.xlane v3, v2  }
0x297: {  	[tilespmem:s21], [sflag:$0x1] =	stream.indirect_vreg.gather [hbm4b:s5+s3], $0x80, v4, vm0, $0xb8;
	[tilespmem:$0x10200] =	vst v63  }
0x298: {  	s23 =	simm.s32 $0x1100;
	v3 =	vadd.s32 v1, v3  }
0x299: {  	[tilespmem:s23], [sflag:$0x1] =	stream.indirect_vreg.gather [hbm4b:s6+s3], $0x80, v4, vm0, $0xb8;
	[tilespmem:$0x10200] =	vst v63  }
0x29a: {  	s24 =	simm.s32 $0x1900  }
0x29b: {  	[tilespmem:s24], [sflag:$0x1] =	stream.indirect_vreg.gather [hbm4b:s7+s3], $0x80, v4, vm0, $0xb8;
	[tilespmem:$0x10200] =	vst v63  }
0x29c: {  	s30 =	simm.s32 $0x2100  }
0x29d: {  	[tilespmem:s30], [sflag:$0x1] =	stream.indirect_vreg.gather [hbm4b:s26+s3], $0x80, v3, vm0, $0xb8;
	[tilespmem:$0x10200] =	vst v63  }
0x29e: {  	s11 =	simm.s32 $0x2900  }
0x29f: {  	[tilespmem:s11], [sflag:$0x1] =	stream.indirect_vreg.gather [hbm4b:s5+s3], $0x80, v3, vm0, $0xb8;
	[tilespmem:$0x10200] =	vst v63  }
0x2a0: {  	s1 =	simm.s32 $0x3100  }
0x2a1: {  	[tilespmem:s1], [sflag:$0x1] =	stream.indirect_vreg.gather [hbm4b:s6+s3], $0x80, v3, vm0, $0xb8;
	[tilespmem:$0x10200] =	vst v63  }
0x2a2: {  	s18 =	simm.s32 $0x3900  }
0x2a3: {  	[tilespmem:s18], [sflag:$0x1] =	stream.indirect_vreg.gather [hbm4b:s7+s3], $0x80, v3, vm0, $0xb8;
	[tilespmem:$0x10200] =	vst v63  }
0x2a4: {  	v3 =	vld [tilespmem:$0x10];
	_ =	sdelay $0x4  }
0x2a5: {  	v25 =	vshll.u32 v3, $0x3  }
0x2a6: {  	v3 =	vand.u32 $0x7, v3;
	v4 =	vand.u32 $0xFFFFFFC0, v25  }
0x2a7: {  	v3 =	vor.u32 v3, v4  }
0x2a8: {  	v4 =	vperm.xlane v3, v0;
	_ =	sdelay $0x1  }
0x2a9: {  	v4 =	vadd.s32 v1, v4;
	_ =	sdelay $0x3  }
0x2aa: {  	s19 =	simm.s32 $0x4100  }
0x2ab: {  	[tilespmem:s19], [sflag:$0x1] =	stream.indirect_vreg.gather [hbm4b:s26+s3], $0x80, v4, vm0, $0xb8;
	[tilespmem:$0x10200] =	vst v63  }
0x2ac: {  	s20 =	simm.s32 $0x4900;
	v3 =	vperm.xlane v3, v2  }
0x2ad: {  	[tilespmem:s20], [sflag:$0x1] =	stream.indirect_vreg.gather [hbm4b:s5+s3], $0x80, v4, vm0, $0xb8;
	[tilespmem:$0x10200] =	vst v63  }
0x2ae: {  	s2 =	simm.s32 $0x5100;
	v3 =	vadd.s32 v1, v3  }
0x2af: {  	[tilespmem:s2], [sflag:$0x1] =	stream.indirect_vreg.gather [hbm4b:s6+s3], $0x80, v4, vm0, $0xb8;
	[tilespmem:$0x10200] =	vst v63  }
0x2b0: {  	s13 =	simm.s32 $0x5900  }
0x2b1: {  	[tilespmem:s13], [sflag:$0x1] =	stream.indirect_vreg.gather [hbm4b:s7+s3], $0x80, v4, vm0, $0xb8;
	[tilespmem:$0x10200] =	vst v63  }
0x2b2: {  	s14 =	simm.s32 $0x6100  }
0x2b3: {  	[tilespmem:s14], [sflag:$0x1] =	stream.indirect_vreg.gather [hbm4b:s26+s3], $0x80, v3, vm0, $0xb8;
	[tilespmem:$0x10200] =	vst v63  }
0x2b4: {  	s15 =	simm.s32 $0x6900  }
0x2b5: {  	[tilespmem:s15], [sflag:$0x1] =	stream.indirect_vreg.gather [hbm4b:s5+s3], $0x80, v3, vm0, $0xb8;
	[tilespmem:$0x10200] =	vst v63  }
0x2b6: {  	s16 =	simm.s32 $0x7100  }
0x2b7: {  	[tilespmem:s16], [sflag:$0x1] =	stream.indirect_vreg.gather [hbm4b:s6+s3], $0x80, v3, vm0, $0xb8;
	[tilespmem:$0x10200] =	vst v63  }
0x2b8: {  	s0 =	simm.s32 $0x4;
	s22 =	simm.s32 $0x7900  }
0x2b9: {  	[tilespmem:s22], [sflag:$0x1] =	stream.indirect_vreg.gather [hbm4b:s7+s3], $0x80, v3, vm0, $0xb8;
	[tilespmem:$0x10200] =	vst v63  }
0x2ba: {  	_ =	swait.ge [sflag:s0], $0x8000  }
0x2bb: {  	[sflag:s0] =	ssyncset.done $0x0  }
0x2bc: {  	s31 =	simm.s32 $0x1;
	[sflag:s0] =	ssyncadd.s32 $0xFFFF8000  }
0x2bd: {  	_ =	swait.ge [sflag:s31], $0x8000  }
0x2be: {  	[sflag:s31] =	ssyncset.done $0x0  }
0x2bf: {  	[sflag:s31] =	ssyncadd.s32 $0xFFFF8000  }
0x2c0: {  	v3 =	vld [tilespmem:$0x80];
	_ =	sdelay $0x4  }
0x2c1: {  	v26 =	vshll.u32 v3, $0x3  }
0x2c2: {  	v3 =	vand.u32 $0x7, v3;
	v4 =	vand.u32 $0xFFFFFFC0, v26  }
0x2c3: {  	v3 =	vor.u32 v3, v4  }
0x2c4: {  	v4 =	vperm.xlane v3, v0;
	_ =	sdelay $0x1  }
0x2c5: {  	v4 =	vadd.s32 v1, v4;
	_ =	sdelay $0x4  }
0x2c6: {  	[hbm4b:s4+s3] =	stream.indirect_vreg.scatter [tilespmem:s17], [sflag:$0x2], $0x80, v4, vm0, $0xb8;
	[tilespmem:$0x10200] =	vst v63  }
0x2c7: {  	v3 =	vperm.xlane v3, v2  }
0x2c8: {  	[hbm4b:s8+s3] =	stream.indirect_vreg.scatter [tilespmem:s21], [sflag:$0x2], $0x80, v4, vm0, $0xb8;
	[tilespmem:$0x10200] =	vst v63  }
0x2c9: {  	v3 =	vadd.s32 v1, v3  }
0x2ca: {  	[hbm4b:s9+s3] =	stream.indirect_vreg.scatter [tilespmem:s23], [sflag:$0x2], $0x80, v4, vm0, $0xb8;
	[tilespmem:$0x10200] =	vst v63  }
0x2cb: {  	_ = 	snop  }
0x2cc: {  	[hbm4b:s10+s3] =	stream.indirect_vreg.scatter [tilespmem:s24], [sflag:$0x2], $0x80, v4, vm0, $0xb8;
	[tilespmem:$0x10200] =	vst v63  }
0x2cd: {  	_ = 	snop  }
0x2ce: {  	[hbm4b:s4+s3] =	stream.indirect_vreg.scatter [tilespmem:s30], [sflag:$0x2], $0x80, v3, vm0, $0xb8;
	[tilespmem:$0x10200] =	vst v63  }
0x2cf: {  	_ = 	snop  }
0x2d0: {  	[hbm4b:s8+s3] =	stream.indirect_vreg.scatter [tilespmem:s11], [sflag:$0x2], $0x80, v3, vm0, $0xb8;
	[tilespmem:$0x10200] =	vst v63  }
0x2d1: {  	_ = 	snop  }
0x2d2: {  	[hbm4b:s9+s3] =	stream.indirect_vreg.scatter [tilespmem:s1], [sflag:$0x2], $0x80, v3, vm0, $0xb8;
	[tilespmem:$0x10200] =	vst v63  }
0x2d3: {  	_ = 	snop  }
0x2d4: {  	[hbm4b:s10+s3] =	stream.indirect_vreg.scatter [tilespmem:s18], [sflag:$0x2], $0x80, v3, vm0, $0xb8;
	[tilespmem:$0x10200] =	vst v63  }
0x2d5: {  	v3 =	vld [tilespmem:$0x90];
	_ =	sdelay $0x4  }
0x2d6: {  	v27 =	vshll.u32 v3, $0x3  }
0x2d7: {  	v3 =	vand.u32 $0x7, v3;
	v4 =	vand.u32 $0xFFFFFFC0, v27  }
0x2d8: {  	v3 =	vor.u32 v3, v4  }
0x2d9: {  	v4 =	vperm.xlane v3, v0;
	_ =	sdelay $0x1  }
0x2da: {  	v4 =	vadd.s32 v1, v4;
	_ =	sdelay $0x4  }
0x2db: {  	[hbm4b:s4+s3] =	stream.indirect_vreg.scatter [tilespmem:s19], [sflag:$0x2], $0x80, v4, vm0, $0xb8;
	[tilespmem:$0x10200] =	vst v63  }
0x2dc: {  	v3 =	vperm.xlane v3, v2  }
0x2dd: {  	[hbm4b:s8+s3] =	stream.indirect_vreg.scatter [tilespmem:s20], [sflag:$0x2], $0x80, v4, vm0, $0xb8;
	[tilespmem:$0x10200] =	vst v63  }
0x2de: {  	v3 =	vadd.s32 v1, v3  }
0x2df: {  	[hbm4b:s9+s3] =	stream.indirect_vreg.scatter [tilespmem:s2], [sflag:$0x2], $0x80, v4, vm0, $0xb8;
	[tilespmem:$0x10200] =	vst v63  }
0x2e0: {  	_ = 	snop  }
0x2e1: {  	[hbm4b:s10+s3] =	stream.indirect_vreg.scatter [tilespmem:s13], [sflag:$0x2], $0x80, v4, vm0, $0xb8;
	[tilespmem:$0x10200] =	vst v63  }
0x2e2: {  	_ = 	snop  }
0x2e3: {  	[hbm4b:s4+s3] =	stream.indirect_vreg.scatter [tilespmem:s14], [sflag:$0x2], $0x80, v3, vm0, $0xb8;
	[tilespmem:$0x10200] =	vst v63  }
0x2e4: {  	_ = 	snop  }
0x2e5: {  	[hbm4b:s8+s3] =	stream.indirect_vreg.scatter [tilespmem:s15], [sflag:$0x2], $0x80, v3, vm0, $0xb8;
	[tilespmem:$0x10200] =	vst v63  }
0x2e6: {  	_ = 	snop  }
0x2e7: {  	[hbm4b:s9+s3] =	stream.indirect_vreg.scatter [tilespmem:s16], [sflag:$0x2], $0x80, v3, vm0, $0xb8;
	[tilespmem:$0x10200] =	vst v63  }
0x2e8: {  	_ = 	snop  }
0x2e9: {  	[hbm4b:s10+s3] =	stream.indirect_vreg.scatter [tilespmem:s22], [sflag:$0x2], $0x80, v3, vm0, $0xb8;
	[tilespmem:$0x10200] =	vst v63  }
0x2ea: {  	s31 =	simm.s32 $0x8100;
	s30 =	rddreg [dreg:$0x11]  }
0x2eb: {  	[tilespmem:s31], [sflag:$0x5] =	stream.linear.gather [hbm4b:s30+s3], $0x20, $0x38;
	[tilespmem:$0x10200] =	vst v63  }
0x2ec: {  	_ =	swait.ge [sflag:s12], $0x20  }
0x2ed: {  	[sflag:s12] =	ssyncset.done $0x0  }
0x2ee: {  	s1 =	simm.s32 $0x8180;
	s30 =	rddreg [dreg:$0x12];
	[sflag:s12] =	ssyncadd.s32 $0xFFFFFFE0  }
0x2ef: {  	[tilespmem:s1], [sflag:$0x5] =	stream.linear.gather [hbm4b:s30+s3], $0x20, $0x38;
	[tilespmem:$0x10200] =	vst v63  }
0x2f0: {  	_ =	swait.ge [sflag:s12], $0x20  }
0x2f1: {  	[sflag:s12] =	ssyncset.done $0x0  }
0x2f2: {  	[sflag:s12] =	ssyncadd.s32 $0xFFFFFFE0  }
0x2f3: {  	v3 =	vld [tilespmem:$0x8100];
	_ =	sdelay $0x4  }
0x2f4: {  	v28 =	vshll.u32 v3, $0x3  }
0x2f5: {  	v3 =	vand.u32 $0x7, v3;
	v4 =	vand.u32 $0xFFFFFFC0, v28  }
0x2f6: {  	v3 =	vor.u32 v3, v4  }
0x2f7: {  	v4 =	vperm.xlane v3, v0;
	_ =	sdelay $0x1  }
0x2f8: {  	v4 =	vadd.s32 v1, v4;
	_ =	sdelay $0x3  }
0x2f9: {  	s25 =	simm.s32 $0x8200  }
0x2fa: {  	[tilespmem:s25], [sflag:$0x3] =	stream.indirect_vreg.gather [hbm4b:s26+s3], $0x80, v4, vm0, $0xb8;
	[tilespmem:$0x10200] =	vst v63  }
0x2fb: {  	s2 =	simm.s32 $0x8A00;
	v3 =	vperm.xlane v3, v2  }
0x2fc: {  	[tilespmem:s2], [sflag:$0x3] =	stream.indirect_vreg.gather [hbm4b:s5+s3], $0x80, v4, vm0, $0xb8;
	[tilespmem:$0x10200] =	vst v63  }
0x2fd: {  	s11 =	simm.s32 $0x9200;
	v3 =	vadd.s32 v1, v3  }
0x2fe: {  	[tilespmem:s11], [sflag:$0x3] =	stream.indirect_vreg.gather [hbm4b:s6+s3], $0x80, v4, vm0, $0xb8;
	[tilespmem:$0x10200] =	vst v63  }
0x2ff: {  	s13 =	simm.s32 $0x9A00  }
0x300: {  	[tilespmem:s13], [sflag:$0x3] =	stream.indirect_vreg.gather [hbm4b:s7+s3], $0x80, v4, vm0, $0xb8;
	[tilespmem:$0x10200] =	vst v63  }
0x301: {  	s14 =	simm.s32 $0xA200  }
0x302: {  	[tilespmem:s14], [sflag:$0x3] =	stream.indirect_vreg.gather [hbm4b:s26+s3], $0x80, v3, vm0, $0xb8;
	[tilespmem:$0x10200] =	vst v63  }
0x303: {  	s15 =	simm.s32 $0xAA00  }
0x304: {  	[tilespmem:s15], [sflag:$0x3] =	stream.indirect_vreg.gather [hbm4b:s5+s3], $0x80, v3, vm0, $0xb8;
	[tilespmem:$0x10200] =	vst v63  }
0x305: {  	s20 =	simm.s32 $0xB200  }
0x306: {  	[tilespmem:s20], [sflag:$0x3] =	stream.indirect_vreg.gather [hbm4b:s6+s3], $0x80, v3, vm0, $0xb8;
	[tilespmem:$0x10200] =	vst v63  }
0x307: {  	s24 =	simm.s32 $0xBA00  }
0x308: {  	[tilespmem:s24], [sflag:$0x3] =	stream.indirect_vreg.gather [hbm4b:s7+s3], $0x80, v3, vm0, $0xb8;
	[tilespmem:$0x10200] =	vst v63  }
0x309: {  	v3 =	vld [tilespmem:$0x8110];
	_ =	sdelay $0x4  }
0x30a: {  	v29 =	vshll.u32 v3, $0x3  }
0x30b: {  	v3 =	vand.u32 $0x7, v3;
	v4 =	vand.u32 $0xFFFFFFC0, v29  }
0x30c: {  	v3 =	vor.u32 v3, v4  }
0x30d: {  	v4 =	vperm.xlane v3, v0;
	_ =	sdelay $0x1  }
0x30e: {  	v4 =	vadd.s32 v1, v4;
	_ =	sdelay $0x3  }
0x30f: {  	s16 =	simm.s32 $0xC200  }
0x310: {  	[tilespmem:s16], [sflag:$0x3] =	stream.indirect_vreg.gather [hbm4b:s26+s3], $0x80, v4, vm0, $0xb8;
	[tilespmem:$0x10200] =	vst v63  }
0x311: {  	s17 =	simm.s32 $0xCA00;
	v3 =	vperm.xlane v3, v2  }
0x312: {  	[tilespmem:s17], [sflag:$0x3] =	stream.indirect_vreg.gather [hbm4b:s5+s3], $0x80, v4, vm0, $0xb8;
	[tilespmem:$0x10200] =	vst v63  }
0x313: {  	s18 =	simm.s32 $0xD200;
	v3 =	vadd.s32 v1, v3  }
0x314: {  	[tilespmem:s18], [sflag:$0x3] =	stream.indirect_vreg.gather [hbm4b:s6+s3], $0x80, v4, vm0, $0xb8;
	[tilespmem:$0x10200] =	vst v63  }
0x315: {  	s19 =	simm.s32 $0xDA00  }
0x316: {  	[tilespmem:s19], [sflag:$0x3] =	stream.indirect_vreg.gather [hbm4b:s7+s3], $0x80, v4, vm0, $0xb8;
	[tilespmem:$0x10200] =	vst v63  }
0x317: {  	s21 =	simm.s32 $0xE200  }
0x318: {  	[tilespmem:s21], [sflag:$0x3] =	stream.indirect_vreg.gather [hbm4b:s26+s3], $0x80, v3, vm0, $0xb8;
	[tilespmem:$0x10200] =	vst v63  }
0x319: {  	s31 =	simm.s32 $0xEA00  }
0x31a: {  	[tilespmem:s31], [sflag:$0x3] =	stream.indirect_vreg.gather [hbm4b:s5+s3], $0x80, v3, vm0, $0xb8;
	[tilespmem:$0x10200] =	vst v63  }
0x31b: {  	s0 =	simm.s32 $0xF200  }
0x31c: {  	[tilespmem:s0], [sflag:$0x3] =	stream.indirect_vreg.gather [hbm4b:s6+s3], $0x80, v3, vm0, $0xb8;
	[tilespmem:$0x10200] =	vst v63  }
0x31d: {  	s29 =	simm.s32 $0x2;
	s23 =	simm.s32 $0xFA00  }
0x31e: {  	[tilespmem:s23], [sflag:$0x3] =	stream.indirect_vreg.gather [hbm4b:s7+s3], $0x80, v3, vm0, $0xb8;
	[tilespmem:$0x10200] =	vst v63  }
0x31f: {  	_ =	swait.ge [sflag:s29], $0x8000  }
0x320: {  	[sflag:s29] =	ssyncset.done $0x0  }
0x321: {  	[sflag:s29] =	ssyncadd.s32 $0xFFFF8000  }
0x322: {  	_ =	swait.ge [sflag:s28], $0x8000  }
0x323: {  	[sflag:s28] =	ssyncset.done $0x0  }
0x324: {  	[sflag:s28] =	ssyncadd.s32 $0xFFFF8000  }
0x325: {  	v3 =	vld [tilespmem:$0x8180];
	_ =	sdelay $0x4  }
0x326: {  	v30 =	vshll.u32 v3, $0x3  }
0x327: {  	v3 =	vand.u32 $0x7, v3;
	v4 =	vand.u32 $0xFFFFFFC0, v30  }
0x328: {  	v3 =	vor.u32 v3, v4  }
0x329: {  	v4 =	vperm.xlane v3, v0;
	_ =	sdelay $0x1  }
0x32a: {  	v4 =	vadd.s32 v1, v4;
	_ =	sdelay $0x4  }
0x32b: {  	[hbm4b:s4+s3] =	stream.indirect_vreg.scatter [tilespmem:s25], [sflag:$0x4], $0x80, v4, vm0, $0xb8;
	[tilespmem:$0x10200] =	vst v63  }
0x32c: {  	v3 =	vperm.xlane v3, v2  }
0x32d: {  	[hbm4b:s8+s3] =	stream.indirect_vreg.scatter [tilespmem:s2], [sflag:$0x4], $0x80, v4, vm0, $0xb8;
	[tilespmem:$0x10200] =	vst v63  }
0x32e: {  	v3 =	vadd.s32 v1, v3  }
0x32f: {  	[hbm4b:s9+s3] =	stream.indirect_vreg.scatter [tilespmem:s11], [sflag:$0x4], $0x80, v4, vm0, $0xb8;
	[tilespmem:$0x10200] =	vst v63  }
0x330: {  	_ = 	snop  }
0x331: {  	[hbm4b:s10+s3] =	stream.indirect_vreg.scatter [tilespmem:s13], [sflag:$0x4], $0x80, v4, vm0, $0xb8;
	[tilespmem:$0x10200] =	vst v63  }
0x332: {  	_ = 	snop  }
0x333: {  	[hbm4b:s4+s3] =	stream.indirect_vreg.scatter [tilespmem:s14], [sflag:$0x4], $0x80, v3, vm0, $0xb8;
	[tilespmem:$0x10200] =	vst v63  }
0x334: {  	_ = 	snop  }
0x335: {  	[hbm4b:s8+s3] =	stream.indirect_vreg.scatter [tilespmem:s15], [sflag:$0x4], $0x80, v3, vm0, $0xb8;
	[tilespmem:$0x10200] =	vst v63  }
0x336: {  	_ = 	snop  }
0x337: {  	[hbm4b:s9+s3] =	stream.indirect_vreg.scatter [tilespmem:s20], [sflag:$0x4], $0x80, v3, vm0, $0xb8;
	[tilespmem:$0x10200] =	vst v63  }
0x338: {  	_ = 	snop  }
0x339: {  	[hbm4b:s10+s3] =	stream.indirect_vreg.scatter [tilespmem:s24], [sflag:$0x4], $0x80, v3, vm0, $0xb8;
	[tilespmem:$0x10200] =	vst v63  }
0x33a: {  	v3 =	vld [tilespmem:$0x8190];
	_ =	sdelay $0x4  }
0x33b: {  	v31 =	vshll.u32 v3, $0x3  }
0x33c: {  	v3 =	vand.u32 $0x7, v3;
	v4 =	vand.u32 $0xFFFFFFC0, v31  }
0x33d: {  	v3 =	vor.u32 v3, v4  }
0x33e: {  	v4 =	vperm.xlane v3, v0;
	_ =	sdelay $0x1  }
0x33f: {  	v4 =	vadd.s32 v1, v4;
	_ =	sdelay $0x4  }
0x340: {  	[hbm4b:s4+s3] =	stream.indirect_vreg.scatter [tilespmem:s16], [sflag:$0x4], $0x80, v4, vm0, $0xb8;
	[tilespmem:$0x10200] =	vst v63  }
0x341: {  	v3 =	vperm.xlane v3, v2  }
0x342: {  	[hbm4b:s8+s3] =	stream.indirect_vreg.scatter [tilespmem:s17], [sflag:$0x4], $0x80, v4, vm0, $0xb8;
	[tilespmem:$0x10200] =	vst v63  }
0x343: {  	v3 =	vadd.s32 v1, v3  }
0x344: {  	[hbm4b:s9+s3] =	stream.indirect_vreg.scatter [tilespmem:s18], [sflag:$0x4], $0x80, v4, vm0, $0xb8;
	[tilespmem:$0x10200] =	vst v63  }
0x345: {  	_ = 	snop  }
0x346: {  	[hbm4b:s10+s3] =	stream.indirect_vreg.scatter [tilespmem:s19], [sflag:$0x4], $0x80, v4, vm0, $0xb8;
	[tilespmem:$0x10200] =	vst v63  }
0x347: {  	_ = 	snop  }
0x348: {  	[hbm4b:s4+s3] =	stream.indirect_vreg.scatter [tilespmem:s21], [sflag:$0x4], $0x80, v3, vm0, $0xb8;
	[tilespmem:$0x10200] =	vst v63  }
0x349: {  	_ = 	snop  }
0x34a: {  	[hbm4b:s8+s3] =	stream.indirect_vreg.scatter [tilespmem:s31], [sflag:$0x4], $0x80, v3, vm0, $0xb8;
	[tilespmem:$0x10200] =	vst v63  }
0x34b: {  	_ = 	snop  }
0x34c: {  	[hbm4b:s9+s3] =	stream.indirect_vreg.scatter [tilespmem:s0], [sflag:$0x4], $0x80, v3, vm0, $0xb8;
	[tilespmem:$0x10200] =	vst v63  }
0x34d: {  	_ = 	snop  }
0x34e: {  	[hbm4b:s10+s3] =	stream.indirect_vreg.scatter [tilespmem:s23], [sflag:$0x4], $0x80, v3, vm0, $0xb8;
	[tilespmem:$0x10200] =	vst v63  }
0x34f: {  	s30 =	rddreg [dreg:$0x13]  }
0x350: {  	[tilespmem:s3], [sflag:$0x5] =	stream.linear.gather [hbm4b:s30+s3], $0x20, $0x38;
	[tilespmem:$0x10200] =	vst v63  }
0x351: {  	_ =	swait.ge [sflag:s12], $0x20  }
0x352: {  	[sflag:s12] =	ssyncset.done $0x0  }
0x353: {  	s24 =	simm.s32 $0x80;
	s30 =	rddreg [dreg:$0x14];
	[sflag:s12] =	ssyncadd.s32 $0xFFFFFFE0  }
0x354: {  	[tilespmem:s24], [sflag:$0x5] =	stream.linear.gather [hbm4b:s30+s3], $0x20, $0x38;
	[tilespmem:$0x10200] =	vst v63  }
0x355: {  	_ =	swait.ge [sflag:s12], $0x20  }
0x356: {  	[sflag:s12] =	ssyncset.done $0x0  }
0x357: {  	[sflag:s12] =	ssyncadd.s32 $0xFFFFFFE0  }
0x358: {  	v3 =	vld [tilespmem:$0x0];
	_ =	sdelay $0x4  }
0x359: {  	v32 =	vshll.u32 v3, $0x3  }
0x35a: {  	v3 =	vand.u32 $0x7, v3;
	v4 =	vand.u32 $0xFFFFFFC0, v32  }
0x35b: {  	v3 =	vor.u32 v3, v4  }
0x35c: {  	v4 =	vperm.xlane v3, v0;
	_ =	sdelay $0x1  }
0x35d: {  	v4 =	vadd.s32 v1, v4;
	_ =	sdelay $0x3  }
0x35e: {  	s20 =	simm.s32 $0x100  }
0x35f: {  	[tilespmem:s20], [sflag:$0x1] =	stream.indirect_vreg.gather [hbm4b:s26+s3], $0x80, v4, vm0, $0xb8;
	[tilespmem:$0x10200] =	vst v63  }
0x360: {  	s24 =	simm.s32 $0x900;
	v3 =	vperm.xlane v3, v2  }
0x361: {  	[tilespmem:s24], [sflag:$0x1] =	stream.indirect_vreg.gather [hbm4b:s5+s3], $0x80, v4, vm0, $0xb8;
	[tilespmem:$0x10200] =	vst v63  }
0x362: {  	s0 =	simm.s32 $0x1100;
	v3 =	vadd.s32 v1, v3  }
0x363: {  	[tilespmem:s0], [sflag:$0x1] =	stream.indirect_vreg.gather [hbm4b:s6+s3], $0x80, v4, vm0, $0xb8;
	[tilespmem:$0x10200] =	vst v63  }
0x364: {  	s1 =	simm.s32 $0x1900  }
0x365: {  	[tilespmem:s1], [sflag:$0x1] =	stream.indirect_vreg.gather [hbm4b:s7+s3], $0x80, v4, vm0, $0xb8;
	[tilespmem:$0x10200] =	vst v63  }
0x366: {  	s11 =	simm.s32 $0x2100  }
0x367: {  	[tilespmem:s11], [sflag:$0x1] =	stream.indirect_vreg.gather [hbm4b:s26+s3], $0x80, v3, vm0, $0xb8;
	[tilespmem:$0x10200] =	vst v63  }
0x368: {  	s13 =	simm.s32 $0x2900  }
0x369: {  	[tilespmem:s13], [sflag:$0x1] =	stream.indirect_vreg.gather [hbm4b:s5+s3], $0x80, v3, vm0, $0xb8;
	[tilespmem:$0x10200] =	vst v63  }
0x36a: {  	s14 =	simm.s32 $0x3100  }
0x36b: {  	[tilespmem:s14], [sflag:$0x1] =	stream.indirect_vreg.gather [hbm4b:s6+s3], $0x80, v3, vm0, $0xb8;
	[tilespmem:$0x10200] =	vst v63  }
0x36c: {  	s21 =	simm.s32 $0x3900  }
0x36d: {  	[tilespmem:s21], [sflag:$0x1] =	stream.indirect_vreg.gather [hbm4b:s7+s3], $0x80, v3, vm0, $0xb8;
	[tilespmem:$0x10200] =	vst v63  }
0x36e: {  	v3 =	vld [tilespmem:$0x10];
	_ =	sdelay $0x4  }
0x36f: {  	v33 =	vshll.u32 v3, $0x3  }
0x370: {  	v3 =	vand.u32 $0x7, v3;
	v4 =	vand.u32 $0xFFFFFFC0, v33  }
0x371: {  	v3 =	vor.u32 v3, v4  }
0x372: {  	v4 =	vperm.xlane v3, v0;
	_ =	sdelay $0x1  }
0x373: {  	v4 =	vadd.s32 v1, v4;
	_ =	sdelay $0x3  }
0x374: {  	s22 =	simm.s32 $0x4100  }
0x375: {  	[tilespmem:s22], [sflag:$0x1] =	stream.indirect_vreg.gather [hbm4b:s26+s3], $0x80, v4, vm0, $0xb8;
	[tilespmem:$0x10200] =	vst v63  }
0x376: {  	s23 =	simm.s32 $0x4900;
	v3 =	vperm.xlane v3, v2  }
0x377: {  	[tilespmem:s23], [sflag:$0x1] =	stream.indirect_vreg.gather [hbm4b:s5+s3], $0x80, v4, vm0, $0xb8;
	[tilespmem:$0x10200] =	vst v63  }
0x378: {  	s15 =	simm.s32 $0x5100;
	v3 =	vadd.s32 v1, v3  }
0x379: {  	[tilespmem:s15], [sflag:$0x1] =	stream.indirect_vreg.gather [hbm4b:s6+s3], $0x80, v4, vm0, $0xb8;
	[tilespmem:$0x10200] =	vst v63  }
0x37a: {  	s16 =	simm.s32 $0x5900  }
0x37b: {  	[tilespmem:s16], [sflag:$0x1] =	stream.indirect_vreg.gather [hbm4b:s7+s3], $0x80, v4, vm0, $0xb8;
	[tilespmem:$0x10200] =	vst v63  }
0x37c: {  	s17 =	simm.s32 $0x6100  }
0x37d: {  	[tilespmem:s17], [sflag:$0x1] =	stream.indirect_vreg.gather [hbm4b:s26+s3], $0x80, v3, vm0, $0xb8;
	[tilespmem:$0x10200] =	vst v63  }
0x37e: {  	s18 =	simm.s32 $0x6900  }
0x37f: {  	[tilespmem:s18], [sflag:$0x1] =	stream.indirect_vreg.gather [hbm4b:s5+s3], $0x80, v3, vm0, $0xb8;
	[tilespmem:$0x10200] =	vst v63  }
0x380: {  	s19 =	simm.s32 $0x7100  }
0x381: {  	[tilespmem:s19], [sflag:$0x1] =	stream.indirect_vreg.gather [hbm4b:s6+s3], $0x80, v3, vm0, $0xb8;
	[tilespmem:$0x10200] =	vst v63  }
0x382: {  	s28 =	simm.s32 $0x4;
	s25 =	simm.s32 $0x7900  }
0x383: {  	[tilespmem:s25], [sflag:$0x1] =	stream.indirect_vreg.gather [hbm4b:s7+s3], $0x80, v3, vm0, $0xb8;
	[tilespmem:$0x10200] =	vst v63  }
0x384: {  	_ =	swait.ge [sflag:s28], $0x8000  }
0x385: {  	[sflag:s28] =	ssyncset.done $0x0  }
0x386: {  	s29 =	simm.s32 $0x1;
	[sflag:s28] =	ssyncadd.s32 $0xFFFF8000  }
0x387: {  	_ =	swait.ge [sflag:s29], $0x8000  }
0x388: {  	[sflag:s29] =	ssyncset.done $0x0  }
0x389: {  	[sflag:s29] =	ssyncadd.s32 $0xFFFF8000  }
0x38a: {  	v3 =	vld [tilespmem:$0x80];
	_ =	sdelay $0x4  }
0x38b: {  	v34 =	vshll.u32 v3, $0x3  }
0x38c: {  	v3 =	vand.u32 $0x7, v3;
	v4 =	vand.u32 $0xFFFFFFC0, v34  }
0x38d: {  	v3 =	vor.u32 v3, v4  }
0x38e: {  	v4 =	vperm.xlane v3, v0;
	_ =	sdelay $0x1  }
0x38f: {  	v4 =	vadd.s32 v1, v4;
	_ =	sdelay $0x4  }
0x390: {  	[hbm4b:s4+s3] =	stream.indirect_vreg.scatter [tilespmem:s20], [sflag:$0x2], $0x80, v4, vm0, $0xb8;
	[tilespmem:$0x10200] =	vst v63  }
0x391: {  	v3 =	vperm.xlane v3, v2  }
0x392: {  	[hbm4b:s8+s3] =	stream.indirect_vreg.scatter [tilespmem:s24], [sflag:$0x2], $0x80, v4, vm0, $0xb8;
	[tilespmem:$0x10200] =	vst v63  }
0x393: {  	v3 =	vadd.s32 v1, v3  }
0x394: {  	[hbm4b:s9+s3] =	stream.indirect_vreg.scatter [tilespmem:s0], [sflag:$0x2], $0x80, v4, vm0, $0xb8;
	[tilespmem:$0x10200] =	vst v63  }
0x395: {  	_ = 	snop  }
0x396: {  	[hbm4b:s10+s3] =	stream.indirect_vreg.scatter [tilespmem:s1], [sflag:$0x2], $0x80, v4, vm0, $0xb8;
	[tilespmem:$0x10200] =	vst v63  }
0x397: {  	_ = 	snop  }
0x398: {  	[hbm4b:s4+s3] =	stream.indirect_vreg.scatter [tilespmem:s11], [sflag:$0x2], $0x80, v3, vm0, $0xb8;
	[tilespmem:$0x10200] =	vst v63  }
0x399: {  	_ = 	snop  }
0x39a: {  	[hbm4b:s8+s3] =	stream.indirect_vreg.scatter [tilespmem:s13], [sflag:$0x2], $0x80, v3, vm0, $0xb8;
	[tilespmem:$0x10200] =	vst v63  }
0x39b: {  	_ = 	snop  }
0x39c: {  	[hbm4b:s9+s3] =	stream.indirect_vreg.scatter [tilespmem:s14], [sflag:$0x2], $0x80, v3, vm0, $0xb8;
	[tilespmem:$0x10200] =	vst v63  }
0x39d: {  	_ = 	snop  }
0x39e: {  	[hbm4b:s10+s3] =	stream.indirect_vreg.scatter [tilespmem:s21], [sflag:$0x2], $0x80, v3, vm0, $0xb8;
	[tilespmem:$0x10200] =	vst v63  }
0x39f: {  	v3 =	vld [tilespmem:$0x90];
	_ =	sdelay $0x4  }
0x3a0: {  	v35 =	vshll.u32 v3, $0x3  }
0x3a1: {  	v3 =	vand.u32 $0x7, v3;
	v4 =	vand.u32 $0xFFFFFFC0, v35  }
0x3a2: {  	v3 =	vor.u32 v3, v4  }
0x3a3: {  	v4 =	vperm.xlane v3, v0;
	_ =	sdelay $0x1  }
0x3a4: {  	v4 =	vadd.s32 v1, v4;
	_ =	sdelay $0x4  }
0x3a5: {  	[hbm4b:s4+s3] =	stream.indirect_vreg.scatter [tilespmem:s22], [sflag:$0x2], $0x80, v4, vm0, $0xb8;
	[tilespmem:$0x10200] =	vst v63  }
0x3a6: {  	v3 =	vperm.xlane v3, v2  }
0x3a7: {  	[hbm4b:s8+s3] =	stream.indirect_vreg.scatter [tilespmem:s23], [sflag:$0x2], $0x80, v4, vm0, $0xb8;
	[tilespmem:$0x10200] =	vst v63  }
0x3a8: {  	v3 =	vadd.s32 v1, v3  }
0x3a9: {  	[hbm4b:s9+s3] =	stream.indirect_vreg.scatter [tilespmem:s15], [sflag:$0x2], $0x80, v4, vm0, $0xb8;
	[tilespmem:$0x10200] =	vst v63  }
0x3aa: {  	_ = 	snop  }
0x3ab: {  	[hbm4b:s10+s3] =	stream.indirect_vreg.scatter [tilespmem:s16], [sflag:$0x2], $0x80, v4, vm0, $0xb8;
	[tilespmem:$0x10200] =	vst v63  }
0x3ac: {  	_ = 	snop  }
0x3ad: {  	[hbm4b:s4+s3] =	stream.indirect_vreg.scatter [tilespmem:s17], [sflag:$0x2], $0x80, v3, vm0, $0xb8;
	[tilespmem:$0x10200] =	vst v63  }
0x3ae: {  	_ = 	snop  }
0x3af: {  	[hbm4b:s8+s3] =	stream.indirect_vreg.scatter [tilespmem:s18], [sflag:$0x2], $0x80, v3, vm0, $0xb8;
	[tilespmem:$0x10200] =	vst v63  }
0x3b0: {  	_ = 	snop  }
0x3b1: {  	[hbm4b:s9+s3] =	stream.indirect_vreg.scatter [tilespmem:s19], [sflag:$0x2], $0x80, v3, vm0, $0xb8;
	[tilespmem:$0x10200] =	vst v63  }
0x3b2: {  	_ = 	snop  }
0x3b3: {  	[hbm4b:s10+s3] =	stream.indirect_vreg.scatter [tilespmem:s25], [sflag:$0x2], $0x80, v3, vm0, $0xb8;
	[tilespmem:$0x10200] =	vst v63  }
0x3b4: {  	s30 =	rddreg [dreg:$0x15];
	s24 =	simm.s32 $0x8100  }
0x3b5: {  	[tilespmem:s24], [sflag:$0x5] =	stream.linear.gather [hbm4b:s30+s3], $0x20, $0x38;
	[tilespmem:$0x10200] =	vst v63  }
0x3b6: {  	_ =	swait.ge [sflag:s12], $0x20  }
0x3b7: {  	[sflag:s12] =	ssyncset.done $0x0  }
0x3b8: {  	s25 =	simm.s32 $0x8180;
	s30 =	rddreg [dreg:$0x16];
	[sflag:s12] =	ssyncadd.s32 $0xFFFFFFE0  }
0x3b9: {  	[tilespmem:s25], [sflag:$0x5] =	stream.linear.gather [hbm4b:s30+s3], $0x20, $0x38;
	[tilespmem:$0x10200] =	vst v63  }
0x3ba: {  	_ =	swait.ge [sflag:s12], $0x20  }
0x3bb: {  	[sflag:s12] =	ssyncset.done $0x0  }
0x3bc: {  	[sflag:s12] =	ssyncadd.s32 $0xFFFFFFE0  }
0x3bd: {  	v3 =	vld [tilespmem:$0x8100];
	_ =	sdelay $0x4  }
0x3be: {  	v36 =	vshll.u32 v3, $0x3  }
0x3bf: {  	v3 =	vand.u32 $0x7, v3;
	v4 =	vand.u32 $0xFFFFFFC0, v36  }
0x3c0: {  	v3 =	vor.u32 v3, v4  }
0x3c1: {  	v4 =	vperm.xlane v3, v0;
	_ =	sdelay $0x1  }
0x3c2: {  	v4 =	vadd.s32 v1, v4;
	_ =	sdelay $0x3  }
0x3c3: {  	s20 =	simm.s32 $0x8200  }
0x3c4: {  	[tilespmem:s20], [sflag:$0x3] =	stream.indirect_vreg.gather [hbm4b:s26+s3], $0x80, v4, vm0, $0xb8;
	[tilespmem:$0x10200] =	vst v63  }
0x3c5: {  	s21 =	simm.s32 $0x8A00;
	v3 =	vperm.xlane v3, v2  }
0x3c6: {  	[tilespmem:s21], [sflag:$0x3] =	stream.indirect_vreg.gather [hbm4b:s5+s3], $0x80, v4, vm0, $0xb8;
	[tilespmem:$0x10200] =	vst v63  }
0x3c7: {  	s0 =	simm.s32 $0x9200;
	v3 =	vadd.s32 v1, v3  }
0x3c8: {  	[tilespmem:s0], [sflag:$0x3] =	stream.indirect_vreg.gather [hbm4b:s6+s3], $0x80, v4, vm0, $0xb8;
	[tilespmem:$0x10200] =	vst v63  }
0x3c9: {  	s1 =	simm.s32 $0x9A00  }
0x3ca: {  	[tilespmem:s1], [sflag:$0x3] =	stream.indirect_vreg.gather [hbm4b:s7+s3], $0x80, v4, vm0, $0xb8;
	[tilespmem:$0x10200] =	vst v63  }
0x3cb: {  	s11 =	simm.s32 $0xA200  }
0x3cc: {  	[tilespmem:s11], [sflag:$0x3] =	stream.indirect_vreg.gather [hbm4b:s26+s3], $0x80, v3, vm0, $0xb8;
	[tilespmem:$0x10200] =	vst v63  }
0x3cd: {  	s13 =	simm.s32 $0xAA00  }
0x3ce: {  	[tilespmem:s13], [sflag:$0x3] =	stream.indirect_vreg.gather [hbm4b:s5+s3], $0x80, v3, vm0, $0xb8;
	[tilespmem:$0x10200] =	vst v63  }
0x3cf: {  	s14 =	simm.s32 $0xB200  }
0x3d0: {  	[tilespmem:s14], [sflag:$0x3] =	stream.indirect_vreg.gather [hbm4b:s6+s3], $0x80, v3, vm0, $0xb8;
	[tilespmem:$0x10200] =	vst v63  }
0x3d1: {  	s22 =	simm.s32 $0xBA00  }
0x3d2: {  	[tilespmem:s22], [sflag:$0x3] =	stream.indirect_vreg.gather [hbm4b:s7+s3], $0x80, v3, vm0, $0xb8;
	[tilespmem:$0x10200] =	vst v63  }
0x3d3: {  	v3 =	vld [tilespmem:$0x8110];
	_ =	sdelay $0x4  }
0x3d4: {  	v37 =	vshll.u32 v3, $0x3  }
0x3d5: {  	v3 =	vand.u32 $0x7, v3;
	v4 =	vand.u32 $0xFFFFFFC0, v37  }
0x3d6: {  	v3 =	vor.u32 v3, v4  }
0x3d7: {  	v4 =	vperm.xlane v3, v0;
	_ =	sdelay $0x1  }
0x3d8: {  	v4 =	vadd.s32 v1, v4;
	_ =	sdelay $0x3  }
0x3d9: {  	s23 =	simm.s32 $0xC200  }
0x3da: {  	[tilespmem:s23], [sflag:$0x3] =	stream.indirect_vreg.gather [hbm4b:s26+s3], $0x80, v4, vm0, $0xb8;
	[tilespmem:$0x10200] =	vst v63  }
0x3db: {  	s24 =	simm.s32 $0xCA00;
	v3 =	vperm.xlane v3, v2  }
0x3dc: {  	[tilespmem:s24], [sflag:$0x3] =	stream.indirect_vreg.gather [hbm4b:s5+s3], $0x80, v4, vm0, $0xb8;
	[tilespmem:$0x10200] =	vst v63  }
0x3dd: {  	s15 =	simm.s32 $0xD200;
	v3 =	vadd.s32 v1, v3  }
0x3de: {  	[tilespmem:s15], [sflag:$0x3] =	stream.indirect_vreg.gather [hbm4b:s6+s3], $0x80, v4, vm0, $0xb8;
	[tilespmem:$0x10200] =	vst v63  }
0x3df: {  	s16 =	simm.s32 $0xDA00  }
0x3e0: {  	[tilespmem:s16], [sflag:$0x3] =	stream.indirect_vreg.gather [hbm4b:s7+s3], $0x80, v4, vm0, $0xb8;
	[tilespmem:$0x10200] =	vst v63  }
0x3e1: {  	s17 =	simm.s32 $0xE200  }
0x3e2: {  	[tilespmem:s17], [sflag:$0x3] =	stream.indirect_vreg.gather [hbm4b:s26+s3], $0x80, v3, vm0, $0xb8;
	[tilespmem:$0x10200] =	vst v63  }
0x3e3: {  	s18 =	simm.s32 $0xEA00  }
0x3e4: {  	[tilespmem:s18], [sflag:$0x3] =	stream.indirect_vreg.gather [hbm4b:s5+s3], $0x80, v3, vm0, $0xb8;
	[tilespmem:$0x10200] =	vst v63  }
0x3e5: {  	s19 =	simm.s32 $0xF200  }
0x3e6: {  	[tilespmem:s19], [sflag:$0x3] =	stream.indirect_vreg.gather [hbm4b:s6+s3], $0x80, v3, vm0, $0xb8;
	[tilespmem:$0x10200] =	vst v63  }
0x3e7: {  	s31 =	simm.s32 $0xFA00;
	s29 =	simm.s32 $0x2  }
0x3e8: {  	[tilespmem:s31], [sflag:$0x3] =	stream.indirect_vreg.gather [hbm4b:s7+s3], $0x80, v3, vm0, $0xb8;
	[tilespmem:$0x10200] =	vst v63  }
0x3e9: {  	_ =	swait.ge [sflag:s29], $0x8000  }
0x3ea: {  	[sflag:s29] =	ssyncset.done $0x0  }
0x3eb: {  	s2 =	simm.s32 $0x3;
	[sflag:s29] =	ssyncadd.s32 $0xFFFF8000  }
0x3ec: {  	_ =	swait.ge [sflag:s2], $0x8000  }
0x3ed: {  	[sflag:s2] =	ssyncset.done $0x0  }
0x3ee: {  	[sflag:s2] =	ssyncadd.s32 $0xFFFF8000  }
0x3ef: {  	v3 =	vld [tilespmem:$0x8180];
	_ =	sdelay $0x4  }
0x3f0: {  	v38 =	vshll.u32 v3, $0x3  }
0x3f1: {  	v3 =	vand.u32 $0x7, v3;
	v4 =	vand.u32 $0xFFFFFFC0, v38  }
0x3f2: {  	v3 =	vor.u32 v3, v4  }
0x3f3: {  	v4 =	vperm.xlane v3, v0;
	_ =	sdelay $0x1  }
0x3f4: {  	v4 =	vadd.s32 v1, v4;
	_ =	sdelay $0x4  }
0x3f5: {  	[hbm4b:s4+s3] =	stream.indirect_vreg.scatter [tilespmem:s20], [sflag:$0x4], $0x80, v4, vm0, $0xb8;
	[tilespmem:$0x10200] =	vst v63  }
0x3f6: {  	v3 =	vperm.xlane v3, v2  }
0x3f7: {  	[hbm4b:s8+s3] =	stream.indirect_vreg.scatter [tilespmem:s21], [sflag:$0x4], $0x80, v4, vm0, $0xb8;
	[tilespmem:$0x10200] =	vst v63  }
0x3f8: {  	v3 =	vadd.s32 v1, v3  }
0x3f9: {  	[hbm4b:s9+s3] =	stream.indirect_vreg.scatter [tilespmem:s0], [sflag:$0x4], $0x80, v4, vm0, $0xb8;
	[tilespmem:$0x10200] =	vst v63  }
0x3fa: {  	_ = 	snop  }
0x3fb: {  	[hbm4b:s10+s3] =	stream.indirect_vreg.scatter [tilespmem:s1], [sflag:$0x4], $0x80, v4, vm0, $0xb8;
	[tilespmem:$0x10200] =	vst v63  }
0x3fc: {  	_ = 	snop  }
0x3fd: {  	[hbm4b:s4+s3] =	stream.indirect_vreg.scatter [tilespmem:s11], [sflag:$0x4], $0x80, v3, vm0, $0xb8;
	[tilespmem:$0x10200] =	vst v63  }
0x3fe: {  	_ = 	snop  }
0x3ff: {  	[hbm4b:s8+s3] =	stream.indirect_vreg.scatter [tilespmem:s13], [sflag:$0x4], $0x80, v3, vm0, $0xb8;
	[tilespmem:$0x10200] =	vst v63  }
0x400: {  	_ = 	snop  }
0x401: {  	[hbm4b:s9+s3] =	stream.indirect_vreg.scatter [tilespmem:s14], [sflag:$0x4], $0x80, v3, vm0, $0xb8;
	[tilespmem:$0x10200] =	vst v63  }
0x402: {  	_ = 	snop  }
0x403: {  	[hbm4b:s10+s3] =	stream.indirect_vreg.scatter [tilespmem:s22], [sflag:$0x4], $0x80, v3, vm0, $0xb8;
	[tilespmem:$0x10200] =	vst v63  }
0x404: {  	v3 =	vld [tilespmem:$0x8190];
	_ =	sdelay $0x4  }
0x405: {  	v39 =	vshll.u32 v3, $0x3  }
0x406: {  	v3 =	vand.u32 $0x7, v3;
	v4 =	vand.u32 $0xFFFFFFC0, v39  }
0x407: {  	v3 =	vor.u32 v3, v4  }
0x408: {  	v4 =	vperm.xlane v3, v0;
	_ =	sdelay $0x1  }
0x409: {  	v4 =	vadd.s32 v1, v4;
	_ =	sdelay $0x4  }
0x40a: {  	[hbm4b:s4+s3] =	stream.indirect_vreg.scatter [tilespmem:s23], [sflag:$0x4], $0x80, v4, vm0, $0xb8;
	[tilespmem:$0x10200] =	vst v63  }
0x40b: {  	v3 =	vperm.xlane v3, v2  }
0x40c: {  	[hbm4b:s8+s3] =	stream.indirect_vreg.scatter [tilespmem:s24], [sflag:$0x4], $0x80, v4, vm0, $0xb8;
	[tilespmem:$0x10200] =	vst v63  }
0x40d: {  	v3 =	vadd.s32 v1, v3  }
0x40e: {  	[hbm4b:s9+s3] =	stream.indirect_vreg.scatter [tilespmem:s15], [sflag:$0x4], $0x80, v4, vm0, $0xb8;
	[tilespmem:$0x10200] =	vst v63  }
0x40f: {  	_ = 	snop  }
0x410: {  	[hbm4b:s10+s3] =	stream.indirect_vreg.scatter [tilespmem:s16], [sflag:$0x4], $0x80, v4, vm0, $0xb8;
	[tilespmem:$0x10200] =	vst v63  }
0x411: {  	_ = 	snop  }
0x412: {  	[hbm4b:s4+s3] =	stream.indirect_vreg.scatter [tilespmem:s17], [sflag:$0x4], $0x80, v3, vm0, $0xb8;
	[tilespmem:$0x10200] =	vst v63  }
0x413: {  	_ = 	snop  }
0x414: {  	[hbm4b:s8+s3] =	stream.indirect_vreg.scatter [tilespmem:s18], [sflag:$0x4], $0x80, v3, vm0, $0xb8;
	[tilespmem:$0x10200] =	vst v63  }
0x415: {  	_ = 	snop  }
0x416: {  	[hbm4b:s9+s3] =	stream.indirect_vreg.scatter [tilespmem:s19], [sflag:$0x4], $0x80, v3, vm0, $0xb8;
	[tilespmem:$0x10200] =	vst v63  }
0x417: {  	_ = 	snop  }
0x418: {  	[hbm4b:s10+s3] =	stream.indirect_vreg.scatter [tilespmem:s31], [sflag:$0x4], $0x80, v3, vm0, $0xb8;
	[tilespmem:$0x10200] =	vst v63  }
0x419: {  	s30 =	rddreg [dreg:$0x17]  }
0x41a: {  	[tilespmem:s3], [sflag:$0x5] =	stream.linear.gather [hbm4b:s30+s3], $0x20, $0x38;
	[tilespmem:$0x10200] =	vst v63  }
0x41b: {  	_ =	swait.ge [sflag:s12], $0x20  }
0x41c: {  	[sflag:s12] =	ssyncset.done $0x0  }
0x41d: {  	s17 =	simm.s32 $0x80;
	s30 =	rddreg [dreg:$0x18];
	[sflag:s12] =	ssyncadd.s32 $0xFFFFFFE0  }
0x41e: {  	[tilespmem:s17], [sflag:$0x5] =	stream.linear.gather [hbm4b:s30+s3], $0x20, $0x38;
	[tilespmem:$0x10200] =	vst v63  }
0x41f: {  	_ =	swait.ge [sflag:s12], $0x20  }
0x420: {  	[sflag:s12] =	ssyncset.done $0x0  }
0x421: {  	[sflag:s12] =	ssyncadd.s32 $0xFFFFFFE0  }
0x422: {  	v3 =	vld [tilespmem:$0x0];
	_ =	sdelay $0x4  }
0x423: {  	v40 =	vshll.u32 v3, $0x3  }
0x424: {  	v3 =	vand.u32 $0x7, v3;
	v4 =	vand.u32 $0xFFFFFFC0, v40  }
0x425: {  	v3 =	vor.u32 v3, v4  }
0x426: {  	v4 =	vperm.xlane v3, v0;
	_ =	sdelay $0x1  }
0x427: {  	v4 =	vadd.s32 v1, v4;
	_ =	sdelay $0x3  }
0x428: {  	s19 =	simm.s32 $0x100  }
0x429: {  	[tilespmem:s19], [sflag:$0x1] =	stream.indirect_vreg.gather [hbm4b:s26+s3], $0x80, v4, vm0, $0xb8;
	[tilespmem:$0x10200] =	vst v63  }
0x42a: {  	s23 =	simm.s32 $0x900;
	v3 =	vperm.xlane v3, v2  }
0x42b: {  	[tilespmem:s23], [sflag:$0x1] =	stream.indirect_vreg.gather [hbm4b:s5+s3], $0x80, v4, vm0, $0xb8;
	[tilespmem:$0x10200] =	vst v63  }
0x42c: {  	s30 =	simm.s32 $0x1100;
	v3 =	vadd.s32 v1, v3  }
0x42d: {  	[tilespmem:s30], [sflag:$0x1] =	stream.indirect_vreg.gather [hbm4b:s6+s3], $0x80, v4, vm0, $0xb8;
	[tilespmem:$0x10200] =	vst v63  }
0x42e: {  	s11 =	simm.s32 $0x1900  }
0x42f: {  	[tilespmem:s11], [sflag:$0x1] =	stream.indirect_vreg.gather [hbm4b:s7+s3], $0x80, v4, vm0, $0xb8;
	[tilespmem:$0x10200] =	vst v63  }
0x430: {  	s1 =	simm.s32 $0x2100  }
0x431: {  	[tilespmem:s1], [sflag:$0x1] =	stream.indirect_vreg.gather [hbm4b:s26+s3], $0x80, v3, vm0, $0xb8;
	[tilespmem:$0x10200] =	vst v63  }
0x432: {  	s2 =	simm.s32 $0x2900  }
0x433: {  	[tilespmem:s2], [sflag:$0x1] =	stream.indirect_vreg.gather [hbm4b:s5+s3], $0x80, v3, vm0, $0xb8;
	[tilespmem:$0x10200] =	vst v63  }
0x434: {  	s13 =	simm.s32 $0x3100  }
0x435: {  	[tilespmem:s13], [sflag:$0x1] =	stream.indirect_vreg.gather [hbm4b:s6+s3], $0x80, v3, vm0, $0xb8;
	[tilespmem:$0x10200] =	vst v63  }
0x436: {  	s20 =	simm.s32 $0x3900  }
0x437: {  	[tilespmem:s20], [sflag:$0x1] =	stream.indirect_vreg.gather [hbm4b:s7+s3], $0x80, v3, vm0, $0xb8;
	[tilespmem:$0x10200] =	vst v63  }
0x438: {  	v3 =	vld [tilespmem:$0x10];
	_ =	sdelay $0x4  }
0x439: {  	v41 =	vshll.u32 v3, $0x3  }
0x43a: {  	v3 =	vand.u32 $0x7, v3;
	v4 =	vand.u32 $0xFFFFFFC0, v41  }
0x43b: {  	v3 =	vor.u32 v3, v4  }
0x43c: {  	v4 =	vperm.xlane v3, v0;
	_ =	sdelay $0x1  }
0x43d: {  	v4 =	vadd.s32 v1, v4;
	_ =	sdelay $0x3  }
0x43e: {  	s21 =	simm.s32 $0x4100  }
0x43f: {  	[tilespmem:s21], [sflag:$0x1] =	stream.indirect_vreg.gather [hbm4b:s26+s3], $0x80, v4, vm0, $0xb8;
	[tilespmem:$0x10200] =	vst v63  }
0x440: {  	s22 =	simm.s32 $0x4900;
	v3 =	vperm.xlane v3, v2  }
0x441: {  	[tilespmem:s22], [sflag:$0x1] =	stream.indirect_vreg.gather [hbm4b:s5+s3], $0x80, v4, vm0, $0xb8;
	[tilespmem:$0x10200] =	vst v63  }
0x442: {  	s14 =	simm.s32 $0x5100;
	v3 =	vadd.s32 v1, v3  }
0x443: {  	[tilespmem:s14], [sflag:$0x1] =	stream.indirect_vreg.gather [hbm4b:s6+s3], $0x80, v4, vm0, $0xb8;
	[tilespmem:$0x10200] =	vst v63  }
0x444: {  	s15 =	simm.s32 $0x5900  }
0x445: {  	[tilespmem:s15], [sflag:$0x1] =	stream.indirect_vreg.gather [hbm4b:s7+s3], $0x80, v4, vm0, $0xb8;
	[tilespmem:$0x10200] =	vst v63  }
0x446: {  	s16 =	simm.s32 $0x6100  }
0x447: {  	[tilespmem:s16], [sflag:$0x1] =	stream.indirect_vreg.gather [hbm4b:s26+s3], $0x80, v3, vm0, $0xb8;
	[tilespmem:$0x10200] =	vst v63  }
0x448: {  	s17 =	simm.s32 $0x6900  }
0x449: {  	[tilespmem:s17], [sflag:$0x1] =	stream.indirect_vreg.gather [hbm4b:s5+s3], $0x80, v3, vm0, $0xb8;
	[tilespmem:$0x10200] =	vst v63  }
0x44a: {  	s18 =	simm.s32 $0x7100  }
0x44b: {  	[tilespmem:s18], [sflag:$0x1] =	stream.indirect_vreg.gather [hbm4b:s6+s3], $0x80, v3, vm0, $0xb8;
	[tilespmem:$0x10200] =	vst v63  }
0x44c: {  	s0 =	simm.s32 $0x4;
	s31 =	simm.s32 $0x7900  }
0x44d: {  	[tilespmem:s31], [sflag:$0x1] =	stream.indirect_vreg.gather [hbm4b:s7+s3], $0x80, v3, vm0, $0xb8;
	[tilespmem:$0x10200] =	vst v63  }
0x44e: {  	_ =	swait.ge [sflag:s0], $0x8000  }
0x44f: {  	[sflag:s0] =	ssyncset.done $0x0  }
0x450: {  	s28 =	simm.s32 $0x1;
	[sflag:s0] =	ssyncadd.s32 $0xFFFF8000  }
0x451: {  	_ =	swait.ge [sflag:s28], $0x8000  }
0x452: {  	[sflag:s28] =	ssyncset.done $0x0  }
0x453: {  	[sflag:s28] =	ssyncadd.s32 $0xFFFF8000  }
0x454: {  	v3 =	vld [tilespmem:$0x80];
	_ =	sdelay $0x4  }
0x455: {  	v42 =	vshll.u32 v3, $0x3  }
0x456: {  	v3 =	vand.u32 $0x7, v3;
	v4 =	vand.u32 $0xFFFFFFC0, v42  }
0x457: {  	v3 =	vor.u32 v3, v4  }
0x458: {  	v4 =	vperm.xlane v3, v0;
	_ =	sdelay $0x1  }
0x459: {  	v4 =	vadd.s32 v1, v4;
	_ =	sdelay $0x4  }
0x45a: {  	[hbm4b:s4+s3] =	stream.indirect_vreg.scatter [tilespmem:s19], [sflag:$0x2], $0x80, v4, vm0, $0xb8;
	[tilespmem:$0x10200] =	vst v63  }
0x45b: {  	v3 =	vperm.xlane v3, v2  }
0x45c: {  	[hbm4b:s8+s3] =	stream.indirect_vreg.scatter [tilespmem:s23], [sflag:$0x2], $0x80, v4, vm0, $0xb8;
	[tilespmem:$0x10200] =	vst v63  }
0x45d: {  	v3 =	vadd.s32 v1, v3  }
0x45e: {  	[hbm4b:s9+s3] =	stream.indirect_vreg.scatter [tilespmem:s30], [sflag:$0x2], $0x80, v4, vm0, $0xb8;
	[tilespmem:$0x10200] =	vst v63  }
0x45f: {  	_ = 	snop  }
0x460: {  	[hbm4b:s10+s3] =	stream.indirect_vreg.scatter [tilespmem:s11], [sflag:$0x2], $0x80, v4, vm0, $0xb8;
	[tilespmem:$0x10200] =	vst v63  }
0x461: {  	_ = 	snop  }
0x462: {  	[hbm4b:s4+s3] =	stream.indirect_vreg.scatter [tilespmem:s1], [sflag:$0x2], $0x80, v3, vm0, $0xb8;
	[tilespmem:$0x10200] =	vst v63  }
0x463: {  	_ = 	snop  }
0x464: {  	[hbm4b:s8+s3] =	stream.indirect_vreg.scatter [tilespmem:s2], [sflag:$0x2], $0x80, v3, vm0, $0xb8;
	[tilespmem:$0x10200] =	vst v63  }
0x465: {  	_ = 	snop  }
0x466: {  	[hbm4b:s9+s3] =	stream.indirect_vreg.scatter [tilespmem:s13], [sflag:$0x2], $0x80, v3, vm0, $0xb8;
	[tilespmem:$0x10200] =	vst v63  }
0x467: {  	_ = 	snop  }
0x468: {  	[hbm4b:s10+s3] =	stream.indirect_vreg.scatter [tilespmem:s20], [sflag:$0x2], $0x80, v3, vm0, $0xb8;
	[tilespmem:$0x10200] =	vst v63  }
0x469: {  	v3 =	vld [tilespmem:$0x90];
	_ =	sdelay $0x4  }
0x46a: {  	v43 =	vshll.u32 v3, $0x3  }
0x46b: {  	v3 =	vand.u32 $0x7, v3;
	v4 =	vand.u32 $0xFFFFFFC0, v43  }
0x46c: {  	v3 =	vor.u32 v3, v4  }
0x46d: {  	v4 =	vperm.xlane v3, v0;
	_ =	sdelay $0x1  }
0x46e: {  	v4 =	vadd.s32 v1, v4;
	_ =	sdelay $0x4  }
0x46f: {  	[hbm4b:s4+s3] =	stream.indirect_vreg.scatter [tilespmem:s21], [sflag:$0x2], $0x80, v4, vm0, $0xb8;
	[tilespmem:$0x10200] =	vst v63  }
0x470: {  	v3 =	vperm.xlane v3, v2  }
0x471: {  	[hbm4b:s8+s3] =	stream.indirect_vreg.scatter [tilespmem:s22], [sflag:$0x2], $0x80, v4, vm0, $0xb8;
	[tilespmem:$0x10200] =	vst v63  }
0x472: {  	v3 =	vadd.s32 v1, v3  }
0x473: {  	[hbm4b:s9+s3] =	stream.indirect_vreg.scatter [tilespmem:s14], [sflag:$0x2], $0x80, v4, vm0, $0xb8;
	[tilespmem:$0x10200] =	vst v63  }
0x474: {  	_ = 	snop  }
0x475: {  	[hbm4b:s10+s3] =	stream.indirect_vreg.scatter [tilespmem:s15], [sflag:$0x2], $0x80, v4, vm0, $0xb8;
	[tilespmem:$0x10200] =	vst v63  }
0x476: {  	_ = 	snop  }
0x477: {  	[hbm4b:s4+s3] =	stream.indirect_vreg.scatter [tilespmem:s16], [sflag:$0x2], $0x80, v3, vm0, $0xb8;
	[tilespmem:$0x10200] =	vst v63  }
0x478: {  	_ = 	snop  }
0x479: {  	[hbm4b:s8+s3] =	stream.indirect_vreg.scatter [tilespmem:s17], [sflag:$0x2], $0x80, v3, vm0, $0xb8;
	[tilespmem:$0x10200] =	vst v63  }
0x47a: {  	_ = 	snop  }
0x47b: {  	[hbm4b:s9+s3] =	stream.indirect_vreg.scatter [tilespmem:s18], [sflag:$0x2], $0x80, v3, vm0, $0xb8;
	[tilespmem:$0x10200] =	vst v63  }
0x47c: {  	_ = 	snop  }
0x47d: {  	[hbm4b:s10+s3] =	stream.indirect_vreg.scatter [tilespmem:s31], [sflag:$0x2], $0x80, v3, vm0, $0xb8;
	[tilespmem:$0x10200] =	vst v63  }
0x47e: {  	s30 =	rddreg [dreg:$0x19];
	s18 =	simm.s32 $0x8100  }
0x47f: {  	[tilespmem:s18], [sflag:$0x5] =	stream.linear.gather [hbm4b:s30+s3], $0x20, $0x38;
	[tilespmem:$0x10200] =	vst v63  }
0x480: {  	_ =	swait.ge [sflag:s12], $0x20  }
0x481: {  	[sflag:s12] =	ssyncset.done $0x0  }
0x482: {  	s19 =	simm.s32 $0x8180;
	s30 =	rddreg [dreg:$0x1a];
	[sflag:s12] =	ssyncadd.s32 $0xFFFFFFE0  }
0x483: {  	[tilespmem:s19], [sflag:$0x5] =	stream.linear.gather [hbm4b:s30+s3], $0x20, $0x38;
	[tilespmem:$0x10200] =	vst v63  }
0x484: {  	_ =	swait.ge [sflag:s12], $0x20  }
0x485: {  	[sflag:s12] =	ssyncset.done $0x0  }
0x486: {  	[sflag:s12] =	ssyncadd.s32 $0xFFFFFFE0  }
0x487: {  	v3 =	vld [tilespmem:$0x8100];
	_ =	sdelay $0x4  }
0x488: {  	v44 =	vshll.u32 v3, $0x3  }
0x489: {  	v3 =	vand.u32 $0x7, v3;
	v4 =	vand.u32 $0xFFFFFFC0, v44  }
0x48a: {  	v3 =	vor.u32 v3, v4  }
0x48b: {  	v4 =	vperm.xlane v3, v0;
	_ =	sdelay $0x1  }
0x48c: {  	v4 =	vadd.s32 v1, v4;
	_ =	sdelay $0x3  }
0x48d: {  	s20 =	simm.s32 $0x8200  }
0x48e: {  	[tilespmem:s20], [sflag:$0x3] =	stream.indirect_vreg.gather [hbm4b:s26+s3], $0x80, v4, vm0, $0xb8;
	[tilespmem:$0x10200] =	vst v63  }
0x48f: {  	s0 =	simm.s32 $0x8A00;
	v3 =	vperm.xlane v3, v2  }
0x490: {  	[tilespmem:s0], [sflag:$0x3] =	stream.indirect_vreg.gather [hbm4b:s5+s3], $0x80, v4, vm0, $0xb8;
	[tilespmem:$0x10200] =	vst v63  }
0x491: {  	s1 =	simm.s32 $0x9200;
	v3 =	vadd.s32 v1, v3  }
0x492: {  	[tilespmem:s1], [sflag:$0x3] =	stream.indirect_vreg.gather [hbm4b:s6+s3], $0x80, v4, vm0, $0xb8;
	[tilespmem:$0x10200] =	vst v63  }
0x493: {  	s2 =	simm.s32 $0x9A00  }
0x494: {  	[tilespmem:s2], [sflag:$0x3] =	stream.indirect_vreg.gather [hbm4b:s7+s3], $0x80, v4, vm0, $0xb8;
	[tilespmem:$0x10200] =	vst v63  }
0x495: {  	s11 =	simm.s32 $0xA200  }
0x496: {  	[tilespmem:s11], [sflag:$0x3] =	stream.indirect_vreg.gather [hbm4b:s26+s3], $0x80, v3, vm0, $0xb8;
	[tilespmem:$0x10200] =	vst v63  }
0x497: {  	s13 =	simm.s32 $0xAA00  }
0x498: {  	[tilespmem:s13], [sflag:$0x3] =	stream.indirect_vreg.gather [hbm4b:s5+s3], $0x80, v3, vm0, $0xb8;
	[tilespmem:$0x10200] =	vst v63  }
0x499: {  	s21 =	simm.s32 $0xB200  }
0x49a: {  	[tilespmem:s21], [sflag:$0x3] =	stream.indirect_vreg.gather [hbm4b:s6+s3], $0x80, v3, vm0, $0xb8;
	[tilespmem:$0x10200] =	vst v63  }
0x49b: {  	s22 =	simm.s32 $0xBA00  }
0x49c: {  	[tilespmem:s22], [sflag:$0x3] =	stream.indirect_vreg.gather [hbm4b:s7+s3], $0x80, v3, vm0, $0xb8;
	[tilespmem:$0x10200] =	vst v63  }
0x49d: {  	v3 =	vld [tilespmem:$0x8110];
	_ =	sdelay $0x4  }
0x49e: {  	v45 =	vshll.u32 v3, $0x3  }
0x49f: {  	v3 =	vand.u32 $0x7, v3;
	v4 =	vand.u32 $0xFFFFFFC0, v45  }
0x4a0: {  	v3 =	vor.u32 v3, v4  }
0x4a1: {  	v4 =	vperm.xlane v3, v0;
	_ =	sdelay $0x1  }
0x4a2: {  	v4 =	vadd.s32 v1, v4;
	_ =	sdelay $0x3  }
0x4a3: {  	s14 =	simm.s32 $0xC200  }
0x4a4: {  	[tilespmem:s14], [sflag:$0x3] =	stream.indirect_vreg.gather [hbm4b:s26+s3], $0x80, v4, vm0, $0xb8;
	[tilespmem:$0x10200] =	vst v63  }
0x4a5: {  	s24 =	simm.s32 $0xCA00;
	v3 =	vperm.xlane v3, v2  }
0x4a6: {  	[tilespmem:s24], [sflag:$0x3] =	stream.indirect_vreg.gather [hbm4b:s5+s3], $0x80, v4, vm0, $0xb8;
	[tilespmem:$0x10200] =	vst v63  }
0x4a7: {  	s15 =	simm.s32 $0xD200;
	v3 =	vadd.s32 v1, v3  }
0x4a8: {  	[tilespmem:s15], [sflag:$0x3] =	stream.indirect_vreg.gather [hbm4b:s6+s3], $0x80, v4, vm0, $0xb8;
	[tilespmem:$0x10200] =	vst v63  }
0x4a9: {  	s16 =	simm.s32 $0xDA00  }
0x4aa: {  	[tilespmem:s16], [sflag:$0x3] =	stream.indirect_vreg.gather [hbm4b:s7+s3], $0x80, v4, vm0, $0xb8;
	[tilespmem:$0x10200] =	vst v63  }
0x4ab: {  	s17 =	simm.s32 $0xE200  }
0x4ac: {  	[tilespmem:s17], [sflag:$0x3] =	stream.indirect_vreg.gather [hbm4b:s26+s3], $0x80, v3, vm0, $0xb8;
	[tilespmem:$0x10200] =	vst v63  }
0x4ad: {  	s18 =	simm.s32 $0xEA00  }
0x4ae: {  	[tilespmem:s18], [sflag:$0x3] =	stream.indirect_vreg.gather [hbm4b:s5+s3], $0x80, v3, vm0, $0xb8;
	[tilespmem:$0x10200] =	vst v63  }
0x4af: {  	s28 =	simm.s32 $0xF200  }
0x4b0: {  	[tilespmem:s28], [sflag:$0x3] =	stream.indirect_vreg.gather [hbm4b:s6+s3], $0x80, v3, vm0, $0xb8;
	[tilespmem:$0x10200] =	vst v63  }
0x4b1: {  	s25 =	simm.s32 $0x2;
	s23 =	simm.s32 $0xFA00  }
0x4b2: {  	[tilespmem:s23], [sflag:$0x3] =	stream.indirect_vreg.gather [hbm4b:s7+s3], $0x80, v3, vm0, $0xb8;
	[tilespmem:$0x10200] =	vst v63  }
0x4b3: {  	_ =	swait.ge [sflag:s25], $0x8000  }
0x4b4: {  	[sflag:s25] =	ssyncset.done $0x0  }
0x4b5: {  	s29 =	simm.s32 $0x3;
	[sflag:s25] =	ssyncadd.s32 $0xFFFF8000  }
0x4b6: {  	_ =	swait.ge [sflag:s29], $0x8000  }
0x4b7: {  	[sflag:s29] =	ssyncset.done $0x0  }
0x4b8: {  	[sflag:s29] =	ssyncadd.s32 $0xFFFF8000  }
0x4b9: {  	v3 =	vld [tilespmem:$0x8180];
	_ =	sdelay $0x4  }
0x4ba: {  	v46 =	vshll.u32 v3, $0x3  }
0x4bb: {  	v3 =	vand.u32 $0x7, v3;
	v4 =	vand.u32 $0xFFFFFFC0, v46  }
0x4bc: {  	v3 =	vor.u32 v3, v4  }
0x4bd: {  	v4 =	vperm.xlane v3, v0;
	_ =	sdelay $0x1  }
0x4be: {  	v4 =	vadd.s32 v1, v4;
	_ =	sdelay $0x4  }
0x4bf: {  	[hbm4b:s4+s3] =	stream.indirect_vreg.scatter [tilespmem:s20], [sflag:$0x4], $0x80, v4, vm0, $0xb8;
	[tilespmem:$0x10200] =	vst v63  }
0x4c0: {  	v3 =	vperm.xlane v3, v2  }
0x4c1: {  	[hbm4b:s8+s3] =	stream.indirect_vreg.scatter [tilespmem:s0], [sflag:$0x4], $0x80, v4, vm0, $0xb8;
	[tilespmem:$0x10200] =	vst v63  }
0x4c2: {  	v3 =	vadd.s32 v1, v3  }
0x4c3: {  	[hbm4b:s9+s3] =	stream.indirect_vreg.scatter [tilespmem:s1], [sflag:$0x4], $0x80, v4, vm0, $0xb8;
	[tilespmem:$0x10200] =	vst v63  }
0x4c4: {  	_ = 	snop  }
0x4c5: {  	[hbm4b:s10+s3] =	stream.indirect_vreg.scatter [tilespmem:s2], [sflag:$0x4], $0x80, v4, vm0, $0xb8;
	[tilespmem:$0x10200] =	vst v63  }
0x4c6: {  	_ = 	snop  }
0x4c7: {  	[hbm4b:s4+s3] =	stream.indirect_vreg.scatter [tilespmem:s11], [sflag:$0x4], $0x80, v3, vm0, $0xb8;
	[tilespmem:$0x10200] =	vst v63  }
0x4c8: {  	_ = 	snop  }
0x4c9: {  	[hbm4b:s8+s3] =	stream.indirect_vreg.scatter [tilespmem:s13], [sflag:$0x4], $0x80, v3, vm0, $0xb8;
	[tilespmem:$0x10200] =	vst v63  }
0x4ca: {  	_ = 	snop  }
0x4cb: {  	[hbm4b:s9+s3] =	stream.indirect_vreg.scatter [tilespmem:s21], [sflag:$0x4], $0x80, v3, vm0, $0xb8;
	[tilespmem:$0x10200] =	vst v63  }
0x4cc: {  	_ = 	snop  }
0x4cd: {  	[hbm4b:s10+s3] =	stream.indirect_vreg.scatter [tilespmem:s22], [sflag:$0x4], $0x80, v3, vm0, $0xb8;
	[tilespmem:$0x10200] =	vst v63  }
0x4ce: {  	v3 =	vld [tilespmem:$0x8190];
	_ =	sdelay $0x4  }
0x4cf: {  	v47 =	vshll.u32 v3, $0x3  }
0x4d0: {  	v3 =	vand.u32 $0x7, v3;
	v4 =	vand.u32 $0xFFFFFFC0, v47  }
0x4d1: {  	v3 =	vor.u32 v3, v4  }
0x4d2: {  	v4 =	vperm.xlane v3, v0;
	_ =	sdelay $0x1  }
0x4d3: {  	v4 =	vadd.s32 v1, v4;
	_ =	sdelay $0x4  }
0x4d4: {  	[hbm4b:s4+s3] =	stream.indirect_vreg.scatter [tilespmem:s14], [sflag:$0x4], $0x80, v4, vm0, $0xb8;
	[tilespmem:$0x10200] =	vst v63  }
0x4d5: {  	v3 =	vperm.xlane v3, v2  }
0x4d6: {  	[hbm4b:s8+s3] =	stream.indirect_vreg.scatter [tilespmem:s24], [sflag:$0x4], $0x80, v4, vm0, $0xb8;
	[tilespmem:$0x10200] =	vst v63  }
0x4d7: {  	v3 =	vadd.s32 v1, v3  }
0x4d8: {  	[hbm4b:s9+s3] =	stream.indirect_vreg.scatter [tilespmem:s15], [sflag:$0x4], $0x80, v4, vm0, $0xb8;
	[tilespmem:$0x10200] =	vst v63  }
0x4d9: {  	_ = 	snop  }
0x4da: {  	[hbm4b:s10+s3] =	stream.indirect_vreg.scatter [tilespmem:s16], [sflag:$0x4], $0x80, v4, vm0, $0xb8;
	[tilespmem:$0x10200] =	vst v63  }
0x4db: {  	_ = 	snop  }
0x4dc: {  	[hbm4b:s4+s3] =	stream.indirect_vreg.scatter [tilespmem:s17], [sflag:$0x4], $0x80, v3, vm0, $0xb8;
	[tilespmem:$0x10200] =	vst v63  }
0x4dd: {  	_ = 	snop  }
0x4de: {  	[hbm4b:s8+s3] =	stream.indirect_vreg.scatter [tilespmem:s18], [sflag:$0x4], $0x80, v3, vm0, $0xb8;
	[tilespmem:$0x10200] =	vst v63  }
0x4df: {  	_ = 	snop  }
0x4e0: {  	[hbm4b:s9+s3] =	stream.indirect_vreg.scatter [tilespmem:s28], [sflag:$0x4], $0x80, v3, vm0, $0xb8;
	[tilespmem:$0x10200] =	vst v63  }
0x4e1: {  	_ = 	snop  }
0x4e2: {  	[hbm4b:s10+s3] =	stream.indirect_vreg.scatter [tilespmem:s23], [sflag:$0x4], $0x80, v3, vm0, $0xb8;
	[tilespmem:$0x10200] =	vst v63  }
0x4e3: {  	s30 =	rddreg [dreg:$0x1b]  }
0x4e4: {  	[tilespmem:s3], [sflag:$0x5] =	stream.linear.gather [hbm4b:s30+s3], $0x20, $0x38;
	[tilespmem:$0x10200] =	vst v63  }
0x4e5: {  	_ =	swait.ge [sflag:s12], $0x20  }
0x4e6: {  	[sflag:s12] =	ssyncset.done $0x0  }
0x4e7: {  	s28 =	simm.s32 $0x80;
	s30 =	rddreg [dreg:$0x1c];
	[sflag:s12] =	ssyncadd.s32 $0xFFFFFFE0  }
0x4e8: {  	[tilespmem:s28], [sflag:$0x5] =	stream.linear.gather [hbm4b:s30+s3], $0x20, $0x38;
	[tilespmem:$0x10200] =	vst v63  }
0x4e9: {  	_ =	swait.ge [sflag:s12], $0x20  }
0x4ea: {  	[sflag:s12] =	ssyncset.done $0x0  }
0x4eb: {  	[sflag:s12] =	ssyncadd.s32 $0xFFFFFFE0  }
0x4ec: {  	v3 =	vld [tilespmem:$0x0];
	_ =	sdelay $0x4  }
0x4ed: {  	v48 =	vshll.u32 v3, $0x3  }
0x4ee: {  	v3 =	vand.u32 $0x7, v3;
	v4 =	vand.u32 $0xFFFFFFC0, v48  }
0x4ef: {  	v3 =	vor.u32 v3, v4  }
0x4f0: {  	v4 =	vperm.xlane v3, v0;
	_ =	sdelay $0x1  }
0x4f1: {  	v4 =	vadd.s32 v1, v4;
	_ =	sdelay $0x3  }
0x4f2: {  	s20 =	simm.s32 $0x100  }
0x4f3: {  	[tilespmem:s20], [sflag:$0x1] =	stream.indirect_vreg.gather [hbm4b:s26+s3], $0x80, v4, vm0, $0xb8;
	[tilespmem:$0x10200] =	vst v63  }
0x4f4: {  	s24 =	simm.s32 $0x900;
	v3 =	vperm.xlane v3, v2  }
0x4f5: {  	[tilespmem:s24], [sflag:$0x1] =	stream.indirect_vreg.gather [hbm4b:s5+s3], $0x80, v4, vm0, $0xb8;
	[tilespmem:$0x10200] =	vst v63  }
0x4f6: {  	s0 =	simm.s32 $0x1100;
	v3 =	vadd.s32 v1, v3  }
0x4f7: {  	[tilespmem:s0], [sflag:$0x1] =	stream.indirect_vreg.gather [hbm4b:s6+s3], $0x80, v4, vm0, $0xb8;
	[tilespmem:$0x10200] =	vst v63  }
0x4f8: {  	s1 =	simm.s32 $0x1900  }
0x4f9: {  	[tilespmem:s1], [sflag:$0x1] =	stream.indirect_vreg.gather [hbm4b:s7+s3], $0x80, v4, vm0, $0xb8;
	[tilespmem:$0x10200] =	vst v63  }
0x4fa: {  	s11 =	simm.s32 $0x2100  }
0x4fb: {  	[tilespmem:s11], [sflag:$0x1] =	stream.indirect_vreg.gather [hbm4b:s26+s3], $0x80, v3, vm0, $0xb8;
	[tilespmem:$0x10200] =	vst v63  }
0x4fc: {  	s13 =	simm.s32 $0x2900  }
0x4fd: {  	[tilespmem:s13], [sflag:$0x1] =	stream.indirect_vreg.gather [hbm4b:s5+s3], $0x80, v3, vm0, $0xb8;
	[tilespmem:$0x10200] =	vst v63  }
0x4fe: {  	s14 =	simm.s32 $0x3100  }
0x4ff: {  	[tilespmem:s14], [sflag:$0x1] =	stream.indirect_vreg.gather [hbm4b:s6+s3], $0x80, v3, vm0, $0xb8;
	[tilespmem:$0x10200] =	vst v63  }
0x500: {  	s21 =	simm.s32 $0x3900  }
0x501: {  	[tilespmem:s21], [sflag:$0x1] =	stream.indirect_vreg.gather [hbm4b:s7+s3], $0x80, v3, vm0, $0xb8;
	[tilespmem:$0x10200] =	vst v63  }
0x502: {  	v3 =	vld [tilespmem:$0x10];
	_ =	sdelay $0x4  }
0x503: {  	v49 =	vshll.u32 v3, $0x3  }
0x504: {  	v3 =	vand.u32 $0x7, v3;
	v4 =	vand.u32 $0xFFFFFFC0, v49  }
0x505: {  	v3 =	vor.u32 v3, v4  }
0x506: {  	v4 =	vperm.xlane v3, v0;
	_ =	sdelay $0x1  }
0x507: {  	v4 =	vadd.s32 v1, v4;
	_ =	sdelay $0x3  }
0x508: {  	s22 =	simm.s32 $0x4100  }
0x509: {  	[tilespmem:s22], [sflag:$0x1] =	stream.indirect_vreg.gather [hbm4b:s26+s3], $0x80, v4, vm0, $0xb8;
	[tilespmem:$0x10200] =	vst v63  }
0x50a: {  	s23 =	simm.s32 $0x4900;
	v3 =	vperm.xlane v3, v2  }
0x50b: {  	[tilespmem:s23], [sflag:$0x1] =	stream.indirect_vreg.gather [hbm4b:s5+s3], $0x80, v4, vm0, $0xb8;
	[tilespmem:$0x10200] =	vst v63  }
0x50c: {  	s15 =	simm.s32 $0x5100;
	v3 =	vadd.s32 v1, v3  }
0x50d: {  	[tilespmem:s15], [sflag:$0x1] =	stream.indirect_vreg.gather [hbm4b:s6+s3], $0x80, v4, vm0, $0xb8;
	[tilespmem:$0x10200] =	vst v63  }
0x50e: {  	s16 =	simm.s32 $0x5900  }
0x50f: {  	[tilespmem:s16], [sflag:$0x1] =	stream.indirect_vreg.gather [hbm4b:s7+s3], $0x80, v4, vm0, $0xb8;
	[tilespmem:$0x10200] =	vst v63  }
0x510: {  	s17 =	simm.s32 $0x6100  }
0x511: {  	[tilespmem:s17], [sflag:$0x1] =	stream.indirect_vreg.gather [hbm4b:s26+s3], $0x80, v3, vm0, $0xb8;
	[tilespmem:$0x10200] =	vst v63  }
0x512: {  	s18 =	simm.s32 $0x6900  }
0x513: {  	[tilespmem:s18], [sflag:$0x1] =	stream.indirect_vreg.gather [hbm4b:s5+s3], $0x80, v3, vm0, $0xb8;
	[tilespmem:$0x10200] =	vst v63  }
0x514: {  	s19 =	simm.s32 $0x7100  }
0x515: {  	[tilespmem:s19], [sflag:$0x1] =	stream.indirect_vreg.gather [hbm4b:s6+s3], $0x80, v3, vm0, $0xb8;
	[tilespmem:$0x10200] =	vst v63  }
0x516: {  	s25 =	simm.s32 $0x7900;
	s29 =	simm.s32 $0x4  }
0x517: {  	[tilespmem:s25], [sflag:$0x1] =	stream.indirect_vreg.gather [hbm4b:s7+s3], $0x80, v3, vm0, $0xb8;
	[tilespmem:$0x10200] =	vst v63  }
0x518: {  	_ =	swait.ge [sflag:s29], $0x8000  }
0x519: {  	[sflag:s29] =	ssyncset.done $0x0  }
0x51a: {  	s31 =	simm.s32 $0x1;
	[sflag:s29] =	ssyncadd.s32 $0xFFFF8000  }
0x51b: {  	_ =	swait.ge [sflag:s31], $0x8000  }
0x51c: {  	[sflag:s31] =	ssyncset.done $0x0  }
0x51d: {  	[sflag:s31] =	ssyncadd.s32 $0xFFFF8000  }
0x51e: {  	v3 =	vld [tilespmem:$0x80];
	_ =	sdelay $0x4  }
0x51f: {  	v50 =	vshll.u32 v3, $0x3  }
0x520: {  	v3 =	vand.u32 $0x7, v3;
	v4 =	vand.u32 $0xFFFFFFC0, v50  }
0x521: {  	v3 =	vor.u32 v3, v4  }
0x522: {  	v4 =	vperm.xlane v3, v0;
	_ =	sdelay $0x1  }
0x523: {  	v4 =	vadd.s32 v1, v4;
	_ =	sdelay $0x4  }
0x524: {  	[hbm4b:s4+s3] =	stream.indirect_vreg.scatter [tilespmem:s20], [sflag:$0x2], $0x80, v4, vm0, $0xb8;
	[tilespmem:$0x10200] =	vst v63  }
0x525: {  	v3 =	vperm.xlane v3, v2  }
0x526: {  	[hbm4b:s8+s3] =	stream.indirect_vreg.scatter [tilespmem:s24], [sflag:$0x2], $0x80, v4, vm0, $0xb8;
	[tilespmem:$0x10200] =	vst v63  }
0x527: {  	v3 =	vadd.s32 v1, v3  }
0x528: {  	[hbm4b:s9+s3] =	stream.indirect_vreg.scatter [tilespmem:s0], [sflag:$0x2], $0x80, v4, vm0, $0xb8;
	[tilespmem:$0x10200] =	vst v63  }
0x529: {  	_ = 	snop  }
0x52a: {  	[hbm4b:s10+s3] =	stream.indirect_vreg.scatter [tilespmem:s1], [sflag:$0x2], $0x80, v4, vm0, $0xb8;
	[tilespmem:$0x10200] =	vst v63  }
0x52b: {  	_ = 	snop  }
0x52c: {  	[hbm4b:s4+s3] =	stream.indirect_vreg.scatter [tilespmem:s11], [sflag:$0x2], $0x80, v3, vm0, $0xb8;
	[tilespmem:$0x10200] =	vst v63  }
0x52d: {  	_ = 	snop  }
0x52e: {  	[hbm4b:s8+s3] =	stream.indirect_vreg.scatter [tilespmem:s13], [sflag:$0x2], $0x80, v3, vm0, $0xb8;
	[tilespmem:$0x10200] =	vst v63  }
0x52f: {  	_ = 	snop  }
0x530: {  	[hbm4b:s9+s3] =	stream.indirect_vreg.scatter [tilespmem:s14], [sflag:$0x2], $0x80, v3, vm0, $0xb8;
	[tilespmem:$0x10200] =	vst v63  }
0x531: {  	_ = 	snop  }
0x532: {  	[hbm4b:s10+s3] =	stream.indirect_vreg.scatter [tilespmem:s21], [sflag:$0x2], $0x80, v3, vm0, $0xb8;
	[tilespmem:$0x10200] =	vst v63  }
0x533: {  	v3 =	vld [tilespmem:$0x90];
	_ =	sdelay $0x4  }
0x534: {  	v51 =	vshll.u32 v3, $0x3  }
0x535: {  	v3 =	vand.u32 $0x7, v3;
	v4 =	vand.u32 $0xFFFFFFC0, v51  }
0x536: {  	v3 =	vor.u32 v3, v4  }
0x537: {  	v4 =	vperm.xlane v3, v0;
	_ =	sdelay $0x1  }
0x538: {  	v4 =	vadd.s32 v1, v4;
	_ =	sdelay $0x4  }
0x539: {  	[hbm4b:s4+s3] =	stream.indirect_vreg.scatter [tilespmem:s22], [sflag:$0x2], $0x80, v4, vm0, $0xb8;
	[tilespmem:$0x10200] =	vst v63  }
0x53a: {  	v3 =	vperm.xlane v3, v2  }
0x53b: {  	[hbm4b:s8+s3] =	stream.indirect_vreg.scatter [tilespmem:s23], [sflag:$0x2], $0x80, v4, vm0, $0xb8;
	[tilespmem:$0x10200] =	vst v63  }
0x53c: {  	v3 =	vadd.s32 v1, v3  }
0x53d: {  	[hbm4b:s9+s3] =	stream.indirect_vreg.scatter [tilespmem:s15], [sflag:$0x2], $0x80, v4, vm0, $0xb8;
	[tilespmem:$0x10200] =	vst v63  }
0x53e: {  	_ = 	snop  }
0x53f: {  	[hbm4b:s10+s3] =	stream.indirect_vreg.scatter [tilespmem:s16], [sflag:$0x2], $0x80, v4, vm0, $0xb8;
	[tilespmem:$0x10200] =	vst v63  }
0x540: {  	_ = 	snop  }
0x541: {  	[hbm4b:s4+s3] =	stream.indirect_vreg.scatter [tilespmem:s17], [sflag:$0x2], $0x80, v3, vm0, $0xb8;
	[tilespmem:$0x10200] =	vst v63  }
0x542: {  	_ = 	snop  }
0x543: {  	[hbm4b:s8+s3] =	stream.indirect_vreg.scatter [tilespmem:s18], [sflag:$0x2], $0x80, v3, vm0, $0xb8;
	[tilespmem:$0x10200] =	vst v63  }
0x544: {  	_ = 	snop  }
0x545: {  	[hbm4b:s9+s3] =	stream.indirect_vreg.scatter [tilespmem:s19], [sflag:$0x2], $0x80, v3, vm0, $0xb8;
	[tilespmem:$0x10200] =	vst v63  }
0x546: {  	_ = 	snop  }
0x547: {  	[hbm4b:s10+s3] =	stream.indirect_vreg.scatter [tilespmem:s25], [sflag:$0x2], $0x80, v3, vm0, $0xb8;
	[tilespmem:$0x10200] =	vst v63  }
0x548: {  	s30 =	rddreg [dreg:$0x1d];
	s16 =	simm.s32 $0x8100  }
0x549: {  	[tilespmem:s16], [sflag:$0x5] =	stream.linear.gather [hbm4b:s30+s3], $0x20, $0x38;
	[tilespmem:$0x10200] =	vst v63  }
0x54a: {  	_ =	swait.ge [sflag:s12], $0x20  }
0x54b: {  	[sflag:s12] =	ssyncset.done $0x0  }
0x54c: {  	s17 =	simm.s32 $0x8180;
	s30 =	rddreg [dreg:$0x1e];
	[sflag:s12] =	ssyncadd.s32 $0xFFFFFFE0  }
0x54d: {  	[tilespmem:s17], [sflag:$0x5] =	stream.linear.gather [hbm4b:s30+s3], $0x20, $0x38;
	[tilespmem:$0x10200] =	vst v63  }
0x54e: {  	_ =	swait.ge [sflag:s12], $0x20  }
0x54f: {  	[sflag:s12] =	ssyncset.done $0x0  }
0x550: {  	[sflag:s12] =	ssyncadd.s32 $0xFFFFFFE0  }
0x551: {  	v3 =	vld [tilespmem:$0x8100];
	_ =	sdelay $0x4  }
0x552: {  	v52 =	vshll.u32 v3, $0x3  }
0x553: {  	v3 =	vand.u32 $0x7, v3;
	v4 =	vand.u32 $0xFFFFFFC0, v52  }
0x554: {  	v3 =	vor.u32 v3, v4  }
0x555: {  	v4 =	vperm.xlane v3, v0;
	_ =	sdelay $0x1  }
0x556: {  	v4 =	vadd.s32 v1, v4;
	_ =	sdelay $0x3  }
0x557: {  	s20 =	simm.s32 $0x8200  }
0x558: {  	[tilespmem:s20], [sflag:$0x3] =	stream.indirect_vreg.gather [hbm4b:s26+s3], $0x80, v4, vm0, $0xb8;
	[tilespmem:$0x10200] =	vst v63  }
0x559: {  	s21 =	simm.s32 $0x8A00;
	v3 =	vperm.xlane v3, v2  }
0x55a: {  	[tilespmem:s21], [sflag:$0x3] =	stream.indirect_vreg.gather [hbm4b:s5+s3], $0x80, v4, vm0, $0xb8;
	[tilespmem:$0x10200] =	vst v63  }
0x55b: {  	s0 =	simm.s32 $0x9200;
	v3 =	vadd.s32 v1, v3  }
0x55c: {  	[tilespmem:s0], [sflag:$0x3] =	stream.indirect_vreg.gather [hbm4b:s6+s3], $0x80, v4, vm0, $0xb8;
	[tilespmem:$0x10200] =	vst v63  }
0x55d: {  	s1 =	simm.s32 $0x9A00  }
0x55e: {  	[tilespmem:s1], [sflag:$0x3] =	stream.indirect_vreg.gather [hbm4b:s7+s3], $0x80, v4, vm0, $0xb8;
	[tilespmem:$0x10200] =	vst v63  }
0x55f: {  	s11 =	simm.s32 $0xA200  }
0x560: {  	[tilespmem:s11], [sflag:$0x3] =	stream.indirect_vreg.gather [hbm4b:s26+s3], $0x80, v3, vm0, $0xb8;
	[tilespmem:$0x10200] =	vst v63  }
0x561: {  	s13 =	simm.s32 $0xAA00  }
0x562: {  	[tilespmem:s13], [sflag:$0x3] =	stream.indirect_vreg.gather [hbm4b:s5+s3], $0x80, v3, vm0, $0xb8;
	[tilespmem:$0x10200] =	vst v63  }
0x563: {  	s14 =	simm.s32 $0xB200  }
0x564: {  	[tilespmem:s14], [sflag:$0x3] =	stream.indirect_vreg.gather [hbm4b:s6+s3], $0x80, v3, vm0, $0xb8;
	[tilespmem:$0x10200] =	vst v63  }
0x565: {  	s22 =	simm.s32 $0xBA00  }
0x566: {  	[tilespmem:s22], [sflag:$0x3] =	stream.indirect_vreg.gather [hbm4b:s7+s3], $0x80, v3, vm0, $0xb8;
	[tilespmem:$0x10200] =	vst v63  }
0x567: {  	v3 =	vld [tilespmem:$0x8110];
	_ =	sdelay $0x4  }
0x568: {  	v53 =	vshll.u32 v3, $0x3  }
0x569: {  	v3 =	vand.u32 $0x7, v3;
	v4 =	vand.u32 $0xFFFFFFC0, v53  }
0x56a: {  	v3 =	vor.u32 v3, v4  }
0x56b: {  	v4 =	vperm.xlane v3, v0;
	_ =	sdelay $0x1  }
0x56c: {  	v4 =	vadd.s32 v1, v4;
	_ =	sdelay $0x3  }
0x56d: {  	s23 =	simm.s32 $0xC200  }
0x56e: {  	[tilespmem:s23], [sflag:$0x3] =	stream.indirect_vreg.gather [hbm4b:s26+s3], $0x80, v4, vm0, $0xb8;
	[tilespmem:$0x10200] =	vst v63  }
0x56f: {  	s24 =	simm.s32 $0xCA00;
	v3 =	vperm.xlane v3, v2  }
0x570: {  	[tilespmem:s24], [sflag:$0x3] =	stream.indirect_vreg.gather [hbm4b:s5+s3], $0x80, v4, vm0, $0xb8;
	[tilespmem:$0x10200] =	vst v63  }
0x571: {  	s15 =	simm.s32 $0xD200;
	v3 =	vadd.s32 v1, v3  }
0x572: {  	[tilespmem:s15], [sflag:$0x3] =	stream.indirect_vreg.gather [hbm4b:s6+s3], $0x80, v4, vm0, $0xb8;
	[tilespmem:$0x10200] =	vst v63  }
0x573: {  	s16 =	simm.s32 $0xDA00  }
0x574: {  	[tilespmem:s16], [sflag:$0x3] =	stream.indirect_vreg.gather [hbm4b:s7+s3], $0x80, v4, vm0, $0xb8;
	[tilespmem:$0x10200] =	vst v63  }
0x575: {  	s17 =	simm.s32 $0xE200  }
0x576: {  	[tilespmem:s17], [sflag:$0x3] =	stream.indirect_vreg.gather [hbm4b:s26+s3], $0x80, v3, vm0, $0xb8;
	[tilespmem:$0x10200] =	vst v63  }
0x577: {  	s18 =	simm.s32 $0xEA00  }
0x578: {  	[tilespmem:s18], [sflag:$0x3] =	stream.indirect_vreg.gather [hbm4b:s5+s3], $0x80, v3, vm0, $0xb8;
	[tilespmem:$0x10200] =	vst v63  }
0x579: {  	s19 =	simm.s32 $0xF200  }
0x57a: {  	[tilespmem:s19], [sflag:$0x3] =	stream.indirect_vreg.gather [hbm4b:s6+s3], $0x80, v3, vm0, $0xb8;
	[tilespmem:$0x10200] =	vst v63  }
0x57b: {  	s2 =	simm.s32 $0xFA00;
	s25 =	simm.s32 $0x2  }
0x57c: {  	[tilespmem:s2], [sflag:$0x3] =	stream.indirect_vreg.gather [hbm4b:s7+s3], $0x80, v3, vm0, $0xb8;
	[tilespmem:$0x10200] =	vst v63  }
0x57d: {  	_ =	swait.ge [sflag:s25], $0x8000  }
0x57e: {  	[sflag:s25] =	ssyncset.done $0x0  }
0x57f: {  	[sflag:s25] =	ssyncadd.s32 $0xFFFF8000;
	s25 =	simm.s32 $0x3  }
0x580: {  	_ =	swait.ge [sflag:s25], $0x8000  }
0x581: {  	[sflag:s25] =	ssyncset.done $0x0  }
0x582: {  	[sflag:s25] =	ssyncadd.s32 $0xFFFF8000  }
0x583: {  	v3 =	vld [tilespmem:$0x8180];
	_ =	sdelay $0x4  }
0x584: {  	v54 =	vshll.u32 v3, $0x3  }
0x585: {  	v3 =	vand.u32 $0x7, v3;
	v4 =	vand.u32 $0xFFFFFFC0, v54  }
0x586: {  	v3 =	vor.u32 v3, v4  }
0x587: {  	v4 =	vperm.xlane v3, v0;
	_ =	sdelay $0x1  }
0x588: {  	v4 =	vadd.s32 v1, v4;
	_ =	sdelay $0x4  }
0x589: {  	[hbm4b:s4+s3] =	stream.indirect_vreg.scatter [tilespmem:s20], [sflag:$0x4], $0x80, v4, vm0, $0xb8;
	[tilespmem:$0x10200] =	vst v63  }
0x58a: {  	v3 =	vperm.xlane v3, v2  }
0x58b: {  	[hbm4b:s8+s3] =	stream.indirect_vreg.scatter [tilespmem:s21], [sflag:$0x4], $0x80, v4, vm0, $0xb8;
	[tilespmem:$0x10200] =	vst v63  }
0x58c: {  	v3 =	vadd.s32 v1, v3  }
0x58d: {  	[hbm4b:s9+s3] =	stream.indirect_vreg.scatter [tilespmem:s0], [sflag:$0x4], $0x80, v4, vm0, $0xb8;
	[tilespmem:$0x10200] =	vst v63  }
0x58e: {  	_ = 	snop  }
0x58f: {  	[hbm4b:s10+s3] =	stream.indirect_vreg.scatter [tilespmem:s1], [sflag:$0x4], $0x80, v4, vm0, $0xb8;
	[tilespmem:$0x10200] =	vst v63  }
0x590: {  	_ = 	snop  }
0x591: {  	[hbm4b:s4+s3] =	stream.indirect_vreg.scatter [tilespmem:s11], [sflag:$0x4], $0x80, v3, vm0, $0xb8;
	[tilespmem:$0x10200] =	vst v63  }
0x592: {  	_ = 	snop  }
0x593: {  	[hbm4b:s8+s3] =	stream.indirect_vreg.scatter [tilespmem:s13], [sflag:$0x4], $0x80, v3, vm0, $0xb8;
	[tilespmem:$0x10200] =	vst v63  }
0x594: {  	_ = 	snop  }
0x595: {  	[hbm4b:s9+s3] =	stream.indirect_vreg.scatter [tilespmem:s14], [sflag:$0x4], $0x80, v3, vm0, $0xb8;
	[tilespmem:$0x10200] =	vst v63  }
0x596: {  	_ = 	snop  }
0x597: {  	[hbm4b:s10+s3] =	stream.indirect_vreg.scatter [tilespmem:s22], [sflag:$0x4], $0x80, v3, vm0, $0xb8;
	[tilespmem:$0x10200] =	vst v63  }
0x598: {  	v3 =	vld [tilespmem:$0x8190];
	_ =	sdelay $0x4  }
0x599: {  	v55 =	vshll.u32 v3, $0x3  }
0x59a: {  	v3 =	vand.u32 $0x7, v3;
	v4 =	vand.u32 $0xFFFFFFC0, v55  }
0x59b: {  	v3 =	vor.u32 v3, v4  }
0x59c: {  	v4 =	vperm.xlane v3, v0;
	_ =	sdelay $0x1  }
0x59d: {  	v4 =	vadd.s32 v1, v4;
	_ =	sdelay $0x4  }
0x59e: {  	[hbm4b:s4+s3] =	stream.indirect_vreg.scatter [tilespmem:s23], [sflag:$0x4], $0x80, v4, vm0, $0xb8;
	[tilespmem:$0x10200] =	vst v63  }
0x59f: {  	v3 =	vperm.xlane v3, v2  }
0x5a0: {  	[hbm4b:s8+s3] =	stream.indirect_vreg.scatter [tilespmem:s24], [sflag:$0x4], $0x80, v4, vm0, $0xb8;
	[tilespmem:$0x10200] =	vst v63  }
0x5a1: {  	v3 =	vadd.s32 v1, v3  }
0x5a2: {  	[hbm4b:s9+s3] =	stream.indirect_vreg.scatter [tilespmem:s15], [sflag:$0x4], $0x80, v4, vm0, $0xb8;
	[tilespmem:$0x10200] =	vst v63  }
0x5a3: {  	_ = 	snop  }
0x5a4: {  	[hbm4b:s10+s3] =	stream.indirect_vreg.scatter [tilespmem:s16], [sflag:$0x4], $0x80, v4, vm0, $0xb8;
	[tilespmem:$0x10200] =	vst v63  }
0x5a5: {  	_ = 	snop  }
0x5a6: {  	[hbm4b:s4+s3] =	stream.indirect_vreg.scatter [tilespmem:s17], [sflag:$0x4], $0x80, v3, vm0, $0xb8;
	[tilespmem:$0x10200] =	vst v63  }
0x5a7: {  	_ = 	snop  }
0x5a8: {  	[hbm4b:s8+s3] =	stream.indirect_vreg.scatter [tilespmem:s18], [sflag:$0x4], $0x80, v3, vm0, $0xb8;
	[tilespmem:$0x10200] =	vst v63  }
0x5a9: {  	_ = 	snop  }
0x5aa: {  	[hbm4b:s9+s3] =	stream.indirect_vreg.scatter [tilespmem:s19], [sflag:$0x4], $0x80, v3, vm0, $0xb8;
	[tilespmem:$0x10200] =	vst v63  }
0x5ab: {  	_ = 	snop  }
0x5ac: {  	[hbm4b:s10+s3] =	stream.indirect_vreg.scatter [tilespmem:s2], [sflag:$0x4], $0x80, v3, vm0, $0xb8;
	[tilespmem:$0x10200] =	vst v63  }
0x5ad: {  	s30 =	rddreg [dreg:$0x1f]  }
0x5ae: {  	[tilespmem:s3], [sflag:$0x5] =	stream.linear.gather [hbm4b:s30+s3], $0x20, $0x38;
	[tilespmem:$0x10200] =	vst v63  }
0x5af: {  	_ =	swait.ge [sflag:s12], $0x20  }
0x5b0: {  	s30 =	sld [smem:$0x7FB]  }
0x5b1: {  	[sflag:s12] =	ssyncset.done $0x0  }
0x5b2: {  	s28 =	simm.s32 $0x80;
	[sflag:s12] =	ssyncadd.s32 $0xFFFFFFE0  }
0x5b3: {  	[tilespmem:s28], [sflag:$0x5] =	stream.linear.gather [hbm4b:s30+s3], $0x20, $0x38;
	[tilespmem:$0x10200] =	vst v63  }
0x5b4: {  	_ =	swait.ge [sflag:s12], $0x20  }
0x5b5: {  	[sflag:s12] =	ssyncset.done $0x0  }
0x5b6: {  	[sflag:s12] =	ssyncadd.s32 $0xFFFFFFE0  }
0x5b7: {  	v3 =	vld [tilespmem:$0x0];
	_ =	sdelay $0x4  }
0x5b8: {  	v56 =	vshll.u32 v3, $0x3  }
0x5b9: {  	v3 =	vand.u32 $0x7, v3;
	v4 =	vand.u32 $0xFFFFFFC0, v56  }
0x5ba: {  	v3 =	vor.u32 v3, v4  }
0x5bb: {  	v4 =	vperm.xlane v3, v0;
	_ =	sdelay $0x1  }
0x5bc: {  	v4 =	vadd.s32 v1, v4;
	_ =	sdelay $0x3  }
0x5bd: {  	s17 =	simm.s32 $0x100  }
0x5be: {  	[tilespmem:s17], [sflag:$0x1] =	stream.indirect_vreg.gather [hbm4b:s26+s3], $0x80, v4, vm0, $0xb8;
	[tilespmem:$0x10200] =	vst v63  }
0x5bf: {  	s21 =	simm.s32 $0x900;
	v3 =	vperm.xlane v3, v2  }
0x5c0: {  	[tilespmem:s21], [sflag:$0x1] =	stream.indirect_vreg.gather [hbm4b:s5+s3], $0x80, v4, vm0, $0xb8;
	[tilespmem:$0x10200] =	vst v63  }
0x5c1: {  	s30 =	simm.s32 $0x1100;
	v3 =	vadd.s32 v1, v3  }
0x5c2: {  	[tilespmem:s30], [sflag:$0x1] =	stream.indirect_vreg.gather [hbm4b:s6+s3], $0x80, v4, vm0, $0xb8;
	[tilespmem:$0x10200] =	vst v63  }
0x5c3: {  	s0 =	simm.s32 $0x1900  }
0x5c4: {  	[tilespmem:s0], [sflag:$0x1] =	stream.indirect_vreg.gather [hbm4b:s7+s3], $0x80, v4, vm0, $0xb8;
	[tilespmem:$0x10200] =	vst v63  }
0x5c5: {  	s1 =	simm.s32 $0x2100  }
0x5c6: {  	[tilespmem:s1], [sflag:$0x1] =	stream.indirect_vreg.gather [hbm4b:s26+s3], $0x80, v3, vm0, $0xb8;
	[tilespmem:$0x10200] =	vst v63  }
0x5c7: {  	s28 =	simm.s32 $0x2900  }
0x5c8: {  	[tilespmem:s28], [sflag:$0x1] =	stream.indirect_vreg.gather [hbm4b:s5+s3], $0x80, v3, vm0, $0xb8;
	[tilespmem:$0x10200] =	vst v63  }
0x5c9: {  	s2 =	simm.s32 $0x3100  }
0x5ca: {  	[tilespmem:s2], [sflag:$0x1] =	stream.indirect_vreg.gather [hbm4b:s6+s3], $0x80, v3, vm0, $0xb8;
	[tilespmem:$0x10200] =	vst v63  }
0x5cb: {  	s18 =	simm.s32 $0x3900  }
0x5cc: {  	[tilespmem:s18], [sflag:$0x1] =	stream.indirect_vreg.gather [hbm4b:s7+s3], $0x80, v3, vm0, $0xb8;
	[tilespmem:$0x10200] =	vst v63  }
0x5cd: {  	v3 =	vld [tilespmem:$0x10];
	_ =	sdelay $0x4  }
0x5ce: {  	v57 =	vshll.u32 v3, $0x3  }
0x5cf: {  	v3 =	vand.u32 $0x7, v3;
	v4 =	vand.u32 $0xFFFFFFC0, v57  }
0x5d0: {  	v3 =	vor.u32 v3, v4  }
0x5d1: {  	v4 =	vperm.xlane v3, v0;
	_ =	sdelay $0x1  }
0x5d2: {  	v4 =	vadd.s32 v1, v4;
	_ =	sdelay $0x3  }
0x5d3: {  	s19 =	simm.s32 $0x4100  }
0x5d4: {  	[tilespmem:s19], [sflag:$0x1] =	stream.indirect_vreg.gather [hbm4b:s26+s3], $0x80, v4, vm0, $0xb8;
	[tilespmem:$0x10200] =	vst v63  }
0x5d5: {  	s20 =	simm.s32 $0x4900;
	v3 =	vperm.xlane v3, v2  }
0x5d6: {  	[tilespmem:s20], [sflag:$0x1] =	stream.indirect_vreg.gather [hbm4b:s5+s3], $0x80, v4, vm0, $0xb8;
	[tilespmem:$0x10200] =	vst v63  }
0x5d7: {  	s11 =	simm.s32 $0x5100;
	v3 =	vadd.s32 v1, v3  }
0x5d8: {  	[tilespmem:s11], [sflag:$0x1] =	stream.indirect_vreg.gather [hbm4b:s6+s3], $0x80, v4, vm0, $0xb8;
	[tilespmem:$0x10200] =	vst v63  }
0x5d9: {  	s13 =	simm.s32 $0x5900  }
0x5da: {  	[tilespmem:s13], [sflag:$0x1] =	stream.indirect_vreg.gather [hbm4b:s7+s3], $0x80, v4, vm0, $0xb8;
	[tilespmem:$0x10200] =	vst v63  }
0x5db: {  	s14 =	simm.s32 $0x6100  }
0x5dc: {  	[tilespmem:s14], [sflag:$0x1] =	stream.indirect_vreg.gather [hbm4b:s26+s3], $0x80, v3, vm0, $0xb8;
	[tilespmem:$0x10200] =	vst v63  }
0x5dd: {  	s15 =	simm.s32 $0x6900  }
0x5de: {  	[tilespmem:s15], [sflag:$0x1] =	stream.indirect_vreg.gather [hbm4b:s5+s3], $0x80, v3, vm0, $0xb8;
	[tilespmem:$0x10200] =	vst v63  }
0x5df: {  	s16 =	simm.s32 $0x7100  }
0x5e0: {  	[tilespmem:s16], [sflag:$0x1] =	stream.indirect_vreg.gather [hbm4b:s6+s3], $0x80, v3, vm0, $0xb8;
	[tilespmem:$0x10200] =	vst v63  }
0x5e1: {  	s29 =	simm.s32 $0x4;
	s22 =	simm.s32 $0x7900  }
0x5e2: {  	[tilespmem:s22], [sflag:$0x1] =	stream.indirect_vreg.gather [hbm4b:s7+s3], $0x80, v3, vm0, $0xb8;
	[tilespmem:$0x10200] =	vst v63  }
0x5e3: {  	_ =	swait.ge [sflag:s29], $0x8000  }
0x5e4: {  	[sflag:s29] =	ssyncset.done $0x0  }
0x5e5: {  	s31 =	simm.s32 $0x1;
	[sflag:s29] =	ssyncadd.s32 $0xFFFF8000  }
0x5e6: {  	_ =	swait.ge [sflag:s31], $0x8000  }
0x5e7: {  	[sflag:s31] =	ssyncset.done $0x0  }
0x5e8: {  	[sflag:s31] =	ssyncadd.s32 $0xFFFF8000  }
0x5e9: {  	v3 =	vld [tilespmem:$0x80];
	_ =	sdelay $0x4  }
0x5ea: {  	v58 =	vshll.u32 v3, $0x3  }
0x5eb: {  	v3 =	vand.u32 $0x7, v3;
	v4 =	vand.u32 $0xFFFFFFC0, v58  }
0x5ec: {  	v3 =	vor.u32 v3, v4  }
0x5ed: {  	v4 =	vperm.xlane v3, v0;
	_ =	sdelay $0x1  }
0x5ee: {  	v4 =	vadd.s32 v1, v4;
	_ =	sdelay $0x4  }
0x5ef: {  	[hbm4b:s4+s3] =	stream.indirect_vreg.scatter [tilespmem:s17], [sflag:$0x2], $0x80, v4, vm0, $0xb8;
	[tilespmem:$0x10200] =	vst v63  }
0x5f0: {  	v3 =	vperm.xlane v3, v2  }
0x5f1: {  	[hbm4b:s8+s3] =	stream.indirect_vreg.scatter [tilespmem:s21], [sflag:$0x2], $0x80, v4, vm0, $0xb8;
	[tilespmem:$0x10200] =	vst v63  }
0x5f2: {  	v3 =	vadd.s32 v1, v3  }
0x5f3: {  	[hbm4b:s9+s3] =	stream.indirect_vreg.scatter [tilespmem:s30], [sflag:$0x2], $0x80, v4, vm0, $0xb8;
	[tilespmem:$0x10200] =	vst v63  }
0x5f4: {  	_ = 	snop  }
0x5f5: {  	[hbm4b:s10+s3] =	stream.indirect_vreg.scatter [tilespmem:s0], [sflag:$0x2], $0x80, v4, vm0, $0xb8;
	[tilespmem:$0x10200] =	vst v63  }
0x5f6: {  	_ = 	snop  }
0x5f7: {  	[hbm4b:s4+s3] =	stream.indirect_vreg.scatter [tilespmem:s1], [sflag:$0x2], $0x80, v3, vm0, $0xb8;
	[tilespmem:$0x10200] =	vst v63  }
0x5f8: {  	_ = 	snop  }
0x5f9: {  	[hbm4b:s8+s3] =	stream.indirect_vreg.scatter [tilespmem:s28], [sflag:$0x2], $0x80, v3, vm0, $0xb8;
	[tilespmem:$0x10200] =	vst v63  }
0x5fa: {  	_ = 	snop  }
0x5fb: {  	[hbm4b:s9+s3] =	stream.indirect_vreg.scatter [tilespmem:s2], [sflag:$0x2], $0x80, v3, vm0, $0xb8;
	[tilespmem:$0x10200] =	vst v63  }
0x5fc: {  	_ = 	snop  }
0x5fd: {  	[hbm4b:s10+s3] =	stream.indirect_vreg.scatter [tilespmem:s18], [sflag:$0x2], $0x80, v3, vm0, $0xb8;
	[tilespmem:$0x10200] =	vst v63  }
0x5fe: {  	v3 =	vld [tilespmem:$0x90];
	_ =	sdelay $0x4  }
0x5ff: {  	v59 =	vshll.u32 v3, $0x3  }
0x600: {  	v3 =	vand.u32 $0x7, v3;
	v4 =	vand.u32 $0xFFFFFFC0, v59  }
0x601: {  	v3 =	vor.u32 v3, v4  }
0x602: {  	v4 =	vperm.xlane v3, v0;
	_ =	sdelay $0x1  }
0x603: {  	v4 =	vadd.s32 v1, v4;
	_ =	sdelay $0x4  }
0x604: {  	[hbm4b:s4+s3] =	stream.indirect_vreg.scatter [tilespmem:s19], [sflag:$0x2], $0x80, v4, vm0, $0xb8;
	[tilespmem:$0x10200] =	vst v63  }
0x605: {  	v3 =	vperm.xlane v3, v2  }
0x606: {  	[hbm4b:s8+s3] =	stream.indirect_vreg.scatter [tilespmem:s20], [sflag:$0x2], $0x80, v4, vm0, $0xb8;
	[tilespmem:$0x10200] =	vst v63  }
0x607: {  	v3 =	vadd.s32 v1, v3  }
0x608: {  	[hbm4b:s9+s3] =	stream.indirect_vreg.scatter [tilespmem:s11], [sflag:$0x2], $0x80, v4, vm0, $0xb8;
	[tilespmem:$0x10200] =	vst v63  }
0x609: {  	_ = 	snop  }
0x60a: {  	[hbm4b:s10+s3] =	stream.indirect_vreg.scatter [tilespmem:s13], [sflag:$0x2], $0x80, v4, vm0, $0xb8;
	[tilespmem:$0x10200] =	vst v63  }
0x60b: {  	_ = 	snop  }
0x60c: {  	[hbm4b:s4+s3] =	stream.indirect_vreg.scatter [tilespmem:s14], [sflag:$0x2], $0x80, v3, vm0, $0xb8;
	[tilespmem:$0x10200] =	vst v63  }
0x60d: {  	_ = 	snop  }
0x60e: {  	[hbm4b:s8+s3] =	stream.indirect_vreg.scatter [tilespmem:s15], [sflag:$0x2], $0x80, v3, vm0, $0xb8;
	[tilespmem:$0x10200] =	vst v63  }
0x60f: {  	_ = 	snop  }
0x610: {  	[hbm4b:s9+s3] =	stream.indirect_vreg.scatter [tilespmem:s16], [sflag:$0x2], $0x80, v3, vm0, $0xb8;
	[tilespmem:$0x10200] =	vst v63  }
0x611: {  	s30 =	sld [smem:$0x7FC]  }
0x612: {  	[hbm4b:s10+s3] =	stream.indirect_vreg.scatter [tilespmem:s22], [sflag:$0x2], $0x80, v3, vm0, $0xb8;
	[tilespmem:$0x10200] =	vst v63  }
0x613: {  	s18 =	simm.s32 $0x8100  }
0x614: {  	[tilespmem:s18], [sflag:$0x5] =	stream.linear.gather [hbm4b:s30+s3], $0x20, $0x38;
	[tilespmem:$0x10200] =	vst v63  }
0x615: {  	_ =	swait.ge [sflag:s12], $0x20  }
0x616: {  	s30 =	sld [smem:$0x7FD]  }
0x617: {  	[sflag:s12] =	ssyncset.done $0x0  }
0x618: {  	s19 =	simm.s32 $0x8180;
	[sflag:s12] =	ssyncadd.s32 $0xFFFFFFE0  }
0x619: {  	[tilespmem:s19], [sflag:$0x5] =	stream.linear.gather [hbm4b:s30+s3], $0x20, $0x38;
	[tilespmem:$0x10200] =	vst v63  }
0x61a: {  	s30 =	sld [smem:$0x7FA];
	_ =	swait.ge [sflag:s12], $0x20  }
0x61b: {  	[sflag:s12] =	ssyncset.done $0x0  }
0x61c: {  	[sflag:s12] =	ssyncadd.s32 $0xFFFFFFE0  }
0x61d: {  	v3 =	vld [tilespmem:$0x8100];
	_ =	sdelay $0x4  }
0x61e: {  	v60 =	vshll.u32 v3, $0x3  }
0x61f: {  	v3 =	vand.u32 $0x7, v3;
	v4 =	vand.u32 $0xFFFFFFC0, v60  }
0x620: {  	v3 =	vor.u32 v3, v4  }
0x621: {  	v4 =	vperm.xlane v3, v0;
	_ =	sdelay $0x1  }
0x622: {  	v4 =	vadd.s32 v1, v4;
	_ =	sdelay $0x3  }
0x623: {  	s20 =	simm.s32 $0x8200  }
0x624: {  	[tilespmem:s20], [sflag:$0x3] =	stream.indirect_vreg.gather [hbm4b:s26+s3], $0x80, v4, vm0, $0xb8;
	[tilespmem:$0x10200] =	vst v63  }
0x625: {  	s2 =	simm.s32 $0x8A00;
	v3 =	vperm.xlane v3, v2  }
0x626: {  	[tilespmem:s2], [sflag:$0x3] =	stream.indirect_vreg.gather [hbm4b:s5+s3], $0x80, v4, vm0, $0xb8;
	[tilespmem:$0x10200] =	vst v63  }
0x627: {  	s0 =	simm.s32 $0x9200;
	v3 =	vadd.s32 v1, v3  }
0x628: {  	[tilespmem:s0], [sflag:$0x3] =	stream.indirect_vreg.gather [hbm4b:s6+s3], $0x80, v4, vm0, $0xb8;
	[tilespmem:$0x10200] =	vst v63  }
0x629: {  	s1 =	simm.s32 $0x9A00  }
0x62a: {  	[tilespmem:s1], [sflag:$0x3] =	stream.indirect_vreg.gather [hbm4b:s7+s3], $0x80, v4, vm0, $0xb8;
	[tilespmem:$0x10200] =	vst v63  }
0x62b: {  	s11 =	simm.s32 $0xA200  }
0x62c: {  	[tilespmem:s11], [sflag:$0x3] =	stream.indirect_vreg.gather [hbm4b:s26+s3], $0x80, v3, vm0, $0xb8;
	[tilespmem:$0x10200] =	vst v63  }
0x62d: {  	s13 =	simm.s32 $0xAA00  }
0x62e: {  	[tilespmem:s13], [sflag:$0x3] =	stream.indirect_vreg.gather [hbm4b:s5+s3], $0x80, v3, vm0, $0xb8;
	[tilespmem:$0x10200] =	vst v63  }
0x62f: {  	s21 =	simm.s32 $0xB200  }
0x630: {  	[tilespmem:s21], [sflag:$0x3] =	stream.indirect_vreg.gather [hbm4b:s6+s3], $0x80, v3, vm0, $0xb8;
	[tilespmem:$0x10200] =	vst v63  }
0x631: {  	s22 =	simm.s32 $0xBA00  }
0x632: {  	[tilespmem:s22], [sflag:$0x3] =	stream.indirect_vreg.gather [hbm4b:s7+s3], $0x80, v3, vm0, $0xb8;
	[tilespmem:$0x10200] =	vst v63  }
0x633: {  	v3 =	vld [tilespmem:$0x8110];
	_ =	sdelay $0x4  }
0x634: {  	v61 =	vshll.u32 v3, $0x3  }
0x635: {  	v3 =	vand.u32 $0x7, v3;
	v4 =	vand.u32 $0xFFFFFFC0, v61  }
0x636: {  	v3 =	vor.u32 v3, v4  }
0x637: {  	v4 =	vperm.xlane v3, v0;
	_ =	sdelay $0x1  }
0x638: {  	v4 =	vadd.s32 v1, v4;
	_ =	sdelay $0x3  }
0x639: {  	s14 =	simm.s32 $0xC200  }
0x63a: {  	[tilespmem:s14], [sflag:$0x3] =	stream.indirect_vreg.gather [hbm4b:s26+s3], $0x80, v4, vm0, $0xb8;
	[tilespmem:$0x10200] =	vst v63  }
0x63b: {  	s24 =	simm.s32 $0xCA00;
	v3 =	vperm.xlane v3, v2  }
0x63c: {  	[tilespmem:s24], [sflag:$0x3] =	stream.indirect_vreg.gather [hbm4b:s5+s3], $0x80, v4, vm0, $0xb8;
	[tilespmem:$0x10200] =	vst v63  }
0x63d: {  	s15 =	simm.s32 $0xD200;
	v3 =	vadd.s32 v1, v3  }
0x63e: {  	[tilespmem:s15], [sflag:$0x3] =	stream.indirect_vreg.gather [hbm4b:s6+s3], $0x80, v4, vm0, $0xb8;
	[tilespmem:$0x10200] =	vst v63  }
0x63f: {  	s16 =	simm.s32 $0xDA00  }
0x640: {  	[tilespmem:s16], [sflag:$0x3] =	stream.indirect_vreg.gather [hbm4b:s7+s3], $0x80, v4, vm0, $0xb8;
	[tilespmem:$0x10200] =	vst v63  }
0x641: {  	s17 =	simm.s32 $0xE200  }
0x642: {  	[tilespmem:s17], [sflag:$0x3] =	stream.indirect_vreg.gather [hbm4b:s26+s3], $0x80, v3, vm0, $0xb8;
	[tilespmem:$0x10200] =	vst v63  }
0x643: {  	s18 =	simm.s32 $0xEA00  }
0x644: {  	[tilespmem:s18], [sflag:$0x3] =	stream.indirect_vreg.gather [hbm4b:s5+s3], $0x80, v3, vm0, $0xb8;
	[tilespmem:$0x10200] =	vst v63  }
0x645: {  	s26 =	simm.s32 $0xF200  }
0x646: {  	[tilespmem:s26], [sflag:$0x3] =	stream.indirect_vreg.gather [hbm4b:s6+s3], $0x80, v3, vm0, $0xb8;
	[tilespmem:$0x10200] =	vst v63  }
0x647: {  	s23 =	simm.s32 $0xFA00;
	s31 =	simm.s32 $0x2  }
0x648: {  	[tilespmem:s23], [sflag:$0x3] =	stream.indirect_vreg.gather [hbm4b:s7+s3], $0x80, v3, vm0, $0xb8;
	[tilespmem:$0x10200] =	vst v63  }
0x649: {  	_ =	swait.ge [sflag:s31], $0x8000  }
0x64a: {  	[sflag:s31] =	ssyncset.done $0x0  }
0x64b: {  	s25 =	simm.s32 $0x3;
	[sflag:s31] =	ssyncadd.s32 $0xFFFF8000  }
0x64c: {  	_ =	swait.ge [sflag:s25], $0x8000  }
0x64d: {  	[sflag:s25] =	ssyncset.done $0x0  }
0x64e: {  	[sflag:s25] =	ssyncadd.s32 $0xFFFF8000  }
0x64f: {  	v3 =	vld [tilespmem:$0x8180];
	_ =	sdelay $0x4  }
0x650: {  	v62 =	vshll.u32 v3, $0x3  }
0x651: {  	v3 =	vand.u32 $0x7, v3;
	v4 =	vand.u32 $0xFFFFFFC0, v62  }
0x652: {  	v3 =	vor.u32 v3, v4  }
0x653: {  	v4 =	vperm.xlane v3, v0;
	_ =	sdelay $0x1  }
0x654: {  	v4 =	vadd.s32 v1, v4;
	_ =	sdelay $0x4  }
0x655: {  	[hbm4b:s4+s3] =	stream.indirect_vreg.scatter [tilespmem:s20], [sflag:$0x4], $0x80, v4, vm0, $0xb8;
	[tilespmem:$0x10200] =	vst v63  }
0x656: {  	v3 =	vperm.xlane v3, v2  }
0x657: {  	[hbm4b:s8+s3] =	stream.indirect_vreg.scatter [tilespmem:s2], [sflag:$0x4], $0x80, v4, vm0, $0xb8;
	[tilespmem:$0x10200] =	vst v63  }
0x658: {  	v3 =	vadd.s32 v1, v3  }
0x659: {  	[hbm4b:s9+s3] =	stream.indirect_vreg.scatter [tilespmem:s0], [sflag:$0x4], $0x80, v4, vm0, $0xb8;
	[tilespmem:$0x10200] =	vst v63  }
0x65a: {  	_ = 	snop  }
0x65b: {  	[hbm4b:s10+s3] =	stream.indirect_vreg.scatter [tilespmem:s1], [sflag:$0x4], $0x80, v4, vm0, $0xb8;
	[tilespmem:$0x10200] =	vst v63  }
0x65c: {  	_ = 	snop  }
0x65d: {  	[hbm4b:s4+s3] =	stream.indirect_vreg.scatter [tilespmem:s11], [sflag:$0x4], $0x80, v3, vm0, $0xb8;
	[tilespmem:$0x10200] =	vst v63  }
0x65e: {  	_ = 	snop  }
0x65f: {  	[hbm4b:s8+s3] =	stream.indirect_vreg.scatter [tilespmem:s13], [sflag:$0x4], $0x80, v3, vm0, $0xb8;
	[tilespmem:$0x10200] =	vst v63  }
0x660: {  	_ = 	snop  }
0x661: {  	[hbm4b:s9+s3] =	stream.indirect_vreg.scatter [tilespmem:s21], [sflag:$0x4], $0x80, v3, vm0, $0xb8;
	[tilespmem:$0x10200] =	vst v63  }
0x662: {  	_ = 	snop  }
0x663: {  	[hbm4b:s10+s3] =	stream.indirect_vreg.scatter [tilespmem:s22], [sflag:$0x4], $0x80, v3, vm0, $0xb8;
	[tilespmem:$0x10200] =	vst v63  }
0x664: {  	v3 =	vld [tilespmem:$0x8190];
	_ =	sdelay $0x4  }
0x665: {  	v63 =	vshll.u32 v3, $0x3  }
0x666: {  	v3 =	vand.u32 $0x7, v3;
	v4 =	vand.u32 $0xFFFFFFC0, v63  }
0x667: {  	v3 =	vor.u32 v3, v4  }
0x668: {  	v4 =	vperm.xlane v3, v0;
	_ =	sdelay $0x1  }
0x669: {  	v4 =	vadd.s32 v1, v4;
	_ =	sdelay $0x4  }
0x66a: {  	[hbm4b:s4+s3] =	stream.indirect_vreg.scatter [tilespmem:s14], [sflag:$0x4], $0x80, v4, vm0, $0xb8;
	[tilespmem:$0x10200] =	vst v63  }
0x66b: {  	v3 =	vperm.xlane v3, v2  }
0x66c: {  	[hbm4b:s8+s3] =	stream.indirect_vreg.scatter [tilespmem:s24], [sflag:$0x4], $0x80, v4, vm0, $0xb8;
	[tilespmem:$0x10200] =	vst v63  }
0x66d: {  	v3 =	vadd.s32 v1, v3  }
0x66e: {  	[hbm4b:s9+s3] =	stream.indirect_vreg.scatter [tilespmem:s15], [sflag:$0x4], $0x80, v4, vm0, $0xb8;
	[tilespmem:$0x10200] =	vst v63  }
0x66f: {  	_ = 	snop  }
0x670: {  	[hbm4b:s10+s3] =	stream.indirect_vreg.scatter [tilespmem:s16], [sflag:$0x4], $0x80, v4, vm0, $0xb8;
	[tilespmem:$0x10200] =	vst v63  }
0x671: {  	_ = 	snop  }
0x672: {  	[hbm4b:s4+s3] =	stream.indirect_vreg.scatter [tilespmem:s17], [sflag:$0x4], $0x80, v3, vm0, $0xb8;
	[tilespmem:$0x10200] =	vst v63  }
0x673: {  	_ = 	snop  }
0x674: {  	[hbm4b:s8+s3] =	stream.indirect_vreg.scatter [tilespmem:s18], [sflag:$0x4], $0x80, v3, vm0, $0xb8;
	[tilespmem:$0x10200] =	vst v63  }
0x675: {  	p0 =	sne.s32 s30, $0x1  }
0x676: {  	[hbm4b:s9+s3] =	stream.indirect_vreg.scatter [tilespmem:s26], [sflag:$0x4], $0x80, v3, vm0, $0xb8;
	[tilespmem:$0x10200] =	vst v63  }
.Ltmp0:
0x677: {  	_ = 	snop;
	(pc) =	sbr.rel @p0 .LBB2_1-.Ltmp0, $4  }
0x678: {  	[hbm4b:s10+s3] =	stream.indirect_vreg.scatter [tilespmem:s23], [sflag:$0x4], $0x80, v3, vm0, $0xb8;
	[tilespmem:$0x10200] =	vst v63  }
0x679: {  	_ =	swait.ge [sflag:s29], $0x8000  }
0x67a: {  	[sflag:s29] =	ssyncset.done $0x0  }
0x67b: {  	s30 =	sadd.s32 $0xFFFFFFFF, s30;
	[sflag:s29] =	ssyncadd.s32 $0xFFFF8000  }
0x67c: {  	_ =	sfence.sel $0x180000  }
0x67d: {  	[bflag:$0x0] =	sbarrier.arrive $0xFFFF  }
0x67e: {  	_ =	strace $0x90000047  }
0x67f: {  	s0 =	stileid.u32;
	[bflag:$0x2] =	sbarrier.arrive $0xFFFF  }
0x680: {  	p0 =	sne.s32 s0, $0x0;
	s0 =	rddreg [dreg:$0x2]  }
0x681: {  	s0 =	sadd.s32 @!p0 $0x100000, s0  }
0x682: {  	[sflag:s0] =	ssyncadd.tile.s32 @!p0 $0x1;
	_ =	shalt  }
.Lfunc_end2:
_tile_overlayer_lowered:
.L_overlay_start_2:
0x683: {  	(tag) =	ssettag $0x2  }
0x684: {  	s0 =	rddreg [dreg:$0x0];
	s2 =	stileid.u32  }
0x685: {  	s1 =	rddreg [dreg:$0x1];
	p0 =	sne.s32 s2, $0x0  }
0x686: {  	s3 =	rddreg [dreg:$0x2];
	[bflag:$0x3] =	sbarrier.arrive $0xFFFF;
	s2 =	simm.s32 @!p0 $0x1C05  }
0x687: {  	[timem:s3], [sflag:s2] =	dma.local @!p0 [hbm:s0], s1  }
0x688: {  	s0 =	simm.s32 @!p0 $0x5  }
0x689: {  	_ =	swait.ge @!p0 [sflag:s0], s1  }
0x68a: {  	s1 =	ssub.s32 @!p0 $0x0, s1;
	[sflag:s0] =	ssyncset.done @!p0 $0x0  }
0x68b: {  	[sflag:s0] =	ssyncadd.s32 @!p0 s1  }
0x68c: {  	[bflag:$0x3] =	sbarrier.arrive $0xFFFF  }
0x68d: {  	_ =	shalt  }

</sc_bundles>
